<compile_context>
chip_gen: v7x
topology: tpu7x:2x2x1
jax: 0.10.2.dev20260603
libtpu: 0.0.44.dev20260713+nightly
codegen_flags: <defaults>
</compile_context>

<pallas_src>
import functools

import numpy as np

import jax
import jax.numpy as jnp
from jax import lax
from jax.experimental import pallas as pl
from jax.experimental.pallas import tpu as pltpu
from jax.experimental.pallas import tpu_sc as plsc

N = 10000
E = 320000
F = 128
FH = F // 2

NUM_CORES = 2
NUM_SUBCORES = 16
CHUNK = 128
NBUF = 2
GC = 8
CHUNKS_PER_TEC = GC * (-(-E // (NUM_SUBCORES * CHUNK * GC)))
NGROUPS = CHUNKS_PER_TEC // GC
EDGES_PER_TEC = CHUNKS_PER_TEC * CHUNK
E_PAD = EDGES_PER_TEC * NUM_SUBCORES
ROWS_PER_SUBCORE = 640
N_PAD = NUM_SUBCORES * ROWS_PER_SUBCORE


def _dense_body(x_ref, wb_ref, wd_ref, bias_ref, hid_ref, base_ref):
    xb = x_ref[...]
    hid = jnp.dot(xb, wb_ref[...], preferred_element_type=jnp.float32)
    hid_ref[0] = hid[:, :FH].astype(jnp.bfloat16)
    hid_ref[1] = hid[:, FH:].astype(jnp.bfloat16)
    base_ref[...] = (
        jnp.dot(jnp.abs(xb), wd_ref[...], preferred_element_type=jnp.float32)
        + bias_ref[...]
    )


def _dense(x, wb, wd, bias):
    blk = 2000
    return pl.pallas_call(
        _dense_body,
        grid=(N // blk,),
        in_specs=[
            pl.BlockSpec((blk, F), lambda i: (i, 0)),
            pl.BlockSpec((F, F), lambda i: (0, 0)),
            pl.BlockSpec((F, F), lambda i: (0, 0)),
            pl.BlockSpec((1, F), lambda i: (0, 0)),
        ],
        out_specs=[
            pl.BlockSpec((2, blk, FH), lambda i: (0, i, 0)),
            pl.BlockSpec((blk, F), lambda i: (i, 0)),
        ],
        out_shape=[
            jax.ShapeDtypeStruct((2, N_PAD, FH), jnp.bfloat16),
            jax.ShapeDtypeStruct((N, F), jnp.float32),
        ],
    )(x, wb, wd, bias)


def _spmm_body(hid_hbm, idx_hbm, ew_hbm, out_hbm,
               idxr, ewr, colv, rowv, gbuf, sbuf, tbl, accum,
               gsem, ssem, isem, wsem):
    c = lax.axis_index("c")
    s = lax.axis_index("s")
    cpt = CHUNKS_PER_TEC
    base_r = s * ROWS_PER_SUBCORE

    def _zrow(r, _):
        for j in range(FH // 16):
            sbuf[r, pl.ds(j * 16, 16)] = jnp.zeros((16,), jnp.float32)
        return 0
    lax.fori_loop(0, NBUF * CHUNK, _zrow, 0)
    pltpu.sync_copy(sbuf, accum.at[pl.ds(base_r, NBUF * CHUNK)])
    pltpu.sync_copy(sbuf, accum.at[pl.ds(base_r + NBUF * CHUNK, NBUF * CHUNK)])
    pltpu.sync_copy(sbuf.at[pl.ds(0, CHUNK)],
                    accum.at[pl.ds(base_r + 2 * NBUF * CHUNK, CHUNK)])
    pltpu.sync_copy(hid_hbm.at[c, pl.ds(base_r, ROWS_PER_SUBCORE)],
                    tbl.at[pl.ds(base_r, ROWS_PER_SUBCORE)])

    def _stage_group(gi, slot):
        pltpu.async_copy(idx_hbm.at[pl.ds(s * cpt + gi * GC, GC)],
                         idxr.at[slot], isem.at[slot])
        pltpu.async_copy(ew_hbm.at[pl.ds(s * cpt + gi * GC, GC)],
                         ewr.at[slot], wsem.at[slot])

    def _wait_group(slot):
        pltpu.make_async_copy(idx_hbm.at[pl.ds(0, GC)], idxr.at[slot],
                              isem.at[slot]).wait()
        pltpu.make_async_copy(ew_hbm.at[pl.ds(0, GC)], ewr.at[slot],
                              wsem.at[slot]).wait()

    _stage_group(0, 0)
    plsc.subcore_barrier()
    _wait_group(0)

    def _unpack_col(tc, b):
        gslot = (tc // GC) % 2
        off = tc % GC
        for j in range(CHUNK // 16):
            p = idxr[gslot, off, pl.ds(j * 16, 16)]
            colv[b, pl.ds(j * 16, 16)] = lax.bitwise_and(p, 0xFFFF)

    def _unpack_row(tc, b):
        gslot = (tc // GC) % 2
        off = tc % GC
        for j in range(CHUNK // 16):
            p = idxr[gslot, off, pl.ds(j * 16, 16)]
            rowv[b, pl.ds(j * 16, 16)] = lax.shift_right_logical(p, 16)

    def _gather(tc, b):
        _unpack_col(tc, b)
        pltpu.async_copy(tbl.at[colv.at[b]], gbuf.at[pl.ds(b * CHUNK, CHUNK)],
                         gsem.at[b])

    for b in range(NBUF):
        _gather(b, b)

    def _outer(t, _):
        for b in range(NBUF):
            tc = t * NBUF + b

            @pl.when(jnp.logical_and(tc % GC == 0, tc // GC + 1 < NGROUPS))
            def _():
                _stage_group(tc // GC + 1, (tc // GC + 1) % 2)

            @pl.when(jnp.logical_and((tc + NBUF) % GC == 0,
                                     (tc + NBUF) // GC < NGROUPS))
            def _():
                _wait_group(((tc + NBUF) // GC) % 2)

            pltpu.make_async_copy(tbl.at[colv.at[b]],
                                  gbuf.at[pl.ds(b * CHUNK, CHUNK)],
                                  gsem.at[b]).wait()

            @pl.when(t > 0)
            def _():
                pltpu.make_async_copy(sbuf.at[pl.ds(b * CHUNK, CHUNK)],
                                      accum.at[rowv.at[b]], ssem.at[b]).wait()

            def _scale(g, _):
                gslot = (tc // GC) % 2
                off = tc % GC
                wv = ewr[gslot, off, pl.ds(g * 16, 16)]
                for lane in range(16):
                    w = wv[lane]
                    k = b * CHUNK + g * 16 + lane
                    for j in range(FH // 32):
                        ab = gbuf[k, pl.ds(j * 32, 32)]
                        ev, od = plsc.unpack(
                            ab, format=plsc.PackFormat.INTERLEAVED,
                            preferred_element_type=jnp.float32)
                        sbuf[k, pl.ds(j * 32, 16)] = ev * w
                        sbuf[k, pl.ds(j * 32 + 16, 16)] = od * w
                return 0
            lax.fori_loop(0, CHUNK // 16, _scale, 0)

            _unpack_row(tc, b)

            @pl.when(tc + NBUF < cpt)
            def _():
                _gather(tc + NBUF, b)

            pltpu.async_copy(sbuf.at[pl.ds(b * CHUNK, CHUNK)],
                             accum.at[rowv.at[b]], ssem.at[b], add=True)
        return 0
    lax.fori_loop(0, cpt // NBUF, _outer, 0)
    for b in range(NBUF):
        pltpu.make_async_copy(sbuf.at[pl.ds(b * CHUNK, CHUNK)],
                              accum.at[rowv.at[b]], ssem.at[b]).wait()
    plsc.subcore_barrier()

    pltpu.sync_copy(
        accum.at[pl.ds(base_r, ROWS_PER_SUBCORE)],
        out_hbm.at[c, pl.ds(base_r, ROWS_PER_SUBCORE)],
    )


_spmm = functools.partial(
    pl.kernel,
    out_type=jax.ShapeDtypeStruct((NUM_CORES, N_PAD, FH), jnp.float32),
    mesh=plsc.VectorSubcoreMesh(core_axis_name="c", subcore_axis_name="s"),
    compiler_params=pltpu.CompilerParams(use_tc_tiling_on_sc=False,
                                         needs_layout_passes=False),
    scratch_types=[
        pltpu.VMEM((2, GC, CHUNK), jnp.int32),
        pltpu.VMEM((2, GC, CHUNK), jnp.float32),
        pltpu.VMEM((NBUF, CHUNK), jnp.int32),
        pltpu.VMEM((NBUF, CHUNK), jnp.int32),
        pltpu.VMEM((NBUF * CHUNK, FH), jnp.bfloat16),
        pltpu.VMEM((NBUF * CHUNK, FH), jnp.float32),
        pltpu.VMEM_SHARED((N_PAD, FH), jnp.bfloat16),
        pltpu.VMEM_SHARED((N_PAD, FH), jnp.float32),
        pltpu.SemaphoreType.DMA((NBUF,)),
        pltpu.SemaphoreType.DMA((NBUF,)),
        pltpu.SemaphoreType.DMA((2,)),
        pltpu.SemaphoreType.DMA((2,)),
    ],
)(_spmm_body)


def _combine_body(p0_ref, p1_ref, base_ref, out_ref):
    out_ref[...] = (
        jnp.concatenate([p0_ref[0], p1_ref[0]], axis=1) + base_ref[...]
    )


def _combine(partials, base):
    blk = 1000
    return pl.pallas_call(
        _combine_body,
        grid=(N // blk,),
        in_specs=[
            pl.BlockSpec((1, blk, FH), lambda i: (0, i, 0)),
            pl.BlockSpec((1, blk, FH), lambda i: (1, i, 0)),
            pl.BlockSpec((blk, F), lambda i: (i, 0)),
        ],
        out_specs=pl.BlockSpec((blk, F), lambda i: (i, 0)),
        out_shape=jax.ShapeDtypeStruct((N, F), jnp.float32),
    )(partials, partials, base)


_PERM = np.empty(F, dtype=np.int32)
for _h in range(F // 32):
    for _i in range(16):
        _PERM[32 * _h + 2 * _i] = 32 * _h + _i
        _PERM[32 * _h + 2 * _i + 1] = 32 * _h + 16 + _i


def kernel(x, edge_index, edge_weight, w_b, w_a, w_c, b_b, b_a, b_c):
    wd = (w_c - w_a) * (1.0 / 3.0)
    bias = b_b + (b_c - b_a) * (1.0 / 3.0)
    row = edge_index[0].astype(jnp.int32)
    col = edge_index[1].astype(jnp.int32)
    ew = edge_weight.astype(jnp.float32)
    pad = E_PAD - E
    packed = jnp.pad(col | (row << 16), (0, pad)).reshape(-1, CHUNK)
    ew = jnp.pad(ew, (0, pad)).reshape(-1, CHUNK)
    hidden, base = _dense(x, w_b[:, _PERM], wd, bias)
    partials = _spmm(hidden, packed, ew)
    return _combine(partials, base)

# --- scband reference (transcript-rebuilt; emitter-appended) ---
"""Pipeline reference for scband-fuzzy-graph-conv-31318901522778 (READ-ONLY COPY).

The authoritative reference and input builder live on the scoring server;
editing this copy changes nothing except your own understanding.
"""

import jax, jax.numpy as jnp
import numpy as np

N = 10000
E = 320000
F_IN = 128
F_OUT = 128

def setup_inputs(seed: int = 0) -> dict:
    key = jax.random.key(seed)
    ks = jax.random.split(key, 9)
    x = jax.random.normal(ks[0], (N, F_IN), dtype=jnp.float32)
    edge_index = jax.random.randint(ks[1], (2, E), 0, N, dtype=jnp.int64)
    edge_weight = jax.random.uniform(ks[2], (E,), dtype=jnp.float32)
    # learned parameters (triangle fuzzy membership):
    # w_b initialized by reset_parameters (glorot-like), w_a/w_c uniform(0.02, 0.05)
    w_b = jax.random.normal(ks[3], (F_IN, F_OUT), dtype=jnp.float32) * (1.0 / np.sqrt(F_IN))
    w_a = jax.random.uniform(ks[4], (F_IN, F_OUT), minval=0.02, maxval=0.05, dtype=jnp.float32)
    w_c = jax.random.uniform(ks[5], (F_IN, F_OUT), minval=0.02, maxval=0.05, dtype=jnp.float32)
    b_b = jax.random.normal(ks[6], (1, F_OUT), dtype=jnp.float32) * 0.05
    b_a = jax.random.uniform(ks[7], (1, F_OUT), minval=0.02, maxval=0.05, dtype=jnp.float32)
    b_c = jax.random.uniform(ks[8], (1, F_OUT), minval=0.02, maxval=0.05, dtype=jnp.float32)
    return {"x": x, "edge_index": edge_index, "edge_weight": edge_weight,
            "w_b": w_b, "w_a": w_a, "w_c": w_c, "b_b": b_b, "b_a": b_a, "b_c": b_c}

def reference(x, edge_index, edge_weight, w_b, w_a, w_c, b_b, b_a, b_c):
    # FuzzyGraphConv.forward with mm_shape='triangle', alpha=None, int_prod=False
    row = edge_index[0]  # destination rows of sparse adj
    col = edge_index[1]  # source cols of sparse adj
    # gcn: hidden = x @ w_b; center = spmm(adj, hidden) + b_b
    hidden = x @ w_b
    gathered = jnp.take(hidden, col, axis=0) * edge_weight[:, None]
    agg = jax.ops.segment_sum(gathered, row, num_segments=N)
    center = agg + b_b
    # fuzzy_scope: |x| @ w_a, |x| @ w_c (+ biases)
    ax = jnp.abs(x)
    scope_l = ax @ w_a + b_a
    scope_r = ax @ w_c + b_c
    HL = center - scope_l
    HR = center + scope_r
    # defuzzify (alpha is None): (center + HL + HR) / 3
    out = (1.0 * center + HL + HR) / 3.0
    return out

if __name__ == "__main__":
    import jax
    _d = setup_inputs()
    print(jax.jit(kernel)(*tuple(_d.values())))

</pallas_src>

<mosaic_0001>
#map = affine_map<(d0, d1) -> (0, 0, 0)>
#map1 = affine_map<(d0, d1) -> (0, 0)>
module attributes {stable_mosaic.version = 14 : i64} {
  func.func @_spmm_body(%arg0: i32, %arg1: i32, %arg2: memref<2x10240x64xbf16, #tpu.memory_space<hbm>>, %arg3: memref<2560x128xi32, #tpu.memory_space<hbm>>, %arg4: memref<2560x128xf32, #tpu.memory_space<hbm>>, %arg5: memref<2x10240x64xf32, #tpu.memory_space<hbm>>, %arg6: memref<2x8x128xi32, #tpu.memory_space<vmem>>, %arg7: memref<2x8x128xf32, #tpu.memory_space<vmem>>, %arg8: memref<2x128xi32, #tpu.memory_space<vmem>>, %arg9: memref<2x128xi32, #tpu.memory_space<vmem>>, %arg10: memref<256x64xbf16, #tpu.memory_space<vmem>>, %arg11: memref<256x64xf32, #tpu.memory_space<vmem>>, %arg12: memref<10240x64xbf16, #tpu.memory_space<vmem_shared>>, %arg13: memref<10240x64xf32, #tpu.memory_space<vmem_shared>>, %arg14: memref<2x!tpu.dma_semaphore, #tpu.memory_space<semaphore_mem>>, %arg15: memref<2x!tpu.dma_semaphore, #tpu.memory_space<semaphore_mem>>, %arg16: memref<2x!tpu.dma_semaphore, #tpu.memory_space<semaphore_mem>>, %arg17: memref<2x!tpu.dma_semaphore, #tpu.memory_space<semaphore_mem>>) attributes {dimension_semantics = [#tpu.dimension_semantics<core_parallel>, #tpu.dimension_semantics<subcore_parallel>], iteration_bounds = array<i64: 2, 16>, scalar_prefetch = 0 : i64, scratch_operands = 12 : i64, tpu.core_type = #tpu.core_type<sc_vector_subcore>, window_params = [{transform_indices = #map}, {transform_indices = #map1}, {transform_indices = #map1}, {transform_indices = #map}]} {
    %mul3A = arith.constant 640 : i32
    %mul3A_0 = arith.muli %arg1, %mul3A : i32
    %scan3A = arith.constant 0 : i32
    %scan3A_1 = arith.constant 0 : i32
    %scan3A_2 = arith.constant 256 : i32
    %scan3A_3 = arith.addi %scan3A_1, %scan3A_2 : i32
    %scan3A_4 = arith.constant 1 : i32
    %scan3A_5 = scf.for %scan3A_349 = %scan3A_1 to %scan3A_3 step %scan3A_4 iter_args(%scan3A_350 = %scan3A) -> (i32)  : i32 {
      %broadcast_in_dim3A = arith.constant 0.000000e+00 : f32
      %broadcast_in_dim3A_351 = vector.broadcast %broadcast_in_dim3A : f32 to vector<16xf32>
      %swap3A_352 = arith.index_cast %scan3A_349 : i32 to index
      %swap3A_353 = arith.constant 0 : index
      %swap3A_354 = tpu.vector_load %arg11[%swap3A_352, %swap3A_353] {strides = array<i32>} : memref<256x64xf32, #tpu.memory_space<vmem>>, vector<16xf32>,
      tpu.vector_store %arg11[%swap3A_352, %swap3A_353], %broadcast_in_dim3A_351 {strides = array<i32>} : memref<256x64xf32, #tpu.memory_space<vmem>>, vector<16xf32>,
      %broadcast_in_dim3A_355 = arith.constant 0.000000e+00 : f32
      %broadcast_in_dim3A_356 = vector.broadcast %broadcast_in_dim3A_355 : f32 to vector<16xf32>
      %swap3A_357 = arith.index_cast %scan3A_349 : i32 to index
      %swap3A_358 = arith.constant 16 : index
      %swap3A_359 = tpu.vector_load %arg11[%swap3A_357, %swap3A_358] {strides = array<i32>} : memref<256x64xf32, #tpu.memory_space<vmem>>, vector<16xf32>,
      tpu.vector_store %arg11[%swap3A_357, %swap3A_358], %broadcast_in_dim3A_356 {strides = array<i32>} : memref<256x64xf32, #tpu.memory_space<vmem>>, vector<16xf32>,
      %broadcast_in_dim3A_360 = arith.constant 0.000000e+00 : f32
      %broadcast_in_dim3A_361 = vector.broadcast %broadcast_in_dim3A_360 : f32 to vector<16xf32>
      %swap3A_362 = arith.index_cast %scan3A_349 : i32 to index
      %swap3A_363 = arith.constant 32 : index
      %swap3A_364 = tpu.vector_load %arg11[%swap3A_362, %swap3A_363] {strides = array<i32>} : memref<256x64xf32, #tpu.memory_space<vmem>>, vector<16xf32>,
      tpu.vector_store %arg11[%swap3A_362, %swap3A_363], %broadcast_in_dim3A_361 {strides = array<i32>} : memref<256x64xf32, #tpu.memory_space<vmem>>, vector<16xf32>,
      %broadcast_in_dim3A_365 = arith.constant 0.000000e+00 : f32
      %broadcast_in_dim3A_366 = vector.broadcast %broadcast_in_dim3A_365 : f32 to vector<16xf32>
      %swap3A_367 = arith.index_cast %scan3A_349 : i32 to index
      %swap3A_368 = arith.constant 48 : index
      %swap3A_369 = tpu.vector_load %arg11[%swap3A_367, %swap3A_368] {strides = array<i32>} : memref<256x64xf32, #tpu.memory_space<vmem>>, vector<16xf32>,
      tpu.vector_store %arg11[%swap3A_367, %swap3A_368], %broadcast_in_dim3A_366 {strides = array<i32>} : memref<256x64xf32, #tpu.memory_space<vmem>>, vector<16xf32>,
      %scan3A_370 = arith.constant 0 : i32
      scf.yield %scan3A_370 : i32
    }
    %scan3A_6 = arith.constant 256 : i32
    "tpu.region"() ({
      %run_scoped3A = tpu.sem_alloc : memref<!tpu.dma_semaphore, #tpu.memory_space<semaphore_mem>>
      %dma_start3A_349 = arith.constant 0 : i32
      %dma_start3A_350 = tpu.memref_slice %arg13[%mul3A_0, %dma_start3A_349] : memref<10240x64xf32, #tpu.memory_space<vmem_shared>> -> memref<256x64xf32, #tpu.memory_space<vmem_shared>>
      %dma_start3A_351 = arith.constant 0 : i32
      %dma_start3A_352 = tpu.memref_slice %arg13[%mul3A_0, %dma_start3A_351] : memref<10240x64xf32, #tpu.memory_space<vmem_shared>> -> memref<256x64xf32, #tpu.memory_space<vmem_shared>>
      tpu.enqueue_dma source(%arg11 : memref<256x64xf32, #tpu.memory_space<vmem>>) target(%dma_start3A_352 : memref<256x64xf32, #tpu.memory_space<vmem_shared>>) target_semaphore(%run_scoped3A : memref<!tpu.dma_semaphore, #tpu.memory_space<semaphore_mem>>)
      %dma_wait3A_353 = arith.constant 0 : i32
      %dma_wait3A_354 = tpu.memref_slice %arg13[%mul3A_0, %dma_wait3A_353] : memref<10240x64xf32, #tpu.memory_space<vmem_shared>> -> memref<256x64xf32, #tpu.memory_space<vmem_shared>>
      %dma_wait3A_355 = arith.constant 0 : i32
      %dma_wait3A_356 = tpu.memref_slice %arg13[%mul3A_0, %dma_wait3A_355] : memref<10240x64xf32, #tpu.memory_space<vmem_shared>> -> memref<256x64xf32, #tpu.memory_space<vmem_shared>>
      tpu.wait_dma2 semaphore(%run_scoped3A : memref<!tpu.dma_semaphore, #tpu.memory_space<semaphore_mem>>) src(%arg11 : memref<256x64xf32, #tpu.memory_space<vmem>>) dst(%dma_wait3A_356 : memref<256x64xf32, #tpu.memory_space<vmem_shared>>)
      tpu.yield
    }) : () -> ()
    %add3A = arith.constant 256 : i32
    %add3A_7 = arith.addi %mul3A_0, %add3A : i32
    "tpu.region"() ({
      %run_scoped3A = tpu.sem_alloc : memref<!tpu.dma_semaphore, #tpu.memory_space<semaphore_mem>>
      %dma_start3A_349 = arith.constant 0 : i32
      %dma_start3A_350 = tpu.memref_slice %arg13[%add3A_7, %dma_start3A_349] : memref<10240x64xf32, #tpu.memory_space<vmem_shared>> -> memref<256x64xf32, #tpu.memory_space<vmem_shared>>
      %dma_start3A_351 = arith.constant 0 : i32
      %dma_start3A_352 = tpu.memref_slice %arg13[%add3A_7, %dma_start3A_351] : memref<10240x64xf32, #tpu.memory_space<vmem_shared>> -> memref<256x64xf32, #tpu.memory_space<vmem_shared>>
      tpu.enqueue_dma source(%arg11 : memref<256x64xf32, #tpu.memory_space<vmem>>) target(%dma_start3A_352 : memref<256x64xf32, #tpu.memory_space<vmem_shared>>) target_semaphore(%run_scoped3A : memref<!tpu.dma_semaphore, #tpu.memory_space<semaphore_mem>>)
      %dma_wait3A_353 = arith.constant 0 : i32
      %dma_wait3A_354 = tpu.memref_slice %arg13[%add3A_7, %dma_wait3A_353] : memref<10240x64xf32, #tpu.memory_space<vmem_shared>> -> memref<256x64xf32, #tpu.memory_space<vmem_shared>>
      %dma_wait3A_355 = arith.constant 0 : i32
      %dma_wait3A_356 = tpu.memref_slice %arg13[%add3A_7, %dma_wait3A_355] : memref<10240x64xf32, #tpu.memory_space<vmem_shared>> -> memref<256x64xf32, #tpu.memory_space<vmem_shared>>
      tpu.wait_dma2 semaphore(%run_scoped3A : memref<!tpu.dma_semaphore, #tpu.memory_space<semaphore_mem>>) src(%arg11 : memref<256x64xf32, #tpu.memory_space<vmem>>) dst(%dma_wait3A_356 : memref<256x64xf32, #tpu.memory_space<vmem_shared>>)
      tpu.yield
    }) : () -> ()
    %add3A_8 = arith.constant 512 : i32
    %add3A_9 = arith.addi %mul3A_0, %add3A_8 : i32
    "tpu.region"() ({
      %run_scoped3A = tpu.sem_alloc : memref<!tpu.dma_semaphore, #tpu.memory_space<semaphore_mem>>
      %dma_start3A_349 = arith.constant 0 : i32
      %dma_start3A_350 = arith.constant 0 : i32
      %dma_start3A_351 = tpu.memref_slice %arg11[%dma_start3A_349, %dma_start3A_350] : memref<256x64xf32, #tpu.memory_space<vmem>> -> memref<128x64xf32, #tpu.memory_space<vmem>>
      %dma_start3A_352 = arith.constant 0 : i32
      %dma_start3A_353 = tpu.memref_slice %arg13[%add3A_9, %dma_start3A_352] : memref<10240x64xf32, #tpu.memory_space<vmem_shared>> -> memref<128x64xf32, #tpu.memory_space<vmem_shared>>
      %dma_start3A_354 = arith.constant 0 : i32
      %dma_start3A_355 = tpu.memref_slice %arg13[%add3A_9, %dma_start3A_354] : memref<10240x64xf32, #tpu.memory_space<vmem_shared>> -> memref<128x64xf32, #tpu.memory_space<vmem_shared>>
      %dma_start3A_356 = arith.constant 0 : i32
      %dma_start3A_357 = arith.constant 0 : i32
      %dma_start3A_358 = tpu.memref_slice %arg11[%dma_start3A_356, %dma_start3A_357] : memref<256x64xf32, #tpu.memory_space<vmem>> -> memref<128x64xf32, #tpu.memory_space<vmem>>
      tpu.enqueue_dma source(%dma_start3A_358 : memref<128x64xf32, #tpu.memory_space<vmem>>) target(%dma_start3A_355 : memref<128x64xf32, #tpu.memory_space<vmem_shared>>) target_semaphore(%run_scoped3A : memref<!tpu.dma_semaphore, #tpu.memory_space<semaphore_mem>>)
      %dma_wait3A_359 = arith.constant 0 : i32
      %dma_wait3A_360 = arith.constant 0 : i32
      %dma_wait3A_361 = tpu.memref_slice %arg11[%dma_wait3A_359, %dma_wait3A_360] : memref<256x64xf32, #tpu.memory_space<vmem>> -> memref<128x64xf32, #tpu.memory_space<vmem>>
      %dma_wait3A_362 = arith.constant 0 : i32
      %dma_wait3A_363 = tpu.memref_slice %arg13[%add3A_9, %dma_wait3A_362] : memref<10240x64xf32, #tpu.memory_space<vmem_shared>> -> memref<128x64xf32, #tpu.memory_space<vmem_shared>>
      %dma_wait3A_364 = arith.constant 0 : i32
      %dma_wait3A_365 = tpu.memref_slice %arg13[%add3A_9, %dma_wait3A_364] : memref<10240x64xf32, #tpu.memory_space<vmem_shared>> -> memref<128x64xf32, #tpu.memory_space<vmem_shared>>
      %dma_wait3A_366 = arith.constant 0 : i32
      %dma_wait3A_367 = arith.constant 0 : i32
      %dma_wait3A_368 = tpu.memref_slice %arg11[%dma_wait3A_366, %dma_wait3A_367] : memref<256x64xf32, #tpu.memory_space<vmem>> -> memref<128x64xf32, #tpu.memory_space<vmem>>
      tpu.wait_dma2 semaphore(%run_scoped3A : memref<!tpu.dma_semaphore, #tpu.memory_space<semaphore_mem>>) src(%dma_wait3A_368 : memref<128x64xf32, #tpu.memory_space<vmem>>) dst(%dma_wait3A_365 : memref<128x64xf32, #tpu.memory_space<vmem_shared>>)
      tpu.yield
    }) : () -> ()
    "tpu.region"() ({
      %run_scoped3A = tpu.sem_alloc : memref<!tpu.dma_semaphore, #tpu.memory_space<semaphore_mem>>
      %dma_start3A_349 = arith.constant 0 : i32
      %dma_start3A_350 = tpu.memref_slice %arg12[%mul3A_0, %dma_start3A_349] : memref<10240x64xbf16, #tpu.memory_space<vmem_shared>> -> memref<640x64xbf16, #tpu.memory_space<vmem_shared>>
      %dma_start3A_351 = arith.constant 0 : i32
      %dma_start3A_352 = tpu.memref_slice %arg2[%arg0, %mul3A_0, %dma_start3A_351] : memref<2x10240x64xbf16, #tpu.memory_space<hbm>> -> memref<1x640x64xbf16, #tpu.memory_space<hbm>>
      %dma_start3A_353 = tpu.memref_squeeze %dma_start3A_352 : memref<1x640x64xbf16, #tpu.memory_space<hbm>> -> memref<640x64xbf16, #tpu.memory_space<hbm>>
      tpu.enqueue_dma source(%dma_start3A_353 : memref<640x64xbf16, #tpu.memory_space<hbm>>) target(%dma_start3A_350 : memref<640x64xbf16, #tpu.memory_space<vmem_shared>>) target_semaphore(%run_scoped3A : memref<!tpu.dma_semaphore, #tpu.memory_space<semaphore_mem>>)
      %dma_wait3A_354 = arith.constant 0 : i32
      %dma_wait3A_355 = tpu.memref_slice %arg12[%mul3A_0, %dma_wait3A_354] : memref<10240x64xbf16, #tpu.memory_space<vmem_shared>> -> memref<640x64xbf16, #tpu.memory_space<vmem_shared>>
      %dma_wait3A_356 = arith.constant 0 : i32
      %dma_wait3A_357 = tpu.memref_slice %arg2[%arg0, %mul3A_0, %dma_wait3A_356] : memref<2x10240x64xbf16, #tpu.memory_space<hbm>> -> memref<1x640x64xbf16, #tpu.memory_space<hbm>>
      %dma_wait3A_358 = tpu.memref_squeeze %dma_wait3A_357 : memref<1x640x64xbf16, #tpu.memory_space<hbm>> -> memref<640x64xbf16, #tpu.memory_space<hbm>>
      tpu.wait_dma2 semaphore(%run_scoped3A : memref<!tpu.dma_semaphore, #tpu.memory_space<semaphore_mem>>) src(%dma_wait3A_358 : memref<640x64xbf16, #tpu.memory_space<hbm>>) dst(%dma_wait3A_355 : memref<640x64xbf16, #tpu.memory_space<vmem_shared>>)
      tpu.yield
    }) : () -> ()
    %mul3A_10 = arith.constant 160 : i32
    %mul3A_11 = arith.muli %arg1, %mul3A_10 : i32
    %add3A_12 = arith.constant 0 : i32
    %add3A_13 = arith.addi %mul3A_11, %add3A_12 : i32
    %dma_start3A = arith.constant 0 : i32
    %dma_start3A_14 = arith.constant 0 : i32
    %dma_start3A_15 = arith.constant 0 : i32
    %dma_start3A_16 = arith.constant 0 : i32
    %dma_start3A_17 = tpu.memref_slice %arg6[%dma_start3A, %dma_start3A_15, %dma_start3A_16] : memref<2x8x128xi32, #tpu.memory_space<vmem>> -> memref<1x8x128xi32, #tpu.memory_space<vmem>>
    %dma_start3A_18 = tpu.memref_squeeze %dma_start3A_17 : memref<1x8x128xi32, #tpu.memory_space<vmem>> -> memref<8x128xi32, #tpu.memory_space<vmem>>
    %dma_start3A_19 = arith.constant 0 : i32
    %dma_start3A_20 = tpu.memref_slice %arg3[%add3A_13, %dma_start3A_19] : memref<2560x128xi32, #tpu.memory_space<hbm>> -> memref<8x128xi32, #tpu.memory_space<hbm>>
    %dma_start3A_21 = tpu.memref_slice %arg16[%dma_start3A_14] : memref<2x!tpu.dma_semaphore, #tpu.memory_space<semaphore_mem>> -> memref<1x!tpu.dma_semaphore, #tpu.memory_space<semaphore_mem>>
    %dma_start3A_22 = tpu.memref_squeeze %dma_start3A_21 : memref<1x!tpu.dma_semaphore, #tpu.memory_space<semaphore_mem>> -> memref<!tpu.dma_semaphore, #tpu.memory_space<semaphore_mem>>
    %dma_start3A_23 = arith.constant 0 : i32
    %dma_start3A_24 = arith.constant 0 : i32
    %dma_start3A_25 = tpu.memref_slice %arg6[%dma_start3A, %dma_start3A_23, %dma_start3A_24] : memref<2x8x128xi32, #tpu.memory_space<vmem>> -> memref<1x8x128xi32, #tpu.memory_space<vmem>>
    %dma_start3A_26 = tpu.memref_squeeze %dma_start3A_25 : memref<1x8x128xi32, #tpu.memory_space<vmem>> -> memref<8x128xi32, #tpu.memory_space<vmem>>
    %dma_start3A_27 = arith.constant 0 : i32
    %dma_start3A_28 = tpu.memref_slice %arg3[%add3A_13, %dma_start3A_27] : memref<2560x128xi32, #tpu.memory_space<hbm>> -> memref<8x128xi32, #tpu.memory_space<hbm>>
    tpu.enqueue_dma source(%dma_start3A_28 : memref<8x128xi32, #tpu.memory_space<hbm>>) target(%dma_start3A_26 : memref<8x128xi32, #tpu.memory_space<vmem>>) target_semaphore(%dma_start3A_22 : memref<!tpu.dma_semaphore, #tpu.memory_space<semaphore_mem>>)
    %mul3A_29 = arith.constant 160 : i32
    %mul3A_30 = arith.muli %arg1, %mul3A_29 : i32
    %add3A_31 = arith.constant 0 : i32
    %add3A_32 = arith.addi %mul3A_30, %add3A_31 : i32
    %dma_start3A_33 = arith.constant 0 : i32
    %dma_start3A_34 = arith.constant 0 : i32
    %dma_start3A_35 = arith.constant 0 : i32
    %dma_start3A_36 = arith.constant 0 : i32
    %dma_start3A_37 = tpu.memref_slice %arg7[%dma_start3A_33, %dma_start3A_35, %dma_start3A_36] : memref<2x8x128xf32, #tpu.memory_space<vmem>> -> memref<1x8x128xf32, #tpu.memory_space<vmem>>
    %dma_start3A_38 = tpu.memref_squeeze %dma_start3A_37 : memref<1x8x128xf32, #tpu.memory_space<vmem>> -> memref<8x128xf32, #tpu.memory_space<vmem>>
    %dma_start3A_39 = arith.constant 0 : i32
    %dma_start3A_40 = tpu.memref_slice %arg4[%add3A_32, %dma_start3A_39] : memref<2560x128xf32, #tpu.memory_space<hbm>> -> memref<8x128xf32, #tpu.memory_space<hbm>>
    %dma_start3A_41 = tpu.memref_slice %arg17[%dma_start3A_34] : memref<2x!tpu.dma_semaphore, #tpu.memory_space<semaphore_mem>> -> memref<1x!tpu.dma_semaphore, #tpu.memory_space<semaphore_mem>>
    %dma_start3A_42 = tpu.memref_squeeze %dma_start3A_41 : memref<1x!tpu.dma_semaphore, #tpu.memory_space<semaphore_mem>> -> memref<!tpu.dma_semaphore, #tpu.memory_space<semaphore_mem>>
    %dma_start3A_43 = arith.constant 0 : i32
    %dma_start3A_44 = arith.constant 0 : i32
    %dma_start3A_45 = tpu.memref_slice %arg7[%dma_start3A_33, %dma_start3A_43, %dma_start3A_44] : memref<2x8x128xf32, #tpu.memory_space<vmem>> -> memref<1x8x128xf32, #tpu.memory_space<vmem>>
    %dma_start3A_46 = tpu.memref_squeeze %dma_start3A_45 : memref<1x8x128xf32, #tpu.memory_space<vmem>> -> memref<8x128xf32, #tpu.memory_space<vmem>>
    %dma_start3A_47 = arith.constant 0 : i32
    %dma_start3A_48 = tpu.memref_slice %arg4[%add3A_32, %dma_start3A_47] : memref<2560x128xf32, #tpu.memory_space<hbm>> -> memref<8x128xf32, #tpu.memory_space<hbm>>
    tpu.enqueue_dma source(%dma_start3A_48 : memref<8x128xf32, #tpu.memory_space<hbm>>) target(%dma_start3A_46 : memref<8x128xf32, #tpu.memory_space<vmem>>) target_semaphore(%dma_start3A_42 : memref<!tpu.dma_semaphore, #tpu.memory_space<semaphore_mem>>)
    %barrier3A = arith.constant 0 : index
    tpu.barrier barrier_id(%barrier3A)
    %dma_wait3A = arith.constant 0 : i32
    %dma_wait3A_49 = arith.constant 0 : i32
    %dma_wait3A_50 = arith.constant 0 : i32
    %dma_wait3A_51 = arith.constant 0 : i32
    %dma_wait3A_52 = tpu.memref_slice %arg6[%dma_wait3A, %dma_wait3A_50, %dma_wait3A_51] : memref<2x8x128xi32, #tpu.memory_space<vmem>> -> memref<1x8x128xi32, #tpu.memory_space<vmem>>
    %dma_wait3A_53 = tpu.memref_squeeze %dma_wait3A_52 : memref<1x8x128xi32, #tpu.memory_space<vmem>> -> memref<8x128xi32, #tpu.memory_space<vmem>>
    %dma_wait3A_54 = arith.constant 0 : i32
    %dma_wait3A_55 = arith.constant 0 : i32
    %dma_wait3A_56 = tpu.memref_slice %arg3[%dma_wait3A_54, %dma_wait3A_55] : memref<2560x128xi32, #tpu.memory_space<hbm>> -> memref<8x128xi32, #tpu.memory_space<hbm>>
    %dma_wait3A_57 = tpu.memref_slice %arg16[%dma_wait3A_49] : memref<2x!tpu.dma_semaphore, #tpu.memory_space<semaphore_mem>> -> memref<1x!tpu.dma_semaphore, #tpu.memory_space<semaphore_mem>>
    %dma_wait3A_58 = tpu.memref_squeeze %dma_wait3A_57 : memref<1x!tpu.dma_semaphore, #tpu.memory_space<semaphore_mem>> -> memref<!tpu.dma_semaphore, #tpu.memory_space<semaphore_mem>>
    %dma_wait3A_59 = arith.constant 0 : i32
    %dma_wait3A_60 = arith.constant 0 : i32
    %dma_wait3A_61 = tpu.memref_slice %arg6[%dma_wait3A, %dma_wait3A_59, %dma_wait3A_60] : memref<2x8x128xi32, #tpu.memory_space<vmem>> -> memref<1x8x128xi32, #tpu.memory_space<vmem>>
    %dma_wait3A_62 = tpu.memref_squeeze %dma_wait3A_61 : memref<1x8x128xi32, #tpu.memory_space<vmem>> -> memref<8x128xi32, #tpu.memory_space<vmem>>
    %dma_wait3A_63 = arith.constant 0 : i32
    %dma_wait3A_64 = arith.constant 0 : i32
    %dma_wait3A_65 = tpu.memref_slice %arg3[%dma_wait3A_63, %dma_wait3A_64] : memref<2560x128xi32, #tpu.memory_space<hbm>> -> memref<8x128xi32, #tpu.memory_space<hbm>>
    tpu.wait_dma2 semaphore(%dma_wait3A_58 : memref<!tpu.dma_semaphore, #tpu.memory_space<semaphore_mem>>) src(%dma_wait3A_65 : memref<8x128xi32, #tpu.memory_space<hbm>>) dst(%dma_wait3A_62 : memref<8x128xi32, #tpu.memory_space<vmem>>)
    %dma_wait3A_66 = arith.constant 0 : i32
    %dma_wait3A_67 = arith.constant 0 : i32
    %dma_wait3A_68 = arith.constant 0 : i32
    %dma_wait3A_69 = arith.constant 0 : i32
    %dma_wait3A_70 = tpu.memref_slice %arg7[%dma_wait3A_66, %dma_wait3A_68, %dma_wait3A_69] : memref<2x8x128xf32, #tpu.memory_space<vmem>> -> memref<1x8x128xf32, #tpu.memory_space<vmem>>
    %dma_wait3A_71 = tpu.memref_squeeze %dma_wait3A_70 : memref<1x8x128xf32, #tpu.memory_space<vmem>> -> memref<8x128xf32, #tpu.memory_space<vmem>>
    %dma_wait3A_72 = arith.constant 0 : i32
    %dma_wait3A_73 = arith.constant 0 : i32
    %dma_wait3A_74 = tpu.memref_slice %arg4[%dma_wait3A_72, %dma_wait3A_73] : memref<2560x128xf32, #tpu.memory_space<hbm>> -> memref<8x128xf32, #tpu.memory_space<hbm>>
    %dma_wait3A_75 = tpu.memref_slice %arg17[%dma_wait3A_67] : memref<2x!tpu.dma_semaphore, #tpu.memory_space<semaphore_mem>> -> memref<1x!tpu.dma_semaphore, #tpu.memory_space<semaphore_mem>>
    %dma_wait3A_76 = tpu.memref_squeeze %dma_wait3A_75 : memref<1x!tpu.dma_semaphore, #tpu.memory_space<semaphore_mem>> -> memref<!tpu.dma_semaphore, #tpu.memory_space<semaphore_mem>>
    %dma_wait3A_77 = arith.constant 0 : i32
    %dma_wait3A_78 = arith.constant 0 : i32
    %dma_wait3A_79 = tpu.memref_slice %arg7[%dma_wait3A_66, %dma_wait3A_77, %dma_wait3A_78] : memref<2x8x128xf32, #tpu.memory_space<vmem>> -> memref<1x8x128xf32, #tpu.memory_space<vmem>>
    %dma_wait3A_80 = tpu.memref_squeeze %dma_wait3A_79 : memref<1x8x128xf32, #tpu.memory_space<vmem>> -> memref<8x128xf32, #tpu.memory_space<vmem>>
    %dma_wait3A_81 = arith.constant 0 : i32
    %dma_wait3A_82 = arith.constant 0 : i32
    %dma_wait3A_83 = tpu.memref_slice %arg4[%dma_wait3A_81, %dma_wait3A_82] : memref<2560x128xf32, #tpu.memory_space<hbm>> -> memref<8x128xf32, #tpu.memory_space<hbm>>
    tpu.wait_dma2 semaphore(%dma_wait3A_76 : memref<!tpu.dma_semaphore, #tpu.memory_space<semaphore_mem>>) src(%dma_wait3A_83 : memref<8x128xf32, #tpu.memory_space<hbm>>) dst(%dma_wait3A_80 : memref<8x128xf32, #tpu.memory_space<vmem>>)
    %get3A = arith.constant 0 : i32
    %get3A_84 = arith.constant 0 : i32
    %get3A_85 = arith.index_cast %get3A : i32 to index
    %get3A_86 = arith.index_cast %get3A_84 : i32 to index
    %get3A_87 = arith.constant 0 : index
    %get3A_88 = tpu.vector_load %arg6[%get3A_85, %get3A_86, %get3A_87] {strides = array<i32>} : memref<2x8x128xi32, #tpu.memory_space<vmem>>, vector<16xi32>,
    %and3A = arith.constant 65535 : i32
    %and3A_89 = vector.broadcast %and3A : i32 to vector<16xi32>
    %and3A_90 = arith.andi %get3A_88, %and3A_89 : vector<16xi32>
    %swap3A = arith.constant 0 : i32
    %swap3A_91 = arith.index_cast %swap3A : i32 to index
    %swap3A_92 = arith.constant 0 : index
    %swap3A_93 = tpu.vector_load %arg8[%swap3A_91, %swap3A_92] {strides = array<i32>} : memref<2x128xi32, #tpu.memory_space<vmem>>, vector<16xi32>,
    tpu.vector_store %arg8[%swap3A_91, %swap3A_92], %and3A_90 {strides = array<i32>} : memref<2x128xi32, #tpu.memory_space<vmem>>, vector<16xi32>,
    %get3A_94 = arith.constant 0 : i32
    %get3A_95 = arith.constant 0 : i32
    %get3A_96 = arith.index_cast %get3A_94 : i32 to index
    %get3A_97 = arith.index_cast %get3A_95 : i32 to index
    %get3A_98 = arith.constant 16 : index
    %get3A_99 = tpu.vector_load %arg6[%get3A_96, %get3A_97, %get3A_98] {strides = array<i32>} : memref<2x8x128xi32, #tpu.memory_space<vmem>>, vector<16xi32>,
    %and3A_100 = arith.constant 65535 : i32
    %and3A_101 = vector.broadcast %and3A_100 : i32 to vector<16xi32>
    %and3A_102 = arith.andi %get3A_99, %and3A_101 : vector<16xi32>
    %swap3A_103 = arith.constant 0 : i32
    %swap3A_104 = arith.index_cast %swap3A_103 : i32 to index
    %swap3A_105 = arith.constant 16 : index
    %swap3A_106 = tpu.vector_load %arg8[%swap3A_104, %swap3A_105] {strides = array<i32>} : memref<2x128xi32, #tpu.memory_space<vmem>>, vector<16xi32>,
    tpu.vector_store %arg8[%swap3A_104, %swap3A_105], %and3A_102 {strides = array<i32>} : memref<2x128xi32, #tpu.memory_space<vmem>>, vector<16xi32>,
    %get3A_107 = arith.constant 0 : i32
    %get3A_108 = arith.constant 0 : i32
    %get3A_109 = arith.index_cast %get3A_107 : i32 to index
    %get3A_110 = arith.index_cast %get3A_108 : i32 to index
    %get3A_111 = arith.constant 32 : index
    %get3A_112 = tpu.vector_load %arg6[%get3A_109, %get3A_110, %get3A_111] {strides = array<i32>} : memref<2x8x128xi32, #tpu.memory_space<vmem>>, vector<16xi32>,
    %and3A_113 = arith.constant 65535 : i32
    %and3A_114 = vector.broadcast %and3A_113 : i32 to vector<16xi32>
    %and3A_115 = arith.andi %get3A_112, %and3A_114 : vector<16xi32>
    %swap3A_116 = arith.constant 0 : i32
    %swap3A_117 = arith.index_cast %swap3A_116 : i32 to index
    %swap3A_118 = arith.constant 32 : index
    %swap3A_119 = tpu.vector_load %arg8[%swap3A_117, %swap3A_118] {strides = array<i32>} : memref<2x128xi32, #tpu.memory_space<vmem>>, vector<16xi32>,
    tpu.vector_store %arg8[%swap3A_117, %swap3A_118], %and3A_115 {strides = array<i32>} : memref<2x128xi32, #tpu.memory_space<vmem>>, vector<16xi32>,
    %get3A_120 = arith.constant 0 : i32
    %get3A_121 = arith.constant 0 : i32
    %get3A_122 = arith.index_cast %get3A_120 : i32 to index
    %get3A_123 = arith.index_cast %get3A_121 : i32 to index
    %get3A_124 = arith.constant 48 : index
    %get3A_125 = tpu.vector_load %arg6[%get3A_122, %get3A_123, %get3A_124] {strides = array<i32>} : memref<2x8x128xi32, #tpu.memory_space<vmem>>, vector<16xi32>,
    %and3A_126 = arith.constant 65535 : i32
    %and3A_127 = vector.broadcast %and3A_126 : i32 to vector<16xi32>
    %and3A_128 = arith.andi %get3A_125, %and3A_127 : vector<16xi32>
    %swap3A_129 = arith.constant 0 : i32
    %swap3A_130 = arith.index_cast %swap3A_129 : i32 to index
    %swap3A_131 = arith.constant 48 : index
    %swap3A_132 = tpu.vector_load %arg8[%swap3A_130, %swap3A_131] {strides = array<i32>} : memref<2x128xi32, #tpu.memory_space<vmem>>, vector<16xi32>,
    tpu.vector_store %arg8[%swap3A_130, %swap3A_131], %and3A_128 {strides = array<i32>} : memref<2x128xi32, #tpu.memory_space<vmem>>, vector<16xi32>,
    %get3A_133 = arith.constant 0 : i32
    %get3A_134 = arith.constant 0 : i32
    %get3A_135 = arith.index_cast %get3A_133 : i32 to index
    %get3A_136 = arith.index_cast %get3A_134 : i32 to index
    %get3A_137 = arith.constant 64 : index
    %get3A_138 = tpu.vector_load %arg6[%get3A_135, %get3A_136, %get3A_137] {strides = array<i32>} : memref<2x8x128xi32, #tpu.memory_space<vmem>>, vector<16xi32>,
    %and3A_139 = arith.constant 65535 : i32
    %and3A_140 = vector.broadcast %and3A_139 : i32 to vector<16xi32>
    %and3A_141 = arith.andi %get3A_138, %and3A_140 : vector<16xi32>
    %swap3A_142 = arith.constant 0 : i32
    %swap3A_143 = arith.index_cast %swap3A_142 : i32 to index
    %swap3A_144 = arith.constant 64 : index
    %swap3A_145 = tpu.vector_load %arg8[%swap3A_143, %swap3A_144] {strides = array<i32>} : memref<2x128xi32, #tpu.memory_space<vmem>>, vector<16xi32>,
    tpu.vector_store %arg8[%swap3A_143, %swap3A_144], %and3A_141 {strides = array<i32>} : memref<2x128xi32, #tpu.memory_space<vmem>>, vector<16xi32>,
    %get3A_146 = arith.constant 0 : i32
    %get3A_147 = arith.constant 0 : i32
    %get3A_148 = arith.index_cast %get3A_146 : i32 to index
    %get3A_149 = arith.index_cast %get3A_147 : i32 to index
    %get3A_150 = arith.constant 80 : index
    %get3A_151 = tpu.vector_load %arg6[%get3A_148, %get3A_149, %get3A_150] {strides = array<i32>} : memref<2x8x128xi32, #tpu.memory_space<vmem>>, vector<16xi32>,
    %and3A_152 = arith.constant 65535 : i32
    %and3A_153 = vector.broadcast %and3A_152 : i32 to vector<16xi32>
    %and3A_154 = arith.andi %get3A_151, %and3A_153 : vector<16xi32>
    %swap3A_155 = arith.constant 0 : i32
    %swap3A_156 = arith.index_cast %swap3A_155 : i32 to index
    %swap3A_157 = arith.constant 80 : index
    %swap3A_158 = tpu.vector_load %arg8[%swap3A_156, %swap3A_157] {strides = array<i32>} : memref<2x128xi32, #tpu.memory_space<vmem>>, vector<16xi32>,
    tpu.vector_store %arg8[%swap3A_156, %swap3A_157], %and3A_154 {strides = array<i32>} : memref<2x128xi32, #tpu.memory_space<vmem>>, vector<16xi32>,
    %get3A_159 = arith.constant 0 : i32
    %get3A_160 = arith.constant 0 : i32
    %get3A_161 = arith.index_cast %get3A_159 : i32 to index
    %get3A_162 = arith.index_cast %get3A_160 : i32 to index
    %get3A_163 = arith.constant 96 : index
    %get3A_164 = tpu.vector_load %arg6[%get3A_161, %get3A_162, %get3A_163] {strides = array<i32>} : memref<2x8x128xi32, #tpu.memory_space<vmem>>, vector<16xi32>,
    %and3A_165 = arith.constant 65535 : i32
    %and3A_166 = vector.broadcast %and3A_165 : i32 to vector<16xi32>
    %and3A_167 = arith.andi %get3A_164, %and3A_166 : vector<16xi32>
    %swap3A_168 = arith.constant 0 : i32
    %swap3A_169 = arith.index_cast %swap3A_168 : i32 to index
    %swap3A_170 = arith.constant 96 : index
    %swap3A_171 = tpu.vector_load %arg8[%swap3A_169, %swap3A_170] {strides = array<i32>} : memref<2x128xi32, #tpu.memory_space<vmem>>, vector<16xi32>,
    tpu.vector_store %arg8[%swap3A_169, %swap3A_170], %and3A_167 {strides = array<i32>} : memref<2x128xi32, #tpu.memory_space<vmem>>, vector<16xi32>,
    %get3A_172 = arith.constant 0 : i32
    %get3A_173 = arith.constant 0 : i32
    %get3A_174 = arith.index_cast %get3A_172 : i32 to index
    %get3A_175 = arith.index_cast %get3A_173 : i32 to index
    %get3A_176 = arith.constant 112 : index
    %get3A_177 = tpu.vector_load %arg6[%get3A_174, %get3A_175, %get3A_176] {strides = array<i32>} : memref<2x8x128xi32, #tpu.memory_space<vmem>>, vector<16xi32>,
    %and3A_178 = arith.constant 65535 : i32
    %and3A_179 = vector.broadcast %and3A_178 : i32 to vector<16xi32>
    %and3A_180 = arith.andi %get3A_177, %and3A_179 : vector<16xi32>
    %swap3A_181 = arith.constant 0 : i32
    %swap3A_182 = arith.index_cast %swap3A_181 : i32 to index
    %swap3A_183 = arith.constant 112 : index
    %swap3A_184 = tpu.vector_load %arg8[%swap3A_182, %swap3A_183] {strides = array<i32>} : memref<2x128xi32, #tpu.memory_space<vmem>>, vector<16xi32>,
    tpu.vector_store %arg8[%swap3A_182, %swap3A_183], %and3A_180 {strides = array<i32>} : memref<2x128xi32, #tpu.memory_space<vmem>>, vector<16xi32>,
    %dma_start3A_185 = arith.constant 0 : i32
    %dma_start3A_186 = arith.constant 0 : i32
    %dma_start3A_187 = arith.constant 0 : i32
    %dma_start3A_188 = arith.constant 0 : i32
    %dma_start3A_189 = tpu.memref_slice %arg10[%dma_start3A_187, %dma_start3A_188] : memref<256x64xbf16, #tpu.memory_space<vmem>> -> memref<128x64xbf16, #tpu.memory_space<vmem>>
    %dma_start3A_190 = arith.constant 0 : i32
    %dma_start3A_191 = tpu.memref_slice %arg8[%dma_start3A_185, %dma_start3A_190] : memref<2x128xi32, #tpu.memory_space<vmem>> -> memref<1x128xi32, #tpu.memory_space<vmem>>
    %dma_start3A_192 = tpu.memref_squeeze %dma_start3A_191 : memref<1x128xi32, #tpu.memory_space<vmem>> -> memref<128xi32, #tpu.memory_space<vmem>>
    %dma_start3A_193 = arith.constant 0 : i32
    %dma_start3A_194 = arith.constant 0 : i32
    %dma_start3A_195 = tpu.memref_slice %arg12[%dma_start3A_193, %dma_start3A_194] : memref<10240x64xbf16, #tpu.memory_space<vmem_shared>> -> memref<10240x64xbf16, #tpu.memory_space<vmem_shared>>
    %dma_start3A_196 = tpu.memref_slice %arg14[%dma_start3A_186] : memref<2x!tpu.dma_semaphore, #tpu.memory_space<semaphore_mem>> -> memref<1x!tpu.dma_semaphore, #tpu.memory_space<semaphore_mem>>
    %dma_start3A_197 = tpu.memref_squeeze %dma_start3A_196 : memref<1x!tpu.dma_semaphore, #tpu.memory_space<semaphore_mem>> -> memref<!tpu.dma_semaphore, #tpu.memory_space<semaphore_mem>>
    tpu.enqueue_indirect_dma source(%dma_start3A_195 : memref<10240x64xbf16, #tpu.memory_space<vmem_shared>>) target(%dma_start3A_189 : memref<128x64xbf16, #tpu.memory_space<vmem>>) offsets(%dma_start3A_192 : memref<128xi32, #tpu.memory_space<vmem>>) semaphore(%dma_start3A_197 : memref<!tpu.dma_semaphore, #tpu.memory_space<semaphore_mem>>)
    %get3A_198 = arith.constant 0 : i32
    %get3A_199 = arith.constant 1 : i32
    %get3A_200 = arith.index_cast %get3A_198 : i32 to index
    %get3A_201 = arith.index_cast %get3A_199 : i32 to index
    %get3A_202 = arith.constant 0 : index
    %get3A_203 = tpu.vector_load %arg6[%get3A_200, %get3A_201, %get3A_202] {strides = array<i32>} : memref<2x8x128xi32, #tpu.memory_space<vmem>>, vector<16xi32>,
    %and3A_204 = arith.constant 65535 : i32
    %and3A_205 = vector.broadcast %and3A_204 : i32 to vector<16xi32>
    %and3A_206 = arith.andi %get3A_203, %and3A_205 : vector<16xi32>
    %swap3A_207 = arith.constant 1 : i32
    %swap3A_208 = arith.index_cast %swap3A_207 : i32 to index
    %swap3A_209 = arith.constant 0 : index
    %swap3A_210 = tpu.vector_load %arg8[%swap3A_208, %swap3A_209] {strides = array<i32>} : memref<2x128xi32, #tpu.memory_space<vmem>>, vector<16xi32>,
    tpu.vector_store %arg8[%swap3A_208, %swap3A_209], %and3A_206 {strides = array<i32>} : memref<2x128xi32, #tpu.memory_space<vmem>>, vector<16xi32>,
    %get3A_211 = arith.constant 0 : i32
    %get3A_212 = arith.constant 1 : i32
    %get3A_213 = arith.index_cast %get3A_211 : i32 to index
    %get3A_214 = arith.index_cast %get3A_212 : i32 to index
    %get3A_215 = arith.constant 16 : index
    %get3A_216 = tpu.vector_load %arg6[%get3A_213, %get3A_214, %get3A_215] {strides = array<i32>} : memref<2x8x128xi32, #tpu.memory_space<vmem>>, vector<16xi32>,
    %and3A_217 = arith.constant 65535 : i32
    %and3A_218 = vector.broadcast %and3A_217 : i32 to vector<16xi32>
    %and3A_219 = arith.andi %get3A_216, %and3A_218 : vector<16xi32>
    %swap3A_220 = arith.constant 1 : i32
    %swap3A_221 = arith.index_cast %swap3A_220 : i32 to index
    %swap3A_222 = arith.constant 16 : index
    %swap3A_223 = tpu.vector_load %arg8[%swap3A_221, %swap3A_222] {strides = array<i32>} : memref<2x128xi32, #tpu.memory_space<vmem>>, vector<16xi32>,
    tpu.vector_store %arg8[%swap3A_221, %swap3A_222], %and3A_219 {strides = array<i32>} : memref<2x128xi32, #tpu.memory_space<vmem>>, vector<16xi32>,
    %get3A_224 = arith.constant 0 : i32
    %get3A_225 = arith.constant 1 : i32
    %get3A_226 = arith.index_cast %get3A_224 : i32 to index
    %get3A_227 = arith.index_cast %get3A_225 : i32 to index
    %get3A_228 = arith.constant 32 : index
    %get3A_229 = tpu.vector_load %arg6[%get3A_226, %get3A_227, %get3A_228] {strides = array<i32>} : memref<2x8x128xi32, #tpu.memory_space<vmem>>, vector<16xi32>,
    %and3A_230 = arith.constant 65535 : i32
    %and3A_231 = vector.broadcast %and3A_230 : i32 to vector<16xi32>
    %and3A_232 = arith.andi %get3A_229, %and3A_231 : vector<16xi32>
    %swap3A_233 = arith.constant 1 : i32
    %swap3A_234 = arith.index_cast %swap3A_233 : i32 to index
    %swap3A_235 = arith.constant 32 : index
    %swap3A_236 = tpu.vector_load %arg8[%swap3A_234, %swap3A_235] {strides = array<i32>} : memref<2x128xi32, #tpu.memory_space<vmem>>, vector<16xi32>,
    tpu.vector_store %arg8[%swap3A_234, %swap3A_235], %and3A_232 {strides = array<i32>} : memref<2x128xi32, #tpu.memory_space<vmem>>, vector<16xi32>,
    %get3A_237 = arith.constant 0 : i32
    %get3A_238 = arith.constant 1 : i32
    %get3A_239 = arith.index_cast %get3A_237 : i32 to index
    %get3A_240 = arith.index_cast %get3A_238 : i32 to index
    %get3A_241 = arith.constant 48 : index
    %get3A_242 = tpu.vector_load %arg6[%get3A_239, %get3A_240, %get3A_241] {strides = array<i32>} : memref<2x8x128xi32, #tpu.memory_space<vmem>>, vector<16xi32>,
    %and3A_243 = arith.constant 65535 : i32
    %and3A_244 = vector.broadcast %and3A_243 : i32 to vector<16xi32>
    %and3A_245 = arith.andi %get3A_242, %and3A_244 : vector<16xi32>
    %swap3A_246 = arith.constant 1 : i32
    %swap3A_247 = arith.index_cast %swap3A_246 : i32 to index
    %swap3A_248 = arith.constant 48 : index
    %swap3A_249 = tpu.vector_load %arg8[%swap3A_247, %swap3A_248] {strides = array<i32>} : memref<2x128xi32, #tpu.memory_space<vmem>>, vector<16xi32>,
    tpu.vector_store %arg8[%swap3A_247, %swap3A_248], %and3A_245 {strides = array<i32>} : memref<2x128xi32, #tpu.memory_space<vmem>>, vector<16xi32>,
    %get3A_250 = arith.constant 0 : i32
    %get3A_251 = arith.constant 1 : i32
    %get3A_252 = arith.index_cast %get3A_250 : i32 to index
    %get3A_253 = arith.index_cast %get3A_251 : i32 to index
    %get3A_254 = arith.constant 64 : index
    %get3A_255 = tpu.vector_load %arg6[%get3A_252, %get3A_253, %get3A_254] {strides = array<i32>} : memref<2x8x128xi32, #tpu.memory_space<vmem>>, vector<16xi32>,
    %and3A_256 = arith.constant 65535 : i32
    %and3A_257 = vector.broadcast %and3A_256 : i32 to vector<16xi32>
    %and3A_258 = arith.andi %get3A_255, %and3A_257 : vector<16xi32>
    %swap3A_259 = arith.constant 1 : i32
    %swap3A_260 = arith.index_cast %swap3A_259 : i32 to index
    %swap3A_261 = arith.constant 64 : index
    %swap3A_262 = tpu.vector_load %arg8[%swap3A_260, %swap3A_261] {strides = array<i32>} : memref<2x128xi32, #tpu.memory_space<vmem>>, vector<16xi32>,
    tpu.vector_store %arg8[%swap3A_260, %swap3A_261], %and3A_258 {strides = array<i32>} : memref<2x128xi32, #tpu.memory_space<vmem>>, vector<16xi32>,
    %get3A_263 = arith.constant 0 : i32
    %get3A_264 = arith.constant 1 : i32
    %get3A_265 = arith.index_cast %get3A_263 : i32 to index
    %get3A_266 = arith.index_cast %get3A_264 : i32 to index
    %get3A_267 = arith.constant 80 : index
    %get3A_268 = tpu.vector_load %arg6[%get3A_265, %get3A_266, %get3A_267] {strides = array<i32>} : memref<2x8x128xi32, #tpu.memory_space<vmem>>, vector<16xi32>,
    %and3A_269 = arith.constant 65535 : i32
    %and3A_270 = vector.broadcast %and3A_269 : i32 to vector<16xi32>
    %and3A_271 = arith.andi %get3A_268, %and3A_270 : vector<16xi32>
    %swap3A_272 = arith.constant 1 : i32
    %swap3A_273 = arith.index_cast %swap3A_272 : i32 to index
    %swap3A_274 = arith.constant 80 : index
    %swap3A_275 = tpu.vector_load %arg8[%swap3A_273, %swap3A_274] {strides = array<i32>} : memref<2x128xi32, #tpu.memory_space<vmem>>, vector<16xi32>,
    tpu.vector_store %arg8[%swap3A_273, %swap3A_274], %and3A_271 {strides = array<i32>} : memref<2x128xi32, #tpu.memory_space<vmem>>, vector<16xi32>,
    %get3A_276 = arith.constant 0 : i32
    %get3A_277 = arith.constant 1 : i32
    %get3A_278 = arith.index_cast %get3A_276 : i32 to index
    %get3A_279 = arith.index_cast %get3A_277 : i32 to index
    %get3A_280 = arith.constant 96 : index
    %get3A_281 = tpu.vector_load %arg6[%get3A_278, %get3A_279, %get3A_280] {strides = array<i32>} : memref<2x8x128xi32, #tpu.memory_space<vmem>>, vector<16xi32>,
    %and3A_282 = arith.constant 65535 : i32
    %and3A_283 = vector.broadcast %and3A_282 : i32 to vector<16xi32>
    %and3A_284 = arith.andi %get3A_281, %and3A_283 : vector<16xi32>
    %swap3A_285 = arith.constant 1 : i32
    %swap3A_286 = arith.index_cast %swap3A_285 : i32 to index
    %swap3A_287 = arith.constant 96 : index
    %swap3A_288 = tpu.vector_load %arg8[%swap3A_286, %swap3A_287] {strides = array<i32>} : memref<2x128xi32, #tpu.memory_space<vmem>>, vector<16xi32>,
    tpu.vector_store %arg8[%swap3A_286, %swap3A_287], %and3A_284 {strides = array<i32>} : memref<2x128xi32, #tpu.memory_space<vmem>>, vector<16xi32>,
    %get3A_289 = arith.constant 0 : i32
    %get3A_290 = arith.constant 1 : i32
    %get3A_291 = arith.index_cast %get3A_289 : i32 to index
    %get3A_292 = arith.index_cast %get3A_290 : i32 to index
    %get3A_293 = arith.constant 112 : index
    %get3A_294 = tpu.vector_load %arg6[%get3A_291, %get3A_292, %get3A_293] {strides = array<i32>} : memref<2x8x128xi32, #tpu.memory_space<vmem>>, vector<16xi32>,
    %and3A_295 = arith.constant 65535 : i32
    %and3A_296 = vector.broadcast %and3A_295 : i32 to vector<16xi32>
    %and3A_297 = arith.andi %get3A_294, %and3A_296 : vector<16xi32>
    %swap3A_298 = arith.constant 1 : i32
    %swap3A_299 = arith.index_cast %swap3A_298 : i32 to index
    %swap3A_300 = arith.constant 112 : index
    %swap3A_301 = tpu.vector_load %arg8[%swap3A_299, %swap3A_300] {strides = array<i32>} : memref<2x128xi32, #tpu.memory_space<vmem>>, vector<16xi32>,
    tpu.vector_store %arg8[%swap3A_299, %swap3A_300], %and3A_297 {strides = array<i32>} : memref<2x128xi32, #tpu.memory_space<vmem>>, vector<16xi32>,
    %dma_start3A_302 = arith.constant 1 : i32
    %dma_start3A_303 = arith.constant 1 : i32
    %dma_start3A_304 = arith.constant 128 : i32
    %dma_start3A_305 = arith.constant 0 : i32
    %dma_start3A_306 = tpu.memref_slice %arg10[%dma_start3A_304, %dma_start3A_305] : memref<256x64xbf16, #tpu.memory_space<vmem>> -> memref<128x64xbf16, #tpu.memory_space<vmem>>
    %dma_start3A_307 = arith.constant 0 : i32
    %dma_start3A_308 = tpu.memref_slice %arg8[%dma_start3A_302, %dma_start3A_307] : memref<2x128xi32, #tpu.memory_space<vmem>> -> memref<1x128xi32, #tpu.memory_space<vmem>>
    %dma_start3A_309 = tpu.memref_squeeze %dma_start3A_308 : memref<1x128xi32, #tpu.memory_space<vmem>> -> memref<128xi32, #tpu.memory_space<vmem>>
    %dma_start3A_310 = arith.constant 0 : i32
    %dma_start3A_311 = arith.constant 0 : i32
    %dma_start3A_312 = tpu.memref_slice %arg12[%dma_start3A_310, %dma_start3A_311] : memref<10240x64xbf16, #tpu.memory_space<vmem_shared>> -> memref<10240x64xbf16, #tpu.memory_space<vmem_shared>>
    %dma_start3A_313 = tpu.memref_slice %arg14[%dma_start3A_303] : memref<2x!tpu.dma_semaphore, #tpu.memory_space<semaphore_mem>> -> memref<1x!tpu.dma_semaphore, #tpu.memory_space<semaphore_mem>>
    %dma_start3A_314 = tpu.memref_squeeze %dma_start3A_313 : memref<1x!tpu.dma_semaphore, #tpu.memory_space<semaphore_mem>> -> memref<!tpu.dma_semaphore, #tpu.memory_space<semaphore_mem>>
    tpu.enqueue_indirect_dma source(%dma_start3A_312 : memref<10240x64xbf16, #tpu.memory_space<vmem_shared>>) target(%dma_start3A_306 : memref<128x64xbf16, #tpu.memory_space<vmem>>) offsets(%dma_start3A_309 : memref<128xi32, #tpu.memory_space<vmem>>) semaphore(%dma_start3A_314 : memref<!tpu.dma_semaphore, #tpu.memory_space<semaphore_mem>>)
    %scan3A_315 = arith.constant 0 : i32
    %scan3A_316 = arith.constant 0 : i32
    %scan3A_317 = arith.constant 80 : i32
    %scan3A_318 = arith.addi %scan3A_316, %scan3A_317 : i32
    %scan3A_319 = arith.constant 1 : i32
    %scan3A_320 = scf.for %scan3A_349 = %scan3A_316 to %scan3A_318 step %scan3A_319 iter_args(%scan3A_350 = %scan3A_315) -> (i32)  : i32 {
      %mul3A_351 = arith.constant 2 : i32
      %mul3A_352 = arith.muli %scan3A_349, %mul3A_351 : i32
      %add3A_353 = arith.constant 0 : i32
      %add3A_354 = arith.addi %mul3A_352, %add3A_353 : i32
      %jit3A = arith.constant 8 : i32
      %eq3A = arith.constant 0 : i32
      %eq3A_355 = arith.cmpi eq, %jit3A, %eq3A : i32
      %jit3A_356 = arith.constant 1 : i32
      %select_n3A = arith.select %eq3A_355, %jit3A_356, %jit3A : i32
      %rem3A = arith.remsi %add3A_354, %select_n3A : i32
      %ne3A = arith.constant 0 : i32
      %ne3A_357 = arith.cmpi ne, %rem3A, %ne3A : i32
      %lt3A = arith.constant 0 : i32
      %lt3A_358 = arith.cmpi slt, %rem3A, %lt3A : i32
      %lt3A_359 = arith.constant 0 : i32
      %lt3A_360 = arith.cmpi slt, %select_n3A, %lt3A_359 : i32
      %ne3A_361 = arith.xori %lt3A_358, %lt3A_360 : i1
      %and3A_362 = arith.andi %ne3A_361, %ne3A_357 : i1
      %add3A_363 = arith.addi %rem3A, %select_n3A : i32
      %select_n3A_364 = arith.select %and3A_362, %add3A_363, %rem3A : i32
      %eq3A_365 = arith.constant 0 : i32
      %eq3A_366 = arith.cmpi eq, %select_n3A_364, %eq3A_365 : i32
      %jit3A_367 = arith.constant 8 : i32
      %div3A = arith.divsi %add3A_354, %jit3A_367 : i32
      %sign3A = arith.constant 0 : i32
      %sign3A_368 = arith.cmpi sgt, %add3A_354, %sign3A : i32
      %sign3A_369 = arith.extui %sign3A_368 : i1 to i32
      %sign3A_370 = arith.constant 0 : i32
      %sign3A_371 = arith.cmpi slt, %add3A_354, %sign3A_370 : i32
      %sign3A_372 = arith.extui %sign3A_371 : i1 to i32
      %sign3A_373 = arith.subi %sign3A_369, %sign3A_372 : i32
      %sign3A_374 = arith.constant 0 : i32
      %sign3A_375 = arith.cmpi sgt, %jit3A_367, %sign3A_374 : i32
      %sign3A_376 = arith.extui %sign3A_375 : i1 to i32
      %sign3A_377 = arith.constant 0 : i32
      %sign3A_378 = arith.cmpi slt, %jit3A_367, %sign3A_377 : i32
      %sign3A_379 = arith.extui %sign3A_378 : i1 to i32
      %sign3A_380 = arith.subi %sign3A_376, %sign3A_379 : i32
      %ne3A_381 = arith.cmpi ne, %sign3A_373, %sign3A_380 : i32
      %rem3A_382 = arith.remsi %add3A_354, %jit3A_367 : i32
      %ne3A_383 = arith.constant 0 : i32
      %ne3A_384 = arith.cmpi ne, %rem3A_382, %ne3A_383 : i32
      %and3A_385 = arith.andi %ne3A_381, %ne3A_384 : i1
      %sub3A = arith.constant 1 : i32
      %sub3A_386 = arith.subi %div3A, %sub3A : i32
      %select_n3A_387 = arith.select %and3A_385, %sub3A_386, %div3A : i32
      %add3A_388 = arith.constant 1 : i32
      %add3A_389 = arith.addi %select_n3A_387, %add3A_388 : i32
      %lt3A_390 = arith.constant 20 : i32
      %lt3A_391 = arith.cmpi slt, %add3A_389, %lt3A_390 : i32
      %and3A_392 = arith.andi %eq3A_366, %lt3A_391 : i1
      %convert_element_type3A = arith.extui %and3A_392 : i1 to i32
      %cond3A = arith.constant 0 : i32
      %cond3A_393 = arith.cmpi ne, %convert_element_type3A, %cond3A : i32
      scf.if %cond3A_393 {
        %jit3A_929 = arith.constant 8 : i32
        %div3A_930 = arith.divsi %add3A_354, %jit3A_929 : i32
        %sign3A_931 = arith.constant 0 : i32
        %sign3A_932 = arith.cmpi sgt, %add3A_354, %sign3A_931 : i32
        %sign3A_933 = arith.extui %sign3A_932 : i1 to i32
        %sign3A_934 = arith.constant 0 : i32
        %sign3A_935 = arith.cmpi slt, %add3A_354, %sign3A_934 : i32
        %sign3A_936 = arith.extui %sign3A_935 : i1 to i32
        %sign3A_937 = arith.subi %sign3A_933, %sign3A_936 : i32
        %sign3A_938 = arith.constant 0 : i32
        %sign3A_939 = arith.cmpi sgt, %jit3A_929, %sign3A_938 : i32
        %sign3A_940 = arith.extui %sign3A_939 : i1 to i32
        %sign3A_941 = arith.constant 0 : i32
        %sign3A_942 = arith.cmpi slt, %jit3A_929, %sign3A_941 : i32
        %sign3A_943 = arith.extui %sign3A_942 : i1 to i32
        %sign3A_944 = arith.subi %sign3A_940, %sign3A_943 : i32
        %ne3A_945 = arith.cmpi ne, %sign3A_937, %sign3A_944 : i32
        %rem3A_946 = arith.remsi %add3A_354, %jit3A_929 : i32
        %ne3A_947 = arith.constant 0 : i32
        %ne3A_948 = arith.cmpi ne, %rem3A_946, %ne3A_947 : i32
        %and3A_949 = arith.andi %ne3A_945, %ne3A_948 : i1
        %sub3A_950 = arith.constant 1 : i32
        %sub3A_951 = arith.subi %div3A_930, %sub3A_950 : i32
        %select_n3A_952 = arith.select %and3A_949, %sub3A_951, %div3A_930 : i32
        %add3A_953 = arith.constant 1 : i32
        %add3A_954 = arith.addi %select_n3A_952, %add3A_953 : i32
        %jit3A_955 = arith.constant 8 : i32
        %div3A_956 = arith.divsi %add3A_354, %jit3A_955 : i32
        %sign3A_957 = arith.constant 0 : i32
        %sign3A_958 = arith.cmpi sgt, %add3A_354, %sign3A_957 : i32
        %sign3A_959 = arith.extui %sign3A_958 : i1 to i32
        %sign3A_960 = arith.constant 0 : i32
        %sign3A_961 = arith.cmpi slt, %add3A_354, %sign3A_960 : i32
        %sign3A_962 = arith.extui %sign3A_961 : i1 to i32
        %sign3A_963 = arith.subi %sign3A_959, %sign3A_962 : i32
        %sign3A_964 = arith.constant 0 : i32
        %sign3A_965 = arith.cmpi sgt, %jit3A_955, %sign3A_964 : i32
        %sign3A_966 = arith.extui %sign3A_965 : i1 to i32
        %sign3A_967 = arith.constant 0 : i32
        %sign3A_968 = arith.cmpi slt, %jit3A_955, %sign3A_967 : i32
        %sign3A_969 = arith.extui %sign3A_968 : i1 to i32
        %sign3A_970 = arith.subi %sign3A_966, %sign3A_969 : i32
        %ne3A_971 = arith.cmpi ne, %sign3A_963, %sign3A_970 : i32
        %rem3A_972 = arith.remsi %add3A_354, %jit3A_955 : i32
        %ne3A_973 = arith.constant 0 : i32
        %ne3A_974 = arith.cmpi ne, %rem3A_972, %ne3A_973 : i32
        %and3A_975 = arith.andi %ne3A_971, %ne3A_974 : i1
        %sub3A_976 = arith.constant 1 : i32
        %sub3A_977 = arith.subi %div3A_956, %sub3A_976 : i32
        %select_n3A_978 = arith.select %and3A_975, %sub3A_977, %div3A_956 : i32
        %add3A_979 = arith.constant 1 : i32
        %add3A_980 = arith.addi %select_n3A_978, %add3A_979 : i32
        %jit3A_981 = arith.constant 2 : i32
        %eq3A_982 = arith.constant 0 : i32
        %eq3A_983 = arith.cmpi eq, %jit3A_981, %eq3A_982 : i32
        %jit3A_984 = arith.constant 1 : i32
        %select_n3A_985 = arith.select %eq3A_983, %jit3A_984, %jit3A_981 : i32
        %rem3A_986 = arith.remsi %add3A_980, %select_n3A_985 : i32
        %ne3A_987 = arith.constant 0 : i32
        %ne3A_988 = arith.cmpi ne, %rem3A_986, %ne3A_987 : i32
        %lt3A_989 = arith.constant 0 : i32
        %lt3A_990 = arith.cmpi slt, %rem3A_986, %lt3A_989 : i32
        %lt3A_991 = arith.constant 0 : i32
        %lt3A_992 = arith.cmpi slt, %select_n3A_985, %lt3A_991 : i32
        %ne3A_993 = arith.xori %lt3A_990, %lt3A_992 : i1
        %and3A_994 = arith.andi %ne3A_993, %ne3A_988 : i1
        %add3A_995 = arith.addi %rem3A_986, %select_n3A_985 : i32
        %select_n3A_996 = arith.select %and3A_994, %add3A_995, %rem3A_986 : i32
        %mul3A_997 = arith.constant 160 : i32
        %mul3A_998 = arith.muli %arg1, %mul3A_997 : i32
        %mul3A_999 = arith.constant 8 : i32
        %mul3A_1000 = arith.muli %add3A_954, %mul3A_999 : i32
        %add3A_1001 = arith.addi %mul3A_998, %mul3A_1000 : i32
        %dma_start3A_1002 = arith.constant 0 : i32
        %dma_start3A_1003 = arith.constant 0 : i32
        %dma_start3A_1004 = tpu.memref_slice %arg6[%select_n3A_996, %dma_start3A_1002, %dma_start3A_1003] : memref<2x8x128xi32, #tpu.memory_space<vmem>> -> memref<1x8x128xi32, #tpu.memory_space<vmem>>
        %dma_start3A_1005 = tpu.memref_squeeze %dma_start3A_1004 : memref<1x8x128xi32, #tpu.memory_space<vmem>> -> memref<8x128xi32, #tpu.memory_space<vmem>>
        %dma_start3A_1006 = arith.constant 0 : i32
        %dma_start3A_1007 = tpu.memref_slice %arg3[%add3A_1001, %dma_start3A_1006] : memref<2560x128xi32, #tpu.memory_space<hbm>> -> memref<8x128xi32, #tpu.memory_space<hbm>>
        %dma_start3A_1008 = tpu.memref_slice %arg16[%select_n3A_996] : memref<2x!tpu.dma_semaphore, #tpu.memory_space<semaphore_mem>> -> memref<1x!tpu.dma_semaphore, #tpu.memory_space<semaphore_mem>>
        %dma_start3A_1009 = tpu.memref_squeeze %dma_start3A_1008 : memref<1x!tpu.dma_semaphore, #tpu.memory_space<semaphore_mem>> -> memref<!tpu.dma_semaphore, #tpu.memory_space<semaphore_mem>>
        %dma_start3A_1010 = arith.constant 0 : i32
        %dma_start3A_1011 = arith.constant 0 : i32
        %dma_start3A_1012 = tpu.memref_slice %arg6[%select_n3A_996, %dma_start3A_1010, %dma_start3A_1011] : memref<2x8x128xi32, #tpu.memory_space<vmem>> -> memref<1x8x128xi32, #tpu.memory_space<vmem>>
        %dma_start3A_1013 = tpu.memref_squeeze %dma_start3A_1012 : memref<1x8x128xi32, #tpu.memory_space<vmem>> -> memref<8x128xi32, #tpu.memory_space<vmem>>
        %dma_start3A_1014 = arith.constant 0 : i32
        %dma_start3A_1015 = tpu.memref_slice %arg3[%add3A_1001, %dma_start3A_1014] : memref<2560x128xi32, #tpu.memory_space<hbm>> -> memref<8x128xi32, #tpu.memory_space<hbm>>
        tpu.enqueue_dma source(%dma_start3A_1015 : memref<8x128xi32, #tpu.memory_space<hbm>>) target(%dma_start3A_1013 : memref<8x128xi32, #tpu.memory_space<vmem>>) target_semaphore(%dma_start3A_1009 : memref<!tpu.dma_semaphore, #tpu.memory_space<semaphore_mem>>)
        %mul3A_1016 = arith.constant 160 : i32
        %mul3A_1017 = arith.muli %arg1, %mul3A_1016 : i32
        %mul3A_1018 = arith.constant 8 : i32
        %mul3A_1019 = arith.muli %add3A_954, %mul3A_1018 : i32
        %add3A_1020 = arith.addi %mul3A_1017, %mul3A_1019 : i32
        %dma_start3A_1021 = arith.constant 0 : i32
        %dma_start3A_1022 = arith.constant 0 : i32
        %dma_start3A_1023 = tpu.memref_slice %arg7[%select_n3A_996, %dma_start3A_1021, %dma_start3A_1022] : memref<2x8x128xf32, #tpu.memory_space<vmem>> -> memref<1x8x128xf32, #tpu.memory_space<vmem>>
        %dma_start3A_1024 = tpu.memref_squeeze %dma_start3A_1023 : memref<1x8x128xf32, #tpu.memory_space<vmem>> -> memref<8x128xf32, #tpu.memory_space<vmem>>
        %dma_start3A_1025 = arith.constant 0 : i32
        %dma_start3A_1026 = tpu.memref_slice %arg4[%add3A_1020, %dma_start3A_1025] : memref<2560x128xf32, #tpu.memory_space<hbm>> -> memref<8x128xf32, #tpu.memory_space<hbm>>
        %dma_start3A_1027 = tpu.memref_slice %arg17[%select_n3A_996] : memref<2x!tpu.dma_semaphore, #tpu.memory_space<semaphore_mem>> -> memref<1x!tpu.dma_semaphore, #tpu.memory_space<semaphore_mem>>
        %dma_start3A_1028 = tpu.memref_squeeze %dma_start3A_1027 : memref<1x!tpu.dma_semaphore, #tpu.memory_space<semaphore_mem>> -> memref<!tpu.dma_semaphore, #tpu.memory_space<semaphore_mem>>
        %dma_start3A_1029 = arith.constant 0 : i32
        %dma_start3A_1030 = arith.constant 0 : i32
        %dma_start3A_1031 = tpu.memref_slice %arg7[%select_n3A_996, %dma_start3A_1029, %dma_start3A_1030] : memref<2x8x128xf32, #tpu.memory_space<vmem>> -> memref<1x8x128xf32, #tpu.memory_space<vmem>>
        %dma_start3A_1032 = tpu.memref_squeeze %dma_start3A_1031 : memref<1x8x128xf32, #tpu.memory_space<vmem>> -> memref<8x128xf32, #tpu.memory_space<vmem>>
        %dma_start3A_1033 = arith.constant 0 : i32
        %dma_start3A_1034 = tpu.memref_slice %arg4[%add3A_1020, %dma_start3A_1033] : memref<2560x128xf32, #tpu.memory_space<hbm>> -> memref<8x128xf32, #tpu.memory_space<hbm>>
        tpu.enqueue_dma source(%dma_start3A_1034 : memref<8x128xf32, #tpu.memory_space<hbm>>) target(%dma_start3A_1032 : memref<8x128xf32, #tpu.memory_space<vmem>>) target_semaphore(%dma_start3A_1028 : memref<!tpu.dma_semaphore, #tpu.memory_space<semaphore_mem>>)
      } else {
      }
      %add3A_394 = arith.constant 2 : i32
      %add3A_395 = arith.addi %add3A_354, %add3A_394 : i32
      %jit3A_396 = arith.constant 8 : i32
      %eq3A_397 = arith.constant 0 : i32
      %eq3A_398 = arith.cmpi eq, %jit3A_396, %eq3A_397 : i32
      %jit3A_399 = arith.constant 1 : i32
      %select_n3A_400 = arith.select %eq3A_398, %jit3A_399, %jit3A_396 : i32
      %rem3A_401 = arith.remsi %add3A_395, %select_n3A_400 : i32
      %ne3A_402 = arith.constant 0 : i32
      %ne3A_403 = arith.cmpi ne, %rem3A_401, %ne3A_402 : i32
      %lt3A_404 = arith.constant 0 : i32
      %lt3A_405 = arith.cmpi slt, %rem3A_401, %lt3A_404 : i32
      %lt3A_406 = arith.constant 0 : i32
      %lt3A_407 = arith.cmpi slt, %select_n3A_400, %lt3A_406 : i32
      %ne3A_408 = arith.xori %lt3A_405, %lt3A_407 : i1
      %and3A_409 = arith.andi %ne3A_408, %ne3A_403 : i1
      %add3A_410 = arith.addi %rem3A_401, %select_n3A_400 : i32
      %select_n3A_411 = arith.select %and3A_409, %add3A_410, %rem3A_401 : i32
      %eq3A_412 = arith.constant 0 : i32
      %eq3A_413 = arith.cmpi eq, %select_n3A_411, %eq3A_412 : i32
      %add3A_414 = arith.constant 2 : i32
      %add3A_415 = arith.addi %add3A_354, %add3A_414 : i32
      %jit3A_416 = arith.constant 8 : i32
      %div3A_417 = arith.divsi %add3A_415, %jit3A_416 : i32
      %sign3A_418 = arith.constant 0 : i32
      %sign3A_419 = arith.cmpi sgt, %add3A_415, %sign3A_418 : i32
      %sign3A_420 = arith.extui %sign3A_419 : i1 to i32
      %sign3A_421 = arith.constant 0 : i32
      %sign3A_422 = arith.cmpi slt, %add3A_415, %sign3A_421 : i32
      %sign3A_423 = arith.extui %sign3A_422 : i1 to i32
      %sign3A_424 = arith.subi %sign3A_420, %sign3A_423 : i32
      %sign3A_425 = arith.constant 0 : i32
      %sign3A_426 = arith.cmpi sgt, %jit3A_416, %sign3A_425 : i32
      %sign3A_427 = arith.extui %sign3A_426 : i1 to i32
      %sign3A_428 = arith.constant 0 : i32
      %sign3A_429 = arith.cmpi slt, %jit3A_416, %sign3A_428 : i32
      %sign3A_430 = arith.extui %sign3A_429 : i1 to i32
      %sign3A_431 = arith.subi %sign3A_427, %sign3A_430 : i32
      %ne3A_432 = arith.cmpi ne, %sign3A_424, %sign3A_431 : i32
      %rem3A_433 = arith.remsi %add3A_415, %jit3A_416 : i32
      %ne3A_434 = arith.constant 0 : i32
      %ne3A_435 = arith.cmpi ne, %rem3A_433, %ne3A_434 : i32
      %and3A_436 = arith.andi %ne3A_432, %ne3A_435 : i1
      %sub3A_437 = arith.constant 1 : i32
      %sub3A_438 = arith.subi %div3A_417, %sub3A_437 : i32
      %select_n3A_439 = arith.select %and3A_436, %sub3A_438, %div3A_417 : i32
      %lt3A_440 = arith.constant 20 : i32
      %lt3A_441 = arith.cmpi slt, %select_n3A_439, %lt3A_440 : i32
      %and3A_442 = arith.andi %eq3A_413, %lt3A_441 : i1
      %convert_element_type3A_443 = arith.extui %and3A_442 : i1 to i32
      %cond3A_444 = arith.constant 0 : i32
      %cond3A_445 = arith.cmpi ne, %convert_element_type3A_443, %cond3A_444 : i32
      scf.if %cond3A_445 {
        %add3A_929 = arith.constant 2 : i32
        %add3A_930 = arith.addi %add3A_354, %add3A_929 : i32
        %jit3A_931 = arith.constant 8 : i32
        %div3A_932 = arith.divsi %add3A_930, %jit3A_931 : i32
        %sign3A_933 = arith.constant 0 : i32
        %sign3A_934 = arith.cmpi sgt, %add3A_930, %sign3A_933 : i32
        %sign3A_935 = arith.extui %sign3A_934 : i1 to i32
        %sign3A_936 = arith.constant 0 : i32
        %sign3A_937 = arith.cmpi slt, %add3A_930, %sign3A_936 : i32
        %sign3A_938 = arith.extui %sign3A_937 : i1 to i32
        %sign3A_939 = arith.subi %sign3A_935, %sign3A_938 : i32
        %sign3A_940 = arith.constant 0 : i32
        %sign3A_941 = arith.cmpi sgt, %jit3A_931, %sign3A_940 : i32
        %sign3A_942 = arith.extui %sign3A_941 : i1 to i32
        %sign3A_943 = arith.constant 0 : i32
        %sign3A_944 = arith.cmpi slt, %jit3A_931, %sign3A_943 : i32
        %sign3A_945 = arith.extui %sign3A_944 : i1 to i32
        %sign3A_946 = arith.subi %sign3A_942, %sign3A_945 : i32
        %ne3A_947 = arith.cmpi ne, %sign3A_939, %sign3A_946 : i32
        %rem3A_948 = arith.remsi %add3A_930, %jit3A_931 : i32
        %ne3A_949 = arith.constant 0 : i32
        %ne3A_950 = arith.cmpi ne, %rem3A_948, %ne3A_949 : i32
        %and3A_951 = arith.andi %ne3A_947, %ne3A_950 : i1
        %sub3A_952 = arith.constant 1 : i32
        %sub3A_953 = arith.subi %div3A_932, %sub3A_952 : i32
        %select_n3A_954 = arith.select %and3A_951, %sub3A_953, %div3A_932 : i32
        %jit3A_955 = arith.constant 2 : i32
        %eq3A_956 = arith.constant 0 : i32
        %eq3A_957 = arith.cmpi eq, %jit3A_955, %eq3A_956 : i32
        %jit3A_958 = arith.constant 1 : i32
        %select_n3A_959 = arith.select %eq3A_957, %jit3A_958, %jit3A_955 : i32
        %rem3A_960 = arith.remsi %select_n3A_954, %select_n3A_959 : i32
        %ne3A_961 = arith.constant 0 : i32
        %ne3A_962 = arith.cmpi ne, %rem3A_960, %ne3A_961 : i32
        %lt3A_963 = arith.constant 0 : i32
        %lt3A_964 = arith.cmpi slt, %rem3A_960, %lt3A_963 : i32
        %lt3A_965 = arith.constant 0 : i32
        %lt3A_966 = arith.cmpi slt, %select_n3A_959, %lt3A_965 : i32
        %ne3A_967 = arith.xori %lt3A_964, %lt3A_966 : i1
        %and3A_968 = arith.andi %ne3A_967, %ne3A_962 : i1
        %add3A_969 = arith.addi %rem3A_960, %select_n3A_959 : i32
        %select_n3A_970 = arith.select %and3A_968, %add3A_969, %rem3A_960 : i32
        %dma_wait3A_971 = arith.constant 0 : i32
        %dma_wait3A_972 = arith.constant 0 : i32
        %dma_wait3A_973 = tpu.memref_slice %arg6[%select_n3A_970, %dma_wait3A_971, %dma_wait3A_972] : memref<2x8x128xi32, #tpu.memory_space<vmem>> -> memref<1x8x128xi32, #tpu.memory_space<vmem>>
        %dma_wait3A_974 = tpu.memref_squeeze %dma_wait3A_973 : memref<1x8x128xi32, #tpu.memory_space<vmem>> -> memref<8x128xi32, #tpu.memory_space<vmem>>
        %dma_wait3A_975 = arith.constant 0 : i32
        %dma_wait3A_976 = arith.constant 0 : i32
        %dma_wait3A_977 = tpu.memref_slice %arg3[%dma_wait3A_975, %dma_wait3A_976] : memref<2560x128xi32, #tpu.memory_space<hbm>> -> memref<8x128xi32, #tpu.memory_space<hbm>>
        %dma_wait3A_978 = tpu.memref_slice %arg16[%select_n3A_970] : memref<2x!tpu.dma_semaphore, #tpu.memory_space<semaphore_mem>> -> memref<1x!tpu.dma_semaphore, #tpu.memory_space<semaphore_mem>>
        %dma_wait3A_979 = tpu.memref_squeeze %dma_wait3A_978 : memref<1x!tpu.dma_semaphore, #tpu.memory_space<semaphore_mem>> -> memref<!tpu.dma_semaphore, #tpu.memory_space<semaphore_mem>>
        %dma_wait3A_980 = arith.constant 0 : i32
        %dma_wait3A_981 = arith.constant 0 : i32
        %dma_wait3A_982 = tpu.memref_slice %arg6[%select_n3A_970, %dma_wait3A_980, %dma_wait3A_981] : memref<2x8x128xi32, #tpu.memory_space<vmem>> -> memref<1x8x128xi32, #tpu.memory_space<vmem>>
        %dma_wait3A_983 = tpu.memref_squeeze %dma_wait3A_982 : memref<1x8x128xi32, #tpu.memory_space<vmem>> -> memref<8x128xi32, #tpu.memory_space<vmem>>
        %dma_wait3A_984 = arith.constant 0 : i32
        %dma_wait3A_985 = arith.constant 0 : i32
        %dma_wait3A_986 = tpu.memref_slice %arg3[%dma_wait3A_984, %dma_wait3A_985] : memref<2560x128xi32, #tpu.memory_space<hbm>> -> memref<8x128xi32, #tpu.memory_space<hbm>>
        tpu.wait_dma2 semaphore(%dma_wait3A_979 : memref<!tpu.dma_semaphore, #tpu.memory_space<semaphore_mem>>) src(%dma_wait3A_986 : memref<8x128xi32, #tpu.memory_space<hbm>>) dst(%dma_wait3A_983 : memref<8x128xi32, #tpu.memory_space<vmem>>)
        %dma_wait3A_987 = arith.constant 0 : i32
        %dma_wait3A_988 = arith.constant 0 : i32
        %dma_wait3A_989 = tpu.memref_slice %arg7[%select_n3A_970, %dma_wait3A_987, %dma_wait3A_988] : memref<2x8x128xf32, #tpu.memory_space<vmem>> -> memref<1x8x128xf32, #tpu.memory_space<vmem>>
        %dma_wait3A_990 = tpu.memref_squeeze %dma_wait3A_989 : memref<1x8x128xf32, #tpu.memory_space<vmem>> -> memref<8x128xf32, #tpu.memory_space<vmem>>
        %dma_wait3A_991 = arith.constant 0 : i32
        %dma_wait3A_992 = arith.constant 0 : i32
        %dma_wait3A_993 = tpu.memref_slice %arg4[%dma_wait3A_991, %dma_wait3A_992] : memref<2560x128xf32, #tpu.memory_space<hbm>> -> memref<8x128xf32, #tpu.memory_space<hbm>>
        %dma_wait3A_994 = tpu.memref_slice %arg17[%select_n3A_970] : memref<2x!tpu.dma_semaphore, #tpu.memory_space<semaphore_mem>> -> memref<1x!tpu.dma_semaphore, #tpu.memory_space<semaphore_mem>>
        %dma_wait3A_995 = tpu.memref_squeeze %dma_wait3A_994 : memref<1x!tpu.dma_semaphore, #tpu.memory_space<semaphore_mem>> -> memref<!tpu.dma_semaphore, #tpu.memory_space<semaphore_mem>>
        %dma_wait3A_996 = arith.constant 0 : i32
        %dma_wait3A_997 = arith.constant 0 : i32
        %dma_wait3A_998 = tpu.memref_slice %arg7[%select_n3A_970, %dma_wait3A_996, %dma_wait3A_997] : memref<2x8x128xf32, #tpu.memory_space<vmem>> -> memref<1x8x128xf32, #tpu.memory_space<vmem>>
        %dma_wait3A_999 = tpu.memref_squeeze %dma_wait3A_998 : memref<1x8x128xf32, #tpu.memory_space<vmem>> -> memref<8x128xf32, #tpu.memory_space<vmem>>
        %dma_wait3A_1000 = arith.constant 0 : i32
        %dma_wait3A_1001 = arith.constant 0 : i32
        %dma_wait3A_1002 = tpu.memref_slice %arg4[%dma_wait3A_1000, %dma_wait3A_1001] : memref<2560x128xf32, #tpu.memory_space<hbm>> -> memref<8x128xf32, #tpu.memory_space<hbm>>
        tpu.wait_dma2 semaphore(%dma_wait3A_995 : memref<!tpu.dma_semaphore, #tpu.memory_space<semaphore_mem>>) src(%dma_wait3A_1002 : memref<8x128xf32, #tpu.memory_space<hbm>>) dst(%dma_wait3A_999 : memref<8x128xf32, #tpu.memory_space<vmem>>)
      } else {
      }
      %dma_wait3A_446 = arith.constant 0 : i32
      %dma_wait3A_447 = arith.constant 0 : i32
      %dma_wait3A_448 = arith.constant 0 : i32
      %dma_wait3A_449 = arith.constant 0 : i32
      %dma_wait3A_450 = tpu.memref_slice %arg10[%dma_wait3A_448, %dma_wait3A_449] : memref<256x64xbf16, #tpu.memory_space<vmem>> -> memref<128x64xbf16, #tpu.memory_space<vmem>>
      %dma_wait3A_451 = arith.constant 0 : i32
      %dma_wait3A_452 = tpu.memref_slice %arg8[%dma_wait3A_446, %dma_wait3A_451] : memref<2x128xi32, #tpu.memory_space<vmem>> -> memref<1x128xi32, #tpu.memory_space<vmem>>
      %dma_wait3A_453 = tpu.memref_squeeze %dma_wait3A_452 : memref<1x128xi32, #tpu.memory_space<vmem>> -> memref<128xi32, #tpu.memory_space<vmem>>
      %dma_wait3A_454 = arith.constant 0 : i32
      %dma_wait3A_455 = arith.constant 0 : i32
      %dma_wait3A_456 = tpu.memref_slice %arg12[%dma_wait3A_454, %dma_wait3A_455] : memref<10240x64xbf16, #tpu.memory_space<vmem_shared>> -> memref<10240x64xbf16, #tpu.memory_space<vmem_shared>>
      %dma_wait3A_457 = tpu.memref_slice %arg14[%dma_wait3A_447] : memref<2x!tpu.dma_semaphore, #tpu.memory_space<semaphore_mem>> -> memref<1x!tpu.dma_semaphore, #tpu.memory_space<semaphore_mem>>
      %dma_wait3A_458 = tpu.memref_squeeze %dma_wait3A_457 : memref<1x!tpu.dma_semaphore, #tpu.memory_space<semaphore_mem>> -> memref<!tpu.dma_semaphore, #tpu.memory_space<semaphore_mem>>
      tpu.wait_indirect_dma semaphore(%dma_wait3A_458 : memref<!tpu.dma_semaphore, #tpu.memory_space<semaphore_mem>>) src(%dma_wait3A_456 : memref<10240x64xbf16, #tpu.memory_space<vmem_shared>>) dst(%dma_wait3A_450 : memref<128x64xbf16, #tpu.memory_space<vmem>>)
      %gt3A = arith.constant 0 : i32
      %gt3A_459 = arith.cmpi sgt, %scan3A_349, %gt3A : i32
      %convert_element_type3A_460 = arith.extui %gt3A_459 : i1 to i32
      %cond3A_461 = arith.constant 0 : i32
      %cond3A_462 = arith.cmpi ne, %convert_element_type3A_460, %cond3A_461 : i32
      scf.if %cond3A_462 {
        %dma_wait3A_929 = arith.constant 0 : i32
        %dma_wait3A_930 = arith.constant 0 : i32
        %dma_wait3A_931 = arith.constant 0 : i32
        %dma_wait3A_932 = arith.constant 0 : i32
        %dma_wait3A_933 = tpu.memref_slice %arg11[%dma_wait3A_931, %dma_wait3A_932] : memref<256x64xf32, #tpu.memory_space<vmem>> -> memref<128x64xf32, #tpu.memory_space<vmem>>
        %dma_wait3A_934 = arith.constant 0 : i32
        %dma_wait3A_935 = tpu.memref_slice %arg9[%dma_wait3A_929, %dma_wait3A_934] : memref<2x128xi32, #tpu.memory_space<vmem>> -> memref<1x128xi32, #tpu.memory_space<vmem>>
        %dma_wait3A_936 = tpu.memref_squeeze %dma_wait3A_935 : memref<1x128xi32, #tpu.memory_space<vmem>> -> memref<128xi32, #tpu.memory_space<vmem>>
        %dma_wait3A_937 = arith.constant 0 : i32
        %dma_wait3A_938 = arith.constant 0 : i32
        %dma_wait3A_939 = tpu.memref_slice %arg13[%dma_wait3A_937, %dma_wait3A_938] : memref<10240x64xf32, #tpu.memory_space<vmem_shared>> -> memref<10240x64xf32, #tpu.memory_space<vmem_shared>>
        %dma_wait3A_940 = tpu.memref_slice %arg15[%dma_wait3A_930] : memref<2x!tpu.dma_semaphore, #tpu.memory_space<semaphore_mem>> -> memref<1x!tpu.dma_semaphore, #tpu.memory_space<semaphore_mem>>
        %dma_wait3A_941 = tpu.memref_squeeze %dma_wait3A_940 : memref<1x!tpu.dma_semaphore, #tpu.memory_space<semaphore_mem>> -> memref<!tpu.dma_semaphore, #tpu.memory_space<semaphore_mem>>
        tpu.wait_indirect_dma semaphore(%dma_wait3A_941 : memref<!tpu.dma_semaphore, #tpu.memory_space<semaphore_mem>>) src(%dma_wait3A_933 : memref<128x64xf32, #tpu.memory_space<vmem>>) dst(%dma_wait3A_939 : memref<10240x64xf32, #tpu.memory_space<vmem_shared>>)
      } else {
      }
      %scan3A_463 = arith.constant 0 : i32
      %scan3A_464 = arith.constant 0 : i32
      %scan3A_465 = arith.constant 8 : i32
      %scan3A_466 = arith.addi %scan3A_464, %scan3A_465 : i32
      %scan3A_467 = arith.constant 1 : i32
      %scan3A_468 = scf.for %scan3A_929 = %scan3A_464 to %scan3A_466 step %scan3A_467 iter_args(%scan3A_930 = %scan3A_463) -> (i32)  : i32 {
        %jit3A_931 = arith.constant 8 : i32
        %div3A_932 = arith.divsi %add3A_354, %jit3A_931 : i32
        %sign3A_933 = arith.constant 0 : i32
        %sign3A_934 = arith.cmpi sgt, %add3A_354, %sign3A_933 : i32
        %sign3A_935 = arith.extui %sign3A_934 : i1 to i32
        %sign3A_936 = arith.constant 0 : i32
        %sign3A_937 = arith.cmpi slt, %add3A_354, %sign3A_936 : i32
        %sign3A_938 = arith.extui %sign3A_937 : i1 to i32
        %sign3A_939 = arith.subi %sign3A_935, %sign3A_938 : i32
        %sign3A_940 = arith.constant 0 : i32
        %sign3A_941 = arith.cmpi sgt, %jit3A_931, %sign3A_940 : i32
        %sign3A_942 = arith.extui %sign3A_941 : i1 to i32
        %sign3A_943 = arith.constant 0 : i32
        %sign3A_944 = arith.cmpi slt, %jit3A_931, %sign3A_943 : i32
        %sign3A_945 = arith.extui %sign3A_944 : i1 to i32
        %sign3A_946 = arith.subi %sign3A_942, %sign3A_945 : i32
        %ne3A_947 = arith.cmpi ne, %sign3A_939, %sign3A_946 : i32
        %rem3A_948 = arith.remsi %add3A_354, %jit3A_931 : i32
        %ne3A_949 = arith.constant 0 : i32
        %ne3A_950 = arith.cmpi ne, %rem3A_948, %ne3A_949 : i32
        %and3A_951 = arith.andi %ne3A_947, %ne3A_950 : i1
        %sub3A_952 = arith.constant 1 : i32
        %sub3A_953 = arith.subi %div3A_932, %sub3A_952 : i32
        %select_n3A_954 = arith.select %and3A_951, %sub3A_953, %div3A_932 : i32
        %jit3A_955 = arith.constant 2 : i32
        %eq3A_956 = arith.constant 0 : i32
        %eq3A_957 = arith.cmpi eq, %jit3A_955, %eq3A_956 : i32
        %jit3A_958 = arith.constant 1 : i32
        %select_n3A_959 = arith.select %eq3A_957, %jit3A_958, %jit3A_955 : i32
        %rem3A_960 = arith.remsi %select_n3A_954, %select_n3A_959 : i32
        %ne3A_961 = arith.constant 0 : i32
        %ne3A_962 = arith.cmpi ne, %rem3A_960, %ne3A_961 : i32
        %lt3A_963 = arith.constant 0 : i32
        %lt3A_964 = arith.cmpi slt, %rem3A_960, %lt3A_963 : i32
        %lt3A_965 = arith.constant 0 : i32
        %lt3A_966 = arith.cmpi slt, %select_n3A_959, %lt3A_965 : i32
        %ne3A_967 = arith.xori %lt3A_964, %lt3A_966 : i1
        %and3A_968 = arith.andi %ne3A_967, %ne3A_962 : i1
        %add3A_969 = arith.addi %rem3A_960, %select_n3A_959 : i32
        %select_n3A_970 = arith.select %and3A_968, %add3A_969, %rem3A_960 : i32
        %jit3A_971 = arith.constant 8 : i32
        %eq3A_972 = arith.constant 0 : i32
        %eq3A_973 = arith.cmpi eq, %jit3A_971, %eq3A_972 : i32
        %jit3A_974 = arith.constant 1 : i32
        %select_n3A_975 = arith.select %eq3A_973, %jit3A_974, %jit3A_971 : i32
        %rem3A_976 = arith.remsi %add3A_354, %select_n3A_975 : i32
        %ne3A_977 = arith.constant 0 : i32
        %ne3A_978 = arith.cmpi ne, %rem3A_976, %ne3A_977 : i32
        %lt3A_979 = arith.constant 0 : i32
        %lt3A_980 = arith.cmpi slt, %rem3A_976, %lt3A_979 : i32
        %lt3A_981 = arith.constant 0 : i32
        %lt3A_982 = arith.cmpi slt, %select_n3A_975, %lt3A_981 : i32
        %ne3A_983 = arith.xori %lt3A_980, %lt3A_982 : i1
        %and3A_984 = arith.andi %ne3A_983, %ne3A_978 : i1
        %add3A_985 = arith.addi %rem3A_976, %select_n3A_975 : i32
        %select_n3A_986 = arith.select %and3A_984, %add3A_985, %rem3A_976 : i32
        %mul3A_987 = arith.constant 16 : i32
        %mul3A_988 = arith.muli %scan3A_929, %mul3A_987 : i32
        %get3A_989 = arith.index_cast %select_n3A_970 : i32 to index
        %get3A_990 = arith.index_cast %select_n3A_986 : i32 to index
        %get3A_991 = arith.index_cast %mul3A_988 : i32 to index
        %get3A_992 = tpu.vector_load %arg7[%get3A_989, %get3A_990, %get3A_991] {strides = array<i32>} : memref<2x8x128xf32, #tpu.memory_space<vmem>>, vector<16xf32>,
        %slice3A = vector.extract_strided_slice %get3A_992 {offsets = [0], sizes = [1], strides = [1]} : vector<16xf32> to vector<1xf32>
        %squeeze3A = vector.extract %slice3A[0] : f32 from vector<1xf32>
        %mul3A_993 = arith.constant 16 : i32
        %mul3A_994 = arith.muli %scan3A_929, %mul3A_993 : i32
        %add3A_995 = arith.constant 0 : i32
        %add3A_996 = arith.addi %add3A_995, %mul3A_994 : i32
        %add3A_997 = arith.constant 0 : i32
        %add3A_998 = arith.addi %add3A_996, %add3A_997 : i32
        %get3A_999 = arith.index_cast %add3A_998 : i32 to index
        %get3A_1000 = arith.constant 0 : index
        %get3A_1001 = tpu.vector_load %arg10[%get3A_999, %get3A_1000] {strides = array<i32>} : memref<256x64xbf16, #tpu.memory_space<vmem>>, vector<32xbf16>,
        %unpack3A = tpu.unpack_subelements %get3A_1001, 0 {pack_format = #tpu.pack_format<interleaved>} : vector<32xbf16> -> vector<16xf32>
        %unpack3A_1002 = tpu.unpack_subelements %get3A_1001, 1 {pack_format = #tpu.pack_format<interleaved>} : vector<32xbf16> -> vector<16xf32>
        %mul3A_1003 = vector.broadcast %squeeze3A : f32 to vector<16xf32>
        %mul3A_1004 = arith.mulf %unpack3A, %mul3A_1003 : vector<16xf32>
        %swap3A_1005 = arith.index_cast %add3A_998 : i32 to index
        %swap3A_1006 = arith.constant 0 : index
        %swap3A_1007 = tpu.vector_load %arg11[%swap3A_1005, %swap3A_1006] {strides = array<i32>} : memref<256x64xf32, #tpu.memory_space<vmem>>, vector<16xf32>,
        tpu.vector_store %arg11[%swap3A_1005, %swap3A_1006], %mul3A_1004 {strides = array<i32>} : memref<256x64xf32, #tpu.memory_space<vmem>>, vector<16xf32>,
        %mul3A_1008 = vector.broadcast %squeeze3A : f32 to vector<16xf32>
        %mul3A_1009 = arith.mulf %unpack3A_1002, %mul3A_1008 : vector<16xf32>
        %swap3A_1010 = arith.index_cast %add3A_998 : i32 to index
        %swap3A_1011 = arith.constant 16 : index
        %swap3A_1012 = tpu.vector_load %arg11[%swap3A_1010, %swap3A_1011] {strides = array<i32>} : memref<256x64xf32, #tpu.memory_space<vmem>>, vector<16xf32>,
        tpu.vector_store %arg11[%swap3A_1010, %swap3A_1011], %mul3A_1009 {strides = array<i32>} : memref<256x64xf32, #tpu.memory_space<vmem>>, vector<16xf32>,
        %get3A_1013 = arith.index_cast %add3A_998 : i32 to index
        %get3A_1014 = arith.constant 32 : index
        %get3A_1015 = tpu.vector_load %arg10[%get3A_1013, %get3A_1014] {strides = array<i32>} : memref<256x64xbf16, #tpu.memory_space<vmem>>, vector<32xbf16>,
        %unpack3A_1016 = tpu.unpack_subelements %get3A_1015, 0 {pack_format = #tpu.pack_format<interleaved>} : vector<32xbf16> -> vector<16xf32>
        %unpack3A_1017 = tpu.unpack_subelements %get3A_1015, 1 {pack_format = #tpu.pack_format<interleaved>} : vector<32xbf16> -> vector<16xf32>
        %mul3A_1018 = vector.broadcast %squeeze3A : f32 to vector<16xf32>
        %mul3A_1019 = arith.mulf %unpack3A_1016, %mul3A_1018 : vector<16xf32>
        %swap3A_1020 = arith.index_cast %add3A_998 : i32 to index
        %swap3A_1021 = arith.constant 32 : index
        %swap3A_1022 = tpu.vector_load %arg11[%swap3A_1020, %swap3A_1021] {strides = array<i32>} : memref<256x64xf32, #tpu.memory_space<vmem>>, vector<16xf32>,
        tpu.vector_store %arg11[%swap3A_1020, %swap3A_1021], %mul3A_1019 {strides = array<i32>} : memref<256x64xf32, #tpu.memory_space<vmem>>, vector<16xf32>,
        %mul3A_1023 = vector.broadcast %squeeze3A : f32 to vector<16xf32>
        %mul3A_1024 = arith.mulf %unpack3A_1017, %mul3A_1023 : vector<16xf32>
        %swap3A_1025 = arith.index_cast %add3A_998 : i32 to index
        %swap3A_1026 = arith.constant 48 : index
        %swap3A_1027 = tpu.vector_load %arg11[%swap3A_1025, %swap3A_1026] {strides = array<i32>} : memref<256x64xf32, #tpu.memory_space<vmem>>, vector<16xf32>,
        tpu.vector_store %arg11[%swap3A_1025, %swap3A_1026], %mul3A_1024 {strides = array<i32>} : memref<256x64xf32, #tpu.memory_space<vmem>>, vector<16xf32>,
        %slice3A_1028 = vector.extract_strided_slice %get3A_992 {offsets = [1], sizes = [1], strides = [1]} : vector<16xf32> to vector<1xf32>
        %squeeze3A_1029 = vector.extract %slice3A_1028[0] : f32 from vector<1xf32>
        %mul3A_1030 = arith.constant 16 : i32
        %mul3A_1031 = arith.muli %scan3A_929, %mul3A_1030 : i32
        %add3A_1032 = arith.constant 0 : i32
        %add3A_1033 = arith.addi %add3A_1032, %mul3A_1031 : i32
        %add3A_1034 = arith.constant 1 : i32
        %add3A_1035 = arith.addi %add3A_1033, %add3A_1034 : i32
        %get3A_1036 = arith.index_cast %add3A_1035 : i32 to index
        %get3A_1037 = arith.constant 0 : index
        %get3A_1038 = tpu.vector_load %arg10[%get3A_1036, %get3A_1037] {strides = array<i32>} : memref<256x64xbf16, #tpu.memory_space<vmem>>, vector<32xbf16>,
        %unpack3A_1039 = tpu.unpack_subelements %get3A_1038, 0 {pack_format = #tpu.pack_format<interleaved>} : vector<32xbf16> -> vector<16xf32>
        %unpack3A_1040 = tpu.unpack_subelements %get3A_1038, 1 {pack_format = #tpu.pack_format<interleaved>} : vector<32xbf16> -> vector<16xf32>
        %mul3A_1041 = vector.broadcast %squeeze3A_1029 : f32 to vector<16xf32>
        %mul3A_1042 = arith.mulf %unpack3A_1039, %mul3A_1041 : vector<16xf32>
        %swap3A_1043 = arith.index_cast %add3A_1035 : i32 to index
        %swap3A_1044 = arith.constant 0 : index
        %swap3A_1045 = tpu.vector_load %arg11[%swap3A_1043, %swap3A_1044] {strides = array<i32>} : memref<256x64xf32, #tpu.memory_space<vmem>>, vector<16xf32>,
        tpu.vector_store %arg11[%swap3A_1043, %swap3A_1044], %mul3A_1042 {strides = array<i32>} : memref<256x64xf32, #tpu.memory_space<vmem>>, vector<16xf32>,
        %mul3A_1046 = vector.broadcast %squeeze3A_1029 : f32 to vector<16xf32>
        %mul3A_1047 = arith.mulf %unpack3A_1040, %mul3A_1046 : vector<16xf32>
        %swap3A_1048 = arith.index_cast %add3A_1035 : i32 to index
        %swap3A_1049 = arith.constant 16 : index
        %swap3A_1050 = tpu.vector_load %arg11[%swap3A_1048, %swap3A_1049] {strides = array<i32>} : memref<256x64xf32, #tpu.memory_space<vmem>>, vector<16xf32>,
        tpu.vector_store %arg11[%swap3A_1048, %swap3A_1049], %mul3A_1047 {strides = array<i32>} : memref<256x64xf32, #tpu.memory_space<vmem>>, vector<16xf32>,
        %get3A_1051 = arith.index_cast %add3A_1035 : i32 to index
        %get3A_1052 = arith.constant 32 : index
        %get3A_1053 = tpu.vector_load %arg10[%get3A_1051, %get3A_1052] {strides = array<i32>} : memref<256x64xbf16, #tpu.memory_space<vmem>>, vector<32xbf16>,
        %unpack3A_1054 = tpu.unpack_subelements %get3A_1053, 0 {pack_format = #tpu.pack_format<interleaved>} : vector<32xbf16> -> vector<16xf32>
        %unpack3A_1055 = tpu.unpack_subelements %get3A_1053, 1 {pack_format = #tpu.pack_format<interleaved>} : vector<32xbf16> -> vector<16xf32>
        %mul3A_1056 = vector.broadcast %squeeze3A_1029 : f32 to vector<16xf32>
        %mul3A_1057 = arith.mulf %unpack3A_1054, %mul3A_1056 : vector<16xf32>
        %swap3A_1058 = arith.index_cast %add3A_1035 : i32 to index
        %swap3A_1059 = arith.constant 32 : index
        %swap3A_1060 = tpu.vector_load %arg11[%swap3A_1058, %swap3A_1059] {strides = array<i32>} : memref<256x64xf32, #tpu.memory_space<vmem>>, vector<16xf32>,
        tpu.vector_store %arg11[%swap3A_1058, %swap3A_1059], %mul3A_1057 {strides = array<i32>} : memref<256x64xf32, #tpu.memory_space<vmem>>, vector<16xf32>,
        %mul3A_1061 = vector.broadcast %squeeze3A_1029 : f32 to vector<16xf32>
        %mul3A_1062 = arith.mulf %unpack3A_1055, %mul3A_1061 : vector<16xf32>
        %swap3A_1063 = arith.index_cast %add3A_1035 : i32 to index
        %swap3A_1064 = arith.constant 48 : index
        %swap3A_1065 = tpu.vector_load %arg11[%swap3A_1063, %swap3A_1064] {strides = array<i32>} : memref<256x64xf32, #tpu.memory_space<vmem>>, vector<16xf32>,
        tpu.vector_store %arg11[%swap3A_1063, %swap3A_1064], %mul3A_1062 {strides = array<i32>} : memref<256x64xf32, #tpu.memory_space<vmem>>, vector<16xf32>,
        %slice3A_1066 = vector.extract_strided_slice %get3A_992 {offsets = [2], sizes = [1], strides = [1]} : vector<16xf32> to vector<1xf32>
        %squeeze3A_1067 = vector.extract %slice3A_1066[0] : f32 from vector<1xf32>
        %mul3A_1068 = arith.constant 16 : i32
        %mul3A_1069 = arith.muli %scan3A_929, %mul3A_1068 : i32
        %add3A_1070 = arith.constant 0 : i32
        %add3A_1071 = arith.addi %add3A_1070, %mul3A_1069 : i32
        %add3A_1072 = arith.constant 2 : i32
        %add3A_1073 = arith.addi %add3A_1071, %add3A_1072 : i32
        %get3A_1074 = arith.index_cast %add3A_1073 : i32 to index
        %get3A_1075 = arith.constant 0 : index
        %get3A_1076 = tpu.vector_load %arg10[%get3A_1074, %get3A_1075] {strides = array<i32>} : memref<256x64xbf16, #tpu.memory_space<vmem>>, vector<32xbf16>,
        %unpack3A_1077 = tpu.unpack_subelements %get3A_1076, 0 {pack_format = #tpu.pack_format<interleaved>} : vector<32xbf16> -> vector<16xf32>
        %unpack3A_1078 = tpu.unpack_subelements %get3A_1076, 1 {pack_format = #tpu.pack_format<interleaved>} : vector<32xbf16> -> vector<16xf32>
        %mul3A_1079 = vector.broadcast %squeeze3A_1067 : f32 to vector<16xf32>
        %mul3A_1080 = arith.mulf %unpack3A_1077, %mul3A_1079 : vector<16xf32>
        %swap3A_1081 = arith.index_cast %add3A_1073 : i32 to index
        %swap3A_1082 = arith.constant 0 : index
        %swap3A_1083 = tpu.vector_load %arg11[%swap3A_1081, %swap3A_1082] {strides = array<i32>} : memref<256x64xf32, #tpu.memory_space<vmem>>, vector<16xf32>,
        tpu.vector_store %arg11[%swap3A_1081, %swap3A_1082], %mul3A_1080 {strides = array<i32>} : memref<256x64xf32, #tpu.memory_space<vmem>>, vector<16xf32>,
        %mul3A_1084 = vector.broadcast %squeeze3A_1067 : f32 to vector<16xf32>
        %mul3A_1085 = arith.mulf %unpack3A_1078, %mul3A_1084 : vector<16xf32>
        %swap3A_1086 = arith.index_cast %add3A_1073 : i32 to index
        %swap3A_1087 = arith.constant 16 : index
        %swap3A_1088 = tpu.vector_load %arg11[%swap3A_1086, %swap3A_1087] {strides = array<i32>} : memref<256x64xf32, #tpu.memory_space<vmem>>, vector<16xf32>,
        tpu.vector_store %arg11[%swap3A_1086, %swap3A_1087], %mul3A_1085 {strides = array<i32>} : memref<256x64xf32, #tpu.memory_space<vmem>>, vector<16xf32>,
        %get3A_1089 = arith.index_cast %add3A_1073 : i32 to index
        %get3A_1090 = arith.constant 32 : index
        %get3A_1091 = tpu.vector_load %arg10[%get3A_1089, %get3A_1090] {strides = array<i32>} : memref<256x64xbf16, #tpu.memory_space<vmem>>, vector<32xbf16>,
        %unpack3A_1092 = tpu.unpack_subelements %get3A_1091, 0 {pack_format = #tpu.pack_format<interleaved>} : vector<32xbf16> -> vector<16xf32>
        %unpack3A_1093 = tpu.unpack_subelements %get3A_1091, 1 {pack_format = #tpu.pack_format<interleaved>} : vector<32xbf16> -> vector<16xf32>
        %mul3A_1094 = vector.broadcast %squeeze3A_1067 : f32 to vector<16xf32>
        %mul3A_1095 = arith.mulf %unpack3A_1092, %mul3A_1094 : vector<16xf32>
        %swap3A_1096 = arith.index_cast %add3A_1073 : i32 to index
        %swap3A_1097 = arith.constant 32 : index
        %swap3A_1098 = tpu.vector_load %arg11[%swap3A_1096, %swap3A_1097] {strides = array<i32>} : memref<256x64xf32, #tpu.memory_space<vmem>>, vector<16xf32>,
        tpu.vector_store %arg11[%swap3A_1096, %swap3A_1097], %mul3A_1095 {strides = array<i32>} : memref<256x64xf32, #tpu.memory_space<vmem>>, vector<16xf32>,
        %mul3A_1099 = vector.broadcast %squeeze3A_1067 : f32 to vector<16xf32>
        %mul3A_1100 = arith.mulf %unpack3A_1093, %mul3A_1099 : vector<16xf32>
        %swap3A_1101 = arith.index_cast %add3A_1073 : i32 to index
        %swap3A_1102 = arith.constant 48 : index
        %swap3A_1103 = tpu.vector_load %arg11[%swap3A_1101, %swap3A_1102] {strides = array<i32>} : memref<256x64xf32, #tpu.memory_space<vmem>>, vector<16xf32>,
        tpu.vector_store %arg11[%swap3A_1101, %swap3A_1102], %mul3A_1100 {strides = array<i32>} : memref<256x64xf32, #tpu.memory_space<vmem>>, vector<16xf32>,
        %slice3A_1104 = vector.extract_strided_slice %get3A_992 {offsets = [3], sizes = [1], strides = [1]} : vector<16xf32> to vector<1xf32>
        %squeeze3A_1105 = vector.extract %slice3A_1104[0] : f32 from vector<1xf32>
        %mul3A_1106 = arith.constant 16 : i32
        %mul3A_1107 = arith.muli %scan3A_929, %mul3A_1106 : i32
        %add3A_1108 = arith.constant 0 : i32
        %add3A_1109 = arith.addi %add3A_1108, %mul3A_1107 : i32
        %add3A_1110 = arith.constant 3 : i32
        %add3A_1111 = arith.addi %add3A_1109, %add3A_1110 : i32
        %get3A_1112 = arith.index_cast %add3A_1111 : i32 to index
        %get3A_1113 = arith.constant 0 : index
        %get3A_1114 = tpu.vector_load %arg10[%get3A_1112, %get3A_1113] {strides = array<i32>} : memref<256x64xbf16, #tpu.memory_space<vmem>>, vector<32xbf16>,
        %unpack3A_1115 = tpu.unpack_subelements %get3A_1114, 0 {pack_format = #tpu.pack_format<interleaved>} : vector<32xbf16> -> vector<16xf32>
        %unpack3A_1116 = tpu.unpack_subelements %get3A_1114, 1 {pack_format = #tpu.pack_format<interleaved>} : vector<32xbf16> -> vector<16xf32>
        %mul3A_1117 = vector.broadcast %squeeze3A_1105 : f32 to vector<16xf32>
        %mul3A_1118 = arith.mulf %unpack3A_1115, %mul3A_1117 : vector<16xf32>
        %swap3A_1119 = arith.index_cast %add3A_1111 : i32 to index
        %swap3A_1120 = arith.constant 0 : index
        %swap3A_1121 = tpu.vector_load %arg11[%swap3A_1119, %swap3A_1120] {strides = array<i32>} : memref<256x64xf32, #tpu.memory_space<vmem>>, vector<16xf32>,
        tpu.vector_store %arg11[%swap3A_1119, %swap3A_1120], %mul3A_1118 {strides = array<i32>} : memref<256x64xf32, #tpu.memory_space<vmem>>, vector<16xf32>,
        %mul3A_1122 = vector.broadcast %squeeze3A_1105 : f32 to vector<16xf32>
        %mul3A_1123 = arith.mulf %unpack3A_1116, %mul3A_1122 : vector<16xf32>
        %swap3A_1124 = arith.index_cast %add3A_1111 : i32 to index
        %swap3A_1125 = arith.constant 16 : index
        %swap3A_1126 = tpu.vector_load %arg11[%swap3A_1124, %swap3A_1125] {strides = array<i32>} : memref<256x64xf32, #tpu.memory_space<vmem>>, vector<16xf32>,
        tpu.vector_store %arg11[%swap3A_1124, %swap3A_1125], %mul3A_1123 {strides = array<i32>} : memref<256x64xf32, #tpu.memory_space<vmem>>, vector<16xf32>,
        %get3A_1127 = arith.index_cast %add3A_1111 : i32 to index
        %get3A_1128 = arith.constant 32 : index
        %get3A_1129 = tpu.vector_load %arg10[%get3A_1127, %get3A_1128] {strides = array<i32>} : memref<256x64xbf16, #tpu.memory_space<vmem>>, vector<32xbf16>,
        %unpack3A_1130 = tpu.unpack_subelements %get3A_1129, 0 {pack_format = #tpu.pack_format<interleaved>} : vector<32xbf16> -> vector<16xf32>
        %unpack3A_1131 = tpu.unpack_subelements %get3A_1129, 1 {pack_format = #tpu.pack_format<interleaved>} : vector<32xbf16> -> vector<16xf32>
        %mul3A_1132 = vector.broadcast %squeeze3A_1105 : f32 to vector<16xf32>
        %mul3A_1133 = arith.mulf %unpack3A_1130, %mul3A_1132 : vector<16xf32>
        %swap3A_1134 = arith.index_cast %add3A_1111 : i32 to index
        %swap3A_1135 = arith.constant 32 : index
        %swap3A_1136 = tpu.vector_load %arg11[%swap3A_1134, %swap3A_1135] {strides = array<i32>} : memref<256x64xf32, #tpu.memory_space<vmem>>, vector<16xf32>,
        tpu.vector_store %arg11[%swap3A_1134, %swap3A_1135], %mul3A_1133 {strides = array<i32>} : memref<256x64xf32, #tpu.memory_space<vmem>>, vector<16xf32>,
        %mul3A_1137 = vector.broadcast %squeeze3A_1105 : f32 to vector<16xf32>
        %mul3A_1138 = arith.mulf %unpack3A_1131, %mul3A_1137 : vector<16xf32>
        %swap3A_1139 = arith.index_cast %add3A_1111 : i32 to index
        %swap3A_1140 = arith.constant 48 : index
        %swap3A_1141 = tpu.vector_load %arg11[%swap3A_1139, %swap3A_1140] {strides = array<i32>} : memref<256x64xf32, #tpu.memory_space<vmem>>, vector<16xf32>,
        tpu.vector_store %arg11[%swap3A_1139, %swap3A_1140], %mul3A_1138 {strides = array<i32>} : memref<256x64xf32, #tpu.memory_space<vmem>>, vector<16xf32>,
        %slice3A_1142 = vector.extract_strided_slice %get3A_992 {offsets = [4], sizes = [1], strides = [1]} : vector<16xf32> to vector<1xf32>
        %squeeze3A_1143 = vector.extract %slice3A_1142[0] : f32 from vector<1xf32>
        %mul3A_1144 = arith.constant 16 : i32
        %mul3A_1145 = arith.muli %scan3A_929, %mul3A_1144 : i32
        %add3A_1146 = arith.constant 0 : i32
        %add3A_1147 = arith.addi %add3A_1146, %mul3A_1145 : i32
        %add3A_1148 = arith.constant 4 : i32
        %add3A_1149 = arith.addi %add3A_1147, %add3A_1148 : i32
        %get3A_1150 = arith.index_cast %add3A_1149 : i32 to index
        %get3A_1151 = arith.constant 0 : index
        %get3A_1152 = tpu.vector_load %arg10[%get3A_1150, %get3A_1151] {strides = array<i32>} : memref<256x64xbf16, #tpu.memory_space<vmem>>, vector<32xbf16>,
        %unpack3A_1153 = tpu.unpack_subelements %get3A_1152, 0 {pack_format = #tpu.pack_format<interleaved>} : vector<32xbf16> -> vector<16xf32>
        %unpack3A_1154 = tpu.unpack_subelements %get3A_1152, 1 {pack_format = #tpu.pack_format<interleaved>} : vector<32xbf16> -> vector<16xf32>
        %mul3A_1155 = vector.broadcast %squeeze3A_1143 : f32 to vector<16xf32>
        %mul3A_1156 = arith.mulf %unpack3A_1153, %mul3A_1155 : vector<16xf32>
        %swap3A_1157 = arith.index_cast %add3A_1149 : i32 to index
        %swap3A_1158 = arith.constant 0 : index
        %swap3A_1159 = tpu.vector_load %arg11[%swap3A_1157, %swap3A_1158] {strides = array<i32>} : memref<256x64xf32, #tpu.memory_space<vmem>>, vector<16xf32>,
        tpu.vector_store %arg11[%swap3A_1157, %swap3A_1158], %mul3A_1156 {strides = array<i32>} : memref<256x64xf32, #tpu.memory_space<vmem>>, vector<16xf32>,
        %mul3A_1160 = vector.broadcast %squeeze3A_1143 : f32 to vector<16xf32>
        %mul3A_1161 = arith.mulf %unpack3A_1154, %mul3A_1160 : vector<16xf32>
        %swap3A_1162 = arith.index_cast %add3A_1149 : i32 to index
        %swap3A_1163 = arith.constant 16 : index
        %swap3A_1164 = tpu.vector_load %arg11[%swap3A_1162, %swap3A_1163] {strides = array<i32>} : memref<256x64xf32, #tpu.memory_space<vmem>>, vector<16xf32>,
        tpu.vector_store %arg11[%swap3A_1162, %swap3A_1163], %mul3A_1161 {strides = array<i32>} : memref<256x64xf32, #tpu.memory_space<vmem>>, vector<16xf32>,
        %get3A_1165 = arith.index_cast %add3A_1149 : i32 to index
        %get3A_1166 = arith.constant 32 : index
        %get3A_1167 = tpu.vector_load %arg10[%get3A_1165, %get3A_1166] {strides = array<i32>} : memref<256x64xbf16, #tpu.memory_space<vmem>>, vector<32xbf16>,
        %unpack3A_1168 = tpu.unpack_subelements %get3A_1167, 0 {pack_format = #tpu.pack_format<interleaved>} : vector<32xbf16> -> vector<16xf32>
        %unpack3A_1169 = tpu.unpack_subelements %get3A_1167, 1 {pack_format = #tpu.pack_format<interleaved>} : vector<32xbf16> -> vector<16xf32>
        %mul3A_1170 = vector.broadcast %squeeze3A_1143 : f32 to vector<16xf32>
        %mul3A_1171 = arith.mulf %unpack3A_1168, %mul3A_1170 : vector<16xf32>
        %swap3A_1172 = arith.index_cast %add3A_1149 : i32 to index
        %swap3A_1173 = arith.constant 32 : index
        %swap3A_1174 = tpu.vector_load %arg11[%swap3A_1172, %swap3A_1173] {strides = array<i32>} : memref<256x64xf32, #tpu.memory_space<vmem>>, vector<16xf32>,
        tpu.vector_store %arg11[%swap3A_1172, %swap3A_1173], %mul3A_1171 {strides = array<i32>} : memref<256x64xf32, #tpu.memory_space<vmem>>, vector<16xf32>,
        %mul3A_1175 = vector.broadcast %squeeze3A_1143 : f32 to vector<16xf32>
        %mul3A_1176 = arith.mulf %unpack3A_1169, %mul3A_1175 : vector<16xf32>
        %swap3A_1177 = arith.index_cast %add3A_1149 : i32 to index
        %swap3A_1178 = arith.constant 48 : index
        %swap3A_1179 = tpu.vector_load %arg11[%swap3A_1177, %swap3A_1178] {strides = array<i32>} : memref<256x64xf32, #tpu.memory_space<vmem>>, vector<16xf32>,
        tpu.vector_store %arg11[%swap3A_1177, %swap3A_1178], %mul3A_1176 {strides = array<i32>} : memref<256x64xf32, #tpu.memory_space<vmem>>, vector<16xf32>,
        %slice3A_1180 = vector.extract_strided_slice %get3A_992 {offsets = [5], sizes = [1], strides = [1]} : vector<16xf32> to vector<1xf32>
        %squeeze3A_1181 = vector.extract %slice3A_1180[0] : f32 from vector<1xf32>
        %mul3A_1182 = arith.constant 16 : i32
        %mul3A_1183 = arith.muli %scan3A_929, %mul3A_1182 : i32
        %add3A_1184 = arith.constant 0 : i32
        %add3A_1185 = arith.addi %add3A_1184, %mul3A_1183 : i32
        %add3A_1186 = arith.constant 5 : i32
        %add3A_1187 = arith.addi %add3A_1185, %add3A_1186 : i32
        %get3A_1188 = arith.index_cast %add3A_1187 : i32 to index
        %get3A_1189 = arith.constant 0 : index
        %get3A_1190 = tpu.vector_load %arg10[%get3A_1188, %get3A_1189] {strides = array<i32>} : memref<256x64xbf16, #tpu.memory_space<vmem>>, vector<32xbf16>,
        %unpack3A_1191 = tpu.unpack_subelements %get3A_1190, 0 {pack_format = #tpu.pack_format<interleaved>} : vector<32xbf16> -> vector<16xf32>
        %unpack3A_1192 = tpu.unpack_subelements %get3A_1190, 1 {pack_format = #tpu.pack_format<interleaved>} : vector<32xbf16> -> vector<16xf32>
        %mul3A_1193 = vector.broadcast %squeeze3A_1181 : f32 to vector<16xf32>
        %mul3A_1194 = arith.mulf %unpack3A_1191, %mul3A_1193 : vector<16xf32>
        %swap3A_1195 = arith.index_cast %add3A_1187 : i32 to index
        %swap3A_1196 = arith.constant 0 : index
        %swap3A_1197 = tpu.vector_load %arg11[%swap3A_1195, %swap3A_1196] {strides = array<i32>} : memref<256x64xf32, #tpu.memory_space<vmem>>, vector<16xf32>,
        tpu.vector_store %arg11[%swap3A_1195, %swap3A_1196], %mul3A_1194 {strides = array<i32>} : memref<256x64xf32, #tpu.memory_space<vmem>>, vector<16xf32>,
        %mul3A_1198 = vector.broadcast %squeeze3A_1181 : f32 to vector<16xf32>
        %mul3A_1199 = arith.mulf %unpack3A_1192, %mul3A_1198 : vector<16xf32>
        %swap3A_1200 = arith.index_cast %add3A_1187 : i32 to index
        %swap3A_1201 = arith.constant 16 : index
        %swap3A_1202 = tpu.vector_load %arg11[%swap3A_1200, %swap3A_1201] {strides = array<i32>} : memref<256x64xf32, #tpu.memory_space<vmem>>, vector<16xf32>,
        tpu.vector_store %arg11[%swap3A_1200, %swap3A_1201], %mul3A_1199 {strides = array<i32>} : memref<256x64xf32, #tpu.memory_space<vmem>>, vector<16xf32>,
        %get3A_1203 = arith.index_cast %add3A_1187 : i32 to index
        %get3A_1204 = arith.constant 32 : index
        %get3A_1205 = tpu.vector_load %arg10[%get3A_1203, %get3A_1204] {strides = array<i32>} : memref<256x64xbf16, #tpu.memory_space<vmem>>, vector<32xbf16>,
        %unpack3A_1206 = tpu.unpack_subelements %get3A_1205, 0 {pack_format = #tpu.pack_format<interleaved>} : vector<32xbf16> -> vector<16xf32>
        %unpack3A_1207 = tpu.unpack_subelements %get3A_1205, 1 {pack_format = #tpu.pack_format<interleaved>} : vector<32xbf16> -> vector<16xf32>
        %mul3A_1208 = vector.broadcast %squeeze3A_1181 : f32 to vector<16xf32>
        %mul3A_1209 = arith.mulf %unpack3A_1206, %mul3A_1208 : vector<16xf32>
        %swap3A_1210 = arith.index_cast %add3A_1187 : i32 to index
        %swap3A_1211 = arith.constant 32 : index
        %swap3A_1212 = tpu.vector_load %arg11[%swap3A_1210, %swap3A_1211] {strides = array<i32>} : memref<256x64xf32, #tpu.memory_space<vmem>>, vector<16xf32>,
        tpu.vector_store %arg11[%swap3A_1210, %swap3A_1211], %mul3A_1209 {strides = array<i32>} : memref<256x64xf32, #tpu.memory_space<vmem>>, vector<16xf32>,
        %mul3A_1213 = vector.broadcast %squeeze3A_1181 : f32 to vector<16xf32>
        %mul3A_1214 = arith.mulf %unpack3A_1207, %mul3A_1213 : vector<16xf32>
        %swap3A_1215 = arith.index_cast %add3A_1187 : i32 to index
        %swap3A_1216 = arith.constant 48 : index
        %swap3A_1217 = tpu.vector_load %arg11[%swap3A_1215, %swap3A_1216] {strides = array<i32>} : memref<256x64xf32, #tpu.memory_space<vmem>>, vector<16xf32>,
        tpu.vector_store %arg11[%swap3A_1215, %swap3A_1216], %mul3A_1214 {strides = array<i32>} : memref<256x64xf32, #tpu.memory_space<vmem>>, vector<16xf32>,
        %slice3A_1218 = vector.extract_strided_slice %get3A_992 {offsets = [6], sizes = [1], strides = [1]} : vector<16xf32> to vector<1xf32>
        %squeeze3A_1219 = vector.extract %slice3A_1218[0] : f32 from vector<1xf32>
        %mul3A_1220 = arith.constant 16 : i32
        %mul3A_1221 = arith.muli %scan3A_929, %mul3A_1220 : i32
        %add3A_1222 = arith.constant 0 : i32
        %add3A_1223 = arith.addi %add3A_1222, %mul3A_1221 : i32
        %add3A_1224 = arith.constant 6 : i32
        %add3A_1225 = arith.addi %add3A_1223, %add3A_1224 : i32
        %get3A_1226 = arith.index_cast %add3A_1225 : i32 to index
        %get3A_1227 = arith.constant 0 : index
        %get3A_1228 = tpu.vector_load %arg10[%get3A_1226, %get3A_1227] {strides = array<i32>} : memref<256x64xbf16, #tpu.memory_space<vmem>>, vector<32xbf16>,
        %unpack3A_1229 = tpu.unpack_subelements %get3A_1228, 0 {pack_format = #tpu.pack_format<interleaved>} : vector<32xbf16> -> vector<16xf32>
        %unpack3A_1230 = tpu.unpack_subelements %get3A_1228, 1 {pack_format = #tpu.pack_format<interleaved>} : vector<32xbf16> -> vector<16xf32>
        %mul3A_1231 = vector.broadcast %squeeze3A_1219 : f32 to vector<16xf32>
        %mul3A_1232 = arith.mulf %unpack3A_1229, %mul3A_1231 : vector<16xf32>
        %swap3A_1233 = arith.index_cast %add3A_1225 : i32 to index
        %swap3A_1234 = arith.constant 0 : index
        %swap3A_1235 = tpu.vector_load %arg11[%swap3A_1233, %swap3A_1234] {strides = array<i32>} : memref<256x64xf32, #tpu.memory_space<vmem>>, vector<16xf32>,
        tpu.vector_store %arg11[%swap3A_1233, %swap3A_1234], %mul3A_1232 {strides = array<i32>} : memref<256x64xf32, #tpu.memory_space<vmem>>, vector<16xf32>,
        %mul3A_1236 = vector.broadcast %squeeze3A_1219 : f32 to vector<16xf32>
        %mul3A_1237 = arith.mulf %unpack3A_1230, %mul3A_1236 : vector<16xf32>
        %swap3A_1238 = arith.index_cast %add3A_1225 : i32 to index
        %swap3A_1239 = arith.constant 16 : index
        %swap3A_1240 = tpu.vector_load %arg11[%swap3A_1238, %swap3A_1239] {strides = array<i32>} : memref<256x64xf32, #tpu.memory_space<vmem>>, vector<16xf32>,
        tpu.vector_store %arg11[%swap3A_1238, %swap3A_1239], %mul3A_1237 {strides = array<i32>} : memref<256x64xf32, #tpu.memory_space<vmem>>, vector<16xf32>,
        %get3A_1241 = arith.index_cast %add3A_1225 : i32 to index
        %get3A_1242 = arith.constant 32 : index
        %get3A_1243 = tpu.vector_load %arg10[%get3A_1241, %get3A_1242] {strides = array<i32>} : memref<256x64xbf16, #tpu.memory_space<vmem>>, vector<32xbf16>,
        %unpack3A_1244 = tpu.unpack_subelements %get3A_1243, 0 {pack_format = #tpu.pack_format<interleaved>} : vector<32xbf16> -> vector<16xf32>
        %unpack3A_1245 = tpu.unpack_subelements %get3A_1243, 1 {pack_format = #tpu.pack_format<interleaved>} : vector<32xbf16> -> vector<16xf32>
        %mul3A_1246 = vector.broadcast %squeeze3A_1219 : f32 to vector<16xf32>
        %mul3A_1247 = arith.mulf %unpack3A_1244, %mul3A_1246 : vector<16xf32>
        %swap3A_1248 = arith.index_cast %add3A_1225 : i32 to index
        %swap3A_1249 = arith.constant 32 : index
        %swap3A_1250 = tpu.vector_load %arg11[%swap3A_1248, %swap3A_1249] {strides = array<i32>} : memref<256x64xf32, #tpu.memory_space<vmem>>, vector<16xf32>,
        tpu.vector_store %arg11[%swap3A_1248, %swap3A_1249], %mul3A_1247 {strides = array<i32>} : memref<256x64xf32, #tpu.memory_space<vmem>>, vector<16xf32>,
        %mul3A_1251 = vector.broadcast %squeeze3A_1219 : f32 to vector<16xf32>
        %mul3A_1252 = arith.mulf %unpack3A_1245, %mul3A_1251 : vector<16xf32>
        %swap3A_1253 = arith.index_cast %add3A_1225 : i32 to index
        %swap3A_1254 = arith.constant 48 : index
        %swap3A_1255 = tpu.vector_load %arg11[%swap3A_1253, %swap3A_1254] {strides = array<i32>} : memref<256x64xf32, #tpu.memory_space<vmem>>, vector<16xf32>,
        tpu.vector_store %arg11[%swap3A_1253, %swap3A_1254], %mul3A_1252 {strides = array<i32>} : memref<256x64xf32, #tpu.memory_space<vmem>>, vector<16xf32>,
        %slice3A_1256 = vector.extract_strided_slice %get3A_992 {offsets = [7], sizes = [1], strides = [1]} : vector<16xf32> to vector<1xf32>
        %squeeze3A_1257 = vector.extract %slice3A_1256[0] : f32 from vector<1xf32>
        %mul3A_1258 = arith.constant 16 : i32
        %mul3A_1259 = arith.muli %scan3A_929, %mul3A_1258 : i32
        %add3A_1260 = arith.constant 0 : i32
        %add3A_1261 = arith.addi %add3A_1260, %mul3A_1259 : i32
        %add3A_1262 = arith.constant 7 : i32
        %add3A_1263 = arith.addi %add3A_1261, %add3A_1262 : i32
        %get3A_1264 = arith.index_cast %add3A_1263 : i32 to index
        %get3A_1265 = arith.constant 0 : index
        %get3A_1266 = tpu.vector_load %arg10[%get3A_1264, %get3A_1265] {strides = array<i32>} : memref<256x64xbf16, #tpu.memory_space<vmem>>, vector<32xbf16>,
        %unpack3A_1267 = tpu.unpack_subelements %get3A_1266, 0 {pack_format = #tpu.pack_format<interleaved>} : vector<32xbf16> -> vector<16xf32>
        %unpack3A_1268 = tpu.unpack_subelements %get3A_1266, 1 {pack_format = #tpu.pack_format<interleaved>} : vector<32xbf16> -> vector<16xf32>
        %mul3A_1269 = vector.broadcast %squeeze3A_1257 : f32 to vector<16xf32>
        %mul3A_1270 = arith.mulf %unpack3A_1267, %mul3A_1269 : vector<16xf32>
        %swap3A_1271 = arith.index_cast %add3A_1263 : i32 to index
        %swap3A_1272 = arith.constant 0 : index
        %swap3A_1273 = tpu.vector_load %arg11[%swap3A_1271, %swap3A_1272] {strides = array<i32>} : memref<256x64xf32, #tpu.memory_space<vmem>>, vector<16xf32>,
        tpu.vector_store %arg11[%swap3A_1271, %swap3A_1272], %mul3A_1270 {strides = array<i32>} : memref<256x64xf32, #tpu.memory_space<vmem>>, vector<16xf32>,
        %mul3A_1274 = vector.broadcast %squeeze3A_1257 : f32 to vector<16xf32>
        %mul3A_1275 = arith.mulf %unpack3A_1268, %mul3A_1274 : vector<16xf32>
        %swap3A_1276 = arith.index_cast %add3A_1263 : i32 to index
        %swap3A_1277 = arith.constant 16 : index
        %swap3A_1278 = tpu.vector_load %arg11[%swap3A_1276, %swap3A_1277] {strides = array<i32>} : memref<256x64xf32, #tpu.memory_space<vmem>>, vector<16xf32>,
        tpu.vector_store %arg11[%swap3A_1276, %swap3A_1277], %mul3A_1275 {strides = array<i32>} : memref<256x64xf32, #tpu.memory_space<vmem>>, vector<16xf32>,
        %get3A_1279 = arith.index_cast %add3A_1263 : i32 to index
        %get3A_1280 = arith.constant 32 : index
        %get3A_1281 = tpu.vector_load %arg10[%get3A_1279, %get3A_1280] {strides = array<i32>} : memref<256x64xbf16, #tpu.memory_space<vmem>>, vector<32xbf16>,
        %unpack3A_1282 = tpu.unpack_subelements %get3A_1281, 0 {pack_format = #tpu.pack_format<interleaved>} : vector<32xbf16> -> vector<16xf32>
        %unpack3A_1283 = tpu.unpack_subelements %get3A_1281, 1 {pack_format = #tpu.pack_format<interleaved>} : vector<32xbf16> -> vector<16xf32>
        %mul3A_1284 = vector.broadcast %squeeze3A_1257 : f32 to vector<16xf32>
        %mul3A_1285 = arith.mulf %unpack3A_1282, %mul3A_1284 : vector<16xf32>
        %swap3A_1286 = arith.index_cast %add3A_1263 : i32 to index
        %swap3A_1287 = arith.constant 32 : index
        %swap3A_1288 = tpu.vector_load %arg11[%swap3A_1286, %swap3A_1287] {strides = array<i32>} : memref<256x64xf32, #tpu.memory_space<vmem>>, vector<16xf32>,
        tpu.vector_store %arg11[%swap3A_1286, %swap3A_1287], %mul3A_1285 {strides = array<i32>} : memref<256x64xf32, #tpu.memory_space<vmem>>, vector<16xf32>,
        %mul3A_1289 = vector.broadcast %squeeze3A_1257 : f32 to vector<16xf32>
        %mul3A_1290 = arith.mulf %unpack3A_1283, %mul3A_1289 : vector<16xf32>
        %swap3A_1291 = arith.index_cast %add3A_1263 : i32 to index
        %swap3A_1292 = arith.constant 48 : index
        %swap3A_1293 = tpu.vector_load %arg11[%swap3A_1291, %swap3A_1292] {strides = array<i32>} : memref<256x64xf32, #tpu.memory_space<vmem>>, vector<16xf32>,
        tpu.vector_store %arg11[%swap3A_1291, %swap3A_1292], %mul3A_1290 {strides = array<i32>} : memref<256x64xf32, #tpu.memory_space<vmem>>, vector<16xf32>,
        %slice3A_1294 = vector.extract_strided_slice %get3A_992 {offsets = [8], sizes = [1], strides = [1]} : vector<16xf32> to vector<1xf32>
        %squeeze3A_1295 = vector.extract %slice3A_1294[0] : f32 from vector<1xf32>
        %mul3A_1296 = arith.constant 16 : i32
        %mul3A_1297 = arith.muli %scan3A_929, %mul3A_1296 : i32
        %add3A_1298 = arith.constant 0 : i32
        %add3A_1299 = arith.addi %add3A_1298, %mul3A_1297 : i32
        %add3A_1300 = arith.constant 8 : i32
        %add3A_1301 = arith.addi %add3A_1299, %add3A_1300 : i32
        %get3A_1302 = arith.index_cast %add3A_1301 : i32 to index
        %get3A_1303 = arith.constant 0 : index
        %get3A_1304 = tpu.vector_load %arg10[%get3A_1302, %get3A_1303] {strides = array<i32>} : memref<256x64xbf16, #tpu.memory_space<vmem>>, vector<32xbf16>,
        %unpack3A_1305 = tpu.unpack_subelements %get3A_1304, 0 {pack_format = #tpu.pack_format<interleaved>} : vector<32xbf16> -> vector<16xf32>
        %unpack3A_1306 = tpu.unpack_subelements %get3A_1304, 1 {pack_format = #tpu.pack_format<interleaved>} : vector<32xbf16> -> vector<16xf32>
        %mul3A_1307 = vector.broadcast %squeeze3A_1295 : f32 to vector<16xf32>
        %mul3A_1308 = arith.mulf %unpack3A_1305, %mul3A_1307 : vector<16xf32>
        %swap3A_1309 = arith.index_cast %add3A_1301 : i32 to index
        %swap3A_1310 = arith.constant 0 : index
        %swap3A_1311 = tpu.vector_load %arg11[%swap3A_1309, %swap3A_1310] {strides = array<i32>} : memref<256x64xf32, #tpu.memory_space<vmem>>, vector<16xf32>,
        tpu.vector_store %arg11[%swap3A_1309, %swap3A_1310], %mul3A_1308 {strides = array<i32>} : memref<256x64xf32, #tpu.memory_space<vmem>>, vector<16xf32>,
        %mul3A_1312 = vector.broadcast %squeeze3A_1295 : f32 to vector<16xf32>
        %mul3A_1313 = arith.mulf %unpack3A_1306, %mul3A_1312 : vector<16xf32>
        %swap3A_1314 = arith.index_cast %add3A_1301 : i32 to index
        %swap3A_1315 = arith.constant 16 : index
        %swap3A_1316 = tpu.vector_load %arg11[%swap3A_1314, %swap3A_1315] {strides = array<i32>} : memref<256x64xf32, #tpu.memory_space<vmem>>, vector<16xf32>,
        tpu.vector_store %arg11[%swap3A_1314, %swap3A_1315], %mul3A_1313 {strides = array<i32>} : memref<256x64xf32, #tpu.memory_space<vmem>>, vector<16xf32>,
        %get3A_1317 = arith.index_cast %add3A_1301 : i32 to index
        %get3A_1318 = arith.constant 32 : index
        %get3A_1319 = tpu.vector_load %arg10[%get3A_1317, %get3A_1318] {strides = array<i32>} : memref<256x64xbf16, #tpu.memory_space<vmem>>, vector<32xbf16>,
        %unpack3A_1320 = tpu.unpack_subelements %get3A_1319, 0 {pack_format = #tpu.pack_format<interleaved>} : vector<32xbf16> -> vector<16xf32>
        %unpack3A_1321 = tpu.unpack_subelements %get3A_1319, 1 {pack_format = #tpu.pack_format<interleaved>} : vector<32xbf16> -> vector<16xf32>
        %mul3A_1322 = vector.broadcast %squeeze3A_1295 : f32 to vector<16xf32>
        %mul3A_1323 = arith.mulf %unpack3A_1320, %mul3A_1322 : vector<16xf32>
        %swap3A_1324 = arith.index_cast %add3A_1301 : i32 to index
        %swap3A_1325 = arith.constant 32 : index
        %swap3A_1326 = tpu.vector_load %arg11[%swap3A_1324, %swap3A_1325] {strides = array<i32>} : memref<256x64xf32, #tpu.memory_space<vmem>>, vector<16xf32>,
        tpu.vector_store %arg11[%swap3A_1324, %swap3A_1325], %mul3A_1323 {strides = array<i32>} : memref<256x64xf32, #tpu.memory_space<vmem>>, vector<16xf32>,
        %mul3A_1327 = vector.broadcast %squeeze3A_1295 : f32 to vector<16xf32>
        %mul3A_1328 = arith.mulf %unpack3A_1321, %mul3A_1327 : vector<16xf32>
        %swap3A_1329 = arith.index_cast %add3A_1301 : i32 to index
        %swap3A_1330 = arith.constant 48 : index
        %swap3A_1331 = tpu.vector_load %arg11[%swap3A_1329, %swap3A_1330] {strides = array<i32>} : memref<256x64xf32, #tpu.memory_space<vmem>>, vector<16xf32>,
        tpu.vector_store %arg11[%swap3A_1329, %swap3A_1330], %mul3A_1328 {strides = array<i32>} : memref<256x64xf32, #tpu.memory_space<vmem>>, vector<16xf32>,
        %slice3A_1332 = vector.extract_strided_slice %get3A_992 {offsets = [9], sizes = [1], strides = [1]} : vector<16xf32> to vector<1xf32>
        %squeeze3A_1333 = vector.extract %slice3A_1332[0] : f32 from vector<1xf32>
        %mul3A_1334 = arith.constant 16 : i32
        %mul3A_1335 = arith.muli %scan3A_929, %mul3A_1334 : i32
        %add3A_1336 = arith.constant 0 : i32
        %add3A_1337 = arith.addi %add3A_1336, %mul3A_1335 : i32
        %add3A_1338 = arith.constant 9 : i32
        %add3A_1339 = arith.addi %add3A_1337, %add3A_1338 : i32
        %get3A_1340 = arith.index_cast %add3A_1339 : i32 to index
        %get3A_1341 = arith.constant 0 : index
        %get3A_1342 = tpu.vector_load %arg10[%get3A_1340, %get3A_1341] {strides = array<i32>} : memref<256x64xbf16, #tpu.memory_space<vmem>>, vector<32xbf16>,
        %unpack3A_1343 = tpu.unpack_subelements %get3A_1342, 0 {pack_format = #tpu.pack_format<interleaved>} : vector<32xbf16> -> vector<16xf32>
        %unpack3A_1344 = tpu.unpack_subelements %get3A_1342, 1 {pack_format = #tpu.pack_format<interleaved>} : vector<32xbf16> -> vector<16xf32>
        %mul3A_1345 = vector.broadcast %squeeze3A_1333 : f32 to vector<16xf32>
        %mul3A_1346 = arith.mulf %unpack3A_1343, %mul3A_1345 : vector<16xf32>
        %swap3A_1347 = arith.index_cast %add3A_1339 : i32 to index
        %swap3A_1348 = arith.constant 0 : index
        %swap3A_1349 = tpu.vector_load %arg11[%swap3A_1347, %swap3A_1348] {strides = array<i32>} : memref<256x64xf32, #tpu.memory_space<vmem>>, vector<16xf32>,
        tpu.vector_store %arg11[%swap3A_1347, %swap3A_1348], %mul3A_1346 {strides = array<i32>} : memref<256x64xf32, #tpu.memory_space<vmem>>, vector<16xf32>,
        %mul3A_1350 = vector.broadcast %squeeze3A_1333 : f32 to vector<16xf32>
        %mul3A_1351 = arith.mulf %unpack3A_1344, %mul3A_1350 : vector<16xf32>
        %swap3A_1352 = arith.index_cast %add3A_1339 : i32 to index
        %swap3A_1353 = arith.constant 16 : index
        %swap3A_1354 = tpu.vector_load %arg11[%swap3A_1352, %swap3A_1353] {strides = array<i32>} : memref<256x64xf32, #tpu.memory_space<vmem>>, vector<16xf32>,
        tpu.vector_store %arg11[%swap3A_1352, %swap3A_1353], %mul3A_1351 {strides = array<i32>} : memref<256x64xf32, #tpu.memory_space<vmem>>, vector<16xf32>,
        %get3A_1355 = arith.index_cast %add3A_1339 : i32 to index
        %get3A_1356 = arith.constant 32 : index
        %get3A_1357 = tpu.vector_load %arg10[%get3A_1355, %get3A_1356] {strides = array<i32>} : memref<256x64xbf16, #tpu.memory_space<vmem>>, vector<32xbf16>,
        %unpack3A_1358 = tpu.unpack_subelements %get3A_1357, 0 {pack_format = #tpu.pack_format<interleaved>} : vector<32xbf16> -> vector<16xf32>
        %unpack3A_1359 = tpu.unpack_subelements %get3A_1357, 1 {pack_format = #tpu.pack_format<interleaved>} : vector<32xbf16> -> vector<16xf32>
        %mul3A_1360 = vector.broadcast %squeeze3A_1333 : f32 to vector<16xf32>
        %mul3A_1361 = arith.mulf %unpack3A_1358, %mul3A_1360 : vector<16xf32>
        %swap3A_1362 = arith.index_cast %add3A_1339 : i32 to index
        %swap3A_1363 = arith.constant 32 : index
        %swap3A_1364 = tpu.vector_load %arg11[%swap3A_1362, %swap3A_1363] {strides = array<i32>} : memref<256x64xf32, #tpu.memory_space<vmem>>, vector<16xf32>,
        tpu.vector_store %arg11[%swap3A_1362, %swap3A_1363], %mul3A_1361 {strides = array<i32>} : memref<256x64xf32, #tpu.memory_space<vmem>>, vector<16xf32>,
        %mul3A_1365 = vector.broadcast %squeeze3A_1333 : f32 to vector<16xf32>
        %mul3A_1366 = arith.mulf %unpack3A_1359, %mul3A_1365 : vector<16xf32>
        %swap3A_1367 = arith.index_cast %add3A_1339 : i32 to index
        %swap3A_1368 = arith.constant 48 : index
        %swap3A_1369 = tpu.vector_load %arg11[%swap3A_1367, %swap3A_1368] {strides = array<i32>} : memref<256x64xf32, #tpu.memory_space<vmem>>, vector<16xf32>,
        tpu.vector_store %arg11[%swap3A_1367, %swap3A_1368], %mul3A_1366 {strides = array<i32>} : memref<256x64xf32, #tpu.memory_space<vmem>>, vector<16xf32>,
        %slice3A_1370 = vector.extract_strided_slice %get3A_992 {offsets = [10], sizes = [1], strides = [1]} : vector<16xf32> to vector<1xf32>
        %squeeze3A_1371 = vector.extract %slice3A_1370[0] : f32 from vector<1xf32>
        %mul3A_1372 = arith.constant 16 : i32
        %mul3A_1373 = arith.muli %scan3A_929, %mul3A_1372 : i32
        %add3A_1374 = arith.constant 0 : i32
        %add3A_1375 = arith.addi %add3A_1374, %mul3A_1373 : i32
        %add3A_1376 = arith.constant 10 : i32
        %add3A_1377 = arith.addi %add3A_1375, %add3A_1376 : i32
        %get3A_1378 = arith.index_cast %add3A_1377 : i32 to index
        %get3A_1379 = arith.constant 0 : index
        %get3A_1380 = tpu.vector_load %arg10[%get3A_1378, %get3A_1379] {strides = array<i32>} : memref<256x64xbf16, #tpu.memory_space<vmem>>, vector<32xbf16>,
        %unpack3A_1381 = tpu.unpack_subelements %get3A_1380, 0 {pack_format = #tpu.pack_format<interleaved>} : vector<32xbf16> -> vector<16xf32>
        %unpack3A_1382 = tpu.unpack_subelements %get3A_1380, 1 {pack_format = #tpu.pack_format<interleaved>} : vector<32xbf16> -> vector<16xf32>
        %mul3A_1383 = vector.broadcast %squeeze3A_1371 : f32 to vector<16xf32>
        %mul3A_1384 = arith.mulf %unpack3A_1381, %mul3A_1383 : vector<16xf32>
        %swap3A_1385 = arith.index_cast %add3A_1377 : i32 to index
        %swap3A_1386 = arith.constant 0 : index
        %swap3A_1387 = tpu.vector_load %arg11[%swap3A_1385, %swap3A_1386] {strides = array<i32>} : memref<256x64xf32, #tpu.memory_space<vmem>>, vector<16xf32>,
        tpu.vector_store %arg11[%swap3A_1385, %swap3A_1386], %mul3A_1384 {strides = array<i32>} : memref<256x64xf32, #tpu.memory_space<vmem>>, vector<16xf32>,
        %mul3A_1388 = vector.broadcast %squeeze3A_1371 : f32 to vector<16xf32>
        %mul3A_1389 = arith.mulf %unpack3A_1382, %mul3A_1388 : vector<16xf32>
        %swap3A_1390 = arith.index_cast %add3A_1377 : i32 to index
        %swap3A_1391 = arith.constant 16 : index
        %swap3A_1392 = tpu.vector_load %arg11[%swap3A_1390, %swap3A_1391] {strides = array<i32>} : memref<256x64xf32, #tpu.memory_space<vmem>>, vector<16xf32>,
        tpu.vector_store %arg11[%swap3A_1390, %swap3A_1391], %mul3A_1389 {strides = array<i32>} : memref<256x64xf32, #tpu.memory_space<vmem>>, vector<16xf32>,
        %get3A_1393 = arith.index_cast %add3A_1377 : i32 to index
        %get3A_1394 = arith.constant 32 : index
        %get3A_1395 = tpu.vector_load %arg10[%get3A_1393, %get3A_1394] {strides = array<i32>} : memref<256x64xbf16, #tpu.memory_space<vmem>>, vector<32xbf16>,
        %unpack3A_1396 = tpu.unpack_subelements %get3A_1395, 0 {pack_format = #tpu.pack_format<interleaved>} : vector<32xbf16> -> vector<16xf32>
        %unpack3A_1397 = tpu.unpack_subelements %get3A_1395, 1 {pack_format = #tpu.pack_format<interleaved>} : vector<32xbf16> -> vector<16xf32>
        %mul3A_1398 = vector.broadcast %squeeze3A_1371 : f32 to vector<16xf32>
        %mul3A_1399 = arith.mulf %unpack3A_1396, %mul3A_1398 : vector<16xf32>
        %swap3A_1400 = arith.index_cast %add3A_1377 : i32 to index
        %swap3A_1401 = arith.constant 32 : index
        %swap3A_1402 = tpu.vector_load %arg11[%swap3A_1400, %swap3A_1401] {strides = array<i32>} : memref<256x64xf32, #tpu.memory_space<vmem>>, vector<16xf32>,
        tpu.vector_store %arg11[%swap3A_1400, %swap3A_1401], %mul3A_1399 {strides = array<i32>} : memref<256x64xf32, #tpu.memory_space<vmem>>, vector<16xf32>,
        %mul3A_1403 = vector.broadcast %squeeze3A_1371 : f32 to vector<16xf32>
        %mul3A_1404 = arith.mulf %unpack3A_1397, %mul3A_1403 : vector<16xf32>
        %swap3A_1405 = arith.index_cast %add3A_1377 : i32 to index
        %swap3A_1406 = arith.constant 48 : index
        %swap3A_1407 = tpu.vector_load %arg11[%swap3A_1405, %swap3A_1406] {strides = array<i32>} : memref<256x64xf32, #tpu.memory_space<vmem>>, vector<16xf32>,
        tpu.vector_store %arg11[%swap3A_1405, %swap3A_1406], %mul3A_1404 {strides = array<i32>} : memref<256x64xf32, #tpu.memory_space<vmem>>, vector<16xf32>,
        %slice3A_1408 = vector.extract_strided_slice %get3A_992 {offsets = [11], sizes = [1], strides = [1]} : vector<16xf32> to vector<1xf32>
        %squeeze3A_1409 = vector.extract %slice3A_1408[0] : f32 from vector<1xf32>
        %mul3A_1410 = arith.constant 16 : i32
        %mul3A_1411 = arith.muli %scan3A_929, %mul3A_1410 : i32
        %add3A_1412 = arith.constant 0 : i32
        %add3A_1413 = arith.addi %add3A_1412, %mul3A_1411 : i32
        %add3A_1414 = arith.constant 11 : i32
        %add3A_1415 = arith.addi %add3A_1413, %add3A_1414 : i32
        %get3A_1416 = arith.index_cast %add3A_1415 : i32 to index
        %get3A_1417 = arith.constant 0 : index
        %get3A_1418 = tpu.vector_load %arg10[%get3A_1416, %get3A_1417] {strides = array<i32>} : memref<256x64xbf16, #tpu.memory_space<vmem>>, vector<32xbf16>,
        %unpack3A_1419 = tpu.unpack_subelements %get3A_1418, 0 {pack_format = #tpu.pack_format<interleaved>} : vector<32xbf16> -> vector<16xf32>
        %unpack3A_1420 = tpu.unpack_subelements %get3A_1418, 1 {pack_format = #tpu.pack_format<interleaved>} : vector<32xbf16> -> vector<16xf32>
        %mul3A_1421 = vector.broadcast %squeeze3A_1409 : f32 to vector<16xf32>
        %mul3A_1422 = arith.mulf %unpack3A_1419, %mul3A_1421 : vector<16xf32>
        %swap3A_1423 = arith.index_cast %add3A_1415 : i32 to index
        %swap3A_1424 = arith.constant 0 : index
        %swap3A_1425 = tpu.vector_load %arg11[%swap3A_1423, %swap3A_1424] {strides = array<i32>} : memref<256x64xf32, #tpu.memory_space<vmem>>, vector<16xf32>,
        tpu.vector_store %arg11[%swap3A_1423, %swap3A_1424], %mul3A_1422 {strides = array<i32>} : memref<256x64xf32, #tpu.memory_space<vmem>>, vector<16xf32>,
        %mul3A_1426 = vector.broadcast %squeeze3A_1409 : f32 to vector<16xf32>
        %mul3A_1427 = arith.mulf %unpack3A_1420, %mul3A_1426 : vector<16xf32>
        %swap3A_1428 = arith.index_cast %add3A_1415 : i32 to index
        %swap3A_1429 = arith.constant 16 : index
        %swap3A_1430 = tpu.vector_load %arg11[%swap3A_1428, %swap3A_1429] {strides = array<i32>} : memref<256x64xf32, #tpu.memory_space<vmem>>, vector<16xf32>,
        tpu.vector_store %arg11[%swap3A_1428, %swap3A_1429], %mul3A_1427 {strides = array<i32>} : memref<256x64xf32, #tpu.memory_space<vmem>>, vector<16xf32>,
        %get3A_1431 = arith.index_cast %add3A_1415 : i32 to index
        %get3A_1432 = arith.constant 32 : index
        %get3A_1433 = tpu.vector_load %arg10[%get3A_1431, %get3A_1432] {strides = array<i32>} : memref<256x64xbf16, #tpu.memory_space<vmem>>, vector<32xbf16>,
        %unpack3A_1434 = tpu.unpack_subelements %get3A_1433, 0 {pack_format = #tpu.pack_format<interleaved>} : vector<32xbf16> -> vector<16xf32>
        %unpack3A_1435 = tpu.unpack_subelements %get3A_1433, 1 {pack_format = #tpu.pack_format<interleaved>} : vector<32xbf16> -> vector<16xf32>
        %mul3A_1436 = vector.broadcast %squeeze3A_1409 : f32 to vector<16xf32>
        %mul3A_1437 = arith.mulf %unpack3A_1434, %mul3A_1436 : vector<16xf32>
        %swap3A_1438 = arith.index_cast %add3A_1415 : i32 to index
        %swap3A_1439 = arith.constant 32 : index
        %swap3A_1440 = tpu.vector_load %arg11[%swap3A_1438, %swap3A_1439] {strides = array<i32>} : memref<256x64xf32, #tpu.memory_space<vmem>>, vector<16xf32>,
        tpu.vector_store %arg11[%swap3A_1438, %swap3A_1439], %mul3A_1437 {strides = array<i32>} : memref<256x64xf32, #tpu.memory_space<vmem>>, vector<16xf32>,
        %mul3A_1441 = vector.broadcast %squeeze3A_1409 : f32 to vector<16xf32>
        %mul3A_1442 = arith.mulf %unpack3A_1435, %mul3A_1441 : vector<16xf32>
        %swap3A_1443 = arith.index_cast %add3A_1415 : i32 to index
        %swap3A_1444 = arith.constant 48 : index
        %swap3A_1445 = tpu.vector_load %arg11[%swap3A_1443, %swap3A_1444] {strides = array<i32>} : memref<256x64xf32, #tpu.memory_space<vmem>>, vector<16xf32>,
        tpu.vector_store %arg11[%swap3A_1443, %swap3A_1444], %mul3A_1442 {strides = array<i32>} : memref<256x64xf32, #tpu.memory_space<vmem>>, vector<16xf32>,
        %slice3A_1446 = vector.extract_strided_slice %get3A_992 {offsets = [12], sizes = [1], strides = [1]} : vector<16xf32> to vector<1xf32>
        %squeeze3A_1447 = vector.extract %slice3A_1446[0] : f32 from vector<1xf32>
        %mul3A_1448 = arith.constant 16 : i32
        %mul3A_1449 = arith.muli %scan3A_929, %mul3A_1448 : i32
        %add3A_1450 = arith.constant 0 : i32
        %add3A_1451 = arith.addi %add3A_1450, %mul3A_1449 : i32
        %add3A_1452 = arith.constant 12 : i32
        %add3A_1453 = arith.addi %add3A_1451, %add3A_1452 : i32
        %get3A_1454 = arith.index_cast %add3A_1453 : i32 to index
        %get3A_1455 = arith.constant 0 : index
        %get3A_1456 = tpu.vector_load %arg10[%get3A_1454, %get3A_1455] {strides = array<i32>} : memref<256x64xbf16, #tpu.memory_space<vmem>>, vector<32xbf16>,
        %unpack3A_1457 = tpu.unpack_subelements %get3A_1456, 0 {pack_format = #tpu.pack_format<interleaved>} : vector<32xbf16> -> vector<16xf32>
        %unpack3A_1458 = tpu.unpack_subelements %get3A_1456, 1 {pack_format = #tpu.pack_format<interleaved>} : vector<32xbf16> -> vector<16xf32>
        %mul3A_1459 = vector.broadcast %squeeze3A_1447 : f32 to vector<16xf32>
        %mul3A_1460 = arith.mulf %unpack3A_1457, %mul3A_1459 : vector<16xf32>
        %swap3A_1461 = arith.index_cast %add3A_1453 : i32 to index
        %swap3A_1462 = arith.constant 0 : index
        %swap3A_1463 = tpu.vector_load %arg11[%swap3A_1461, %swap3A_1462] {strides = array<i32>} : memref<256x64xf32, #tpu.memory_space<vmem>>, vector<16xf32>,
        tpu.vector_store %arg11[%swap3A_1461, %swap3A_1462], %mul3A_1460 {strides = array<i32>} : memref<256x64xf32, #tpu.memory_space<vmem>>, vector<16xf32>,
        %mul3A_1464 = vector.broadcast %squeeze3A_1447 : f32 to vector<16xf32>
        %mul3A_1465 = arith.mulf %unpack3A_1458, %mul3A_1464 : vector<16xf32>
        %swap3A_1466 = arith.index_cast %add3A_1453 : i32 to index
        %swap3A_1467 = arith.constant 16 : index
        %swap3A_1468 = tpu.vector_load %arg11[%swap3A_1466, %swap3A_1467] {strides = array<i32>} : memref<256x64xf32, #tpu.memory_space<vmem>>, vector<16xf32>,
        tpu.vector_store %arg11[%swap3A_1466, %swap3A_1467], %mul3A_1465 {strides = array<i32>} : memref<256x64xf32, #tpu.memory_space<vmem>>, vector<16xf32>,
        %get3A_1469 = arith.index_cast %add3A_1453 : i32 to index
        %get3A_1470 = arith.constant 32 : index
        %get3A_1471 = tpu.vector_load %arg10[%get3A_1469, %get3A_1470] {strides = array<i32>} : memref<256x64xbf16, #tpu.memory_space<vmem>>, vector<32xbf16>,
        %unpack3A_1472 = tpu.unpack_subelements %get3A_1471, 0 {pack_format = #tpu.pack_format<interleaved>} : vector<32xbf16> -> vector<16xf32>
        %unpack3A_1473 = tpu.unpack_subelements %get3A_1471, 1 {pack_format = #tpu.pack_format<interleaved>} : vector<32xbf16> -> vector<16xf32>
        %mul3A_1474 = vector.broadcast %squeeze3A_1447 : f32 to vector<16xf32>
        %mul3A_1475 = arith.mulf %unpack3A_1472, %mul3A_1474 : vector<16xf32>
        %swap3A_1476 = arith.index_cast %add3A_1453 : i32 to index
        %swap3A_1477 = arith.constant 32 : index
        %swap3A_1478 = tpu.vector_load %arg11[%swap3A_1476, %swap3A_1477] {strides = array<i32>} : memref<256x64xf32, #tpu.memory_space<vmem>>, vector<16xf32>,
        tpu.vector_store %arg11[%swap3A_1476, %swap3A_1477], %mul3A_1475 {strides = array<i32>} : memref<256x64xf32, #tpu.memory_space<vmem>>, vector<16xf32>,
        %mul3A_1479 = vector.broadcast %squeeze3A_1447 : f32 to vector<16xf32>
        %mul3A_1480 = arith.mulf %unpack3A_1473, %mul3A_1479 : vector<16xf32>
        %swap3A_1481 = arith.index_cast %add3A_1453 : i32 to index
        %swap3A_1482 = arith.constant 48 : index
        %swap3A_1483 = tpu.vector_load %arg11[%swap3A_1481, %swap3A_1482] {strides = array<i32>} : memref<256x64xf32, #tpu.memory_space<vmem>>, vector<16xf32>,
        tpu.vector_store %arg11[%swap3A_1481, %swap3A_1482], %mul3A_1480 {strides = array<i32>} : memref<256x64xf32, #tpu.memory_space<vmem>>, vector<16xf32>,
        %slice3A_1484 = vector.extract_strided_slice %get3A_992 {offsets = [13], sizes = [1], strides = [1]} : vector<16xf32> to vector<1xf32>
        %squeeze3A_1485 = vector.extract %slice3A_1484[0] : f32 from vector<1xf32>
        %mul3A_1486 = arith.constant 16 : i32
        %mul3A_1487 = arith.muli %scan3A_929, %mul3A_1486 : i32
        %add3A_1488 = arith.constant 0 : i32
        %add3A_1489 = arith.addi %add3A_1488, %mul3A_1487 : i32
        %add3A_1490 = arith.constant 13 : i32
        %add3A_1491 = arith.addi %add3A_1489, %add3A_1490 : i32
        %get3A_1492 = arith.index_cast %add3A_1491 : i32 to index
        %get3A_1493 = arith.constant 0 : index
        %get3A_1494 = tpu.vector_load %arg10[%get3A_1492, %get3A_1493] {strides = array<i32>} : memref<256x64xbf16, #tpu.memory_space<vmem>>, vector<32xbf16>,
        %unpack3A_1495 = tpu.unpack_subelements %get3A_1494, 0 {pack_format = #tpu.pack_format<interleaved>} : vector<32xbf16> -> vector<16xf32>
        %unpack3A_1496 = tpu.unpack_subelements %get3A_1494, 1 {pack_format = #tpu.pack_format<interleaved>} : vector<32xbf16> -> vector<16xf32>
        %mul3A_1497 = vector.broadcast %squeeze3A_1485 : f32 to vector<16xf32>
        %mul3A_1498 = arith.mulf %unpack3A_1495, %mul3A_1497 : vector<16xf32>
        %swap3A_1499 = arith.index_cast %add3A_1491 : i32 to index
        %swap3A_1500 = arith.constant 0 : index
        %swap3A_1501 = tpu.vector_load %arg11[%swap3A_1499, %swap3A_1500] {strides = array<i32>} : memref<256x64xf32, #tpu.memory_space<vmem>>, vector<16xf32>,
        tpu.vector_store %arg11[%swap3A_1499, %swap3A_1500], %mul3A_1498 {strides = array<i32>} : memref<256x64xf32, #tpu.memory_space<vmem>>, vector<16xf32>,
        %mul3A_1502 = vector.broadcast %squeeze3A_1485 : f32 to vector<16xf32>
        %mul3A_1503 = arith.mulf %unpack3A_1496, %mul3A_1502 : vector<16xf32>
        %swap3A_1504 = arith.index_cast %add3A_1491 : i32 to index
        %swap3A_1505 = arith.constant 16 : index
        %swap3A_1506 = tpu.vector_load %arg11[%swap3A_1504, %swap3A_1505] {strides = array<i32>} : memref<256x64xf32, #tpu.memory_space<vmem>>, vector<16xf32>,
        tpu.vector_store %arg11[%swap3A_1504, %swap3A_1505], %mul3A_1503 {strides = array<i32>} : memref<256x64xf32, #tpu.memory_space<vmem>>, vector<16xf32>,
        %get3A_1507 = arith.index_cast %add3A_1491 : i32 to index
        %get3A_1508 = arith.constant 32 : index
        %get3A_1509 = tpu.vector_load %arg10[%get3A_1507, %get3A_1508] {strides = array<i32>} : memref<256x64xbf16, #tpu.memory_space<vmem>>, vector<32xbf16>,
        %unpack3A_1510 = tpu.unpack_subelements %get3A_1509, 0 {pack_format = #tpu.pack_format<interleaved>} : vector<32xbf16> -> vector<16xf32>
        %unpack3A_1511 = tpu.unpack_subelements %get3A_1509, 1 {pack_format = #tpu.pack_format<interleaved>} : vector<32xbf16> -> vector<16xf32>
        %mul3A_1512 = vector.broadcast %squeeze3A_1485 : f32 to vector<16xf32>
        %mul3A_1513 = arith.mulf %unpack3A_1510, %mul3A_1512 : vector<16xf32>
        %swap3A_1514 = arith.index_cast %add3A_1491 : i32 to index
        %swap3A_1515 = arith.constant 32 : index
        %swap3A_1516 = tpu.vector_load %arg11[%swap3A_1514, %swap3A_1515] {strides = array<i32>} : memref<256x64xf32, #tpu.memory_space<vmem>>, vector<16xf32>,
        tpu.vector_store %arg11[%swap3A_1514, %swap3A_1515], %mul3A_1513 {strides = array<i32>} : memref<256x64xf32, #tpu.memory_space<vmem>>, vector<16xf32>,
        %mul3A_1517 = vector.broadcast %squeeze3A_1485 : f32 to vector<16xf32>
        %mul3A_1518 = arith.mulf %unpack3A_1511, %mul3A_1517 : vector<16xf32>
        %swap3A_1519 = arith.index_cast %add3A_1491 : i32 to index
        %swap3A_1520 = arith.constant 48 : index
        %swap3A_1521 = tpu.vector_load %arg11[%swap3A_1519, %swap3A_1520] {strides = array<i32>} : memref<256x64xf32, #tpu.memory_space<vmem>>, vector<16xf32>,
        tpu.vector_store %arg11[%swap3A_1519, %swap3A_1520], %mul3A_1518 {strides = array<i32>} : memref<256x64xf32, #tpu.memory_space<vmem>>, vector<16xf32>,
        %slice3A_1522 = vector.extract_strided_slice %get3A_992 {offsets = [14], sizes = [1], strides = [1]} : vector<16xf32> to vector<1xf32>
        %squeeze3A_1523 = vector.extract %slice3A_1522[0] : f32 from vector<1xf32>
        %mul3A_1524 = arith.constant 16 : i32
        %mul3A_1525 = arith.muli %scan3A_929, %mul3A_1524 : i32
        %add3A_1526 = arith.constant 0 : i32
        %add3A_1527 = arith.addi %add3A_1526, %mul3A_1525 : i32
        %add3A_1528 = arith.constant 14 : i32
        %add3A_1529 = arith.addi %add3A_1527, %add3A_1528 : i32
        %get3A_1530 = arith.index_cast %add3A_1529 : i32 to index
        %get3A_1531 = arith.constant 0 : index
        %get3A_1532 = tpu.vector_load %arg10[%get3A_1530, %get3A_1531] {strides = array<i32>} : memref<256x64xbf16, #tpu.memory_space<vmem>>, vector<32xbf16>,
        %unpack3A_1533 = tpu.unpack_subelements %get3A_1532, 0 {pack_format = #tpu.pack_format<interleaved>} : vector<32xbf16> -> vector<16xf32>
        %unpack3A_1534 = tpu.unpack_subelements %get3A_1532, 1 {pack_format = #tpu.pack_format<interleaved>} : vector<32xbf16> -> vector<16xf32>
        %mul3A_1535 = vector.broadcast %squeeze3A_1523 : f32 to vector<16xf32>
        %mul3A_1536 = arith.mulf %unpack3A_1533, %mul3A_1535 : vector<16xf32>
        %swap3A_1537 = arith.index_cast %add3A_1529 : i32 to index
        %swap3A_1538 = arith.constant 0 : index
        %swap3A_1539 = tpu.vector_load %arg11[%swap3A_1537, %swap3A_1538] {strides = array<i32>} : memref<256x64xf32, #tpu.memory_space<vmem>>, vector<16xf32>,
        tpu.vector_store %arg11[%swap3A_1537, %swap3A_1538], %mul3A_1536 {strides = array<i32>} : memref<256x64xf32, #tpu.memory_space<vmem>>, vector<16xf32>,
        %mul3A_1540 = vector.broadcast %squeeze3A_1523 : f32 to vector<16xf32>
        %mul3A_1541 = arith.mulf %unpack3A_1534, %mul3A_1540 : vector<16xf32>
        %swap3A_1542 = arith.index_cast %add3A_1529 : i32 to index
        %swap3A_1543 = arith.constant 16 : index
        %swap3A_1544 = tpu.vector_load %arg11[%swap3A_1542, %swap3A_1543] {strides = array<i32>} : memref<256x64xf32, #tpu.memory_space<vmem>>, vector<16xf32>,
        tpu.vector_store %arg11[%swap3A_1542, %swap3A_1543], %mul3A_1541 {strides = array<i32>} : memref<256x64xf32, #tpu.memory_space<vmem>>, vector<16xf32>,
        %get3A_1545 = arith.index_cast %add3A_1529 : i32 to index
        %get3A_1546 = arith.constant 32 : index
        %get3A_1547 = tpu.vector_load %arg10[%get3A_1545, %get3A_1546] {strides = array<i32>} : memref<256x64xbf16, #tpu.memory_space<vmem>>, vector<32xbf16>,
        %unpack3A_1548 = tpu.unpack_subelements %get3A_1547, 0 {pack_format = #tpu.pack_format<interleaved>} : vector<32xbf16> -> vector<16xf32>
        %unpack3A_1549 = tpu.unpack_subelements %get3A_1547, 1 {pack_format = #tpu.pack_format<interleaved>} : vector<32xbf16> -> vector<16xf32>
        %mul3A_1550 = vector.broadcast %squeeze3A_1523 : f32 to vector<16xf32>
        %mul3A_1551 = arith.mulf %unpack3A_1548, %mul3A_1550 : vector<16xf32>
        %swap3A_1552 = arith.index_cast %add3A_1529 : i32 to index
        %swap3A_1553 = arith.constant 32 : index
        %swap3A_1554 = tpu.vector_load %arg11[%swap3A_1552, %swap3A_1553] {strides = array<i32>} : memref<256x64xf32, #tpu.memory_space<vmem>>, vector<16xf32>,
        tpu.vector_store %arg11[%swap3A_1552, %swap3A_1553], %mul3A_1551 {strides = array<i32>} : memref<256x64xf32, #tpu.memory_space<vmem>>, vector<16xf32>,
        %mul3A_1555 = vector.broadcast %squeeze3A_1523 : f32 to vector<16xf32>
        %mul3A_1556 = arith.mulf %unpack3A_1549, %mul3A_1555 : vector<16xf32>
        %swap3A_1557 = arith.index_cast %add3A_1529 : i32 to index
        %swap3A_1558 = arith.constant 48 : index
        %swap3A_1559 = tpu.vector_load %arg11[%swap3A_1557, %swap3A_1558] {strides = array<i32>} : memref<256x64xf32, #tpu.memory_space<vmem>>, vector<16xf32>,
        tpu.vector_store %arg11[%swap3A_1557, %swap3A_1558], %mul3A_1556 {strides = array<i32>} : memref<256x64xf32, #tpu.memory_space<vmem>>, vector<16xf32>,
        %slice3A_1560 = vector.extract_strided_slice %get3A_992 {offsets = [15], sizes = [1], strides = [1]} : vector<16xf32> to vector<1xf32>
        %squeeze3A_1561 = vector.extract %slice3A_1560[0] : f32 from vector<1xf32>
        %mul3A_1562 = arith.constant 16 : i32
        %mul3A_1563 = arith.muli %scan3A_929, %mul3A_1562 : i32
        %add3A_1564 = arith.constant 0 : i32
        %add3A_1565 = arith.addi %add3A_1564, %mul3A_1563 : i32
        %add3A_1566 = arith.constant 15 : i32
        %add3A_1567 = arith.addi %add3A_1565, %add3A_1566 : i32
        %get3A_1568 = arith.index_cast %add3A_1567 : i32 to index
        %get3A_1569 = arith.constant 0 : index
        %get3A_1570 = tpu.vector_load %arg10[%get3A_1568, %get3A_1569] {strides = array<i32>} : memref<256x64xbf16, #tpu.memory_space<vmem>>, vector<32xbf16>,
        %unpack3A_1571 = tpu.unpack_subelements %get3A_1570, 0 {pack_format = #tpu.pack_format<interleaved>} : vector<32xbf16> -> vector<16xf32>
        %unpack3A_1572 = tpu.unpack_subelements %get3A_1570, 1 {pack_format = #tpu.pack_format<interleaved>} : vector<32xbf16> -> vector<16xf32>
        %mul3A_1573 = vector.broadcast %squeeze3A_1561 : f32 to vector<16xf32>
        %mul3A_1574 = arith.mulf %unpack3A_1571, %mul3A_1573 : vector<16xf32>
        %swap3A_1575 = arith.index_cast %add3A_1567 : i32 to index
        %swap3A_1576 = arith.constant 0 : index
        %swap3A_1577 = tpu.vector_load %arg11[%swap3A_1575, %swap3A_1576] {strides = array<i32>} : memref<256x64xf32, #tpu.memory_space<vmem>>, vector<16xf32>,
        tpu.vector_store %arg11[%swap3A_1575, %swap3A_1576], %mul3A_1574 {strides = array<i32>} : memref<256x64xf32, #tpu.memory_space<vmem>>, vector<16xf32>,
        %mul3A_1578 = vector.broadcast %squeeze3A_1561 : f32 to vector<16xf32>
        %mul3A_1579 = arith.mulf %unpack3A_1572, %mul3A_1578 : vector<16xf32>
        %swap3A_1580 = arith.index_cast %add3A_1567 : i32 to index
        %swap3A_1581 = arith.constant 16 : index
        %swap3A_1582 = tpu.vector_load %arg11[%swap3A_1580, %swap3A_1581] {strides = array<i32>} : memref<256x64xf32, #tpu.memory_space<vmem>>, vector<16xf32>,
        tpu.vector_store %arg11[%swap3A_1580, %swap3A_1581], %mul3A_1579 {strides = array<i32>} : memref<256x64xf32, #tpu.memory_space<vmem>>, vector<16xf32>,
        %get3A_1583 = arith.index_cast %add3A_1567 : i32 to index
        %get3A_1584 = arith.constant 32 : index
        %get3A_1585 = tpu.vector_load %arg10[%get3A_1583, %get3A_1584] {strides = array<i32>} : memref<256x64xbf16, #tpu.memory_space<vmem>>, vector<32xbf16>,
        %unpack3A_1586 = tpu.unpack_subelements %get3A_1585, 0 {pack_format = #tpu.pack_format<interleaved>} : vector<32xbf16> -> vector<16xf32>
        %unpack3A_1587 = tpu.unpack_subelements %get3A_1585, 1 {pack_format = #tpu.pack_format<interleaved>} : vector<32xbf16> -> vector<16xf32>
        %mul3A_1588 = vector.broadcast %squeeze3A_1561 : f32 to vector<16xf32>
        %mul3A_1589 = arith.mulf %unpack3A_1586, %mul3A_1588 : vector<16xf32>
        %swap3A_1590 = arith.index_cast %add3A_1567 : i32 to index
        %swap3A_1591 = arith.constant 32 : index
        %swap3A_1592 = tpu.vector_load %arg11[%swap3A_1590, %swap3A_1591] {strides = array<i32>} : memref<256x64xf32, #tpu.memory_space<vmem>>, vector<16xf32>,
        tpu.vector_store %arg11[%swap3A_1590, %swap3A_1591], %mul3A_1589 {strides = array<i32>} : memref<256x64xf32, #tpu.memory_space<vmem>>, vector<16xf32>,
        %mul3A_1593 = vector.broadcast %squeeze3A_1561 : f32 to vector<16xf32>
        %mul3A_1594 = arith.mulf %unpack3A_1587, %mul3A_1593 : vector<16xf32>
        %swap3A_1595 = arith.index_cast %add3A_1567 : i32 to index
        %swap3A_1596 = arith.constant 48 : index
        %swap3A_1597 = tpu.vector_load %arg11[%swap3A_1595, %swap3A_1596] {strides = array<i32>} : memref<256x64xf32, #tpu.memory_space<vmem>>, vector<16xf32>,
        tpu.vector_store %arg11[%swap3A_1595, %swap3A_1596], %mul3A_1594 {strides = array<i32>} : memref<256x64xf32, #tpu.memory_space<vmem>>, vector<16xf32>,
        %scan3A_1598 = arith.constant 0 : i32
        scf.yield %scan3A_1598 : i32
      }
      %scan3A_469 = arith.constant 8 : i32
      %jit3A_470 = arith.constant 8 : i32
      %div3A_471 = arith.divsi %add3A_354, %jit3A_470 : i32
      %sign3A_472 = arith.constant 0 : i32
      %sign3A_473 = arith.cmpi sgt, %add3A_354, %sign3A_472 : i32
      %sign3A_474 = arith.extui %sign3A_473 : i1 to i32
      %sign3A_475 = arith.constant 0 : i32
      %sign3A_476 = arith.cmpi slt, %add3A_354, %sign3A_475 : i32
      %sign3A_477 = arith.extui %sign3A_476 : i1 to i32
      %sign3A_478 = arith.subi %sign3A_474, %sign3A_477 : i32
      %sign3A_479 = arith.constant 0 : i32
      %sign3A_480 = arith.cmpi sgt, %jit3A_470, %sign3A_479 : i32
      %sign3A_481 = arith.extui %sign3A_480 : i1 to i32
      %sign3A_482 = arith.constant 0 : i32
      %sign3A_483 = arith.cmpi slt, %jit3A_470, %sign3A_482 : i32
      %sign3A_484 = arith.extui %sign3A_483 : i1 to i32
      %sign3A_485 = arith.subi %sign3A_481, %sign3A_484 : i32
      %ne3A_486 = arith.cmpi ne, %sign3A_478, %sign3A_485 : i32
      %rem3A_487 = arith.remsi %add3A_354, %jit3A_470 : i32
      %ne3A_488 = arith.constant 0 : i32
      %ne3A_489 = arith.cmpi ne, %rem3A_487, %ne3A_488 : i32
      %and3A_490 = arith.andi %ne3A_486, %ne3A_489 : i1
      %sub3A_491 = arith.constant 1 : i32
      %sub3A_492 = arith.subi %div3A_471, %sub3A_491 : i32
      %select_n3A_493 = arith.select %and3A_490, %sub3A_492, %div3A_471 : i32
      %jit3A_494 = arith.constant 2 : i32
      %eq3A_495 = arith.constant 0 : i32
      %eq3A_496 = arith.cmpi eq, %jit3A_494, %eq3A_495 : i32
      %jit3A_497 = arith.constant 1 : i32
      %select_n3A_498 = arith.select %eq3A_496, %jit3A_497, %jit3A_494 : i32
      %rem3A_499 = arith.remsi %select_n3A_493, %select_n3A_498 : i32
      %ne3A_500 = arith.constant 0 : i32
      %ne3A_501 = arith.cmpi ne, %rem3A_499, %ne3A_500 : i32
      %lt3A_502 = arith.constant 0 : i32
      %lt3A_503 = arith.cmpi slt, %rem3A_499, %lt3A_502 : i32
      %lt3A_504 = arith.constant 0 : i32
      %lt3A_505 = arith.cmpi slt, %select_n3A_498, %lt3A_504 : i32
      %ne3A_506 = arith.xori %lt3A_503, %lt3A_505 : i1
      %and3A_507 = arith.andi %ne3A_506, %ne3A_501 : i1
      %add3A_508 = arith.addi %rem3A_499, %select_n3A_498 : i32
      %select_n3A_509 = arith.select %and3A_507, %add3A_508, %rem3A_499 : i32
      %jit3A_510 = arith.constant 8 : i32
      %eq3A_511 = arith.constant 0 : i32
      %eq3A_512 = arith.cmpi eq, %jit3A_510, %eq3A_511 : i32
      %jit3A_513 = arith.constant 1 : i32
      %select_n3A_514 = arith.select %eq3A_512, %jit3A_513, %jit3A_510 : i32
      %rem3A_515 = arith.remsi %add3A_354, %select_n3A_514 : i32
      %ne3A_516 = arith.constant 0 : i32
      %ne3A_517 = arith.cmpi ne, %rem3A_515, %ne3A_516 : i32
      %lt3A_518 = arith.constant 0 : i32
      %lt3A_519 = arith.cmpi slt, %rem3A_515, %lt3A_518 : i32
      %lt3A_520 = arith.constant 0 : i32
      %lt3A_521 = arith.cmpi slt, %select_n3A_514, %lt3A_520 : i32
      %ne3A_522 = arith.xori %lt3A_519, %lt3A_521 : i1
      %and3A_523 = arith.andi %ne3A_522, %ne3A_517 : i1
      %add3A_524 = arith.addi %rem3A_515, %select_n3A_514 : i32
      %select_n3A_525 = arith.select %and3A_523, %add3A_524, %rem3A_515 : i32
      %get3A_526 = arith.index_cast %select_n3A_509 : i32 to index
      %get3A_527 = arith.index_cast %select_n3A_525 : i32 to index
      %get3A_528 = arith.constant 0 : index
      %get3A_529 = tpu.vector_load %arg6[%get3A_526, %get3A_527, %get3A_528] {strides = array<i32>} : memref<2x8x128xi32, #tpu.memory_space<vmem>>, vector<16xi32>,
      %shift_right_logical3A = arith.constant 16 : i32
      %shift_right_logical3A_530 = vector.broadcast %shift_right_logical3A : i32 to vector<16xi32>
      %shift_right_logical3A_531 = arith.shrui %get3A_529, %shift_right_logical3A_530 : vector<16xi32>
      %swap3A_532 = arith.constant 0 : i32
      %swap3A_533 = arith.index_cast %swap3A_532 : i32 to index
      %swap3A_534 = arith.constant 0 : index
      %swap3A_535 = tpu.vector_load %arg9[%swap3A_533, %swap3A_534] {strides = array<i32>} : memref<2x128xi32, #tpu.memory_space<vmem>>, vector<16xi32>,
      tpu.vector_store %arg9[%swap3A_533, %swap3A_534], %shift_right_logical3A_531 {strides = array<i32>} : memref<2x128xi32, #tpu.memory_space<vmem>>, vector<16xi32>,
      %get3A_536 = arith.index_cast %select_n3A_509 : i32 to index
      %get3A_537 = arith.index_cast %select_n3A_525 : i32 to index
      %get3A_538 = arith.constant 16 : index
      %get3A_539 = tpu.vector_load %arg6[%get3A_536, %get3A_537, %get3A_538] {strides = array<i32>} : memref<2x8x128xi32, #tpu.memory_space<vmem>>, vector<16xi32>,
      %shift_right_logical3A_540 = arith.constant 16 : i32
      %shift_right_logical3A_541 = vector.broadcast %shift_right_logical3A_540 : i32 to vector<16xi32>
      %shift_right_logical3A_542 = arith.shrui %get3A_539, %shift_right_logical3A_541 : vector<16xi32>
      %swap3A_543 = arith.constant 0 : i32
      %swap3A_544 = arith.index_cast %swap3A_543 : i32 to index
      %swap3A_545 = arith.constant 16 : index
      %swap3A_546 = tpu.vector_load %arg9[%swap3A_544, %swap3A_545] {strides = array<i32>} : memref<2x128xi32, #tpu.memory_space<vmem>>, vector<16xi32>,
      tpu.vector_store %arg9[%swap3A_544, %swap3A_545], %shift_right_logical3A_542 {strides = array<i32>} : memref<2x128xi32, #tpu.memory_space<vmem>>, vector<16xi32>,
      %get3A_547 = arith.index_cast %select_n3A_509 : i32 to index
      %get3A_548 = arith.index_cast %select_n3A_525 : i32 to index
      %get3A_549 = arith.constant 32 : index
      %get3A_550 = tpu.vector_load %arg6[%get3A_547, %get3A_548, %get3A_549] {strides = array<i32>} : memref<2x8x128xi32, #tpu.memory_space<vmem>>, vector<16xi32>,
      %shift_right_logical3A_551 = arith.constant 16 : i32
      %shift_right_logical3A_552 = vector.broadcast %shift_right_logical3A_551 : i32 to vector<16xi32>
      %shift_right_logical3A_553 = arith.shrui %get3A_550, %shift_right_logical3A_552 : vector<16xi32>
      %swap3A_554 = arith.constant 0 : i32
      %swap3A_555 = arith.index_cast %swap3A_554 : i32 to index
      %swap3A_556 = arith.constant 32 : index
      %swap3A_557 = tpu.vector_load %arg9[%swap3A_555, %swap3A_556] {strides = array<i32>} : memref<2x128xi32, #tpu.memory_space<vmem>>, vector<16xi32>,
      tpu.vector_store %arg9[%swap3A_555, %swap3A_556], %shift_right_logical3A_553 {strides = array<i32>} : memref<2x128xi32, #tpu.memory_space<vmem>>, vector<16xi32>,
      %get3A_558 = arith.index_cast %select_n3A_509 : i32 to index
      %get3A_559 = arith.index_cast %select_n3A_525 : i32 to index
      %get3A_560 = arith.constant 48 : index
      %get3A_561 = tpu.vector_load %arg6[%get3A_558, %get3A_559, %get3A_560] {strides = array<i32>} : memref<2x8x128xi32, #tpu.memory_space<vmem>>, vector<16xi32>,
      %shift_right_logical3A_562 = arith.constant 16 : i32
      %shift_right_logical3A_563 = vector.broadcast %shift_right_logical3A_562 : i32 to vector<16xi32>
      %shift_right_logical3A_564 = arith.shrui %get3A_561, %shift_right_logical3A_563 : vector<16xi32>
      %swap3A_565 = arith.constant 0 : i32
      %swap3A_566 = arith.index_cast %swap3A_565 : i32 to index
      %swap3A_567 = arith.constant 48 : index
      %swap3A_568 = tpu.vector_load %arg9[%swap3A_566, %swap3A_567] {strides = array<i32>} : memref<2x128xi32, #tpu.memory_space<vmem>>, vector<16xi32>,
      tpu.vector_store %arg9[%swap3A_566, %swap3A_567], %shift_right_logical3A_564 {strides = array<i32>} : memref<2x128xi32, #tpu.memory_space<vmem>>, vector<16xi32>,
      %get3A_569 = arith.index_cast %select_n3A_509 : i32 to index
      %get3A_570 = arith.index_cast %select_n3A_525 : i32 to index
      %get3A_571 = arith.constant 64 : index
      %get3A_572 = tpu.vector_load %arg6[%get3A_569, %get3A_570, %get3A_571] {strides = array<i32>} : memref<2x8x128xi32, #tpu.memory_space<vmem>>, vector<16xi32>,
      %shift_right_logical3A_573 = arith.constant 16 : i32
      %shift_right_logical3A_574 = vector.broadcast %shift_right_logical3A_573 : i32 to vector<16xi32>
      %shift_right_logical3A_575 = arith.shrui %get3A_572, %shift_right_logical3A_574 : vector<16xi32>
      %swap3A_576 = arith.constant 0 : i32
      %swap3A_577 = arith.index_cast %swap3A_576 : i32 to index
      %swap3A_578 = arith.constant 64 : index
      %swap3A_579 = tpu.vector_load %arg9[%swap3A_577, %swap3A_578] {strides = array<i32>} : memref<2x128xi32, #tpu.memory_space<vmem>>, vector<16xi32>,
      tpu.vector_store %arg9[%swap3A_577, %swap3A_578], %shift_right_logical3A_575 {strides = array<i32>} : memref<2x128xi32, #tpu.memory_space<vmem>>, vector<16xi32>,
      %get3A_580 = arith.index_cast %select_n3A_509 : i32 to index
      %get3A_581 = arith.index_cast %select_n3A_525 : i32 to index
      %get3A_582 = arith.constant 80 : index
      %get3A_583 = tpu.vector_load %arg6[%get3A_580, %get3A_581, %get3A_582] {strides = array<i32>} : memref<2x8x128xi32, #tpu.memory_space<vmem>>, vector<16xi32>,
      %shift_right_logical3A_584 = arith.constant 16 : i32
      %shift_right_logical3A_585 = vector.broadcast %shift_right_logical3A_584 : i32 to vector<16xi32>
      %shift_right_logical3A_586 = arith.shrui %get3A_583, %shift_right_logical3A_585 : vector<16xi32>
      %swap3A_587 = arith.constant 0 : i32
      %swap3A_588 = arith.index_cast %swap3A_587 : i32 to index
      %swap3A_589 = arith.constant 80 : index
      %swap3A_590 = tpu.vector_load %arg9[%swap3A_588, %swap3A_589] {strides = array<i32>} : memref<2x128xi32, #tpu.memory_space<vmem>>, vector<16xi32>,
      tpu.vector_store %arg9[%swap3A_588, %swap3A_589], %shift_right_logical3A_586 {strides = array<i32>} : memref<2x128xi32, #tpu.memory_space<vmem>>, vector<16xi32>,
      %get3A_591 = arith.index_cast %select_n3A_509 : i32 to index
      %get3A_592 = arith.index_cast %select_n3A_525 : i32 to index
      %get3A_593 = arith.constant 96 : index
      %get3A_594 = tpu.vector_load %arg6[%get3A_591, %get3A_592, %get3A_593] {strides = array<i32>} : memref<2x8x128xi32, #tpu.memory_space<vmem>>, vector<16xi32>,
      %shift_right_logical3A_595 = arith.constant 16 : i32
      %shift_right_logical3A_596 = vector.broadcast %shift_right_logical3A_595 : i32 to vector<16xi32>
      %shift_right_logical3A_597 = arith.shrui %get3A_594, %shift_right_logical3A_596 : vector<16xi32>
      %swap3A_598 = arith.constant 0 : i32
      %swap3A_599 = arith.index_cast %swap3A_598 : i32 to index
      %swap3A_600 = arith.constant 96 : index
      %swap3A_601 = tpu.vector_load %arg9[%swap3A_599, %swap3A_600] {strides = array<i32>} : memref<2x128xi32, #tpu.memory_space<vmem>>, vector<16xi32>,
      tpu.vector_store %arg9[%swap3A_599, %swap3A_600], %shift_right_logical3A_597 {strides = array<i32>} : memref<2x128xi32, #tpu.memory_space<vmem>>, vector<16xi32>,
      %get3A_602 = arith.index_cast %select_n3A_509 : i32 to index
      %get3A_603 = arith.index_cast %select_n3A_525 : i32 to index
      %get3A_604 = arith.constant 112 : index
      %get3A_605 = tpu.vector_load %arg6[%get3A_602, %get3A_603, %get3A_604] {strides = array<i32>} : memref<2x8x128xi32, #tpu.memory_space<vmem>>, vector<16xi32>,
      %shift_right_logical3A_606 = arith.constant 16 : i32
      %shift_right_logical3A_607 = vector.broadcast %shift_right_logical3A_606 : i32 to vector<16xi32>
      %shift_right_logical3A_608 = arith.shrui %get3A_605, %shift_right_logical3A_607 : vector<16xi32>
      %swap3A_609 = arith.constant 0 : i32
      %swap3A_610 = arith.index_cast %swap3A_609 : i32 to index
      %swap3A_611 = arith.constant 112 : index
      %swap3A_612 = tpu.vector_load %arg9[%swap3A_610, %swap3A_611] {strides = array<i32>} : memref<2x128xi32, #tpu.memory_space<vmem>>, vector<16xi32>,
      tpu.vector_store %arg9[%swap3A_610, %swap3A_611], %shift_right_logical3A_608 {strides = array<i32>} : memref<2x128xi32, #tpu.memory_space<vmem>>, vector<16xi32>,
      %add3A_613 = arith.constant 2 : i32
      %add3A_614 = arith.addi %add3A_354, %add3A_613 : i32
      %lt3A_615 = arith.constant 160 : i32
      %lt3A_616 = arith.cmpi slt, %add3A_614, %lt3A_615 : i32
      %convert_element_type3A_617 = arith.extui %lt3A_616 : i1 to i32
      %cond3A_618 = arith.constant 0 : i32
      %cond3A_619 = arith.cmpi ne, %convert_element_type3A_617, %cond3A_618 : i32
      scf.if %cond3A_619 {
        %add3A_929 = arith.constant 2 : i32
        %add3A_930 = arith.addi %add3A_354, %add3A_929 : i32
        %jit3A_931 = arith.constant 8 : i32
        %div3A_932 = arith.divsi %add3A_930, %jit3A_931 : i32
        %sign3A_933 = arith.constant 0 : i32
        %sign3A_934 = arith.cmpi sgt, %add3A_930, %sign3A_933 : i32
        %sign3A_935 = arith.extui %sign3A_934 : i1 to i32
        %sign3A_936 = arith.constant 0 : i32
        %sign3A_937 = arith.cmpi slt, %add3A_930, %sign3A_936 : i32
        %sign3A_938 = arith.extui %sign3A_937 : i1 to i32
        %sign3A_939 = arith.subi %sign3A_935, %sign3A_938 : i32
        %sign3A_940 = arith.constant 0 : i32
        %sign3A_941 = arith.cmpi sgt, %jit3A_931, %sign3A_940 : i32
        %sign3A_942 = arith.extui %sign3A_941 : i1 to i32
        %sign3A_943 = arith.constant 0 : i32
        %sign3A_944 = arith.cmpi slt, %jit3A_931, %sign3A_943 : i32
        %sign3A_945 = arith.extui %sign3A_944 : i1 to i32
        %sign3A_946 = arith.subi %sign3A_942, %sign3A_945 : i32
        %ne3A_947 = arith.cmpi ne, %sign3A_939, %sign3A_946 : i32
        %rem3A_948 = arith.remsi %add3A_930, %jit3A_931 : i32
        %ne3A_949 = arith.constant 0 : i32
        %ne3A_950 = arith.cmpi ne, %rem3A_948, %ne3A_949 : i32
        %and3A_951 = arith.andi %ne3A_947, %ne3A_950 : i1
        %sub3A_952 = arith.constant 1 : i32
        %sub3A_953 = arith.subi %div3A_932, %sub3A_952 : i32
        %select_n3A_954 = arith.select %and3A_951, %sub3A_953, %div3A_932 : i32
        %jit3A_955 = arith.constant 2 : i32
        %eq3A_956 = arith.constant 0 : i32
        %eq3A_957 = arith.cmpi eq, %jit3A_955, %eq3A_956 : i32
        %jit3A_958 = arith.constant 1 : i32
        %select_n3A_959 = arith.select %eq3A_957, %jit3A_958, %jit3A_955 : i32
        %rem3A_960 = arith.remsi %select_n3A_954, %select_n3A_959 : i32
        %ne3A_961 = arith.constant 0 : i32
        %ne3A_962 = arith.cmpi ne, %rem3A_960, %ne3A_961 : i32
        %lt3A_963 = arith.constant 0 : i32
        %lt3A_964 = arith.cmpi slt, %rem3A_960, %lt3A_963 : i32
        %lt3A_965 = arith.constant 0 : i32
        %lt3A_966 = arith.cmpi slt, %select_n3A_959, %lt3A_965 : i32
        %ne3A_967 = arith.xori %lt3A_964, %lt3A_966 : i1
        %and3A_968 = arith.andi %ne3A_967, %ne3A_962 : i1
        %add3A_969 = arith.addi %rem3A_960, %select_n3A_959 : i32
        %select_n3A_970 = arith.select %and3A_968, %add3A_969, %rem3A_960 : i32
        %jit3A_971 = arith.constant 8 : i32
        %eq3A_972 = arith.constant 0 : i32
        %eq3A_973 = arith.cmpi eq, %jit3A_971, %eq3A_972 : i32
        %jit3A_974 = arith.constant 1 : i32
        %select_n3A_975 = arith.select %eq3A_973, %jit3A_974, %jit3A_971 : i32
        %rem3A_976 = arith.remsi %add3A_930, %select_n3A_975 : i32
        %ne3A_977 = arith.constant 0 : i32
        %ne3A_978 = arith.cmpi ne, %rem3A_976, %ne3A_977 : i32
        %lt3A_979 = arith.constant 0 : i32
        %lt3A_980 = arith.cmpi slt, %rem3A_976, %lt3A_979 : i32
        %lt3A_981 = arith.constant 0 : i32
        %lt3A_982 = arith.cmpi slt, %select_n3A_975, %lt3A_981 : i32
        %ne3A_983 = arith.xori %lt3A_980, %lt3A_982 : i1
        %and3A_984 = arith.andi %ne3A_983, %ne3A_978 : i1
        %add3A_985 = arith.addi %rem3A_976, %select_n3A_975 : i32
        %select_n3A_986 = arith.select %and3A_984, %add3A_985, %rem3A_976 : i32
        %get3A_987 = arith.index_cast %select_n3A_970 : i32 to index
        %get3A_988 = arith.index_cast %select_n3A_986 : i32 to index
        %get3A_989 = arith.constant 0 : index
        %get3A_990 = tpu.vector_load %arg6[%get3A_987, %get3A_988, %get3A_989] {strides = array<i32>} : memref<2x8x128xi32, #tpu.memory_space<vmem>>, vector<16xi32>,
        %and3A_991 = arith.constant 65535 : i32
        %and3A_992 = vector.broadcast %and3A_991 : i32 to vector<16xi32>
        %and3A_993 = arith.andi %get3A_990, %and3A_992 : vector<16xi32>
        %swap3A_994 = arith.constant 0 : i32
        %swap3A_995 = arith.index_cast %swap3A_994 : i32 to index
        %swap3A_996 = arith.constant 0 : index
        %swap3A_997 = tpu.vector_load %arg8[%swap3A_995, %swap3A_996] {strides = array<i32>} : memref<2x128xi32, #tpu.memory_space<vmem>>, vector<16xi32>,
        tpu.vector_store %arg8[%swap3A_995, %swap3A_996], %and3A_993 {strides = array<i32>} : memref<2x128xi32, #tpu.memory_space<vmem>>, vector<16xi32>,
        %get3A_998 = arith.index_cast %select_n3A_970 : i32 to index
        %get3A_999 = arith.index_cast %select_n3A_986 : i32 to index
        %get3A_1000 = arith.constant 16 : index
        %get3A_1001 = tpu.vector_load %arg6[%get3A_998, %get3A_999, %get3A_1000] {strides = array<i32>} : memref<2x8x128xi32, #tpu.memory_space<vmem>>, vector<16xi32>,
        %and3A_1002 = arith.constant 65535 : i32
        %and3A_1003 = vector.broadcast %and3A_1002 : i32 to vector<16xi32>
        %and3A_1004 = arith.andi %get3A_1001, %and3A_1003 : vector<16xi32>
        %swap3A_1005 = arith.constant 0 : i32
        %swap3A_1006 = arith.index_cast %swap3A_1005 : i32 to index
        %swap3A_1007 = arith.constant 16 : index
        %swap3A_1008 = tpu.vector_load %arg8[%swap3A_1006, %swap3A_1007] {strides = array<i32>} : memref<2x128xi32, #tpu.memory_space<vmem>>, vector<16xi32>,
        tpu.vector_store %arg8[%swap3A_1006, %swap3A_1007], %and3A_1004 {strides = array<i32>} : memref<2x128xi32, #tpu.memory_space<vmem>>, vector<16xi32>,
        %get3A_1009 = arith.index_cast %select_n3A_970 : i32 to index
        %get3A_1010 = arith.index_cast %select_n3A_986 : i32 to index
        %get3A_1011 = arith.constant 32 : index
        %get3A_1012 = tpu.vector_load %arg6[%get3A_1009, %get3A_1010, %get3A_1011] {strides = array<i32>} : memref<2x8x128xi32, #tpu.memory_space<vmem>>, vector<16xi32>,
        %and3A_1013 = arith.constant 65535 : i32
        %and3A_1014 = vector.broadcast %and3A_1013 : i32 to vector<16xi32>
        %and3A_1015 = arith.andi %get3A_1012, %and3A_1014 : vector<16xi32>
        %swap3A_1016 = arith.constant 0 : i32
        %swap3A_1017 = arith.index_cast %swap3A_1016 : i32 to index
        %swap3A_1018 = arith.constant 32 : index
        %swap3A_1019 = tpu.vector_load %arg8[%swap3A_1017, %swap3A_1018] {strides = array<i32>} : memref<2x128xi32, #tpu.memory_space<vmem>>, vector<16xi32>,
        tpu.vector_store %arg8[%swap3A_1017, %swap3A_1018], %and3A_1015 {strides = array<i32>} : memref<2x128xi32, #tpu.memory_space<vmem>>, vector<16xi32>,
        %get3A_1020 = arith.index_cast %select_n3A_970 : i32 to index
        %get3A_1021 = arith.index_cast %select_n3A_986 : i32 to index
        %get3A_1022 = arith.constant 48 : index
        %get3A_1023 = tpu.vector_load %arg6[%get3A_1020, %get3A_1021, %get3A_1022] {strides = array<i32>} : memref<2x8x128xi32, #tpu.memory_space<vmem>>, vector<16xi32>,
        %and3A_1024 = arith.constant 65535 : i32
        %and3A_1025 = vector.broadcast %and3A_1024 : i32 to vector<16xi32>
        %and3A_1026 = arith.andi %get3A_1023, %and3A_1025 : vector<16xi32>
        %swap3A_1027 = arith.constant 0 : i32
        %swap3A_1028 = arith.index_cast %swap3A_1027 : i32 to index
        %swap3A_1029 = arith.constant 48 : index
        %swap3A_1030 = tpu.vector_load %arg8[%swap3A_1028, %swap3A_1029] {strides = array<i32>} : memref<2x128xi32, #tpu.memory_space<vmem>>, vector<16xi32>,
        tpu.vector_store %arg8[%swap3A_1028, %swap3A_1029], %and3A_1026 {strides = array<i32>} : memref<2x128xi32, #tpu.memory_space<vmem>>, vector<16xi32>,
        %get3A_1031 = arith.index_cast %select_n3A_970 : i32 to index
        %get3A_1032 = arith.index_cast %select_n3A_986 : i32 to index
        %get3A_1033 = arith.constant 64 : index
        %get3A_1034 = tpu.vector_load %arg6[%get3A_1031, %get3A_1032, %get3A_1033] {strides = array<i32>} : memref<2x8x128xi32, #tpu.memory_space<vmem>>, vector<16xi32>,
        %and3A_1035 = arith.constant 65535 : i32
        %and3A_1036 = vector.broadcast %and3A_1035 : i32 to vector<16xi32>
        %and3A_1037 = arith.andi %get3A_1034, %and3A_1036 : vector<16xi32>
        %swap3A_1038 = arith.constant 0 : i32
        %swap3A_1039 = arith.index_cast %swap3A_1038 : i32 to index
        %swap3A_1040 = arith.constant 64 : index
        %swap3A_1041 = tpu.vector_load %arg8[%swap3A_1039, %swap3A_1040] {strides = array<i32>} : memref<2x128xi32, #tpu.memory_space<vmem>>, vector<16xi32>,
        tpu.vector_store %arg8[%swap3A_1039, %swap3A_1040], %and3A_1037 {strides = array<i32>} : memref<2x128xi32, #tpu.memory_space<vmem>>, vector<16xi32>,
        %get3A_1042 = arith.index_cast %select_n3A_970 : i32 to index
        %get3A_1043 = arith.index_cast %select_n3A_986 : i32 to index
        %get3A_1044 = arith.constant 80 : index
        %get3A_1045 = tpu.vector_load %arg6[%get3A_1042, %get3A_1043, %get3A_1044] {strides = array<i32>} : memref<2x8x128xi32, #tpu.memory_space<vmem>>, vector<16xi32>,
        %and3A_1046 = arith.constant 65535 : i32
        %and3A_1047 = vector.broadcast %and3A_1046 : i32 to vector<16xi32>
        %and3A_1048 = arith.andi %get3A_1045, %and3A_1047 : vector<16xi32>
        %swap3A_1049 = arith.constant 0 : i32
        %swap3A_1050 = arith.index_cast %swap3A_1049 : i32 to index
        %swap3A_1051 = arith.constant 80 : index
        %swap3A_1052 = tpu.vector_load %arg8[%swap3A_1050, %swap3A_1051] {strides = array<i32>} : memref<2x128xi32, #tpu.memory_space<vmem>>, vector<16xi32>,
        tpu.vector_store %arg8[%swap3A_1050, %swap3A_1051], %and3A_1048 {strides = array<i32>} : memref<2x128xi32, #tpu.memory_space<vmem>>, vector<16xi32>,
        %get3A_1053 = arith.index_cast %select_n3A_970 : i32 to index
        %get3A_1054 = arith.index_cast %select_n3A_986 : i32 to index
        %get3A_1055 = arith.constant 96 : index
        %get3A_1056 = tpu.vector_load %arg6[%get3A_1053, %get3A_1054, %get3A_1055] {strides = array<i32>} : memref<2x8x128xi32, #tpu.memory_space<vmem>>, vector<16xi32>,
        %and3A_1057 = arith.constant 65535 : i32
        %and3A_1058 = vector.broadcast %and3A_1057 : i32 to vector<16xi32>
        %and3A_1059 = arith.andi %get3A_1056, %and3A_1058 : vector<16xi32>
        %swap3A_1060 = arith.constant 0 : i32
        %swap3A_1061 = arith.index_cast %swap3A_1060 : i32 to index
        %swap3A_1062 = arith.constant 96 : index
        %swap3A_1063 = tpu.vector_load %arg8[%swap3A_1061, %swap3A_1062] {strides = array<i32>} : memref<2x128xi32, #tpu.memory_space<vmem>>, vector<16xi32>,
        tpu.vector_store %arg8[%swap3A_1061, %swap3A_1062], %and3A_1059 {strides = array<i32>} : memref<2x128xi32, #tpu.memory_space<vmem>>, vector<16xi32>,
        %get3A_1064 = arith.index_cast %select_n3A_970 : i32 to index
        %get3A_1065 = arith.index_cast %select_n3A_986 : i32 to index
        %get3A_1066 = arith.constant 112 : index
        %get3A_1067 = tpu.vector_load %arg6[%get3A_1064, %get3A_1065, %get3A_1066] {strides = array<i32>} : memref<2x8x128xi32, #tpu.memory_space<vmem>>, vector<16xi32>,
        %and3A_1068 = arith.constant 65535 : i32
        %and3A_1069 = vector.broadcast %and3A_1068 : i32 to vector<16xi32>
        %and3A_1070 = arith.andi %get3A_1067, %and3A_1069 : vector<16xi32>
        %swap3A_1071 = arith.constant 0 : i32
        %swap3A_1072 = arith.index_cast %swap3A_1071 : i32 to index
        %swap3A_1073 = arith.constant 112 : index
        %swap3A_1074 = tpu.vector_load %arg8[%swap3A_1072, %swap3A_1073] {strides = array<i32>} : memref<2x128xi32, #tpu.memory_space<vmem>>, vector<16xi32>,
        tpu.vector_store %arg8[%swap3A_1072, %swap3A_1073], %and3A_1070 {strides = array<i32>} : memref<2x128xi32, #tpu.memory_space<vmem>>, vector<16xi32>,
        %dma_start3A_1075 = arith.constant 0 : i32
        %dma_start3A_1076 = arith.constant 0 : i32
        %dma_start3A_1077 = arith.constant 0 : i32
        %dma_start3A_1078 = arith.constant 0 : i32
        %dma_start3A_1079 = tpu.memref_slice %arg10[%dma_start3A_1077, %dma_start3A_1078] : memref<256x64xbf16, #tpu.memory_space<vmem>> -> memref<128x64xbf16, #tpu.memory_space<vmem>>
        %dma_start3A_1080 = arith.constant 0 : i32
        %dma_start3A_1081 = tpu.memref_slice %arg8[%dma_start3A_1075, %dma_start3A_1080] : memref<2x128xi32, #tpu.memory_space<vmem>> -> memref<1x128xi32, #tpu.memory_space<vmem>>
        %dma_start3A_1082 = tpu.memref_squeeze %dma_start3A_1081 : memref<1x128xi32, #tpu.memory_space<vmem>> -> memref<128xi32, #tpu.memory_space<vmem>>
        %dma_start3A_1083 = arith.constant 0 : i32
        %dma_start3A_1084 = arith.constant 0 : i32
        %dma_start3A_1085 = tpu.memref_slice %arg12[%dma_start3A_1083, %dma_start3A_1084] : memref<10240x64xbf16, #tpu.memory_space<vmem_shared>> -> memref<10240x64xbf16, #tpu.memory_space<vmem_shared>>
        %dma_start3A_1086 = tpu.memref_slice %arg14[%dma_start3A_1076] : memref<2x!tpu.dma_semaphore, #tpu.memory_space<semaphore_mem>> -> memref<1x!tpu.dma_semaphore, #tpu.memory_space<semaphore_mem>>
        %dma_start3A_1087 = tpu.memref_squeeze %dma_start3A_1086 : memref<1x!tpu.dma_semaphore, #tpu.memory_space<semaphore_mem>> -> memref<!tpu.dma_semaphore, #tpu.memory_space<semaphore_mem>>
        tpu.enqueue_indirect_dma source(%dma_start3A_1085 : memref<10240x64xbf16, #tpu.memory_space<vmem_shared>>) target(%dma_start3A_1079 : memref<128x64xbf16, #tpu.memory_space<vmem>>) offsets(%dma_start3A_1082 : memref<128xi32, #tpu.memory_space<vmem>>) semaphore(%dma_start3A_1087 : memref<!tpu.dma_semaphore, #tpu.memory_space<semaphore_mem>>)
      } else {
      }
      %dma_start3A_620 = arith.constant 0 : i32
      %dma_start3A_621 = arith.constant 0 : i32
      %dma_start3A_622 = arith.constant 0 : i32
      %dma_start3A_623 = arith.constant 0 : i32
      %dma_start3A_624 = tpu.memref_slice %arg11[%dma_start3A_622, %dma_start3A_623] : memref<256x64xf32, #tpu.memory_space<vmem>> -> memref<128x64xf32, #tpu.memory_space<vmem>>
      %dma_start3A_625 = arith.constant 0 : i32
      %dma_start3A_626 = tpu.memref_slice %arg9[%dma_start3A_620, %dma_start3A_625] : memref<2x128xi32, #tpu.memory_space<vmem>> -> memref<1x128xi32, #tpu.memory_space<vmem>>
      %dma_start3A_627 = tpu.memref_squeeze %dma_start3A_626 : memref<1x128xi32, #tpu.memory_space<vmem>> -> memref<128xi32, #tpu.memory_space<vmem>>
      %dma_start3A_628 = arith.constant 0 : i32
      %dma_start3A_629 = arith.constant 0 : i32
      %dma_start3A_630 = tpu.memref_slice %arg13[%dma_start3A_628, %dma_start3A_629] : memref<10240x64xf32, #tpu.memory_space<vmem_shared>> -> memref<10240x64xf32, #tpu.memory_space<vmem_shared>>
      %dma_start3A_631 = tpu.memref_slice %arg15[%dma_start3A_621] : memref<2x!tpu.dma_semaphore, #tpu.memory_space<semaphore_mem>> -> memref<1x!tpu.dma_semaphore, #tpu.memory_space<semaphore_mem>>
      %dma_start3A_632 = tpu.memref_squeeze %dma_start3A_631 : memref<1x!tpu.dma_semaphore, #tpu.memory_space<semaphore_mem>> -> memref<!tpu.dma_semaphore, #tpu.memory_space<semaphore_mem>>
      tpu.enqueue_indirect_dma source(%dma_start3A_624 : memref<128x64xf32, #tpu.memory_space<vmem>>) target(%dma_start3A_630 : memref<10240x64xf32, #tpu.memory_space<vmem_shared>>) offsets(%dma_start3A_627 : memref<128xi32, #tpu.memory_space<vmem>>) semaphore(%dma_start3A_632 : memref<!tpu.dma_semaphore, #tpu.memory_space<semaphore_mem>>) {add = true}
      %mul3A_633 = arith.constant 2 : i32
      %mul3A_634 = arith.muli %scan3A_349, %mul3A_633 : i32
      %add3A_635 = arith.constant 1 : i32
      %add3A_636 = arith.addi %mul3A_634, %add3A_635 : i32
      %jit3A_637 = arith.constant 8 : i32
      %eq3A_638 = arith.constant 0 : i32
      %eq3A_639 = arith.cmpi eq, %jit3A_637, %eq3A_638 : i32
      %jit3A_640 = arith.constant 1 : i32
      %select_n3A_641 = arith.select %eq3A_639, %jit3A_640, %jit3A_637 : i32
      %rem3A_642 = arith.remsi %add3A_636, %select_n3A_641 : i32
      %ne3A_643 = arith.constant 0 : i32
      %ne3A_644 = arith.cmpi ne, %rem3A_642, %ne3A_643 : i32
      %lt3A_645 = arith.constant 0 : i32
      %lt3A_646 = arith.cmpi slt, %rem3A_642, %lt3A_645 : i32
      %lt3A_647 = arith.constant 0 : i32
      %lt3A_648 = arith.cmpi slt, %select_n3A_641, %lt3A_647 : i32
      %ne3A_649 = arith.xori %lt3A_646, %lt3A_648 : i1
      %and3A_650 = arith.andi %ne3A_649, %ne3A_644 : i1
      %add3A_651 = arith.addi %rem3A_642, %select_n3A_641 : i32
      %select_n3A_652 = arith.select %and3A_650, %add3A_651, %rem3A_642 : i32
      %eq3A_653 = arith.constant 0 : i32
      %eq3A_654 = arith.cmpi eq, %select_n3A_652, %eq3A_653 : i32
      %jit3A_655 = arith.constant 8 : i32
      %div3A_656 = arith.divsi %add3A_636, %jit3A_655 : i32
      %sign3A_657 = arith.constant 0 : i32
      %sign3A_658 = arith.cmpi sgt, %add3A_636, %sign3A_657 : i32
      %sign3A_659 = arith.extui %sign3A_658 : i1 to i32
      %sign3A_660 = arith.constant 0 : i32
      %sign3A_661 = arith.cmpi slt, %add3A_636, %sign3A_660 : i32
      %sign3A_662 = arith.extui %sign3A_661 : i1 to i32
      %sign3A_663 = arith.subi %sign3A_659, %sign3A_662 : i32
      %sign3A_664 = arith.constant 0 : i32
      %sign3A_665 = arith.cmpi sgt, %jit3A_655, %sign3A_664 : i32
      %sign3A_666 = arith.extui %sign3A_665 : i1 to i32
      %sign3A_667 = arith.constant 0 : i32
      %sign3A_668 = arith.cmpi slt, %jit3A_655, %sign3A_667 : i32
      %sign3A_669 = arith.extui %sign3A_668 : i1 to i32
      %sign3A_670 = arith.subi %sign3A_666, %sign3A_669 : i32
      %ne3A_671 = arith.cmpi ne, %sign3A_663, %sign3A_670 : i32
      %rem3A_672 = arith.remsi %add3A_636, %jit3A_655 : i32
      %ne3A_673 = arith.constant 0 : i32
      %ne3A_674 = arith.cmpi ne, %rem3A_672, %ne3A_673 : i32
      %and3A_675 = arith.andi %ne3A_671, %ne3A_674 : i1
      %sub3A_676 = arith.constant 1 : i32
      %sub3A_677 = arith.subi %div3A_656, %sub3A_676 : i32
      %select_n3A_678 = arith.select %and3A_675, %sub3A_677, %div3A_656 : i32
      %add3A_679 = arith.constant 1 : i32
      %add3A_680 = arith.addi %select_n3A_678, %add3A_679 : i32
      %lt3A_681 = arith.constant 20 : i32
      %lt3A_682 = arith.cmpi slt, %add3A_680, %lt3A_681 : i32
      %and3A_683 = arith.andi %eq3A_654, %lt3A_682 : i1
      %convert_element_type3A_684 = arith.extui %and3A_683 : i1 to i32
      %cond3A_685 = arith.constant 0 : i32
      %cond3A_686 = arith.cmpi ne, %convert_element_type3A_684, %cond3A_685 : i32
      scf.if %cond3A_686 {
        %jit3A_929 = arith.constant 8 : i32
        %div3A_930 = arith.divsi %add3A_636, %jit3A_929 : i32
        %sign3A_931 = arith.constant 0 : i32
        %sign3A_932 = arith.cmpi sgt, %add3A_636, %sign3A_931 : i32
        %sign3A_933 = arith.extui %sign3A_932 : i1 to i32
        %sign3A_934 = arith.constant 0 : i32
        %sign3A_935 = arith.cmpi slt, %add3A_636, %sign3A_934 : i32
        %sign3A_936 = arith.extui %sign3A_935 : i1 to i32
        %sign3A_937 = arith.subi %sign3A_933, %sign3A_936 : i32
        %sign3A_938 = arith.constant 0 : i32
        %sign3A_939 = arith.cmpi sgt, %jit3A_929, %sign3A_938 : i32
        %sign3A_940 = arith.extui %sign3A_939 : i1 to i32
        %sign3A_941 = arith.constant 0 : i32
        %sign3A_942 = arith.cmpi slt, %jit3A_929, %sign3A_941 : i32
        %sign3A_943 = arith.extui %sign3A_942 : i1 to i32
        %sign3A_944 = arith.subi %sign3A_940, %sign3A_943 : i32
        %ne3A_945 = arith.cmpi ne, %sign3A_937, %sign3A_944 : i32
        %rem3A_946 = arith.remsi %add3A_636, %jit3A_929 : i32
        %ne3A_947 = arith.constant 0 : i32
        %ne3A_948 = arith.cmpi ne, %rem3A_946, %ne3A_947 : i32
        %and3A_949 = arith.andi %ne3A_945, %ne3A_948 : i1
        %sub3A_950 = arith.constant 1 : i32
        %sub3A_951 = arith.subi %div3A_930, %sub3A_950 : i32
        %select_n3A_952 = arith.select %and3A_949, %sub3A_951, %div3A_930 : i32
        %add3A_953 = arith.constant 1 : i32
        %add3A_954 = arith.addi %select_n3A_952, %add3A_953 : i32
        %jit3A_955 = arith.constant 8 : i32
        %div3A_956 = arith.divsi %add3A_636, %jit3A_955 : i32
        %sign3A_957 = arith.constant 0 : i32
        %sign3A_958 = arith.cmpi sgt, %add3A_636, %sign3A_957 : i32
        %sign3A_959 = arith.extui %sign3A_958 : i1 to i32
        %sign3A_960 = arith.constant 0 : i32
        %sign3A_961 = arith.cmpi slt, %add3A_636, %sign3A_960 : i32
        %sign3A_962 = arith.extui %sign3A_961 : i1 to i32
        %sign3A_963 = arith.subi %sign3A_959, %sign3A_962 : i32
        %sign3A_964 = arith.constant 0 : i32
        %sign3A_965 = arith.cmpi sgt, %jit3A_955, %sign3A_964 : i32
        %sign3A_966 = arith.extui %sign3A_965 : i1 to i32
        %sign3A_967 = arith.constant 0 : i32
        %sign3A_968 = arith.cmpi slt, %jit3A_955, %sign3A_967 : i32
        %sign3A_969 = arith.extui %sign3A_968 : i1 to i32
        %sign3A_970 = arith.subi %sign3A_966, %sign3A_969 : i32
        %ne3A_971 = arith.cmpi ne, %sign3A_963, %sign3A_970 : i32
        %rem3A_972 = arith.remsi %add3A_636, %jit3A_955 : i32
        %ne3A_973 = arith.constant 0 : i32
        %ne3A_974 = arith.cmpi ne, %rem3A_972, %ne3A_973 : i32
        %and3A_975 = arith.andi %ne3A_971, %ne3A_974 : i1
        %sub3A_976 = arith.constant 1 : i32
        %sub3A_977 = arith.subi %div3A_956, %sub3A_976 : i32
        %select_n3A_978 = arith.select %and3A_975, %sub3A_977, %div3A_956 : i32
        %add3A_979 = arith.constant 1 : i32
        %add3A_980 = arith.addi %select_n3A_978, %add3A_979 : i32
        %jit3A_981 = arith.constant 2 : i32
        %eq3A_982 = arith.constant 0 : i32
        %eq3A_983 = arith.cmpi eq, %jit3A_981, %eq3A_982 : i32
        %jit3A_984 = arith.constant 1 : i32
        %select_n3A_985 = arith.select %eq3A_983, %jit3A_984, %jit3A_981 : i32
        %rem3A_986 = arith.remsi %add3A_980, %select_n3A_985 : i32
        %ne3A_987 = arith.constant 0 : i32
        %ne3A_988 = arith.cmpi ne, %rem3A_986, %ne3A_987 : i32
        %lt3A_989 = arith.constant 0 : i32
        %lt3A_990 = arith.cmpi slt, %rem3A_986, %lt3A_989 : i32
        %lt3A_991 = arith.constant 0 : i32
        %lt3A_992 = arith.cmpi slt, %select_n3A_985, %lt3A_991 : i32
        %ne3A_993 = arith.xori %lt3A_990, %lt3A_992 : i1
        %and3A_994 = arith.andi %ne3A_993, %ne3A_988 : i1
        %add3A_995 = arith.addi %rem3A_986, %select_n3A_985 : i32
        %select_n3A_996 = arith.select %and3A_994, %add3A_995, %rem3A_986 : i32
        %mul3A_997 = arith.constant 160 : i32
        %mul3A_998 = arith.muli %arg1, %mul3A_997 : i32
        %mul3A_999 = arith.constant 8 : i32
        %mul3A_1000 = arith.muli %add3A_954, %mul3A_999 : i32
        %add3A_1001 = arith.addi %mul3A_998, %mul3A_1000 : i32
        %dma_start3A_1002 = arith.constant 0 : i32
        %dma_start3A_1003 = arith.constant 0 : i32
        %dma_start3A_1004 = tpu.memref_slice %arg6[%select_n3A_996, %dma_start3A_1002, %dma_start3A_1003] : memref<2x8x128xi32, #tpu.memory_space<vmem>> -> memref<1x8x128xi32, #tpu.memory_space<vmem>>
        %dma_start3A_1005 = tpu.memref_squeeze %dma_start3A_1004 : memref<1x8x128xi32, #tpu.memory_space<vmem>> -> memref<8x128xi32, #tpu.memory_space<vmem>>
        %dma_start3A_1006 = arith.constant 0 : i32
        %dma_start3A_1007 = tpu.memref_slice %arg3[%add3A_1001, %dma_start3A_1006] : memref<2560x128xi32, #tpu.memory_space<hbm>> -> memref<8x128xi32, #tpu.memory_space<hbm>>
        %dma_start3A_1008 = tpu.memref_slice %arg16[%select_n3A_996] : memref<2x!tpu.dma_semaphore, #tpu.memory_space<semaphore_mem>> -> memref<1x!tpu.dma_semaphore, #tpu.memory_space<semaphore_mem>>
        %dma_start3A_1009 = tpu.memref_squeeze %dma_start3A_1008 : memref<1x!tpu.dma_semaphore, #tpu.memory_space<semaphore_mem>> -> memref<!tpu.dma_semaphore, #tpu.memory_space<semaphore_mem>>
        %dma_start3A_1010 = arith.constant 0 : i32
        %dma_start3A_1011 = arith.constant 0 : i32
        %dma_start3A_1012 = tpu.memref_slice %arg6[%select_n3A_996, %dma_start3A_1010, %dma_start3A_1011] : memref<2x8x128xi32, #tpu.memory_space<vmem>> -> memref<1x8x128xi32, #tpu.memory_space<vmem>>
        %dma_start3A_1013 = tpu.memref_squeeze %dma_start3A_1012 : memref<1x8x128xi32, #tpu.memory_space<vmem>> -> memref<8x128xi32, #tpu.memory_space<vmem>>
        %dma_start3A_1014 = arith.constant 0 : i32
        %dma_start3A_1015 = tpu.memref_slice %arg3[%add3A_1001, %dma_start3A_1014] : memref<2560x128xi32, #tpu.memory_space<hbm>> -> memref<8x128xi32, #tpu.memory_space<hbm>>
        tpu.enqueue_dma source(%dma_start3A_1015 : memref<8x128xi32, #tpu.memory_space<hbm>>) target(%dma_start3A_1013 : memref<8x128xi32, #tpu.memory_space<vmem>>) target_semaphore(%dma_start3A_1009 : memref<!tpu.dma_semaphore, #tpu.memory_space<semaphore_mem>>)
        %mul3A_1016 = arith.constant 160 : i32
        %mul3A_1017 = arith.muli %arg1, %mul3A_1016 : i32
        %mul3A_1018 = arith.constant 8 : i32
        %mul3A_1019 = arith.muli %add3A_954, %mul3A_1018 : i32
        %add3A_1020 = arith.addi %mul3A_1017, %mul3A_1019 : i32
        %dma_start3A_1021 = arith.constant 0 : i32
        %dma_start3A_1022 = arith.constant 0 : i32
        %dma_start3A_1023 = tpu.memref_slice %arg7[%select_n3A_996, %dma_start3A_1021, %dma_start3A_1022] : memref<2x8x128xf32, #tpu.memory_space<vmem>> -> memref<1x8x128xf32, #tpu.memory_space<vmem>>
        %dma_start3A_1024 = tpu.memref_squeeze %dma_start3A_1023 : memref<1x8x128xf32, #tpu.memory_space<vmem>> -> memref<8x128xf32, #tpu.memory_space<vmem>>
        %dma_start3A_1025 = arith.constant 0 : i32
        %dma_start3A_1026 = tpu.memref_slice %arg4[%add3A_1020, %dma_start3A_1025] : memref<2560x128xf32, #tpu.memory_space<hbm>> -> memref<8x128xf32, #tpu.memory_space<hbm>>
        %dma_start3A_1027 = tpu.memref_slice %arg17[%select_n3A_996] : memref<2x!tpu.dma_semaphore, #tpu.memory_space<semaphore_mem>> -> memref<1x!tpu.dma_semaphore, #tpu.memory_space<semaphore_mem>>
        %dma_start3A_1028 = tpu.memref_squeeze %dma_start3A_1027 : memref<1x!tpu.dma_semaphore, #tpu.memory_space<semaphore_mem>> -> memref<!tpu.dma_semaphore, #tpu.memory_space<semaphore_mem>>
        %dma_start3A_1029 = arith.constant 0 : i32
        %dma_start3A_1030 = arith.constant 0 : i32
        %dma_start3A_1031 = tpu.memref_slice %arg7[%select_n3A_996, %dma_start3A_1029, %dma_start3A_1030] : memref<2x8x128xf32, #tpu.memory_space<vmem>> -> memref<1x8x128xf32, #tpu.memory_space<vmem>>
        %dma_start3A_1032 = tpu.memref_squeeze %dma_start3A_1031 : memref<1x8x128xf32, #tpu.memory_space<vmem>> -> memref<8x128xf32, #tpu.memory_space<vmem>>
        %dma_start3A_1033 = arith.constant 0 : i32
        %dma_start3A_1034 = tpu.memref_slice %arg4[%add3A_1020, %dma_start3A_1033] : memref<2560x128xf32, #tpu.memory_space<hbm>> -> memref<8x128xf32, #tpu.memory_space<hbm>>
        tpu.enqueue_dma source(%dma_start3A_1034 : memref<8x128xf32, #tpu.memory_space<hbm>>) target(%dma_start3A_1032 : memref<8x128xf32, #tpu.memory_space<vmem>>) target_semaphore(%dma_start3A_1028 : memref<!tpu.dma_semaphore, #tpu.memory_space<semaphore_mem>>)
      } else {
      }
      %add3A_687 = arith.constant 2 : i32
      %add3A_688 = arith.addi %add3A_636, %add3A_687 : i32
      %jit3A_689 = arith.constant 8 : i32
      %eq3A_690 = arith.constant 0 : i32
      %eq3A_691 = arith.cmpi eq, %jit3A_689, %eq3A_690 : i32
      %jit3A_692 = arith.constant 1 : i32
      %select_n3A_693 = arith.select %eq3A_691, %jit3A_692, %jit3A_689 : i32
      %rem3A_694 = arith.remsi %add3A_688, %select_n3A_693 : i32
      %ne3A_695 = arith.constant 0 : i32
      %ne3A_696 = arith.cmpi ne, %rem3A_694, %ne3A_695 : i32
      %lt3A_697 = arith.constant 0 : i32
      %lt3A_698 = arith.cmpi slt, %rem3A_694, %lt3A_697 : i32
      %lt3A_699 = arith.constant 0 : i32
      %lt3A_700 = arith.cmpi slt, %select_n3A_693, %lt3A_699 : i32
      %ne3A_701 = arith.xori %lt3A_698, %lt3A_700 : i1
      %and3A_702 = arith.andi %ne3A_701, %ne3A_696 : i1
      %add3A_703 = arith.addi %rem3A_694, %select_n3A_693 : i32
      %select_n3A_704 = arith.select %and3A_702, %add3A_703, %rem3A_694 : i32
      %eq3A_705 = arith.constant 0 : i32
      %eq3A_706 = arith.cmpi eq, %select_n3A_704, %eq3A_705 : i32
      %add3A_707 = arith.constant 2 : i32
      %add3A_708 = arith.addi %add3A_636, %add3A_707 : i32
      %jit3A_709 = arith.constant 8 : i32
      %div3A_710 = arith.divsi %add3A_708, %jit3A_709 : i32
      %sign3A_711 = arith.constant 0 : i32
      %sign3A_712 = arith.cmpi sgt, %add3A_708, %sign3A_711 : i32
      %sign3A_713 = arith.extui %sign3A_712 : i1 to i32
      %sign3A_714 = arith.constant 0 : i32
      %sign3A_715 = arith.cmpi slt, %add3A_708, %sign3A_714 : i32
      %sign3A_716 = arith.extui %sign3A_715 : i1 to i32
      %sign3A_717 = arith.subi %sign3A_713, %sign3A_716 : i32
      %sign3A_718 = arith.constant 0 : i32
      %sign3A_719 = arith.cmpi sgt, %jit3A_709, %sign3A_718 : i32
      %sign3A_720 = arith.extui %sign3A_719 : i1 to i32
      %sign3A_721 = arith.constant 0 : i32
      %sign3A_722 = arith.cmpi slt, %jit3A_709, %sign3A_721 : i32
      %sign3A_723 = arith.extui %sign3A_722 : i1 to i32
      %sign3A_724 = arith.subi %sign3A_720, %sign3A_723 : i32
      %ne3A_725 = arith.cmpi ne, %sign3A_717, %sign3A_724 : i32
      %rem3A_726 = arith.remsi %add3A_708, %jit3A_709 : i32
      %ne3A_727 = arith.constant 0 : i32
      %ne3A_728 = arith.cmpi ne, %rem3A_726, %ne3A_727 : i32
      %and3A_729 = arith.andi %ne3A_725, %ne3A_728 : i1
      %sub3A_730 = arith.constant 1 : i32
      %sub3A_731 = arith.subi %div3A_710, %sub3A_730 : i32
      %select_n3A_732 = arith.select %and3A_729, %sub3A_731, %div3A_710 : i32
      %lt3A_733 = arith.constant 20 : i32
      %lt3A_734 = arith.cmpi slt, %select_n3A_732, %lt3A_733 : i32
      %and3A_735 = arith.andi %eq3A_706, %lt3A_734 : i1
      %convert_element_type3A_736 = arith.extui %and3A_735 : i1 to i32
      %cond3A_737 = arith.constant 0 : i32
      %cond3A_738 = arith.cmpi ne, %convert_element_type3A_736, %cond3A_737 : i32
      scf.if %cond3A_738 {
        %add3A_929 = arith.constant 2 : i32
        %add3A_930 = arith.addi %add3A_636, %add3A_929 : i32
        %jit3A_931 = arith.constant 8 : i32
        %div3A_932 = arith.divsi %add3A_930, %jit3A_931 : i32
        %sign3A_933 = arith.constant 0 : i32
        %sign3A_934 = arith.cmpi sgt, %add3A_930, %sign3A_933 : i32
        %sign3A_935 = arith.extui %sign3A_934 : i1 to i32
        %sign3A_936 = arith.constant 0 : i32
        %sign3A_937 = arith.cmpi slt, %add3A_930, %sign3A_936 : i32
        %sign3A_938 = arith.extui %sign3A_937 : i1 to i32
        %sign3A_939 = arith.subi %sign3A_935, %sign3A_938 : i32
        %sign3A_940 = arith.constant 0 : i32
        %sign3A_941 = arith.cmpi sgt, %jit3A_931, %sign3A_940 : i32
        %sign3A_942 = arith.extui %sign3A_941 : i1 to i32
        %sign3A_943 = arith.constant 0 : i32
        %sign3A_944 = arith.cmpi slt, %jit3A_931, %sign3A_943 : i32
        %sign3A_945 = arith.extui %sign3A_944 : i1 to i32
        %sign3A_946 = arith.subi %sign3A_942, %sign3A_945 : i32
        %ne3A_947 = arith.cmpi ne, %sign3A_939, %sign3A_946 : i32
        %rem3A_948 = arith.remsi %add3A_930, %jit3A_931 : i32
        %ne3A_949 = arith.constant 0 : i32
        %ne3A_950 = arith.cmpi ne, %rem3A_948, %ne3A_949 : i32
        %and3A_951 = arith.andi %ne3A_947, %ne3A_950 : i1
        %sub3A_952 = arith.constant 1 : i32
        %sub3A_953 = arith.subi %div3A_932, %sub3A_952 : i32
        %select_n3A_954 = arith.select %and3A_951, %sub3A_953, %div3A_932 : i32
        %jit3A_955 = arith.constant 2 : i32
        %eq3A_956 = arith.constant 0 : i32
        %eq3A_957 = arith.cmpi eq, %jit3A_955, %eq3A_956 : i32
        %jit3A_958 = arith.constant 1 : i32
        %select_n3A_959 = arith.select %eq3A_957, %jit3A_958, %jit3A_955 : i32
        %rem3A_960 = arith.remsi %select_n3A_954, %select_n3A_959 : i32
        %ne3A_961 = arith.constant 0 : i32
        %ne3A_962 = arith.cmpi ne, %rem3A_960, %ne3A_961 : i32
        %lt3A_963 = arith.constant 0 : i32
        %lt3A_964 = arith.cmpi slt, %rem3A_960, %lt3A_963 : i32
        %lt3A_965 = arith.constant 0 : i32
        %lt3A_966 = arith.cmpi slt, %select_n3A_959, %lt3A_965 : i32
        %ne3A_967 = arith.xori %lt3A_964, %lt3A_966 : i1
        %and3A_968 = arith.andi %ne3A_967, %ne3A_962 : i1
        %add3A_969 = arith.addi %rem3A_960, %select_n3A_959 : i32
        %select_n3A_970 = arith.select %and3A_968, %add3A_969, %rem3A_960 : i32
        %dma_wait3A_971 = arith.constant 0 : i32
        %dma_wait3A_972 = arith.constant 0 : i32
        %dma_wait3A_973 = tpu.memref_slice %arg6[%select_n3A_970, %dma_wait3A_971, %dma_wait3A_972] : memref<2x8x128xi32, #tpu.memory_space<vmem>> -> memref<1x8x128xi32, #tpu.memory_space<vmem>>
        %dma_wait3A_974 = tpu.memref_squeeze %dma_wait3A_973 : memref<1x8x128xi32, #tpu.memory_space<vmem>> -> memref<8x128xi32, #tpu.memory_space<vmem>>
        %dma_wait3A_975 = arith.constant 0 : i32
        %dma_wait3A_976 = arith.constant 0 : i32
        %dma_wait3A_977 = tpu.memref_slice %arg3[%dma_wait3A_975, %dma_wait3A_976] : memref<2560x128xi32, #tpu.memory_space<hbm>> -> memref<8x128xi32, #tpu.memory_space<hbm>>
        %dma_wait3A_978 = tpu.memref_slice %arg16[%select_n3A_970] : memref<2x!tpu.dma_semaphore, #tpu.memory_space<semaphore_mem>> -> memref<1x!tpu.dma_semaphore, #tpu.memory_space<semaphore_mem>>
        %dma_wait3A_979 = tpu.memref_squeeze %dma_wait3A_978 : memref<1x!tpu.dma_semaphore, #tpu.memory_space<semaphore_mem>> -> memref<!tpu.dma_semaphore, #tpu.memory_space<semaphore_mem>>
        %dma_wait3A_980 = arith.constant 0 : i32
        %dma_wait3A_981 = arith.constant 0 : i32
        %dma_wait3A_982 = tpu.memref_slice %arg6[%select_n3A_970, %dma_wait3A_980, %dma_wait3A_981] : memref<2x8x128xi32, #tpu.memory_space<vmem>> -> memref<1x8x128xi32, #tpu.memory_space<vmem>>
        %dma_wait3A_983 = tpu.memref_squeeze %dma_wait3A_982 : memref<1x8x128xi32, #tpu.memory_space<vmem>> -> memref<8x128xi32, #tpu.memory_space<vmem>>
        %dma_wait3A_984 = arith.constant 0 : i32
        %dma_wait3A_985 = arith.constant 0 : i32
        %dma_wait3A_986 = tpu.memref_slice %arg3[%dma_wait3A_984, %dma_wait3A_985] : memref<2560x128xi32, #tpu.memory_space<hbm>> -> memref<8x128xi32, #tpu.memory_space<hbm>>
        tpu.wait_dma2 semaphore(%dma_wait3A_979 : memref<!tpu.dma_semaphore, #tpu.memory_space<semaphore_mem>>) src(%dma_wait3A_986 : memref<8x128xi32, #tpu.memory_space<hbm>>) dst(%dma_wait3A_983 : memref<8x128xi32, #tpu.memory_space<vmem>>)
        %dma_wait3A_987 = arith.constant 0 : i32
        %dma_wait3A_988 = arith.constant 0 : i32
        %dma_wait3A_989 = tpu.memref_slice %arg7[%select_n3A_970, %dma_wait3A_987, %dma_wait3A_988] : memref<2x8x128xf32, #tpu.memory_space<vmem>> -> memref<1x8x128xf32, #tpu.memory_space<vmem>>
        %dma_wait3A_990 = tpu.memref_squeeze %dma_wait3A_989 : memref<1x8x128xf32, #tpu.memory_space<vmem>> -> memref<8x128xf32, #tpu.memory_space<vmem>>
        %dma_wait3A_991 = arith.constant 0 : i32
        %dma_wait3A_992 = arith.constant 0 : i32
        %dma_wait3A_993 = tpu.memref_slice %arg4[%dma_wait3A_991, %dma_wait3A_992] : memref<2560x128xf32, #tpu.memory_space<hbm>> -> memref<8x128xf32, #tpu.memory_space<hbm>>
        %dma_wait3A_994 = tpu.memref_slice %arg17[%select_n3A_970] : memref<2x!tpu.dma_semaphore, #tpu.memory_space<semaphore_mem>> -> memref<1x!tpu.dma_semaphore, #tpu.memory_space<semaphore_mem>>
        %dma_wait3A_995 = tpu.memref_squeeze %dma_wait3A_994 : memref<1x!tpu.dma_semaphore, #tpu.memory_space<semaphore_mem>> -> memref<!tpu.dma_semaphore, #tpu.memory_space<semaphore_mem>>
        %dma_wait3A_996 = arith.constant 0 : i32
        %dma_wait3A_997 = arith.constant 0 : i32
        %dma_wait3A_998 = tpu.memref_slice %arg7[%select_n3A_970, %dma_wait3A_996, %dma_wait3A_997] : memref<2x8x128xf32, #tpu.memory_space<vmem>> -> memref<1x8x128xf32, #tpu.memory_space<vmem>>
        %dma_wait3A_999 = tpu.memref_squeeze %dma_wait3A_998 : memref<1x8x128xf32, #tpu.memory_space<vmem>> -> memref<8x128xf32, #tpu.memory_space<vmem>>
        %dma_wait3A_1000 = arith.constant 0 : i32
        %dma_wait3A_1001 = arith.constant 0 : i32
        %dma_wait3A_1002 = tpu.memref_slice %arg4[%dma_wait3A_1000, %dma_wait3A_1001] : memref<2560x128xf32, #tpu.memory_space<hbm>> -> memref<8x128xf32, #tpu.memory_space<hbm>>
        tpu.wait_dma2 semaphore(%dma_wait3A_995 : memref<!tpu.dma_semaphore, #tpu.memory_space<semaphore_mem>>) src(%dma_wait3A_1002 : memref<8x128xf32, #tpu.memory_space<hbm>>) dst(%dma_wait3A_999 : memref<8x128xf32, #tpu.memory_space<vmem>>)
      } else {
      }
      %dma_wait3A_739 = arith.constant 1 : i32
      %dma_wait3A_740 = arith.constant 1 : i32
      %dma_wait3A_741 = arith.constant 128 : i32
      %dma_wait3A_742 = arith.constant 0 : i32
      %dma_wait3A_743 = tpu.memref_slice %arg10[%dma_wait3A_741, %dma_wait3A_742] : memref<256x64xbf16, #tpu.memory_space<vmem>> -> memref<128x64xbf16, #tpu.memory_space<vmem>>
      %dma_wait3A_744 = arith.constant 0 : i32
      %dma_wait3A_745 = tpu.memref_slice %arg8[%dma_wait3A_739, %dma_wait3A_744] : memref<2x128xi32, #tpu.memory_space<vmem>> -> memref<1x128xi32, #tpu.memory_space<vmem>>
      %dma_wait3A_746 = tpu.memref_squeeze %dma_wait3A_745 : memref<1x128xi32, #tpu.memory_space<vmem>> -> memref<128xi32, #tpu.memory_space<vmem>>
      %dma_wait3A_747 = arith.constant 0 : i32
      %dma_wait3A_748 = arith.constant 0 : i32
      %dma_wait3A_749 = tpu.memref_slice %arg12[%dma_wait3A_747, %dma_wait3A_748] : memref<10240x64xbf16, #tpu.memory_space<vmem_shared>> -> memref<10240x64xbf16, #tpu.memory_space<vmem_shared>>
      %dma_wait3A_750 = tpu.memref_slice %arg14[%dma_wait3A_740] : memref<2x!tpu.dma_semaphore, #tpu.memory_space<semaphore_mem>> -> memref<1x!tpu.dma_semaphore, #tpu.memory_space<semaphore_mem>>
      %dma_wait3A_751 = tpu.memref_squeeze %dma_wait3A_750 : memref<1x!tpu.dma_semaphore, #tpu.memory_space<semaphore_mem>> -> memref<!tpu.dma_semaphore, #tpu.memory_space<semaphore_mem>>
      tpu.wait_indirect_dma semaphore(%dma_wait3A_751 : memref<!tpu.dma_semaphore, #tpu.memory_space<semaphore_mem>>) src(%dma_wait3A_749 : memref<10240x64xbf16, #tpu.memory_space<vmem_shared>>) dst(%dma_wait3A_743 : memref<128x64xbf16, #tpu.memory_space<vmem>>)
      %gt3A_752 = arith.constant 0 : i32
      %gt3A_753 = arith.cmpi sgt, %scan3A_349, %gt3A_752 : i32
      %convert_element_type3A_754 = arith.extui %gt3A_753 : i1 to i32
      %cond3A_755 = arith.constant 0 : i32
      %cond3A_756 = arith.cmpi ne, %convert_element_type3A_754, %cond3A_755 : i32
      scf.if %cond3A_756 {
        %dma_wait3A_929 = arith.constant 1 : i32
        %dma_wait3A_930 = arith.constant 1 : i32
        %dma_wait3A_931 = arith.constant 128 : i32
        %dma_wait3A_932 = arith.constant 0 : i32
        %dma_wait3A_933 = tpu.memref_slice %arg11[%dma_wait3A_931, %dma_wait3A_932] : memref<256x64xf32, #tpu.memory_space<vmem>> -> memref<128x64xf32, #tpu.memory_space<vmem>>
        %dma_wait3A_934 = arith.constant 0 : i32
        %dma_wait3A_935 = tpu.memref_slice %arg9[%dma_wait3A_929, %dma_wait3A_934] : memref<2x128xi32, #tpu.memory_space<vmem>> -> memref<1x128xi32, #tpu.memory_space<vmem>>
        %dma_wait3A_936 = tpu.memref_squeeze %dma_wait3A_935 : memref<1x128xi32, #tpu.memory_space<vmem>> -> memref<128xi32, #tpu.memory_space<vmem>>
        %dma_wait3A_937 = arith.constant 0 : i32
        %dma_wait3A_938 = arith.constant 0 : i32
        %dma_wait3A_939 = tpu.memref_slice %arg13[%dma_wait3A_937, %dma_wait3A_938] : memref<10240x64xf32, #tpu.memory_space<vmem_shared>> -> memref<10240x64xf32, #tpu.memory_space<vmem_shared>>
        %dma_wait3A_940 = tpu.memref_slice %arg15[%dma_wait3A_930] : memref<2x!tpu.dma_semaphore, #tpu.memory_space<semaphore_mem>> -> memref<1x!tpu.dma_semaphore, #tpu.memory_space<semaphore_mem>>
        %dma_wait3A_941 = tpu.memref_squeeze %dma_wait3A_940 : memref<1x!tpu.dma_semaphore, #tpu.memory_space<semaphore_mem>> -> memref<!tpu.dma_semaphore, #tpu.memory_space<semaphore_mem>>
        tpu.wait_indirect_dma semaphore(%dma_wait3A_941 : memref<!tpu.dma_semaphore, #tpu.memory_space<semaphore_mem>>) src(%dma_wait3A_933 : memref<128x64xf32, #tpu.memory_space<vmem>>) dst(%dma_wait3A_939 : memref<10240x64xf32, #tpu.memory_space<vmem_shared>>)
      } else {
      }
      %scan3A_757 = arith.constant 0 : i32
      %scan3A_758 = arith.constant 0 : i32
      %scan3A_759 = arith.constant 8 : i32
      %scan3A_760 = arith.addi %scan3A_758, %scan3A_759 : i32
      %scan3A_761 = arith.constant 1 : i32
      %scan3A_762 = scf.for %scan3A_929 = %scan3A_758 to %scan3A_760 step %scan3A_761 iter_args(%scan3A_930 = %scan3A_757) -> (i32)  : i32 {
        %jit3A_931 = arith.constant 8 : i32
        %div3A_932 = arith.divsi %add3A_636, %jit3A_931 : i32
        %sign3A_933 = arith.constant 0 : i32
        %sign3A_934 = arith.cmpi sgt, %add3A_636, %sign3A_933 : i32
        %sign3A_935 = arith.extui %sign3A_934 : i1 to i32
        %sign3A_936 = arith.constant 0 : i32
        %sign3A_937 = arith.cmpi slt, %add3A_636, %sign3A_936 : i32
        %sign3A_938 = arith.extui %sign3A_937 : i1 to i32
        %sign3A_939 = arith.subi %sign3A_935, %sign3A_938 : i32
        %sign3A_940 = arith.constant 0 : i32
        %sign3A_941 = arith.cmpi sgt, %jit3A_931, %sign3A_940 : i32
        %sign3A_942 = arith.extui %sign3A_941 : i1 to i32
        %sign3A_943 = arith.constant 0 : i32
        %sign3A_944 = arith.cmpi slt, %jit3A_931, %sign3A_943 : i32
        %sign3A_945 = arith.extui %sign3A_944 : i1 to i32
        %sign3A_946 = arith.subi %sign3A_942, %sign3A_945 : i32
        %ne3A_947 = arith.cmpi ne, %sign3A_939, %sign3A_946 : i32
        %rem3A_948 = arith.remsi %add3A_636, %jit3A_931 : i32
        %ne3A_949 = arith.constant 0 : i32
        %ne3A_950 = arith.cmpi ne, %rem3A_948, %ne3A_949 : i32
        %and3A_951 = arith.andi %ne3A_947, %ne3A_950 : i1
        %sub3A_952 = arith.constant 1 : i32
        %sub3A_953 = arith.subi %div3A_932, %sub3A_952 : i32
        %select_n3A_954 = arith.select %and3A_951, %sub3A_953, %div3A_932 : i32
        %jit3A_955 = arith.constant 2 : i32
        %eq3A_956 = arith.constant 0 : i32
        %eq3A_957 = arith.cmpi eq, %jit3A_955, %eq3A_956 : i32
        %jit3A_958 = arith.constant 1 : i32
        %select_n3A_959 = arith.select %eq3A_957, %jit3A_958, %jit3A_955 : i32
        %rem3A_960 = arith.remsi %select_n3A_954, %select_n3A_959 : i32
        %ne3A_961 = arith.constant 0 : i32
        %ne3A_962 = arith.cmpi ne, %rem3A_960, %ne3A_961 : i32
        %lt3A_963 = arith.constant 0 : i32
        %lt3A_964 = arith.cmpi slt, %rem3A_960, %lt3A_963 : i32
        %lt3A_965 = arith.constant 0 : i32
        %lt3A_966 = arith.cmpi slt, %select_n3A_959, %lt3A_965 : i32
        %ne3A_967 = arith.xori %lt3A_964, %lt3A_966 : i1
        %and3A_968 = arith.andi %ne3A_967, %ne3A_962 : i1
        %add3A_969 = arith.addi %rem3A_960, %select_n3A_959 : i32
        %select_n3A_970 = arith.select %and3A_968, %add3A_969, %rem3A_960 : i32
        %jit3A_971 = arith.constant 8 : i32
        %eq3A_972 = arith.constant 0 : i32
        %eq3A_973 = arith.cmpi eq, %jit3A_971, %eq3A_972 : i32
        %jit3A_974 = arith.constant 1 : i32
        %select_n3A_975 = arith.select %eq3A_973, %jit3A_974, %jit3A_971 : i32
        %rem3A_976 = arith.remsi %add3A_636, %select_n3A_975 : i32
        %ne3A_977 = arith.constant 0 : i32
        %ne3A_978 = arith.cmpi ne, %rem3A_976, %ne3A_977 : i32
        %lt3A_979 = arith.constant 0 : i32
        %lt3A_980 = arith.cmpi slt, %rem3A_976, %lt3A_979 : i32
        %lt3A_981 = arith.constant 0 : i32
        %lt3A_982 = arith.cmpi slt, %select_n3A_975, %lt3A_981 : i32
        %ne3A_983 = arith.xori %lt3A_980, %lt3A_982 : i1
        %and3A_984 = arith.andi %ne3A_983, %ne3A_978 : i1
        %add3A_985 = arith.addi %rem3A_976, %select_n3A_975 : i32
        %select_n3A_986 = arith.select %and3A_984, %add3A_985, %rem3A_976 : i32
        %mul3A_987 = arith.constant 16 : i32
        %mul3A_988 = arith.muli %scan3A_929, %mul3A_987 : i32
        %get3A_989 = arith.index_cast %select_n3A_970 : i32 to index
        %get3A_990 = arith.index_cast %select_n3A_986 : i32 to index
        %get3A_991 = arith.index_cast %mul3A_988 : i32 to index
        %get3A_992 = tpu.vector_load %arg7[%get3A_989, %get3A_990, %get3A_991] {strides = array<i32>} : memref<2x8x128xf32, #tpu.memory_space<vmem>>, vector<16xf32>,
        %slice3A = vector.extract_strided_slice %get3A_992 {offsets = [0], sizes = [1], strides = [1]} : vector<16xf32> to vector<1xf32>
        %squeeze3A = vector.extract %slice3A[0] : f32 from vector<1xf32>
        %mul3A_993 = arith.constant 16 : i32
        %mul3A_994 = arith.muli %scan3A_929, %mul3A_993 : i32
        %add3A_995 = arith.constant 128 : i32
        %add3A_996 = arith.addi %add3A_995, %mul3A_994 : i32
        %add3A_997 = arith.constant 0 : i32
        %add3A_998 = arith.addi %add3A_996, %add3A_997 : i32
        %get3A_999 = arith.index_cast %add3A_998 : i32 to index
        %get3A_1000 = arith.constant 0 : index
        %get3A_1001 = tpu.vector_load %arg10[%get3A_999, %get3A_1000] {strides = array<i32>} : memref<256x64xbf16, #tpu.memory_space<vmem>>, vector<32xbf16>,
        %unpack3A = tpu.unpack_subelements %get3A_1001, 0 {pack_format = #tpu.pack_format<interleaved>} : vector<32xbf16> -> vector<16xf32>
        %unpack3A_1002 = tpu.unpack_subelements %get3A_1001, 1 {pack_format = #tpu.pack_format<interleaved>} : vector<32xbf16> -> vector<16xf32>
        %mul3A_1003 = vector.broadcast %squeeze3A : f32 to vector<16xf32>
        %mul3A_1004 = arith.mulf %unpack3A, %mul3A_1003 : vector<16xf32>
        %swap3A_1005 = arith.index_cast %add3A_998 : i32 to index
        %swap3A_1006 = arith.constant 0 : index
        %swap3A_1007 = tpu.vector_load %arg11[%swap3A_1005, %swap3A_1006] {strides = array<i32>} : memref<256x64xf32, #tpu.memory_space<vmem>>, vector<16xf32>,
        tpu.vector_store %arg11[%swap3A_1005, %swap3A_1006], %mul3A_1004 {strides = array<i32>} : memref<256x64xf32, #tpu.memory_space<vmem>>, vector<16xf32>,
        %mul3A_1008 = vector.broadcast %squeeze3A : f32 to vector<16xf32>
        %mul3A_1009 = arith.mulf %unpack3A_1002, %mul3A_1008 : vector<16xf32>
        %swap3A_1010 = arith.index_cast %add3A_998 : i32 to index
        %swap3A_1011 = arith.constant 16 : index
        %swap3A_1012 = tpu.vector_load %arg11[%swap3A_1010, %swap3A_1011] {strides = array<i32>} : memref<256x64xf32, #tpu.memory_space<vmem>>, vector<16xf32>,
        tpu.vector_store %arg11[%swap3A_1010, %swap3A_1011], %mul3A_1009 {strides = array<i32>} : memref<256x64xf32, #tpu.memory_space<vmem>>, vector<16xf32>,
        %get3A_1013 = arith.index_cast %add3A_998 : i32 to index
        %get3A_1014 = arith.constant 32 : index
        %get3A_1015 = tpu.vector_load %arg10[%get3A_1013, %get3A_1014] {strides = array<i32>} : memref<256x64xbf16, #tpu.memory_space<vmem>>, vector<32xbf16>,
        %unpack3A_1016 = tpu.unpack_subelements %get3A_1015, 0 {pack_format = #tpu.pack_format<interleaved>} : vector<32xbf16> -> vector<16xf32>
        %unpack3A_1017 = tpu.unpack_subelements %get3A_1015, 1 {pack_format = #tpu.pack_format<interleaved>} : vector<32xbf16> -> vector<16xf32>
        %mul3A_1018 = vector.broadcast %squeeze3A : f32 to vector<16xf32>
        %mul3A_1019 = arith.mulf %unpack3A_1016, %mul3A_1018 : vector<16xf32>
        %swap3A_1020 = arith.index_cast %add3A_998 : i32 to index
        %swap3A_1021 = arith.constant 32 : index
        %swap3A_1022 = tpu.vector_load %arg11[%swap3A_1020, %swap3A_1021] {strides = array<i32>} : memref<256x64xf32, #tpu.memory_space<vmem>>, vector<16xf32>,
        tpu.vector_store %arg11[%swap3A_1020, %swap3A_1021], %mul3A_1019 {strides = array<i32>} : memref<256x64xf32, #tpu.memory_space<vmem>>, vector<16xf32>,
        %mul3A_1023 = vector.broadcast %squeeze3A : f32 to vector<16xf32>
        %mul3A_1024 = arith.mulf %unpack3A_1017, %mul3A_1023 : vector<16xf32>
        %swap3A_1025 = arith.index_cast %add3A_998 : i32 to index
        %swap3A_1026 = arith.constant 48 : index
        %swap3A_1027 = tpu.vector_load %arg11[%swap3A_1025, %swap3A_1026] {strides = array<i32>} : memref<256x64xf32, #tpu.memory_space<vmem>>, vector<16xf32>,
        tpu.vector_store %arg11[%swap3A_1025, %swap3A_1026], %mul3A_1024 {strides = array<i32>} : memref<256x64xf32, #tpu.memory_space<vmem>>, vector<16xf32>,
        %slice3A_1028 = vector.extract_strided_slice %get3A_992 {offsets = [1], sizes = [1], strides = [1]} : vector<16xf32> to vector<1xf32>
        %squeeze3A_1029 = vector.extract %slice3A_1028[0] : f32 from vector<1xf32>
        %mul3A_1030 = arith.constant 16 : i32
        %mul3A_1031 = arith.muli %scan3A_929, %mul3A_1030 : i32
        %add3A_1032 = arith.constant 128 : i32
        %add3A_1033 = arith.addi %add3A_1032, %mul3A_1031 : i32
        %add3A_1034 = arith.constant 1 : i32
        %add3A_1035 = arith.addi %add3A_1033, %add3A_1034 : i32
        %get3A_1036 = arith.index_cast %add3A_1035 : i32 to index
        %get3A_1037 = arith.constant 0 : index
        %get3A_1038 = tpu.vector_load %arg10[%get3A_1036, %get3A_1037] {strides = array<i32>} : memref<256x64xbf16, #tpu.memory_space<vmem>>, vector<32xbf16>,
        %unpack3A_1039 = tpu.unpack_subelements %get3A_1038, 0 {pack_format = #tpu.pack_format<interleaved>} : vector<32xbf16> -> vector<16xf32>
        %unpack3A_1040 = tpu.unpack_subelements %get3A_1038, 1 {pack_format = #tpu.pack_format<interleaved>} : vector<32xbf16> -> vector<16xf32>
        %mul3A_1041 = vector.broadcast %squeeze3A_1029 : f32 to vector<16xf32>
        %mul3A_1042 = arith.mulf %unpack3A_1039, %mul3A_1041 : vector<16xf32>
        %swap3A_1043 = arith.index_cast %add3A_1035 : i32 to index
        %swap3A_1044 = arith.constant 0 : index
        %swap3A_1045 = tpu.vector_load %arg11[%swap3A_1043, %swap3A_1044] {strides = array<i32>} : memref<256x64xf32, #tpu.memory_space<vmem>>, vector<16xf32>,
        tpu.vector_store %arg11[%swap3A_1043, %swap3A_1044], %mul3A_1042 {strides = array<i32>} : memref<256x64xf32, #tpu.memory_space<vmem>>, vector<16xf32>,
        %mul3A_1046 = vector.broadcast %squeeze3A_1029 : f32 to vector<16xf32>
        %mul3A_1047 = arith.mulf %unpack3A_1040, %mul3A_1046 : vector<16xf32>
        %swap3A_1048 = arith.index_cast %add3A_1035 : i32 to index
        %swap3A_1049 = arith.constant 16 : index
        %swap3A_1050 = tpu.vector_load %arg11[%swap3A_1048, %swap3A_1049] {strides = array<i32>} : memref<256x64xf32, #tpu.memory_space<vmem>>, vector<16xf32>,
        tpu.vector_store %arg11[%swap3A_1048, %swap3A_1049], %mul3A_1047 {strides = array<i32>} : memref<256x64xf32, #tpu.memory_space<vmem>>, vector<16xf32>,
        %get3A_1051 = arith.index_cast %add3A_1035 : i32 to index
        %get3A_1052 = arith.constant 32 : index
        %get3A_1053 = tpu.vector_load %arg10[%get3A_1051, %get3A_1052] {strides = array<i32>} : memref<256x64xbf16, #tpu.memory_space<vmem>>, vector<32xbf16>,
        %unpack3A_1054 = tpu.unpack_subelements %get3A_1053, 0 {pack_format = #tpu.pack_format<interleaved>} : vector<32xbf16> -> vector<16xf32>
        %unpack3A_1055 = tpu.unpack_subelements %get3A_1053, 1 {pack_format = #tpu.pack_format<interleaved>} : vector<32xbf16> -> vector<16xf32>
        %mul3A_1056 = vector.broadcast %squeeze3A_1029 : f32 to vector<16xf32>
        %mul3A_1057 = arith.mulf %unpack3A_1054, %mul3A_1056 : vector<16xf32>
        %swap3A_1058 = arith.index_cast %add3A_1035 : i32 to index
        %swap3A_1059 = arith.constant 32 : index
        %swap3A_1060 = tpu.vector_load %arg11[%swap3A_1058, %swap3A_1059] {strides = array<i32>} : memref<256x64xf32, #tpu.memory_space<vmem>>, vector<16xf32>,
        tpu.vector_store %arg11[%swap3A_1058, %swap3A_1059], %mul3A_1057 {strides = array<i32>} : memref<256x64xf32, #tpu.memory_space<vmem>>, vector<16xf32>,
        %mul3A_1061 = vector.broadcast %squeeze3A_1029 : f32 to vector<16xf32>
        %mul3A_1062 = arith.mulf %unpack3A_1055, %mul3A_1061 : vector<16xf32>
        %swap3A_1063 = arith.index_cast %add3A_1035 : i32 to index
        %swap3A_1064 = arith.constant 48 : index
        %swap3A_1065 = tpu.vector_load %arg11[%swap3A_1063, %swap3A_1064] {strides = array<i32>} : memref<256x64xf32, #tpu.memory_space<vmem>>, vector<16xf32>,
        tpu.vector_store %arg11[%swap3A_1063, %swap3A_1064], %mul3A_1062 {strides = array<i32>} : memref<256x64xf32, #tpu.memory_space<vmem>>, vector<16xf32>,
        %slice3A_1066 = vector.extract_strided_slice %get3A_992 {offsets = [2], sizes = [1], strides = [1]} : vector<16xf32> to vector<1xf32>
        %squeeze3A_1067 = vector.extract %slice3A_1066[0] : f32 from vector<1xf32>
        %mul3A_1068 = arith.constant 16 : i32
        %mul3A_1069 = arith.muli %scan3A_929, %mul3A_1068 : i32
        %add3A_1070 = arith.constant 128 : i32
        %add3A_1071 = arith.addi %add3A_1070, %mul3A_1069 : i32
        %add3A_1072 = arith.constant 2 : i32
        %add3A_1073 = arith.addi %add3A_1071, %add3A_1072 : i32
        %get3A_1074 = arith.index_cast %add3A_1073 : i32 to index
        %get3A_1075 = arith.constant 0 : index
        %get3A_1076 = tpu.vector_load %arg10[%get3A_1074, %get3A_1075] {strides = array<i32>} : memref<256x64xbf16, #tpu.memory_space<vmem>>, vector<32xbf16>,
        %unpack3A_1077 = tpu.unpack_subelements %get3A_1076, 0 {pack_format = #tpu.pack_format<interleaved>} : vector<32xbf16> -> vector<16xf32>
        %unpack3A_1078 = tpu.unpack_subelements %get3A_1076, 1 {pack_format = #tpu.pack_format<interleaved>} : vector<32xbf16> -> vector<16xf32>
        %mul3A_1079 = vector.broadcast %squeeze3A_1067 : f32 to vector<16xf32>
        %mul3A_1080 = arith.mulf %unpack3A_1077, %mul3A_1079 : vector<16xf32>
        %swap3A_1081 = arith.index_cast %add3A_1073 : i32 to index
        %swap3A_1082 = arith.constant 0 : index
        %swap3A_1083 = tpu.vector_load %arg11[%swap3A_1081, %swap3A_1082] {strides = array<i32>} : memref<256x64xf32, #tpu.memory_space<vmem>>, vector<16xf32>,
        tpu.vector_store %arg11[%swap3A_1081, %swap3A_1082], %mul3A_1080 {strides = array<i32>} : memref<256x64xf32, #tpu.memory_space<vmem>>, vector<16xf32>,
        %mul3A_1084 = vector.broadcast %squeeze3A_1067 : f32 to vector<16xf32>
        %mul3A_1085 = arith.mulf %unpack3A_1078, %mul3A_1084 : vector<16xf32>
        %swap3A_1086 = arith.index_cast %add3A_1073 : i32 to index
        %swap3A_1087 = arith.constant 16 : index
        %swap3A_1088 = tpu.vector_load %arg11[%swap3A_1086, %swap3A_1087] {strides = array<i32>} : memref<256x64xf32, #tpu.memory_space<vmem>>, vector<16xf32>,
        tpu.vector_store %arg11[%swap3A_1086, %swap3A_1087], %mul3A_1085 {strides = array<i32>} : memref<256x64xf32, #tpu.memory_space<vmem>>, vector<16xf32>,
        %get3A_1089 = arith.index_cast %add3A_1073 : i32 to index
        %get3A_1090 = arith.constant 32 : index
        %get3A_1091 = tpu.vector_load %arg10[%get3A_1089, %get3A_1090] {strides = array<i32>} : memref<256x64xbf16, #tpu.memory_space<vmem>>, vector<32xbf16>,
        %unpack3A_1092 = tpu.unpack_subelements %get3A_1091, 0 {pack_format = #tpu.pack_format<interleaved>} : vector<32xbf16> -> vector<16xf32>
        %unpack3A_1093 = tpu.unpack_subelements %get3A_1091, 1 {pack_format = #tpu.pack_format<interleaved>} : vector<32xbf16> -> vector<16xf32>
        %mul3A_1094 = vector.broadcast %squeeze3A_1067 : f32 to vector<16xf32>
        %mul3A_1095 = arith.mulf %unpack3A_1092, %mul3A_1094 : vector<16xf32>
        %swap3A_1096 = arith.index_cast %add3A_1073 : i32 to index
        %swap3A_1097 = arith.constant 32 : index
        %swap3A_1098 = tpu.vector_load %arg11[%swap3A_1096, %swap3A_1097] {strides = array<i32>} : memref<256x64xf32, #tpu.memory_space<vmem>>, vector<16xf32>,
        tpu.vector_store %arg11[%swap3A_1096, %swap3A_1097], %mul3A_1095 {strides = array<i32>} : memref<256x64xf32, #tpu.memory_space<vmem>>, vector<16xf32>,
        %mul3A_1099 = vector.broadcast %squeeze3A_1067 : f32 to vector<16xf32>
        %mul3A_1100 = arith.mulf %unpack3A_1093, %mul3A_1099 : vector<16xf32>
        %swap3A_1101 = arith.index_cast %add3A_1073 : i32 to index
        %swap3A_1102 = arith.constant 48 : index
        %swap3A_1103 = tpu.vector_load %arg11[%swap3A_1101, %swap3A_1102] {strides = array<i32>} : memref<256x64xf32, #tpu.memory_space<vmem>>, vector<16xf32>,
        tpu.vector_store %arg11[%swap3A_1101, %swap3A_1102], %mul3A_1100 {strides = array<i32>} : memref<256x64xf32, #tpu.memory_space<vmem>>, vector<16xf32>,
        %slice3A_1104 = vector.extract_strided_slice %get3A_992 {offsets = [3], sizes = [1], strides = [1]} : vector<16xf32> to vector<1xf32>
        %squeeze3A_1105 = vector.extract %slice3A_1104[0] : f32 from vector<1xf32>
        %mul3A_1106 = arith.constant 16 : i32
        %mul3A_1107 = arith.muli %scan3A_929, %mul3A_1106 : i32
        %add3A_1108 = arith.constant 128 : i32
        %add3A_1109 = arith.addi %add3A_1108, %mul3A_1107 : i32
        %add3A_1110 = arith.constant 3 : i32
        %add3A_1111 = arith.addi %add3A_1109, %add3A_1110 : i32
        %get3A_1112 = arith.index_cast %add3A_1111 : i32 to index
        %get3A_1113 = arith.constant 0 : index
        %get3A_1114 = tpu.vector_load %arg10[%get3A_1112, %get3A_1113] {strides = array<i32>} : memref<256x64xbf16, #tpu.memory_space<vmem>>, vector<32xbf16>,
        %unpack3A_1115 = tpu.unpack_subelements %get3A_1114, 0 {pack_format = #tpu.pack_format<interleaved>} : vector<32xbf16> -> vector<16xf32>
        %unpack3A_1116 = tpu.unpack_subelements %get3A_1114, 1 {pack_format = #tpu.pack_format<interleaved>} : vector<32xbf16> -> vector<16xf32>
        %mul3A_1117 = vector.broadcast %squeeze3A_1105 : f32 to vector<16xf32>
        %mul3A_1118 = arith.mulf %unpack3A_1115, %mul3A_1117 : vector<16xf32>
        %swap3A_1119 = arith.index_cast %add3A_1111 : i32 to index
        %swap3A_1120 = arith.constant 0 : index
        %swap3A_1121 = tpu.vector_load %arg11[%swap3A_1119, %swap3A_1120] {strides = array<i32>} : memref<256x64xf32, #tpu.memory_space<vmem>>, vector<16xf32>,
        tpu.vector_store %arg11[%swap3A_1119, %swap3A_1120], %mul3A_1118 {strides = array<i32>} : memref<256x64xf32, #tpu.memory_space<vmem>>, vector<16xf32>,
        %mul3A_1122 = vector.broadcast %squeeze3A_1105 : f32 to vector<16xf32>
        %mul3A_1123 = arith.mulf %unpack3A_1116, %mul3A_1122 : vector<16xf32>
        %swap3A_1124 = arith.index_cast %add3A_1111 : i32 to index
        %swap3A_1125 = arith.constant 16 : index
        %swap3A_1126 = tpu.vector_load %arg11[%swap3A_1124, %swap3A_1125] {strides = array<i32>} : memref<256x64xf32, #tpu.memory_space<vmem>>, vector<16xf32>,
        tpu.vector_store %arg11[%swap3A_1124, %swap3A_1125], %mul3A_1123 {strides = array<i32>} : memref<256x64xf32, #tpu.memory_space<vmem>>, vector<16xf32>,
        %get3A_1127 = arith.index_cast %add3A_1111 : i32 to index
        %get3A_1128 = arith.constant 32 : index
        %get3A_1129 = tpu.vector_load %arg10[%get3A_1127, %get3A_1128] {strides = array<i32>} : memref<256x64xbf16, #tpu.memory_space<vmem>>, vector<32xbf16>,
        %unpack3A_1130 = tpu.unpack_subelements %get3A_1129, 0 {pack_format = #tpu.pack_format<interleaved>} : vector<32xbf16> -> vector<16xf32>
        %unpack3A_1131 = tpu.unpack_subelements %get3A_1129, 1 {pack_format = #tpu.pack_format<interleaved>} : vector<32xbf16> -> vector<16xf32>
        %mul3A_1132 = vector.broadcast %squeeze3A_1105 : f32 to vector<16xf32>
        %mul3A_1133 = arith.mulf %unpack3A_1130, %mul3A_1132 : vector<16xf32>
        %swap3A_1134 = arith.index_cast %add3A_1111 : i32 to index
        %swap3A_1135 = arith.constant 32 : index
        %swap3A_1136 = tpu.vector_load %arg11[%swap3A_1134, %swap3A_1135] {strides = array<i32>} : memref<256x64xf32, #tpu.memory_space<vmem>>, vector<16xf32>,
        tpu.vector_store %arg11[%swap3A_1134, %swap3A_1135], %mul3A_1133 {strides = array<i32>} : memref<256x64xf32, #tpu.memory_space<vmem>>, vector<16xf32>,
        %mul3A_1137 = vector.broadcast %squeeze3A_1105 : f32 to vector<16xf32>
        %mul3A_1138 = arith.mulf %unpack3A_1131, %mul3A_1137 : vector<16xf32>
        %swap3A_1139 = arith.index_cast %add3A_1111 : i32 to index
        %swap3A_1140 = arith.constant 48 : index
        %swap3A_1141 = tpu.vector_load %arg11[%swap3A_1139, %swap3A_1140] {strides = array<i32>} : memref<256x64xf32, #tpu.memory_space<vmem>>, vector<16xf32>,
        tpu.vector_store %arg11[%swap3A_1139, %swap3A_1140], %mul3A_1138 {strides = array<i32>} : memref<256x64xf32, #tpu.memory_space<vmem>>, vector<16xf32>,
        %slice3A_1142 = vector.extract_strided_slice %get3A_992 {offsets = [4], sizes = [1], strides = [1]} : vector<16xf32> to vector<1xf32>
        %squeeze3A_1143 = vector.extract %slice3A_1142[0] : f32 from vector<1xf32>
        %mul3A_1144 = arith.constant 16 : i32
        %mul3A_1145 = arith.muli %scan3A_929, %mul3A_1144 : i32
        %add3A_1146 = arith.constant 128 : i32
        %add3A_1147 = arith.addi %add3A_1146, %mul3A_1145 : i32
        %add3A_1148 = arith.constant 4 : i32
        %add3A_1149 = arith.addi %add3A_1147, %add3A_1148 : i32
        %get3A_1150 = arith.index_cast %add3A_1149 : i32 to index
        %get3A_1151 = arith.constant 0 : index
        %get3A_1152 = tpu.vector_load %arg10[%get3A_1150, %get3A_1151] {strides = array<i32>} : memref<256x64xbf16, #tpu.memory_space<vmem>>, vector<32xbf16>,
        %unpack3A_1153 = tpu.unpack_subelements %get3A_1152, 0 {pack_format = #tpu.pack_format<interleaved>} : vector<32xbf16> -> vector<16xf32>
        %unpack3A_1154 = tpu.unpack_subelements %get3A_1152, 1 {pack_format = #tpu.pack_format<interleaved>} : vector<32xbf16> -> vector<16xf32>
        %mul3A_1155 = vector.broadcast %squeeze3A_1143 : f32 to vector<16xf32>
        %mul3A_1156 = arith.mulf %unpack3A_1153, %mul3A_1155 : vector<16xf32>
        %swap3A_1157 = arith.index_cast %add3A_1149 : i32 to index
        %swap3A_1158 = arith.constant 0 : index
        %swap3A_1159 = tpu.vector_load %arg11[%swap3A_1157, %swap3A_1158] {strides = array<i32>} : memref<256x64xf32, #tpu.memory_space<vmem>>, vector<16xf32>,
        tpu.vector_store %arg11[%swap3A_1157, %swap3A_1158], %mul3A_1156 {strides = array<i32>} : memref<256x64xf32, #tpu.memory_space<vmem>>, vector<16xf32>,
        %mul3A_1160 = vector.broadcast %squeeze3A_1143 : f32 to vector<16xf32>
        %mul3A_1161 = arith.mulf %unpack3A_1154, %mul3A_1160 : vector<16xf32>
        %swap3A_1162 = arith.index_cast %add3A_1149 : i32 to index
        %swap3A_1163 = arith.constant 16 : index
        %swap3A_1164 = tpu.vector_load %arg11[%swap3A_1162, %swap3A_1163] {strides = array<i32>} : memref<256x64xf32, #tpu.memory_space<vmem>>, vector<16xf32>,
        tpu.vector_store %arg11[%swap3A_1162, %swap3A_1163], %mul3A_1161 {strides = array<i32>} : memref<256x64xf32, #tpu.memory_space<vmem>>, vector<16xf32>,
        %get3A_1165 = arith.index_cast %add3A_1149 : i32 to index
        %get3A_1166 = arith.constant 32 : index
        %get3A_1167 = tpu.vector_load %arg10[%get3A_1165, %get3A_1166] {strides = array<i32>} : memref<256x64xbf16, #tpu.memory_space<vmem>>, vector<32xbf16>,
        %unpack3A_1168 = tpu.unpack_subelements %get3A_1167, 0 {pack_format = #tpu.pack_format<interleaved>} : vector<32xbf16> -> vector<16xf32>
        %unpack3A_1169 = tpu.unpack_subelements %get3A_1167, 1 {pack_format = #tpu.pack_format<interleaved>} : vector<32xbf16> -> vector<16xf32>
        %mul3A_1170 = vector.broadcast %squeeze3A_1143 : f32 to vector<16xf32>
        %mul3A_1171 = arith.mulf %unpack3A_1168, %mul3A_1170 : vector<16xf32>
        %swap3A_1172 = arith.index_cast %add3A_1149 : i32 to index
        %swap3A_1173 = arith.constant 32 : index
        %swap3A_1174 = tpu.vector_load %arg11[%swap3A_1172, %swap3A_1173] {strides = array<i32>} : memref<256x64xf32, #tpu.memory_space<vmem>>, vector<16xf32>,
        tpu.vector_store %arg11[%swap3A_1172, %swap3A_1173], %mul3A_1171 {strides = array<i32>} : memref<256x64xf32, #tpu.memory_space<vmem>>, vector<16xf32>,
        %mul3A_1175 = vector.broadcast %squeeze3A_1143 : f32 to vector<16xf32>
        %mul3A_1176 = arith.mulf %unpack3A_1169, %mul3A_1175 : vector<16xf32>
        %swap3A_1177 = arith.index_cast %add3A_1149 : i32 to index
        %swap3A_1178 = arith.constant 48 : index
        %swap3A_1179 = tpu.vector_load %arg11[%swap3A_1177, %swap3A_1178] {strides = array<i32>} : memref<256x64xf32, #tpu.memory_space<vmem>>, vector<16xf32>,
        tpu.vector_store %arg11[%swap3A_1177, %swap3A_1178], %mul3A_1176 {strides = array<i32>} : memref<256x64xf32, #tpu.memory_space<vmem>>, vector<16xf32>,
        %slice3A_1180 = vector.extract_strided_slice %get3A_992 {offsets = [5], sizes = [1], strides = [1]} : vector<16xf32> to vector<1xf32>
        %squeeze3A_1181 = vector.extract %slice3A_1180[0] : f32 from vector<1xf32>
        %mul3A_1182 = arith.constant 16 : i32
        %mul3A_1183 = arith.muli %scan3A_929, %mul3A_1182 : i32
        %add3A_1184 = arith.constant 128 : i32
        %add3A_1185 = arith.addi %add3A_1184, %mul3A_1183 : i32
        %add3A_1186 = arith.constant 5 : i32
        %add3A_1187 = arith.addi %add3A_1185, %add3A_1186 : i32
        %get3A_1188 = arith.index_cast %add3A_1187 : i32 to index
        %get3A_1189 = arith.constant 0 : index
        %get3A_1190 = tpu.vector_load %arg10[%get3A_1188, %get3A_1189] {strides = array<i32>} : memref<256x64xbf16, #tpu.memory_space<vmem>>, vector<32xbf16>,
        %unpack3A_1191 = tpu.unpack_subelements %get3A_1190, 0 {pack_format = #tpu.pack_format<interleaved>} : vector<32xbf16> -> vector<16xf32>
        %unpack3A_1192 = tpu.unpack_subelements %get3A_1190, 1 {pack_format = #tpu.pack_format<interleaved>} : vector<32xbf16> -> vector<16xf32>
        %mul3A_1193 = vector.broadcast %squeeze3A_1181 : f32 to vector<16xf32>
        %mul3A_1194 = arith.mulf %unpack3A_1191, %mul3A_1193 : vector<16xf32>
        %swap3A_1195 = arith.index_cast %add3A_1187 : i32 to index
        %swap3A_1196 = arith.constant 0 : index
        %swap3A_1197 = tpu.vector_load %arg11[%swap3A_1195, %swap3A_1196] {strides = array<i32>} : memref<256x64xf32, #tpu.memory_space<vmem>>, vector<16xf32>,
        tpu.vector_store %arg11[%swap3A_1195, %swap3A_1196], %mul3A_1194 {strides = array<i32>} : memref<256x64xf32, #tpu.memory_space<vmem>>, vector<16xf32>,
        %mul3A_1198 = vector.broadcast %squeeze3A_1181 : f32 to vector<16xf32>
        %mul3A_1199 = arith.mulf %unpack3A_1192, %mul3A_1198 : vector<16xf32>
        %swap3A_1200 = arith.index_cast %add3A_1187 : i32 to index
        %swap3A_1201 = arith.constant 16 : index
        %swap3A_1202 = tpu.vector_load %arg11[%swap3A_1200, %swap3A_1201] {strides = array<i32>} : memref<256x64xf32, #tpu.memory_space<vmem>>, vector<16xf32>,
        tpu.vector_store %arg11[%swap3A_1200, %swap3A_1201], %mul3A_1199 {strides = array<i32>} : memref<256x64xf32, #tpu.memory_space<vmem>>, vector<16xf32>,
        %get3A_1203 = arith.index_cast %add3A_1187 : i32 to index
        %get3A_1204 = arith.constant 32 : index
        %get3A_1205 = tpu.vector_load %arg10[%get3A_1203, %get3A_1204] {strides = array<i32>} : memref<256x64xbf16, #tpu.memory_space<vmem>>, vector<32xbf16>,
        %unpack3A_1206 = tpu.unpack_subelements %get3A_1205, 0 {pack_format = #tpu.pack_format<interleaved>} : vector<32xbf16> -> vector<16xf32>
        %unpack3A_1207 = tpu.unpack_subelements %get3A_1205, 1 {pack_format = #tpu.pack_format<interleaved>} : vector<32xbf16> -> vector<16xf32>
        %mul3A_1208 = vector.broadcast %squeeze3A_1181 : f32 to vector<16xf32>
        %mul3A_1209 = arith.mulf %unpack3A_1206, %mul3A_1208 : vector<16xf32>
        %swap3A_1210 = arith.index_cast %add3A_1187 : i32 to index
        %swap3A_1211 = arith.constant 32 : index
        %swap3A_1212 = tpu.vector_load %arg11[%swap3A_1210, %swap3A_1211] {strides = array<i32>} : memref<256x64xf32, #tpu.memory_space<vmem>>, vector<16xf32>,
        tpu.vector_store %arg11[%swap3A_1210, %swap3A_1211], %mul3A_1209 {strides = array<i32>} : memref<256x64xf32, #tpu.memory_space<vmem>>, vector<16xf32>,
        %mul3A_1213 = vector.broadcast %squeeze3A_1181 : f32 to vector<16xf32>
        %mul3A_1214 = arith.mulf %unpack3A_1207, %mul3A_1213 : vector<16xf32>
        %swap3A_1215 = arith.index_cast %add3A_1187 : i32 to index
        %swap3A_1216 = arith.constant 48 : index
        %swap3A_1217 = tpu.vector_load %arg11[%swap3A_1215, %swap3A_1216] {strides = array<i32>} : memref<256x64xf32, #tpu.memory_space<vmem>>, vector<16xf32>,
        tpu.vector_store %arg11[%swap3A_1215, %swap3A_1216], %mul3A_1214 {strides = array<i32>} : memref<256x64xf32, #tpu.memory_space<vmem>>, vector<16xf32>,
        %slice3A_1218 = vector.extract_strided_slice %get3A_992 {offsets = [6], sizes = [1], strides = [1]} : vector<16xf32> to vector<1xf32>
        %squeeze3A_1219 = vector.extract %slice3A_1218[0] : f32 from vector<1xf32>
        %mul3A_1220 = arith.constant 16 : i32
        %mul3A_1221 = arith.muli %scan3A_929, %mul3A_1220 : i32
        %add3A_1222 = arith.constant 128 : i32
        %add3A_1223 = arith.addi %add3A_1222, %mul3A_1221 : i32
        %add3A_1224 = arith.constant 6 : i32
        %add3A_1225 = arith.addi %add3A_1223, %add3A_1224 : i32
        %get3A_1226 = arith.index_cast %add3A_1225 : i32 to index
        %get3A_1227 = arith.constant 0 : index
        %get3A_1228 = tpu.vector_load %arg10[%get3A_1226, %get3A_1227] {strides = array<i32>} : memref<256x64xbf16, #tpu.memory_space<vmem>>, vector<32xbf16>,
        %unpack3A_1229 = tpu.unpack_subelements %get3A_1228, 0 {pack_format = #tpu.pack_format<interleaved>} : vector<32xbf16> -> vector<16xf32>
        %unpack3A_1230 = tpu.unpack_subelements %get3A_1228, 1 {pack_format = #tpu.pack_format<interleaved>} : vector<32xbf16> -> vector<16xf32>
        %mul3A_1231 = vector.broadcast %squeeze3A_1219 : f32 to vector<16xf32>
        %mul3A_1232 = arith.mulf %unpack3A_1229, %mul3A_1231 : vector<16xf32>
        %swap3A_1233 = arith.index_cast %add3A_1225 : i32 to index
        %swap3A_1234 = arith.constant 0 : index
        %swap3A_1235 = tpu.vector_load %arg11[%swap3A_1233, %swap3A_1234] {strides = array<i32>} : memref<256x64xf32, #tpu.memory_space<vmem>>, vector<16xf32>,
        tpu.vector_store %arg11[%swap3A_1233, %swap3A_1234], %mul3A_1232 {strides = array<i32>} : memref<256x64xf32, #tpu.memory_space<vmem>>, vector<16xf32>,
        %mul3A_1236 = vector.broadcast %squeeze3A_1219 : f32 to vector<16xf32>
        %mul3A_1237 = arith.mulf %unpack3A_1230, %mul3A_1236 : vector<16xf32>
        %swap3A_1238 = arith.index_cast %add3A_1225 : i32 to index
        %swap3A_1239 = arith.constant 16 : index
        %swap3A_1240 = tpu.vector_load %arg11[%swap3A_1238, %swap3A_1239] {strides = array<i32>} : memref<256x64xf32, #tpu.memory_space<vmem>>, vector<16xf32>,
        tpu.vector_store %arg11[%swap3A_1238, %swap3A_1239], %mul3A_1237 {strides = array<i32>} : memref<256x64xf32, #tpu.memory_space<vmem>>, vector<16xf32>,
        %get3A_1241 = arith.index_cast %add3A_1225 : i32 to index
        %get3A_1242 = arith.constant 32 : index
        %get3A_1243 = tpu.vector_load %arg10[%get3A_1241, %get3A_1242] {strides = array<i32>} : memref<256x64xbf16, #tpu.memory_space<vmem>>, vector<32xbf16>,
        %unpack3A_1244 = tpu.unpack_subelements %get3A_1243, 0 {pack_format = #tpu.pack_format<interleaved>} : vector<32xbf16> -> vector<16xf32>
        %unpack3A_1245 = tpu.unpack_subelements %get3A_1243, 1 {pack_format = #tpu.pack_format<interleaved>} : vector<32xbf16> -> vector<16xf32>
        %mul3A_1246 = vector.broadcast %squeeze3A_1219 : f32 to vector<16xf32>
        %mul3A_1247 = arith.mulf %unpack3A_1244, %mul3A_1246 : vector<16xf32>
        %swap3A_1248 = arith.index_cast %add3A_1225 : i32 to index
        %swap3A_1249 = arith.constant 32 : index
        %swap3A_1250 = tpu.vector_load %arg11[%swap3A_1248, %swap3A_1249] {strides = array<i32>} : memref<256x64xf32, #tpu.memory_space<vmem>>, vector<16xf32>,
        tpu.vector_store %arg11[%swap3A_1248, %swap3A_1249], %mul3A_1247 {strides = array<i32>} : memref<256x64xf32, #tpu.memory_space<vmem>>, vector<16xf32>,
        %mul3A_1251 = vector.broadcast %squeeze3A_1219 : f32 to vector<16xf32>
        %mul3A_1252 = arith.mulf %unpack3A_1245, %mul3A_1251 : vector<16xf32>
        %swap3A_1253 = arith.index_cast %add3A_1225 : i32 to index
        %swap3A_1254 = arith.constant 48 : index
        %swap3A_1255 = tpu.vector_load %arg11[%swap3A_1253, %swap3A_1254] {strides = array<i32>} : memref<256x64xf32, #tpu.memory_space<vmem>>, vector<16xf32>,
        tpu.vector_store %arg11[%swap3A_1253, %swap3A_1254], %mul3A_1252 {strides = array<i32>} : memref<256x64xf32, #tpu.memory_space<vmem>>, vector<16xf32>,
        %slice3A_1256 = vector.extract_strided_slice %get3A_992 {offsets = [7], sizes = [1], strides = [1]} : vector<16xf32> to vector<1xf32>
        %squeeze3A_1257 = vector.extract %slice3A_1256[0] : f32 from vector<1xf32>
        %mul3A_1258 = arith.constant 16 : i32
        %mul3A_1259 = arith.muli %scan3A_929, %mul3A_1258 : i32
        %add3A_1260 = arith.constant 128 : i32
        %add3A_1261 = arith.addi %add3A_1260, %mul3A_1259 : i32
        %add3A_1262 = arith.constant 7 : i32
        %add3A_1263 = arith.addi %add3A_1261, %add3A_1262 : i32
        %get3A_1264 = arith.index_cast %add3A_1263 : i32 to index
        %get3A_1265 = arith.constant 0 : index
        %get3A_1266 = tpu.vector_load %arg10[%get3A_1264, %get3A_1265] {strides = array<i32>} : memref<256x64xbf16, #tpu.memory_space<vmem>>, vector<32xbf16>,
        %unpack3A_1267 = tpu.unpack_subelements %get3A_1266, 0 {pack_format = #tpu.pack_format<interleaved>} : vector<32xbf16> -> vector<16xf32>
        %unpack3A_1268 = tpu.unpack_subelements %get3A_1266, 1 {pack_format = #tpu.pack_format<interleaved>} : vector<32xbf16> -> vector<16xf32>
        %mul3A_1269 = vector.broadcast %squeeze3A_1257 : f32 to vector<16xf32>
        %mul3A_1270 = arith.mulf %unpack3A_1267, %mul3A_1269 : vector<16xf32>
        %swap3A_1271 = arith.index_cast %add3A_1263 : i32 to index
        %swap3A_1272 = arith.constant 0 : index
        %swap3A_1273 = tpu.vector_load %arg11[%swap3A_1271, %swap3A_1272] {strides = array<i32>} : memref<256x64xf32, #tpu.memory_space<vmem>>, vector<16xf32>,
        tpu.vector_store %arg11[%swap3A_1271, %swap3A_1272], %mul3A_1270 {strides = array<i32>} : memref<256x64xf32, #tpu.memory_space<vmem>>, vector<16xf32>,
        %mul3A_1274 = vector.broadcast %squeeze3A_1257 : f32 to vector<16xf32>
        %mul3A_1275 = arith.mulf %unpack3A_1268, %mul3A_1274 : vector<16xf32>
        %swap3A_1276 = arith.index_cast %add3A_1263 : i32 to index
        %swap3A_1277 = arith.constant 16 : index
        %swap3A_1278 = tpu.vector_load %arg11[%swap3A_1276, %swap3A_1277] {strides = array<i32>} : memref<256x64xf32, #tpu.memory_space<vmem>>, vector<16xf32>,
        tpu.vector_store %arg11[%swap3A_1276, %swap3A_1277], %mul3A_1275 {strides = array<i32>} : memref<256x64xf32, #tpu.memory_space<vmem>>, vector<16xf32>,
        %get3A_1279 = arith.index_cast %add3A_1263 : i32 to index
        %get3A_1280 = arith.constant 32 : index
        %get3A_1281 = tpu.vector_load %arg10[%get3A_1279, %get3A_1280] {strides = array<i32>} : memref<256x64xbf16, #tpu.memory_space<vmem>>, vector<32xbf16>,
        %unpack3A_1282 = tpu.unpack_subelements %get3A_1281, 0 {pack_format = #tpu.pack_format<interleaved>} : vector<32xbf16> -> vector<16xf32>
        %unpack3A_1283 = tpu.unpack_subelements %get3A_1281, 1 {pack_format = #tpu.pack_format<interleaved>} : vector<32xbf16> -> vector<16xf32>
        %mul3A_1284 = vector.broadcast %squeeze3A_1257 : f32 to vector<16xf32>
        %mul3A_1285 = arith.mulf %unpack3A_1282, %mul3A_1284 : vector<16xf32>
        %swap3A_1286 = arith.index_cast %add3A_1263 : i32 to index
        %swap3A_1287 = arith.constant 32 : index
        %swap3A_1288 = tpu.vector_load %arg11[%swap3A_1286, %swap3A_1287] {strides = array<i32>} : memref<256x64xf32, #tpu.memory_space<vmem>>, vector<16xf32>,
        tpu.vector_store %arg11[%swap3A_1286, %swap3A_1287], %mul3A_1285 {strides = array<i32>} : memref<256x64xf32, #tpu.memory_space<vmem>>, vector<16xf32>,
        %mul3A_1289 = vector.broadcast %squeeze3A_1257 : f32 to vector<16xf32>
        %mul3A_1290 = arith.mulf %unpack3A_1283, %mul3A_1289 : vector<16xf32>
        %swap3A_1291 = arith.index_cast %add3A_1263 : i32 to index
        %swap3A_1292 = arith.constant 48 : index
        %swap3A_1293 = tpu.vector_load %arg11[%swap3A_1291, %swap3A_1292] {strides = array<i32>} : memref<256x64xf32, #tpu.memory_space<vmem>>, vector<16xf32>,
        tpu.vector_store %arg11[%swap3A_1291, %swap3A_1292], %mul3A_1290 {strides = array<i32>} : memref<256x64xf32, #tpu.memory_space<vmem>>, vector<16xf32>,
        %slice3A_1294 = vector.extract_strided_slice %get3A_992 {offsets = [8], sizes = [1], strides = [1]} : vector<16xf32> to vector<1xf32>
        %squeeze3A_1295 = vector.extract %slice3A_1294[0] : f32 from vector<1xf32>
        %mul3A_1296 = arith.constant 16 : i32
        %mul3A_1297 = arith.muli %scan3A_929, %mul3A_1296 : i32
        %add3A_1298 = arith.constant 128 : i32
        %add3A_1299 = arith.addi %add3A_1298, %mul3A_1297 : i32
        %add3A_1300 = arith.constant 8 : i32
        %add3A_1301 = arith.addi %add3A_1299, %add3A_1300 : i32
        %get3A_1302 = arith.index_cast %add3A_1301 : i32 to index
        %get3A_1303 = arith.constant 0 : index
        %get3A_1304 = tpu.vector_load %arg10[%get3A_1302, %get3A_1303] {strides = array<i32>} : memref<256x64xbf16, #tpu.memory_space<vmem>>, vector<32xbf16>,
        %unpack3A_1305 = tpu.unpack_subelements %get3A_1304, 0 {pack_format = #tpu.pack_format<interleaved>} : vector<32xbf16> -> vector<16xf32>
        %unpack3A_1306 = tpu.unpack_subelements %get3A_1304, 1 {pack_format = #tpu.pack_format<interleaved>} : vector<32xbf16> -> vector<16xf32>
        %mul3A_1307 = vector.broadcast %squeeze3A_1295 : f32 to vector<16xf32>
        %mul3A_1308 = arith.mulf %unpack3A_1305, %mul3A_1307 : vector<16xf32>
        %swap3A_1309 = arith.index_cast %add3A_1301 : i32 to index
        %swap3A_1310 = arith.constant 0 : index
        %swap3A_1311 = tpu.vector_load %arg11[%swap3A_1309, %swap3A_1310] {strides = array<i32>} : memref<256x64xf32, #tpu.memory_space<vmem>>, vector<16xf32>,
        tpu.vector_store %arg11[%swap3A_1309, %swap3A_1310], %mul3A_1308 {strides = array<i32>} : memref<256x64xf32, #tpu.memory_space<vmem>>, vector<16xf32>,
        %mul3A_1312 = vector.broadcast %squeeze3A_1295 : f32 to vector<16xf32>
        %mul3A_1313 = arith.mulf %unpack3A_1306, %mul3A_1312 : vector<16xf32>
        %swap3A_1314 = arith.index_cast %add3A_1301 : i32 to index
        %swap3A_1315 = arith.constant 16 : index
        %swap3A_1316 = tpu.vector_load %arg11[%swap3A_1314, %swap3A_1315] {strides = array<i32>} : memref<256x64xf32, #tpu.memory_space<vmem>>, vector<16xf32>,
        tpu.vector_store %arg11[%swap3A_1314, %swap3A_1315], %mul3A_1313 {strides = array<i32>} : memref<256x64xf32, #tpu.memory_space<vmem>>, vector<16xf32>,
        %get3A_1317 = arith.index_cast %add3A_1301 : i32 to index
        %get3A_1318 = arith.constant 32 : index
        %get3A_1319 = tpu.vector_load %arg10[%get3A_1317, %get3A_1318] {strides = array<i32>} : memref<256x64xbf16, #tpu.memory_space<vmem>>, vector<32xbf16>,
        %unpack3A_1320 = tpu.unpack_subelements %get3A_1319, 0 {pack_format = #tpu.pack_format<interleaved>} : vector<32xbf16> -> vector<16xf32>
        %unpack3A_1321 = tpu.unpack_subelements %get3A_1319, 1 {pack_format = #tpu.pack_format<interleaved>} : vector<32xbf16> -> vector<16xf32>
        %mul3A_1322 = vector.broadcast %squeeze3A_1295 : f32 to vector<16xf32>
        %mul3A_1323 = arith.mulf %unpack3A_1320, %mul3A_1322 : vector<16xf32>
        %swap3A_1324 = arith.index_cast %add3A_1301 : i32 to index
        %swap3A_1325 = arith.constant 32 : index
        %swap3A_1326 = tpu.vector_load %arg11[%swap3A_1324, %swap3A_1325] {strides = array<i32>} : memref<256x64xf32, #tpu.memory_space<vmem>>, vector<16xf32>,
        tpu.vector_store %arg11[%swap3A_1324, %swap3A_1325], %mul3A_1323 {strides = array<i32>} : memref<256x64xf32, #tpu.memory_space<vmem>>, vector<16xf32>,
        %mul3A_1327 = vector.broadcast %squeeze3A_1295 : f32 to vector<16xf32>
        %mul3A_1328 = arith.mulf %unpack3A_1321, %mul3A_1327 : vector<16xf32>
        %swap3A_1329 = arith.index_cast %add3A_1301 : i32 to index
        %swap3A_1330 = arith.constant 48 : index
        %swap3A_1331 = tpu.vector_load %arg11[%swap3A_1329, %swap3A_1330] {strides = array<i32>} : memref<256x64xf32, #tpu.memory_space<vmem>>, vector<16xf32>,
        tpu.vector_store %arg11[%swap3A_1329, %swap3A_1330], %mul3A_1328 {strides = array<i32>} : memref<256x64xf32, #tpu.memory_space<vmem>>, vector<16xf32>,
        %slice3A_1332 = vector.extract_strided_slice %get3A_992 {offsets = [9], sizes = [1], strides = [1]} : vector<16xf32> to vector<1xf32>
        %squeeze3A_1333 = vector.extract %slice3A_1332[0] : f32 from vector<1xf32>
        %mul3A_1334 = arith.constant 16 : i32
        %mul3A_1335 = arith.muli %scan3A_929, %mul3A_1334 : i32
        %add3A_1336 = arith.constant 128 : i32
        %add3A_1337 = arith.addi %add3A_1336, %mul3A_1335 : i32
        %add3A_1338 = arith.constant 9 : i32
        %add3A_1339 = arith.addi %add3A_1337, %add3A_1338 : i32
        %get3A_1340 = arith.index_cast %add3A_1339 : i32 to index
        %get3A_1341 = arith.constant 0 : index
        %get3A_1342 = tpu.vector_load %arg10[%get3A_1340, %get3A_1341] {strides = array<i32>} : memref<256x64xbf16, #tpu.memory_space<vmem>>, vector<32xbf16>,
        %unpack3A_1343 = tpu.unpack_subelements %get3A_1342, 0 {pack_format = #tpu.pack_format<interleaved>} : vector<32xbf16> -> vector<16xf32>
        %unpack3A_1344 = tpu.unpack_subelements %get3A_1342, 1 {pack_format = #tpu.pack_format<interleaved>} : vector<32xbf16> -> vector<16xf32>
        %mul3A_1345 = vector.broadcast %squeeze3A_1333 : f32 to vector<16xf32>
        %mul3A_1346 = arith.mulf %unpack3A_1343, %mul3A_1345 : vector<16xf32>
        %swap3A_1347 = arith.index_cast %add3A_1339 : i32 to index
        %swap3A_1348 = arith.constant 0 : index
        %swap3A_1349 = tpu.vector_load %arg11[%swap3A_1347, %swap3A_1348] {strides = array<i32>} : memref<256x64xf32, #tpu.memory_space<vmem>>, vector<16xf32>,
        tpu.vector_store %arg11[%swap3A_1347, %swap3A_1348], %mul3A_1346 {strides = array<i32>} : memref<256x64xf32, #tpu.memory_space<vmem>>, vector<16xf32>,
        %mul3A_1350 = vector.broadcast %squeeze3A_1333 : f32 to vector<16xf32>
        %mul3A_1351 = arith.mulf %unpack3A_1344, %mul3A_1350 : vector<16xf32>
        %swap3A_1352 = arith.index_cast %add3A_1339 : i32 to index
        %swap3A_1353 = arith.constant 16 : index
        %swap3A_1354 = tpu.vector_load %arg11[%swap3A_1352, %swap3A_1353] {strides = array<i32>} : memref<256x64xf32, #tpu.memory_space<vmem>>, vector<16xf32>,
        tpu.vector_store %arg11[%swap3A_1352, %swap3A_1353], %mul3A_1351 {strides = array<i32>} : memref<256x64xf32, #tpu.memory_space<vmem>>, vector<16xf32>,
        %get3A_1355 = arith.index_cast %add3A_1339 : i32 to index
        %get3A_1356 = arith.constant 32 : index
        %get3A_1357 = tpu.vector_load %arg10[%get3A_1355, %get3A_1356] {strides = array<i32>} : memref<256x64xbf16, #tpu.memory_space<vmem>>, vector<32xbf16>,
        %unpack3A_1358 = tpu.unpack_subelements %get3A_1357, 0 {pack_format = #tpu.pack_format<interleaved>} : vector<32xbf16> -> vector<16xf32>
        %unpack3A_1359 = tpu.unpack_subelements %get3A_1357, 1 {pack_format = #tpu.pack_format<interleaved>} : vector<32xbf16> -> vector<16xf32>
        %mul3A_1360 = vector.broadcast %squeeze3A_1333 : f32 to vector<16xf32>
        %mul3A_1361 = arith.mulf %unpack3A_1358, %mul3A_1360 : vector<16xf32>
        %swap3A_1362 = arith.index_cast %add3A_1339 : i32 to index
        %swap3A_1363 = arith.constant 32 : index
        %swap3A_1364 = tpu.vector_load %arg11[%swap3A_1362, %swap3A_1363] {strides = array<i32>} : memref<256x64xf32, #tpu.memory_space<vmem>>, vector<16xf32>,
        tpu.vector_store %arg11[%swap3A_1362, %swap3A_1363], %mul3A_1361 {strides = array<i32>} : memref<256x64xf32, #tpu.memory_space<vmem>>, vector<16xf32>,
        %mul3A_1365 = vector.broadcast %squeeze3A_1333 : f32 to vector<16xf32>
        %mul3A_1366 = arith.mulf %unpack3A_1359, %mul3A_1365 : vector<16xf32>
        %swap3A_1367 = arith.index_cast %add3A_1339 : i32 to index
        %swap3A_1368 = arith.constant 48 : index
        %swap3A_1369 = tpu.vector_load %arg11[%swap3A_1367, %swap3A_1368] {strides = array<i32>} : memref<256x64xf32, #tpu.memory_space<vmem>>, vector<16xf32>,
        tpu.vector_store %arg11[%swap3A_1367, %swap3A_1368], %mul3A_1366 {strides = array<i32>} : memref<256x64xf32, #tpu.memory_space<vmem>>, vector<16xf32>,
        %slice3A_1370 = vector.extract_strided_slice %get3A_992 {offsets = [10], sizes = [1], strides = [1]} : vector<16xf32> to vector<1xf32>
        %squeeze3A_1371 = vector.extract %slice3A_1370[0] : f32 from vector<1xf32>
        %mul3A_1372 = arith.constant 16 : i32
        %mul3A_1373 = arith.muli %scan3A_929, %mul3A_1372 : i32
        %add3A_1374 = arith.constant 128 : i32
        %add3A_1375 = arith.addi %add3A_1374, %mul3A_1373 : i32
        %add3A_1376 = arith.constant 10 : i32
        %add3A_1377 = arith.addi %add3A_1375, %add3A_1376 : i32
        %get3A_1378 = arith.index_cast %add3A_1377 : i32 to index
        %get3A_1379 = arith.constant 0 : index
        %get3A_1380 = tpu.vector_load %arg10[%get3A_1378, %get3A_1379] {strides = array<i32>} : memref<256x64xbf16, #tpu.memory_space<vmem>>, vector<32xbf16>,
        %unpack3A_1381 = tpu.unpack_subelements %get3A_1380, 0 {pack_format = #tpu.pack_format<interleaved>} : vector<32xbf16> -> vector<16xf32>
        %unpack3A_1382 = tpu.unpack_subelements %get3A_1380, 1 {pack_format = #tpu.pack_format<interleaved>} : vector<32xbf16> -> vector<16xf32>
        %mul3A_1383 = vector.broadcast %squeeze3A_1371 : f32 to vector<16xf32>
        %mul3A_1384 = arith.mulf %unpack3A_1381, %mul3A_1383 : vector<16xf32>
        %swap3A_1385 = arith.index_cast %add3A_1377 : i32 to index
        %swap3A_1386 = arith.constant 0 : index
        %swap3A_1387 = tpu.vector_load %arg11[%swap3A_1385, %swap3A_1386] {strides = array<i32>} : memref<256x64xf32, #tpu.memory_space<vmem>>, vector<16xf32>,
        tpu.vector_store %arg11[%swap3A_1385, %swap3A_1386], %mul3A_1384 {strides = array<i32>} : memref<256x64xf32, #tpu.memory_space<vmem>>, vector<16xf32>,
        %mul3A_1388 = vector.broadcast %squeeze3A_1371 : f32 to vector<16xf32>
        %mul3A_1389 = arith.mulf %unpack3A_1382, %mul3A_1388 : vector<16xf32>
        %swap3A_1390 = arith.index_cast %add3A_1377 : i32 to index
        %swap3A_1391 = arith.constant 16 : index
        %swap3A_1392 = tpu.vector_load %arg11[%swap3A_1390, %swap3A_1391] {strides = array<i32>} : memref<256x64xf32, #tpu.memory_space<vmem>>, vector<16xf32>,
        tpu.vector_store %arg11[%swap3A_1390, %swap3A_1391], %mul3A_1389 {strides = array<i32>} : memref<256x64xf32, #tpu.memory_space<vmem>>, vector<16xf32>,
        %get3A_1393 = arith.index_cast %add3A_1377 : i32 to index
        %get3A_1394 = arith.constant 32 : index
        %get3A_1395 = tpu.vector_load %arg10[%get3A_1393, %get3A_1394] {strides = array<i32>} : memref<256x64xbf16, #tpu.memory_space<vmem>>, vector<32xbf16>,
        %unpack3A_1396 = tpu.unpack_subelements %get3A_1395, 0 {pack_format = #tpu.pack_format<interleaved>} : vector<32xbf16> -> vector<16xf32>
        %unpack3A_1397 = tpu.unpack_subelements %get3A_1395, 1 {pack_format = #tpu.pack_format<interleaved>} : vector<32xbf16> -> vector<16xf32>
        %mul3A_1398 = vector.broadcast %squeeze3A_1371 : f32 to vector<16xf32>
        %mul3A_1399 = arith.mulf %unpack3A_1396, %mul3A_1398 : vector<16xf32>
        %swap3A_1400 = arith.index_cast %add3A_1377 : i32 to index
        %swap3A_1401 = arith.constant 32 : index
        %swap3A_1402 = tpu.vector_load %arg11[%swap3A_1400, %swap3A_1401] {strides = array<i32>} : memref<256x64xf32, #tpu.memory_space<vmem>>, vector<16xf32>,
        tpu.vector_store %arg11[%swap3A_1400, %swap3A_1401], %mul3A_1399 {strides = array<i32>} : memref<256x64xf32, #tpu.memory_space<vmem>>, vector<16xf32>,
        %mul3A_1403 = vector.broadcast %squeeze3A_1371 : f32 to vector<16xf32>
        %mul3A_1404 = arith.mulf %unpack3A_1397, %mul3A_1403 : vector<16xf32>
        %swap3A_1405 = arith.index_cast %add3A_1377 : i32 to index
        %swap3A_1406 = arith.constant 48 : index
        %swap3A_1407 = tpu.vector_load %arg11[%swap3A_1405, %swap3A_1406] {strides = array<i32>} : memref<256x64xf32, #tpu.memory_space<vmem>>, vector<16xf32>,
        tpu.vector_store %arg11[%swap3A_1405, %swap3A_1406], %mul3A_1404 {strides = array<i32>} : memref<256x64xf32, #tpu.memory_space<vmem>>, vector<16xf32>,
        %slice3A_1408 = vector.extract_strided_slice %get3A_992 {offsets = [11], sizes = [1], strides = [1]} : vector<16xf32> to vector<1xf32>
        %squeeze3A_1409 = vector.extract %slice3A_1408[0] : f32 from vector<1xf32>
        %mul3A_1410 = arith.constant 16 : i32
        %mul3A_1411 = arith.muli %scan3A_929, %mul3A_1410 : i32
        %add3A_1412 = arith.constant 128 : i32
        %add3A_1413 = arith.addi %add3A_1412, %mul3A_1411 : i32
        %add3A_1414 = arith.constant 11 : i32
        %add3A_1415 = arith.addi %add3A_1413, %add3A_1414 : i32
        %get3A_1416 = arith.index_cast %add3A_1415 : i32 to index
        %get3A_1417 = arith.constant 0 : index
        %get3A_1418 = tpu.vector_load %arg10[%get3A_1416, %get3A_1417] {strides = array<i32>} : memref<256x64xbf16, #tpu.memory_space<vmem>>, vector<32xbf16>,
        %unpack3A_1419 = tpu.unpack_subelements %get3A_1418, 0 {pack_format = #tpu.pack_format<interleaved>} : vector<32xbf16> -> vector<16xf32>
        %unpack3A_1420 = tpu.unpack_subelements %get3A_1418, 1 {pack_format = #tpu.pack_format<interleaved>} : vector<32xbf16> -> vector<16xf32>
        %mul3A_1421 = vector.broadcast %squeeze3A_1409 : f32 to vector<16xf32>
        %mul3A_1422 = arith.mulf %unpack3A_1419, %mul3A_1421 : vector<16xf32>
        %swap3A_1423 = arith.index_cast %add3A_1415 : i32 to index
        %swap3A_1424 = arith.constant 0 : index
        %swap3A_1425 = tpu.vector_load %arg11[%swap3A_1423, %swap3A_1424] {strides = array<i32>} : memref<256x64xf32, #tpu.memory_space<vmem>>, vector<16xf32>,
        tpu.vector_store %arg11[%swap3A_1423, %swap3A_1424], %mul3A_1422 {strides = array<i32>} : memref<256x64xf32, #tpu.memory_space<vmem>>, vector<16xf32>,
        %mul3A_1426 = vector.broadcast %squeeze3A_1409 : f32 to vector<16xf32>
        %mul3A_1427 = arith.mulf %unpack3A_1420, %mul3A_1426 : vector<16xf32>
        %swap3A_1428 = arith.index_cast %add3A_1415 : i32 to index
        %swap3A_1429 = arith.constant 16 : index
        %swap3A_1430 = tpu.vector_load %arg11[%swap3A_1428, %swap3A_1429] {strides = array<i32>} : memref<256x64xf32, #tpu.memory_space<vmem>>, vector<16xf32>,
        tpu.vector_store %arg11[%swap3A_1428, %swap3A_1429], %mul3A_1427 {strides = array<i32>} : memref<256x64xf32, #tpu.memory_space<vmem>>, vector<16xf32>,
        %get3A_1431 = arith.index_cast %add3A_1415 : i32 to index
        %get3A_1432 = arith.constant 32 : index
        %get3A_1433 = tpu.vector_load %arg10[%get3A_1431, %get3A_1432] {strides = array<i32>} : memref<256x64xbf16, #tpu.memory_space<vmem>>, vector<32xbf16>,
        %unpack3A_1434 = tpu.unpack_subelements %get3A_1433, 0 {pack_format = #tpu.pack_format<interleaved>} : vector<32xbf16> -> vector<16xf32>
        %unpack3A_1435 = tpu.unpack_subelements %get3A_1433, 1 {pack_format = #tpu.pack_format<interleaved>} : vector<32xbf16> -> vector<16xf32>
        %mul3A_1436 = vector.broadcast %squeeze3A_1409 : f32 to vector<16xf32>
        %mul3A_1437 = arith.mulf %unpack3A_1434, %mul3A_1436 : vector<16xf32>
        %swap3A_1438 = arith.index_cast %add3A_1415 : i32 to index
        %swap3A_1439 = arith.constant 32 : index
        %swap3A_1440 = tpu.vector_load %arg11[%swap3A_1438, %swap3A_1439] {strides = array<i32>} : memref<256x64xf32, #tpu.memory_space<vmem>>, vector<16xf32>,
        tpu.vector_store %arg11[%swap3A_1438, %swap3A_1439], %mul3A_1437 {strides = array<i32>} : memref<256x64xf32, #tpu.memory_space<vmem>>, vector<16xf32>,
        %mul3A_1441 = vector.broadcast %squeeze3A_1409 : f32 to vector<16xf32>
        %mul3A_1442 = arith.mulf %unpack3A_1435, %mul3A_1441 : vector<16xf32>
        %swap3A_1443 = arith.index_cast %add3A_1415 : i32 to index
        %swap3A_1444 = arith.constant 48 : index
        %swap3A_1445 = tpu.vector_load %arg11[%swap3A_1443, %swap3A_1444] {strides = array<i32>} : memref<256x64xf32, #tpu.memory_space<vmem>>, vector<16xf32>,
        tpu.vector_store %arg11[%swap3A_1443, %swap3A_1444], %mul3A_1442 {strides = array<i32>} : memref<256x64xf32, #tpu.memory_space<vmem>>, vector<16xf32>,
        %slice3A_1446 = vector.extract_strided_slice %get3A_992 {offsets = [12], sizes = [1], strides = [1]} : vector<16xf32> to vector<1xf32>
        %squeeze3A_1447 = vector.extract %slice3A_1446[0] : f32 from vector<1xf32>
        %mul3A_1448 = arith.constant 16 : i32
        %mul3A_1449 = arith.muli %scan3A_929, %mul3A_1448 : i32
        %add3A_1450 = arith.constant 128 : i32
        %add3A_1451 = arith.addi %add3A_1450, %mul3A_1449 : i32
        %add3A_1452 = arith.constant 12 : i32
        %add3A_1453 = arith.addi %add3A_1451, %add3A_1452 : i32
        %get3A_1454 = arith.index_cast %add3A_1453 : i32 to index
        %get3A_1455 = arith.constant 0 : index
        %get3A_1456 = tpu.vector_load %arg10[%get3A_1454, %get3A_1455] {strides = array<i32>} : memref<256x64xbf16, #tpu.memory_space<vmem>>, vector<32xbf16>,
        %unpack3A_1457 = tpu.unpack_subelements %get3A_1456, 0 {pack_format = #tpu.pack_format<interleaved>} : vector<32xbf16> -> vector<16xf32>
        %unpack3A_1458 = tpu.unpack_subelements %get3A_1456, 1 {pack_format = #tpu.pack_format<interleaved>} : vector<32xbf16> -> vector<16xf32>
        %mul3A_1459 = vector.broadcast %squeeze3A_1447 : f32 to vector<16xf32>
        %mul3A_1460 = arith.mulf %unpack3A_1457, %mul3A_1459 : vector<16xf32>
        %swap3A_1461 = arith.index_cast %add3A_1453 : i32 to index
        %swap3A_1462 = arith.constant 0 : index
        %swap3A_1463 = tpu.vector_load %arg11[%swap3A_1461, %swap3A_1462] {strides = array<i32>} : memref<256x64xf32, #tpu.memory_space<vmem>>, vector<16xf32>,
        tpu.vector_store %arg11[%swap3A_1461, %swap3A_1462], %mul3A_1460 {strides = array<i32>} : memref<256x64xf32, #tpu.memory_space<vmem>>, vector<16xf32>,
        %mul3A_1464 = vector.broadcast %squeeze3A_1447 : f32 to vector<16xf32>
        %mul3A_1465 = arith.mulf %unpack3A_1458, %mul3A_1464 : vector<16xf32>
        %swap3A_1466 = arith.index_cast %add3A_1453 : i32 to index
        %swap3A_1467 = arith.constant 16 : index
        %swap3A_1468 = tpu.vector_load %arg11[%swap3A_1466, %swap3A_1467] {strides = array<i32>} : memref<256x64xf32, #tpu.memory_space<vmem>>, vector<16xf32>,
        tpu.vector_store %arg11[%swap3A_1466, %swap3A_1467], %mul3A_1465 {strides = array<i32>} : memref<256x64xf32, #tpu.memory_space<vmem>>, vector<16xf32>,
        %get3A_1469 = arith.index_cast %add3A_1453 : i32 to index
        %get3A_1470 = arith.constant 32 : index
        %get3A_1471 = tpu.vector_load %arg10[%get3A_1469, %get3A_1470] {strides = array<i32>} : memref<256x64xbf16, #tpu.memory_space<vmem>>, vector<32xbf16>,
        %unpack3A_1472 = tpu.unpack_subelements %get3A_1471, 0 {pack_format = #tpu.pack_format<interleaved>} : vector<32xbf16> -> vector<16xf32>
        %unpack3A_1473 = tpu.unpack_subelements %get3A_1471, 1 {pack_format = #tpu.pack_format<interleaved>} : vector<32xbf16> -> vector<16xf32>
        %mul3A_1474 = vector.broadcast %squeeze3A_1447 : f32 to vector<16xf32>
        %mul3A_1475 = arith.mulf %unpack3A_1472, %mul3A_1474 : vector<16xf32>
        %swap3A_1476 = arith.index_cast %add3A_1453 : i32 to index
        %swap3A_1477 = arith.constant 32 : index
        %swap3A_1478 = tpu.vector_load %arg11[%swap3A_1476, %swap3A_1477] {strides = array<i32>} : memref<256x64xf32, #tpu.memory_space<vmem>>, vector<16xf32>,
        tpu.vector_store %arg11[%swap3A_1476, %swap3A_1477], %mul3A_1475 {strides = array<i32>} : memref<256x64xf32, #tpu.memory_space<vmem>>, vector<16xf32>,
        %mul3A_1479 = vector.broadcast %squeeze3A_1447 : f32 to vector<16xf32>
        %mul3A_1480 = arith.mulf %unpack3A_1473, %mul3A_1479 : vector<16xf32>
        %swap3A_1481 = arith.index_cast %add3A_1453 : i32 to index
        %swap3A_1482 = arith.constant 48 : index
        %swap3A_1483 = tpu.vector_load %arg11[%swap3A_1481, %swap3A_1482] {strides = array<i32>} : memref<256x64xf32, #tpu.memory_space<vmem>>, vector<16xf32>,
        tpu.vector_store %arg11[%swap3A_1481, %swap3A_1482], %mul3A_1480 {strides = array<i32>} : memref<256x64xf32, #tpu.memory_space<vmem>>, vector<16xf32>,
        %slice3A_1484 = vector.extract_strided_slice %get3A_992 {offsets = [13], sizes = [1], strides = [1]} : vector<16xf32> to vector<1xf32>
        %squeeze3A_1485 = vector.extract %slice3A_1484[0] : f32 from vector<1xf32>
        %mul3A_1486 = arith.constant 16 : i32
        %mul3A_1487 = arith.muli %scan3A_929, %mul3A_1486 : i32
        %add3A_1488 = arith.constant 128 : i32
        %add3A_1489 = arith.addi %add3A_1488, %mul3A_1487 : i32
        %add3A_1490 = arith.constant 13 : i32
        %add3A_1491 = arith.addi %add3A_1489, %add3A_1490 : i32
        %get3A_1492 = arith.index_cast %add3A_1491 : i32 to index
        %get3A_1493 = arith.constant 0 : index
        %get3A_1494 = tpu.vector_load %arg10[%get3A_1492, %get3A_1493] {strides = array<i32>} : memref<256x64xbf16, #tpu.memory_space<vmem>>, vector<32xbf16>,
        %unpack3A_1495 = tpu.unpack_subelements %get3A_1494, 0 {pack_format = #tpu.pack_format<interleaved>} : vector<32xbf16> -> vector<16xf32>
        %unpack3A_1496 = tpu.unpack_subelements %get3A_1494, 1 {pack_format = #tpu.pack_format<interleaved>} : vector<32xbf16> -> vector<16xf32>
        %mul3A_1497 = vector.broadcast %squeeze3A_1485 : f32 to vector<16xf32>
        %mul3A_1498 = arith.mulf %unpack3A_1495, %mul3A_1497 : vector<16xf32>
        %swap3A_1499 = arith.index_cast %add3A_1491 : i32 to index
        %swap3A_1500 = arith.constant 0 : index
        %swap3A_1501 = tpu.vector_load %arg11[%swap3A_1499, %swap3A_1500] {strides = array<i32>} : memref<256x64xf32, #tpu.memory_space<vmem>>, vector<16xf32>,
        tpu.vector_store %arg11[%swap3A_1499, %swap3A_1500], %mul3A_1498 {strides = array<i32>} : memref<256x64xf32, #tpu.memory_space<vmem>>, vector<16xf32>,
        %mul3A_1502 = vector.broadcast %squeeze3A_1485 : f32 to vector<16xf32>
        %mul3A_1503 = arith.mulf %unpack3A_1496, %mul3A_1502 : vector<16xf32>
        %swap3A_1504 = arith.index_cast %add3A_1491 : i32 to index
        %swap3A_1505 = arith.constant 16 : index
        %swap3A_1506 = tpu.vector_load %arg11[%swap3A_1504, %swap3A_1505] {strides = array<i32>} : memref<256x64xf32, #tpu.memory_space<vmem>>, vector<16xf32>,
        tpu.vector_store %arg11[%swap3A_1504, %swap3A_1505], %mul3A_1503 {strides = array<i32>} : memref<256x64xf32, #tpu.memory_space<vmem>>, vector<16xf32>,
        %get3A_1507 = arith.index_cast %add3A_1491 : i32 to index
        %get3A_1508 = arith.constant 32 : index
        %get3A_1509 = tpu.vector_load %arg10[%get3A_1507, %get3A_1508] {strides = array<i32>} : memref<256x64xbf16, #tpu.memory_space<vmem>>, vector<32xbf16>,
        %unpack3A_1510 = tpu.unpack_subelements %get3A_1509, 0 {pack_format = #tpu.pack_format<interleaved>} : vector<32xbf16> -> vector<16xf32>
        %unpack3A_1511 = tpu.unpack_subelements %get3A_1509, 1 {pack_format = #tpu.pack_format<interleaved>} : vector<32xbf16> -> vector<16xf32>
        %mul3A_1512 = vector.broadcast %squeeze3A_1485 : f32 to vector<16xf32>
        %mul3A_1513 = arith.mulf %unpack3A_1510, %mul3A_1512 : vector<16xf32>
        %swap3A_1514 = arith.index_cast %add3A_1491 : i32 to index
        %swap3A_1515 = arith.constant 32 : index
        %swap3A_1516 = tpu.vector_load %arg11[%swap3A_1514, %swap3A_1515] {strides = array<i32>} : memref<256x64xf32, #tpu.memory_space<vmem>>, vector<16xf32>,
        tpu.vector_store %arg11[%swap3A_1514, %swap3A_1515], %mul3A_1513 {strides = array<i32>} : memref<256x64xf32, #tpu.memory_space<vmem>>, vector<16xf32>,
        %mul3A_1517 = vector.broadcast %squeeze3A_1485 : f32 to vector<16xf32>
        %mul3A_1518 = arith.mulf %unpack3A_1511, %mul3A_1517 : vector<16xf32>
        %swap3A_1519 = arith.index_cast %add3A_1491 : i32 to index
        %swap3A_1520 = arith.constant 48 : index
        %swap3A_1521 = tpu.vector_load %arg11[%swap3A_1519, %swap3A_1520] {strides = array<i32>} : memref<256x64xf32, #tpu.memory_space<vmem>>, vector<16xf32>,
        tpu.vector_store %arg11[%swap3A_1519, %swap3A_1520], %mul3A_1518 {strides = array<i32>} : memref<256x64xf32, #tpu.memory_space<vmem>>, vector<16xf32>,
        %slice3A_1522 = vector.extract_strided_slice %get3A_992 {offsets = [14], sizes = [1], strides = [1]} : vector<16xf32> to vector<1xf32>
        %squeeze3A_1523 = vector.extract %slice3A_1522[0] : f32 from vector<1xf32>
        %mul3A_1524 = arith.constant 16 : i32
        %mul3A_1525 = arith.muli %scan3A_929, %mul3A_1524 : i32
        %add3A_1526 = arith.constant 128 : i32
        %add3A_1527 = arith.addi %add3A_1526, %mul3A_1525 : i32
        %add3A_1528 = arith.constant 14 : i32
        %add3A_1529 = arith.addi %add3A_1527, %add3A_1528 : i32
        %get3A_1530 = arith.index_cast %add3A_1529 : i32 to index
        %get3A_1531 = arith.constant 0 : index
        %get3A_1532 = tpu.vector_load %arg10[%get3A_1530, %get3A_1531] {strides = array<i32>} : memref<256x64xbf16, #tpu.memory_space<vmem>>, vector<32xbf16>,
        %unpack3A_1533 = tpu.unpack_subelements %get3A_1532, 0 {pack_format = #tpu.pack_format<interleaved>} : vector<32xbf16> -> vector<16xf32>
        %unpack3A_1534 = tpu.unpack_subelements %get3A_1532, 1 {pack_format = #tpu.pack_format<interleaved>} : vector<32xbf16> -> vector<16xf32>
        %mul3A_1535 = vector.broadcast %squeeze3A_1523 : f32 to vector<16xf32>
        %mul3A_1536 = arith.mulf %unpack3A_1533, %mul3A_1535 : vector<16xf32>
        %swap3A_1537 = arith.index_cast %add3A_1529 : i32 to index
        %swap3A_1538 = arith.constant 0 : index
        %swap3A_1539 = tpu.vector_load %arg11[%swap3A_1537, %swap3A_1538] {strides = array<i32>} : memref<256x64xf32, #tpu.memory_space<vmem>>, vector<16xf32>,
        tpu.vector_store %arg11[%swap3A_1537, %swap3A_1538], %mul3A_1536 {strides = array<i32>} : memref<256x64xf32, #tpu.memory_space<vmem>>, vector<16xf32>,
        %mul3A_1540 = vector.broadcast %squeeze3A_1523 : f32 to vector<16xf32>
        %mul3A_1541 = arith.mulf %unpack3A_1534, %mul3A_1540 : vector<16xf32>
        %swap3A_1542 = arith.index_cast %add3A_1529 : i32 to index
        %swap3A_1543 = arith.constant 16 : index
        %swap3A_1544 = tpu.vector_load %arg11[%swap3A_1542, %swap3A_1543] {strides = array<i32>} : memref<256x64xf32, #tpu.memory_space<vmem>>, vector<16xf32>,
        tpu.vector_store %arg11[%swap3A_1542, %swap3A_1543], %mul3A_1541 {strides = array<i32>} : memref<256x64xf32, #tpu.memory_space<vmem>>, vector<16xf32>,
        %get3A_1545 = arith.index_cast %add3A_1529 : i32 to index
        %get3A_1546 = arith.constant 32 : index
        %get3A_1547 = tpu.vector_load %arg10[%get3A_1545, %get3A_1546] {strides = array<i32>} : memref<256x64xbf16, #tpu.memory_space<vmem>>, vector<32xbf16>,
        %unpack3A_1548 = tpu.unpack_subelements %get3A_1547, 0 {pack_format = #tpu.pack_format<interleaved>} : vector<32xbf16> -> vector<16xf32>
        %unpack3A_1549 = tpu.unpack_subelements %get3A_1547, 1 {pack_format = #tpu.pack_format<interleaved>} : vector<32xbf16> -> vector<16xf32>
        %mul3A_1550 = vector.broadcast %squeeze3A_1523 : f32 to vector<16xf32>
        %mul3A_1551 = arith.mulf %unpack3A_1548, %mul3A_1550 : vector<16xf32>
        %swap3A_1552 = arith.index_cast %add3A_1529 : i32 to index
        %swap3A_1553 = arith.constant 32 : index
        %swap3A_1554 = tpu.vector_load %arg11[%swap3A_1552, %swap3A_1553] {strides = array<i32>} : memref<256x64xf32, #tpu.memory_space<vmem>>, vector<16xf32>,
        tpu.vector_store %arg11[%swap3A_1552, %swap3A_1553], %mul3A_1551 {strides = array<i32>} : memref<256x64xf32, #tpu.memory_space<vmem>>, vector<16xf32>,
        %mul3A_1555 = vector.broadcast %squeeze3A_1523 : f32 to vector<16xf32>
        %mul3A_1556 = arith.mulf %unpack3A_1549, %mul3A_1555 : vector<16xf32>
        %swap3A_1557 = arith.index_cast %add3A_1529 : i32 to index
        %swap3A_1558 = arith.constant 48 : index
        %swap3A_1559 = tpu.vector_load %arg11[%swap3A_1557, %swap3A_1558] {strides = array<i32>} : memref<256x64xf32, #tpu.memory_space<vmem>>, vector<16xf32>,
        tpu.vector_store %arg11[%swap3A_1557, %swap3A_1558], %mul3A_1556 {strides = array<i32>} : memref<256x64xf32, #tpu.memory_space<vmem>>, vector<16xf32>,
        %slice3A_1560 = vector.extract_strided_slice %get3A_992 {offsets = [15], sizes = [1], strides = [1]} : vector<16xf32> to vector<1xf32>
        %squeeze3A_1561 = vector.extract %slice3A_1560[0] : f32 from vector<1xf32>
        %mul3A_1562 = arith.constant 16 : i32
        %mul3A_1563 = arith.muli %scan3A_929, %mul3A_1562 : i32
        %add3A_1564 = arith.constant 128 : i32
        %add3A_1565 = arith.addi %add3A_1564, %mul3A_1563 : i32
        %add3A_1566 = arith.constant 15 : i32
        %add3A_1567 = arith.addi %add3A_1565, %add3A_1566 : i32
        %get3A_1568 = arith.index_cast %add3A_1567 : i32 to index
        %get3A_1569 = arith.constant 0 : index
        %get3A_1570 = tpu.vector_load %arg10[%get3A_1568, %get3A_1569] {strides = array<i32>} : memref<256x64xbf16, #tpu.memory_space<vmem>>, vector<32xbf16>,
        %unpack3A_1571 = tpu.unpack_subelements %get3A_1570, 0 {pack_format = #tpu.pack_format<interleaved>} : vector<32xbf16> -> vector<16xf32>
        %unpack3A_1572 = tpu.unpack_subelements %get3A_1570, 1 {pack_format = #tpu.pack_format<interleaved>} : vector<32xbf16> -> vector<16xf32>
        %mul3A_1573 = vector.broadcast %squeeze3A_1561 : f32 to vector<16xf32>
        %mul3A_1574 = arith.mulf %unpack3A_1571, %mul3A_1573 : vector<16xf32>
        %swap3A_1575 = arith.index_cast %add3A_1567 : i32 to index
        %swap3A_1576 = arith.constant 0 : index
        %swap3A_1577 = tpu.vector_load %arg11[%swap3A_1575, %swap3A_1576] {strides = array<i32>} : memref<256x64xf32, #tpu.memory_space<vmem>>, vector<16xf32>,
        tpu.vector_store %arg11[%swap3A_1575, %swap3A_1576], %mul3A_1574 {strides = array<i32>} : memref<256x64xf32, #tpu.memory_space<vmem>>, vector<16xf32>,
        %mul3A_1578 = vector.broadcast %squeeze3A_1561 : f32 to vector<16xf32>
        %mul3A_1579 = arith.mulf %unpack3A_1572, %mul3A_1578 : vector<16xf32>
        %swap3A_1580 = arith.index_cast %add3A_1567 : i32 to index
        %swap3A_1581 = arith.constant 16 : index
        %swap3A_1582 = tpu.vector_load %arg11[%swap3A_1580, %swap3A_1581] {strides = array<i32>} : memref<256x64xf32, #tpu.memory_space<vmem>>, vector<16xf32>,
        tpu.vector_store %arg11[%swap3A_1580, %swap3A_1581], %mul3A_1579 {strides = array<i32>} : memref<256x64xf32, #tpu.memory_space<vmem>>, vector<16xf32>,
        %get3A_1583 = arith.index_cast %add3A_1567 : i32 to index
        %get3A_1584 = arith.constant 32 : index
        %get3A_1585 = tpu.vector_load %arg10[%get3A_1583, %get3A_1584] {strides = array<i32>} : memref<256x64xbf16, #tpu.memory_space<vmem>>, vector<32xbf16>,
        %unpack3A_1586 = tpu.unpack_subelements %get3A_1585, 0 {pack_format = #tpu.pack_format<interleaved>} : vector<32xbf16> -> vector<16xf32>
        %unpack3A_1587 = tpu.unpack_subelements %get3A_1585, 1 {pack_format = #tpu.pack_format<interleaved>} : vector<32xbf16> -> vector<16xf32>
        %mul3A_1588 = vector.broadcast %squeeze3A_1561 : f32 to vector<16xf32>
        %mul3A_1589 = arith.mulf %unpack3A_1586, %mul3A_1588 : vector<16xf32>
        %swap3A_1590 = arith.index_cast %add3A_1567 : i32 to index
        %swap3A_1591 = arith.constant 32 : index
        %swap3A_1592 = tpu.vector_load %arg11[%swap3A_1590, %swap3A_1591] {strides = array<i32>} : memref<256x64xf32, #tpu.memory_space<vmem>>, vector<16xf32>,
        tpu.vector_store %arg11[%swap3A_1590, %swap3A_1591], %mul3A_1589 {strides = array<i32>} : memref<256x64xf32, #tpu.memory_space<vmem>>, vector<16xf32>,
        %mul3A_1593 = vector.broadcast %squeeze3A_1561 : f32 to vector<16xf32>
        %mul3A_1594 = arith.mulf %unpack3A_1587, %mul3A_1593 : vector<16xf32>
        %swap3A_1595 = arith.index_cast %add3A_1567 : i32 to index
        %swap3A_1596 = arith.constant 48 : index
        %swap3A_1597 = tpu.vector_load %arg11[%swap3A_1595, %swap3A_1596] {strides = array<i32>} : memref<256x64xf32, #tpu.memory_space<vmem>>, vector<16xf32>,
        tpu.vector_store %arg11[%swap3A_1595, %swap3A_1596], %mul3A_1594 {strides = array<i32>} : memref<256x64xf32, #tpu.memory_space<vmem>>, vector<16xf32>,
        %scan3A_1598 = arith.constant 0 : i32
        scf.yield %scan3A_1598 : i32
      }
      %scan3A_763 = arith.constant 8 : i32
      %jit3A_764 = arith.constant 8 : i32
      %div3A_765 = arith.divsi %add3A_636, %jit3A_764 : i32
      %sign3A_766 = arith.constant 0 : i32
      %sign3A_767 = arith.cmpi sgt, %add3A_636, %sign3A_766 : i32
      %sign3A_768 = arith.extui %sign3A_767 : i1 to i32
      %sign3A_769 = arith.constant 0 : i32
      %sign3A_770 = arith.cmpi slt, %add3A_636, %sign3A_769 : i32
      %sign3A_771 = arith.extui %sign3A_770 : i1 to i32
      %sign3A_772 = arith.subi %sign3A_768, %sign3A_771 : i32
      %sign3A_773 = arith.constant 0 : i32
      %sign3A_774 = arith.cmpi sgt, %jit3A_764, %sign3A_773 : i32
      %sign3A_775 = arith.extui %sign3A_774 : i1 to i32
      %sign3A_776 = arith.constant 0 : i32
      %sign3A_777 = arith.cmpi slt, %jit3A_764, %sign3A_776 : i32
      %sign3A_778 = arith.extui %sign3A_777 : i1 to i32
      %sign3A_779 = arith.subi %sign3A_775, %sign3A_778 : i32
      %ne3A_780 = arith.cmpi ne, %sign3A_772, %sign3A_779 : i32
      %rem3A_781 = arith.remsi %add3A_636, %jit3A_764 : i32
      %ne3A_782 = arith.constant 0 : i32
      %ne3A_783 = arith.cmpi ne, %rem3A_781, %ne3A_782 : i32
      %and3A_784 = arith.andi %ne3A_780, %ne3A_783 : i1
      %sub3A_785 = arith.constant 1 : i32
      %sub3A_786 = arith.subi %div3A_765, %sub3A_785 : i32
      %select_n3A_787 = arith.select %and3A_784, %sub3A_786, %div3A_765 : i32
      %jit3A_788 = arith.constant 2 : i32
      %eq3A_789 = arith.constant 0 : i32
      %eq3A_790 = arith.cmpi eq, %jit3A_788, %eq3A_789 : i32
      %jit3A_791 = arith.constant 1 : i32
      %select_n3A_792 = arith.select %eq3A_790, %jit3A_791, %jit3A_788 : i32
      %rem3A_793 = arith.remsi %select_n3A_787, %select_n3A_792 : i32
      %ne3A_794 = arith.constant 0 : i32
      %ne3A_795 = arith.cmpi ne, %rem3A_793, %ne3A_794 : i32
      %lt3A_796 = arith.constant 0 : i32
      %lt3A_797 = arith.cmpi slt, %rem3A_793, %lt3A_796 : i32
      %lt3A_798 = arith.constant 0 : i32
      %lt3A_799 = arith.cmpi slt, %select_n3A_792, %lt3A_798 : i32
      %ne3A_800 = arith.xori %lt3A_797, %lt3A_799 : i1
      %and3A_801 = arith.andi %ne3A_800, %ne3A_795 : i1
      %add3A_802 = arith.addi %rem3A_793, %select_n3A_792 : i32
      %select_n3A_803 = arith.select %and3A_801, %add3A_802, %rem3A_793 : i32
      %jit3A_804 = arith.constant 8 : i32
      %eq3A_805 = arith.constant 0 : i32
      %eq3A_806 = arith.cmpi eq, %jit3A_804, %eq3A_805 : i32
      %jit3A_807 = arith.constant 1 : i32
      %select_n3A_808 = arith.select %eq3A_806, %jit3A_807, %jit3A_804 : i32
      %rem3A_809 = arith.remsi %add3A_636, %select_n3A_808 : i32
      %ne3A_810 = arith.constant 0 : i32
      %ne3A_811 = arith.cmpi ne, %rem3A_809, %ne3A_810 : i32
      %lt3A_812 = arith.constant 0 : i32
      %lt3A_813 = arith.cmpi slt, %rem3A_809, %lt3A_812 : i32
      %lt3A_814 = arith.constant 0 : i32
      %lt3A_815 = arith.cmpi slt, %select_n3A_808, %lt3A_814 : i32
      %ne3A_816 = arith.xori %lt3A_813, %lt3A_815 : i1
      %and3A_817 = arith.andi %ne3A_816, %ne3A_811 : i1
      %add3A_818 = arith.addi %rem3A_809, %select_n3A_808 : i32
      %select_n3A_819 = arith.select %and3A_817, %add3A_818, %rem3A_809 : i32
      %get3A_820 = arith.index_cast %select_n3A_803 : i32 to index
      %get3A_821 = arith.index_cast %select_n3A_819 : i32 to index
      %get3A_822 = arith.constant 0 : index
      %get3A_823 = tpu.vector_load %arg6[%get3A_820, %get3A_821, %get3A_822] {strides = array<i32>} : memref<2x8x128xi32, #tpu.memory_space<vmem>>, vector<16xi32>,
      %shift_right_logical3A_824 = arith.constant 16 : i32
      %shift_right_logical3A_825 = vector.broadcast %shift_right_logical3A_824 : i32 to vector<16xi32>
      %shift_right_logical3A_826 = arith.shrui %get3A_823, %shift_right_logical3A_825 : vector<16xi32>
      %swap3A_827 = arith.constant 1 : i32
      %swap3A_828 = arith.index_cast %swap3A_827 : i32 to index
      %swap3A_829 = arith.constant 0 : index
      %swap3A_830 = tpu.vector_load %arg9[%swap3A_828, %swap3A_829] {strides = array<i32>} : memref<2x128xi32, #tpu.memory_space<vmem>>, vector<16xi32>,
      tpu.vector_store %arg9[%swap3A_828, %swap3A_829], %shift_right_logical3A_826 {strides = array<i32>} : memref<2x128xi32, #tpu.memory_space<vmem>>, vector<16xi32>,
      %get3A_831 = arith.index_cast %select_n3A_803 : i32 to index
      %get3A_832 = arith.index_cast %select_n3A_819 : i32 to index
      %get3A_833 = arith.constant 16 : index
      %get3A_834 = tpu.vector_load %arg6[%get3A_831, %get3A_832, %get3A_833] {strides = array<i32>} : memref<2x8x128xi32, #tpu.memory_space<vmem>>, vector<16xi32>,
      %shift_right_logical3A_835 = arith.constant 16 : i32
      %shift_right_logical3A_836 = vector.broadcast %shift_right_logical3A_835 : i32 to vector<16xi32>
      %shift_right_logical3A_837 = arith.shrui %get3A_834, %shift_right_logical3A_836 : vector<16xi32>
      %swap3A_838 = arith.constant 1 : i32
      %swap3A_839 = arith.index_cast %swap3A_838 : i32 to index
      %swap3A_840 = arith.constant 16 : index
      %swap3A_841 = tpu.vector_load %arg9[%swap3A_839, %swap3A_840] {strides = array<i32>} : memref<2x128xi32, #tpu.memory_space<vmem>>, vector<16xi32>,
      tpu.vector_store %arg9[%swap3A_839, %swap3A_840], %shift_right_logical3A_837 {strides = array<i32>} : memref<2x128xi32, #tpu.memory_space<vmem>>, vector<16xi32>,
      %get3A_842 = arith.index_cast %select_n3A_803 : i32 to index
      %get3A_843 = arith.index_cast %select_n3A_819 : i32 to index
      %get3A_844 = arith.constant 32 : index
      %get3A_845 = tpu.vector_load %arg6[%get3A_842, %get3A_843, %get3A_844] {strides = array<i32>} : memref<2x8x128xi32, #tpu.memory_space<vmem>>, vector<16xi32>,
      %shift_right_logical3A_846 = arith.constant 16 : i32
      %shift_right_logical3A_847 = vector.broadcast %shift_right_logical3A_846 : i32 to vector<16xi32>
      %shift_right_logical3A_848 = arith.shrui %get3A_845, %shift_right_logical3A_847 : vector<16xi32>
      %swap3A_849 = arith.constant 1 : i32
      %swap3A_850 = arith.index_cast %swap3A_849 : i32 to index
      %swap3A_851 = arith.constant 32 : index
      %swap3A_852 = tpu.vector_load %arg9[%swap3A_850, %swap3A_851] {strides = array<i32>} : memref<2x128xi32, #tpu.memory_space<vmem>>, vector<16xi32>,
      tpu.vector_store %arg9[%swap3A_850, %swap3A_851], %shift_right_logical3A_848 {strides = array<i32>} : memref<2x128xi32, #tpu.memory_space<vmem>>, vector<16xi32>,
      %get3A_853 = arith.index_cast %select_n3A_803 : i32 to index
      %get3A_854 = arith.index_cast %select_n3A_819 : i32 to index
      %get3A_855 = arith.constant 48 : index
      %get3A_856 = tpu.vector_load %arg6[%get3A_853, %get3A_854, %get3A_855] {strides = array<i32>} : memref<2x8x128xi32, #tpu.memory_space<vmem>>, vector<16xi32>,
      %shift_right_logical3A_857 = arith.constant 16 : i32
      %shift_right_logical3A_858 = vector.broadcast %shift_right_logical3A_857 : i32 to vector<16xi32>
      %shift_right_logical3A_859 = arith.shrui %get3A_856, %shift_right_logical3A_858 : vector<16xi32>
      %swap3A_860 = arith.constant 1 : i32
      %swap3A_861 = arith.index_cast %swap3A_860 : i32 to index
      %swap3A_862 = arith.constant 48 : index
      %swap3A_863 = tpu.vector_load %arg9[%swap3A_861, %swap3A_862] {strides = array<i32>} : memref<2x128xi32, #tpu.memory_space<vmem>>, vector<16xi32>,
      tpu.vector_store %arg9[%swap3A_861, %swap3A_862], %shift_right_logical3A_859 {strides = array<i32>} : memref<2x128xi32, #tpu.memory_space<vmem>>, vector<16xi32>,
      %get3A_864 = arith.index_cast %select_n3A_803 : i32 to index
      %get3A_865 = arith.index_cast %select_n3A_819 : i32 to index
      %get3A_866 = arith.constant 64 : index
      %get3A_867 = tpu.vector_load %arg6[%get3A_864, %get3A_865, %get3A_866] {strides = array<i32>} : memref<2x8x128xi32, #tpu.memory_space<vmem>>, vector<16xi32>,
      %shift_right_logical3A_868 = arith.constant 16 : i32
      %shift_right_logical3A_869 = vector.broadcast %shift_right_logical3A_868 : i32 to vector<16xi32>
      %shift_right_logical3A_870 = arith.shrui %get3A_867, %shift_right_logical3A_869 : vector<16xi32>
      %swap3A_871 = arith.constant 1 : i32
      %swap3A_872 = arith.index_cast %swap3A_871 : i32 to index
      %swap3A_873 = arith.constant 64 : index
      %swap3A_874 = tpu.vector_load %arg9[%swap3A_872, %swap3A_873] {strides = array<i32>} : memref<2x128xi32, #tpu.memory_space<vmem>>, vector<16xi32>,
      tpu.vector_store %arg9[%swap3A_872, %swap3A_873], %shift_right_logical3A_870 {strides = array<i32>} : memref<2x128xi32, #tpu.memory_space<vmem>>, vector<16xi32>,
      %get3A_875 = arith.index_cast %select_n3A_803 : i32 to index
      %get3A_876 = arith.index_cast %select_n3A_819 : i32 to index
      %get3A_877 = arith.constant 80 : index
      %get3A_878 = tpu.vector_load %arg6[%get3A_875, %get3A_876, %get3A_877] {strides = array<i32>} : memref<2x8x128xi32, #tpu.memory_space<vmem>>, vector<16xi32>,
      %shift_right_logical3A_879 = arith.constant 16 : i32
      %shift_right_logical3A_880 = vector.broadcast %shift_right_logical3A_879 : i32 to vector<16xi32>
      %shift_right_logical3A_881 = arith.shrui %get3A_878, %shift_right_logical3A_880 : vector<16xi32>
      %swap3A_882 = arith.constant 1 : i32
      %swap3A_883 = arith.index_cast %swap3A_882 : i32 to index
      %swap3A_884 = arith.constant 80 : index
      %swap3A_885 = tpu.vector_load %arg9[%swap3A_883, %swap3A_884] {strides = array<i32>} : memref<2x128xi32, #tpu.memory_space<vmem>>, vector<16xi32>,
      tpu.vector_store %arg9[%swap3A_883, %swap3A_884], %shift_right_logical3A_881 {strides = array<i32>} : memref<2x128xi32, #tpu.memory_space<vmem>>, vector<16xi32>,
      %get3A_886 = arith.index_cast %select_n3A_803 : i32 to index
      %get3A_887 = arith.index_cast %select_n3A_819 : i32 to index
      %get3A_888 = arith.constant 96 : index
      %get3A_889 = tpu.vector_load %arg6[%get3A_886, %get3A_887, %get3A_888] {strides = array<i32>} : memref<2x8x128xi32, #tpu.memory_space<vmem>>, vector<16xi32>,
      %shift_right_logical3A_890 = arith.constant 16 : i32
      %shift_right_logical3A_891 = vector.broadcast %shift_right_logical3A_890 : i32 to vector<16xi32>
      %shift_right_logical3A_892 = arith.shrui %get3A_889, %shift_right_logical3A_891 : vector<16xi32>
      %swap3A_893 = arith.constant 1 : i32
      %swap3A_894 = arith.index_cast %swap3A_893 : i32 to index
      %swap3A_895 = arith.constant 96 : index
      %swap3A_896 = tpu.vector_load %arg9[%swap3A_894, %swap3A_895] {strides = array<i32>} : memref<2x128xi32, #tpu.memory_space<vmem>>, vector<16xi32>,
      tpu.vector_store %arg9[%swap3A_894, %swap3A_895], %shift_right_logical3A_892 {strides = array<i32>} : memref<2x128xi32, #tpu.memory_space<vmem>>, vector<16xi32>,
      %get3A_897 = arith.index_cast %select_n3A_803 : i32 to index
      %get3A_898 = arith.index_cast %select_n3A_819 : i32 to index
      %get3A_899 = arith.constant 112 : index
      %get3A_900 = tpu.vector_load %arg6[%get3A_897, %get3A_898, %get3A_899] {strides = array<i32>} : memref<2x8x128xi32, #tpu.memory_space<vmem>>, vector<16xi32>,
      %shift_right_logical3A_901 = arith.constant 16 : i32
      %shift_right_logical3A_902 = vector.broadcast %shift_right_logical3A_901 : i32 to vector<16xi32>
      %shift_right_logical3A_903 = arith.shrui %get3A_900, %shift_right_logical3A_902 : vector<16xi32>
      %swap3A_904 = arith.constant 1 : i32
      %swap3A_905 = arith.index_cast %swap3A_904 : i32 to index
      %swap3A_906 = arith.constant 112 : index
      %swap3A_907 = tpu.vector_load %arg9[%swap3A_905, %swap3A_906] {strides = array<i32>} : memref<2x128xi32, #tpu.memory_space<vmem>>, vector<16xi32>,
      tpu.vector_store %arg9[%swap3A_905, %swap3A_906], %shift_right_logical3A_903 {strides = array<i32>} : memref<2x128xi32, #tpu.memory_space<vmem>>, vector<16xi32>,
      %add3A_908 = arith.constant 2 : i32
      %add3A_909 = arith.addi %add3A_636, %add3A_908 : i32
      %lt3A_910 = arith.constant 160 : i32
      %lt3A_911 = arith.cmpi slt, %add3A_909, %lt3A_910 : i32
      %convert_element_type3A_912 = arith.extui %lt3A_911 : i1 to i32
      %cond3A_913 = arith.constant 0 : i32
      %cond3A_914 = arith.cmpi ne, %convert_element_type3A_912, %cond3A_913 : i32
      scf.if %cond3A_914 {
        %add3A_929 = arith.constant 2 : i32
        %add3A_930 = arith.addi %add3A_636, %add3A_929 : i32
        %jit3A_931 = arith.constant 8 : i32
        %div3A_932 = arith.divsi %add3A_930, %jit3A_931 : i32
        %sign3A_933 = arith.constant 0 : i32
        %sign3A_934 = arith.cmpi sgt, %add3A_930, %sign3A_933 : i32
        %sign3A_935 = arith.extui %sign3A_934 : i1 to i32
        %sign3A_936 = arith.constant 0 : i32
        %sign3A_937 = arith.cmpi slt, %add3A_930, %sign3A_936 : i32
        %sign3A_938 = arith.extui %sign3A_937 : i1 to i32
        %sign3A_939 = arith.subi %sign3A_935, %sign3A_938 : i32
        %sign3A_940 = arith.constant 0 : i32
        %sign3A_941 = arith.cmpi sgt, %jit3A_931, %sign3A_940 : i32
        %sign3A_942 = arith.extui %sign3A_941 : i1 to i32
        %sign3A_943 = arith.constant 0 : i32
        %sign3A_944 = arith.cmpi slt, %jit3A_931, %sign3A_943 : i32
        %sign3A_945 = arith.extui %sign3A_944 : i1 to i32
        %sign3A_946 = arith.subi %sign3A_942, %sign3A_945 : i32
        %ne3A_947 = arith.cmpi ne, %sign3A_939, %sign3A_946 : i32
        %rem3A_948 = arith.remsi %add3A_930, %jit3A_931 : i32
        %ne3A_949 = arith.constant 0 : i32
        %ne3A_950 = arith.cmpi ne, %rem3A_948, %ne3A_949 : i32
        %and3A_951 = arith.andi %ne3A_947, %ne3A_950 : i1
        %sub3A_952 = arith.constant 1 : i32
        %sub3A_953 = arith.subi %div3A_932, %sub3A_952 : i32
        %select_n3A_954 = arith.select %and3A_951, %sub3A_953, %div3A_932 : i32
        %jit3A_955 = arith.constant 2 : i32
        %eq3A_956 = arith.constant 0 : i32
        %eq3A_957 = arith.cmpi eq, %jit3A_955, %eq3A_956 : i32
        %jit3A_958 = arith.constant 1 : i32
        %select_n3A_959 = arith.select %eq3A_957, %jit3A_958, %jit3A_955 : i32
        %rem3A_960 = arith.remsi %select_n3A_954, %select_n3A_959 : i32
        %ne3A_961 = arith.constant 0 : i32
        %ne3A_962 = arith.cmpi ne, %rem3A_960, %ne3A_961 : i32
        %lt3A_963 = arith.constant 0 : i32
        %lt3A_964 = arith.cmpi slt, %rem3A_960, %lt3A_963 : i32
        %lt3A_965 = arith.constant 0 : i32
        %lt3A_966 = arith.cmpi slt, %select_n3A_959, %lt3A_965 : i32
        %ne3A_967 = arith.xori %lt3A_964, %lt3A_966 : i1
        %and3A_968 = arith.andi %ne3A_967, %ne3A_962 : i1
        %add3A_969 = arith.addi %rem3A_960, %select_n3A_959 : i32
        %select_n3A_970 = arith.select %and3A_968, %add3A_969, %rem3A_960 : i32
        %jit3A_971 = arith.constant 8 : i32
        %eq3A_972 = arith.constant 0 : i32
        %eq3A_973 = arith.cmpi eq, %jit3A_971, %eq3A_972 : i32
        %jit3A_974 = arith.constant 1 : i32
        %select_n3A_975 = arith.select %eq3A_973, %jit3A_974, %jit3A_971 : i32
        %rem3A_976 = arith.remsi %add3A_930, %select_n3A_975 : i32
        %ne3A_977 = arith.constant 0 : i32
        %ne3A_978 = arith.cmpi ne, %rem3A_976, %ne3A_977 : i32
        %lt3A_979 = arith.constant 0 : i32
        %lt3A_980 = arith.cmpi slt, %rem3A_976, %lt3A_979 : i32
        %lt3A_981 = arith.constant 0 : i32
        %lt3A_982 = arith.cmpi slt, %select_n3A_975, %lt3A_981 : i32
        %ne3A_983 = arith.xori %lt3A_980, %lt3A_982 : i1
        %and3A_984 = arith.andi %ne3A_983, %ne3A_978 : i1
        %add3A_985 = arith.addi %rem3A_976, %select_n3A_975 : i32
        %select_n3A_986 = arith.select %and3A_984, %add3A_985, %rem3A_976 : i32
        %get3A_987 = arith.index_cast %select_n3A_970 : i32 to index
        %get3A_988 = arith.index_cast %select_n3A_986 : i32 to index
        %get3A_989 = arith.constant 0 : index
        %get3A_990 = tpu.vector_load %arg6[%get3A_987, %get3A_988, %get3A_989] {strides = array<i32>} : memref<2x8x128xi32, #tpu.memory_space<vmem>>, vector<16xi32>,
        %and3A_991 = arith.constant 65535 : i32
        %and3A_992 = vector.broadcast %and3A_991 : i32 to vector<16xi32>
        %and3A_993 = arith.andi %get3A_990, %and3A_992 : vector<16xi32>
        %swap3A_994 = arith.constant 1 : i32
        %swap3A_995 = arith.index_cast %swap3A_994 : i32 to index
        %swap3A_996 = arith.constant 0 : index
        %swap3A_997 = tpu.vector_load %arg8[%swap3A_995, %swap3A_996] {strides = array<i32>} : memref<2x128xi32, #tpu.memory_space<vmem>>, vector<16xi32>,
        tpu.vector_store %arg8[%swap3A_995, %swap3A_996], %and3A_993 {strides = array<i32>} : memref<2x128xi32, #tpu.memory_space<vmem>>, vector<16xi32>,
        %get3A_998 = arith.index_cast %select_n3A_970 : i32 to index
        %get3A_999 = arith.index_cast %select_n3A_986 : i32 to index
        %get3A_1000 = arith.constant 16 : index
        %get3A_1001 = tpu.vector_load %arg6[%get3A_998, %get3A_999, %get3A_1000] {strides = array<i32>} : memref<2x8x128xi32, #tpu.memory_space<vmem>>, vector<16xi32>,
        %and3A_1002 = arith.constant 65535 : i32
        %and3A_1003 = vector.broadcast %and3A_1002 : i32 to vector<16xi32>
        %and3A_1004 = arith.andi %get3A_1001, %and3A_1003 : vector<16xi32>
        %swap3A_1005 = arith.constant 1 : i32
        %swap3A_1006 = arith.index_cast %swap3A_1005 : i32 to index
        %swap3A_1007 = arith.constant 16 : index
        %swap3A_1008 = tpu.vector_load %arg8[%swap3A_1006, %swap3A_1007] {strides = array<i32>} : memref<2x128xi32, #tpu.memory_space<vmem>>, vector<16xi32>,
        tpu.vector_store %arg8[%swap3A_1006, %swap3A_1007], %and3A_1004 {strides = array<i32>} : memref<2x128xi32, #tpu.memory_space<vmem>>, vector<16xi32>,
        %get3A_1009 = arith.index_cast %select_n3A_970 : i32 to index
        %get3A_1010 = arith.index_cast %select_n3A_986 : i32 to index
        %get3A_1011 = arith.constant 32 : index
        %get3A_1012 = tpu.vector_load %arg6[%get3A_1009, %get3A_1010, %get3A_1011] {strides = array<i32>} : memref<2x8x128xi32, #tpu.memory_space<vmem>>, vector<16xi32>,
        %and3A_1013 = arith.constant 65535 : i32
        %and3A_1014 = vector.broadcast %and3A_1013 : i32 to vector<16xi32>
        %and3A_1015 = arith.andi %get3A_1012, %and3A_1014 : vector<16xi32>
        %swap3A_1016 = arith.constant 1 : i32
        %swap3A_1017 = arith.index_cast %swap3A_1016 : i32 to index
        %swap3A_1018 = arith.constant 32 : index
        %swap3A_1019 = tpu.vector_load %arg8[%swap3A_1017, %swap3A_1018] {strides = array<i32>} : memref<2x128xi32, #tpu.memory_space<vmem>>, vector<16xi32>,
        tpu.vector_store %arg8[%swap3A_1017, %swap3A_1018], %and3A_1015 {strides = array<i32>} : memref<2x128xi32, #tpu.memory_space<vmem>>, vector<16xi32>,
        %get3A_1020 = arith.index_cast %select_n3A_970 : i32 to index
        %get3A_1021 = arith.index_cast %select_n3A_986 : i32 to index
        %get3A_1022 = arith.constant 48 : index
        %get3A_1023 = tpu.vector_load %arg6[%get3A_1020, %get3A_1021, %get3A_1022] {strides = array<i32>} : memref<2x8x128xi32, #tpu.memory_space<vmem>>, vector<16xi32>,
        %and3A_1024 = arith.constant 65535 : i32
        %and3A_1025 = vector.broadcast %and3A_1024 : i32 to vector<16xi32>
        %and3A_1026 = arith.andi %get3A_1023, %and3A_1025 : vector<16xi32>
        %swap3A_1027 = arith.constant 1 : i32
        %swap3A_1028 = arith.index_cast %swap3A_1027 : i32 to index
        %swap3A_1029 = arith.constant 48 : index
        %swap3A_1030 = tpu.vector_load %arg8[%swap3A_1028, %swap3A_1029] {strides = array<i32>} : memref<2x128xi32, #tpu.memory_space<vmem>>, vector<16xi32>,
        tpu.vector_store %arg8[%swap3A_1028, %swap3A_1029], %and3A_1026 {strides = array<i32>} : memref<2x128xi32, #tpu.memory_space<vmem>>, vector<16xi32>,
        %get3A_1031 = arith.index_cast %select_n3A_970 : i32 to index
        %get3A_1032 = arith.index_cast %select_n3A_986 : i32 to index
        %get3A_1033 = arith.constant 64 : index
        %get3A_1034 = tpu.vector_load %arg6[%get3A_1031, %get3A_1032, %get3A_1033] {strides = array<i32>} : memref<2x8x128xi32, #tpu.memory_space<vmem>>, vector<16xi32>,
        %and3A_1035 = arith.constant 65535 : i32
        %and3A_1036 = vector.broadcast %and3A_1035 : i32 to vector<16xi32>
        %and3A_1037 = arith.andi %get3A_1034, %and3A_1036 : vector<16xi32>
        %swap3A_1038 = arith.constant 1 : i32
        %swap3A_1039 = arith.index_cast %swap3A_1038 : i32 to index
        %swap3A_1040 = arith.constant 64 : index
        %swap3A_1041 = tpu.vector_load %arg8[%swap3A_1039, %swap3A_1040] {strides = array<i32>} : memref<2x128xi32, #tpu.memory_space<vmem>>, vector<16xi32>,
        tpu.vector_store %arg8[%swap3A_1039, %swap3A_1040], %and3A_1037 {strides = array<i32>} : memref<2x128xi32, #tpu.memory_space<vmem>>, vector<16xi32>,
        %get3A_1042 = arith.index_cast %select_n3A_970 : i32 to index
        %get3A_1043 = arith.index_cast %select_n3A_986 : i32 to index
        %get3A_1044 = arith.constant 80 : index
        %get3A_1045 = tpu.vector_load %arg6[%get3A_1042, %get3A_1043, %get3A_1044] {strides = array<i32>} : memref<2x8x128xi32, #tpu.memory_space<vmem>>, vector<16xi32>,
        %and3A_1046 = arith.constant 65535 : i32
        %and3A_1047 = vector.broadcast %and3A_1046 : i32 to vector<16xi32>
        %and3A_1048 = arith.andi %get3A_1045, %and3A_1047 : vector<16xi32>
        %swap3A_1049 = arith.constant 1 : i32
        %swap3A_1050 = arith.index_cast %swap3A_1049 : i32 to index
        %swap3A_1051 = arith.constant 80 : index
        %swap3A_1052 = tpu.vector_load %arg8[%swap3A_1050, %swap3A_1051] {strides = array<i32>} : memref<2x128xi32, #tpu.memory_space<vmem>>, vector<16xi32>,
        tpu.vector_store %arg8[%swap3A_1050, %swap3A_1051], %and3A_1048 {strides = array<i32>} : memref<2x128xi32, #tpu.memory_space<vmem>>, vector<16xi32>,
        %get3A_1053 = arith.index_cast %select_n3A_970 : i32 to index
        %get3A_1054 = arith.index_cast %select_n3A_986 : i32 to index
        %get3A_1055 = arith.constant 96 : index
        %get3A_1056 = tpu.vector_load %arg6[%get3A_1053, %get3A_1054, %get3A_1055] {strides = array<i32>} : memref<2x8x128xi32, #tpu.memory_space<vmem>>, vector<16xi32>,
        %and3A_1057 = arith.constant 65535 : i32
        %and3A_1058 = vector.broadcast %and3A_1057 : i32 to vector<16xi32>
        %and3A_1059 = arith.andi %get3A_1056, %and3A_1058 : vector<16xi32>
        %swap3A_1060 = arith.constant 1 : i32
        %swap3A_1061 = arith.index_cast %swap3A_1060 : i32 to index
        %swap3A_1062 = arith.constant 96 : index
        %swap3A_1063 = tpu.vector_load %arg8[%swap3A_1061, %swap3A_1062] {strides = array<i32>} : memref<2x128xi32, #tpu.memory_space<vmem>>, vector<16xi32>,
        tpu.vector_store %arg8[%swap3A_1061, %swap3A_1062], %and3A_1059 {strides = array<i32>} : memref<2x128xi32, #tpu.memory_space<vmem>>, vector<16xi32>,
        %get3A_1064 = arith.index_cast %select_n3A_970 : i32 to index
        %get3A_1065 = arith.index_cast %select_n3A_986 : i32 to index
        %get3A_1066 = arith.constant 112 : index
        %get3A_1067 = tpu.vector_load %arg6[%get3A_1064, %get3A_1065, %get3A_1066] {strides = array<i32>} : memref<2x8x128xi32, #tpu.memory_space<vmem>>, vector<16xi32>,
        %and3A_1068 = arith.constant 65535 : i32
        %and3A_1069 = vector.broadcast %and3A_1068 : i32 to vector<16xi32>
        %and3A_1070 = arith.andi %get3A_1067, %and3A_1069 : vector<16xi32>
        %swap3A_1071 = arith.constant 1 : i32
        %swap3A_1072 = arith.index_cast %swap3A_1071 : i32 to index
        %swap3A_1073 = arith.constant 112 : index
        %swap3A_1074 = tpu.vector_load %arg8[%swap3A_1072, %swap3A_1073] {strides = array<i32>} : memref<2x128xi32, #tpu.memory_space<vmem>>, vector<16xi32>,
        tpu.vector_store %arg8[%swap3A_1072, %swap3A_1073], %and3A_1070 {strides = array<i32>} : memref<2x128xi32, #tpu.memory_space<vmem>>, vector<16xi32>,
        %dma_start3A_1075 = arith.constant 1 : i32
        %dma_start3A_1076 = arith.constant 1 : i32
        %dma_start3A_1077 = arith.constant 128 : i32
        %dma_start3A_1078 = arith.constant 0 : i32
        %dma_start3A_1079 = tpu.memref_slice %arg10[%dma_start3A_1077, %dma_start3A_1078] : memref<256x64xbf16, #tpu.memory_space<vmem>> -> memref<128x64xbf16, #tpu.memory_space<vmem>>
        %dma_start3A_1080 = arith.constant 0 : i32
        %dma_start3A_1081 = tpu.memref_slice %arg8[%dma_start3A_1075, %dma_start3A_1080] : memref<2x128xi32, #tpu.memory_space<vmem>> -> memref<1x128xi32, #tpu.memory_space<vmem>>
        %dma_start3A_1082 = tpu.memref_squeeze %dma_start3A_1081 : memref<1x128xi32, #tpu.memory_space<vmem>> -> memref<128xi32, #tpu.memory_space<vmem>>
        %dma_start3A_1083 = arith.constant 0 : i32
        %dma_start3A_1084 = arith.constant 0 : i32
        %dma_start3A_1085 = tpu.memref_slice %arg12[%dma_start3A_1083, %dma_start3A_1084] : memref<10240x64xbf16, #tpu.memory_space<vmem_shared>> -> memref<10240x64xbf16, #tpu.memory_space<vmem_shared>>
        %dma_start3A_1086 = tpu.memref_slice %arg14[%dma_start3A_1076] : memref<2x!tpu.dma_semaphore, #tpu.memory_space<semaphore_mem>> -> memref<1x!tpu.dma_semaphore, #tpu.memory_space<semaphore_mem>>
        %dma_start3A_1087 = tpu.memref_squeeze %dma_start3A_1086 : memref<1x!tpu.dma_semaphore, #tpu.memory_space<semaphore_mem>> -> memref<!tpu.dma_semaphore, #tpu.memory_space<semaphore_mem>>
        tpu.enqueue_indirect_dma source(%dma_start3A_1085 : memref<10240x64xbf16, #tpu.memory_space<vmem_shared>>) target(%dma_start3A_1079 : memref<128x64xbf16, #tpu.memory_space<vmem>>) offsets(%dma_start3A_1082 : memref<128xi32, #tpu.memory_space<vmem>>) semaphore(%dma_start3A_1087 : memref<!tpu.dma_semaphore, #tpu.memory_space<semaphore_mem>>)
      } else {
      }
      %dma_start3A_915 = arith.constant 1 : i32
      %dma_start3A_916 = arith.constant 1 : i32
      %dma_start3A_917 = arith.constant 128 : i32
      %dma_start3A_918 = arith.constant 0 : i32
      %dma_start3A_919 = tpu.memref_slice %arg11[%dma_start3A_917, %dma_start3A_918] : memref<256x64xf32, #tpu.memory_space<vmem>> -> memref<128x64xf32, #tpu.memory_space<vmem>>
      %dma_start3A_920 = arith.constant 0 : i32
      %dma_start3A_921 = tpu.memref_slice %arg9[%dma_start3A_915, %dma_start3A_920] : memref<2x128xi32, #tpu.memory_space<vmem>> -> memref<1x128xi32, #tpu.memory_space<vmem>>
      %dma_start3A_922 = tpu.memref_squeeze %dma_start3A_921 : memref<1x128xi32, #tpu.memory_space<vmem>> -> memref<128xi32, #tpu.memory_space<vmem>>
      %dma_start3A_923 = arith.constant 0 : i32
      %dma_start3A_924 = arith.constant 0 : i32
      %dma_start3A_925 = tpu.memref_slice %arg13[%dma_start3A_923, %dma_start3A_924] : memref<10240x64xf32, #tpu.memory_space<vmem_shared>> -> memref<10240x64xf32, #tpu.memory_space<vmem_shared>>
      %dma_start3A_926 = tpu.memref_slice %arg15[%dma_start3A_916] : memref<2x!tpu.dma_semaphore, #tpu.memory_space<semaphore_mem>> -> memref<1x!tpu.dma_semaphore, #tpu.memory_space<semaphore_mem>>
      %dma_start3A_927 = tpu.memref_squeeze %dma_start3A_926 : memref<1x!tpu.dma_semaphore, #tpu.memory_space<semaphore_mem>> -> memref<!tpu.dma_semaphore, #tpu.memory_space<semaphore_mem>>
      tpu.enqueue_indirect_dma source(%dma_start3A_919 : memref<128x64xf32, #tpu.memory_space<vmem>>) target(%dma_start3A_925 : memref<10240x64xf32, #tpu.memory_space<vmem_shared>>) offsets(%dma_start3A_922 : memref<128xi32, #tpu.memory_space<vmem>>) semaphore(%dma_start3A_927 : memref<!tpu.dma_semaphore, #tpu.memory_space<semaphore_mem>>) {add = true}
      %scan3A_928 = arith.constant 0 : i32
      scf.yield %scan3A_928 : i32
    }
    %scan3A_321 = arith.constant 80 : i32
    %dma_wait3A_322 = arith.constant 0 : i32
    %dma_wait3A_323 = arith.constant 0 : i32
    %dma_wait3A_324 = arith.constant 0 : i32
    %dma_wait3A_325 = arith.constant 0 : i32
    %dma_wait3A_326 = tpu.memref_slice %arg11[%dma_wait3A_324, %dma_wait3A_325] : memref<256x64xf32, #tpu.memory_space<vmem>> -> memref<128x64xf32, #tpu.memory_space<vmem>>
    %dma_wait3A_327 = arith.constant 0 : i32
    %dma_wait3A_328 = tpu.memref_slice %arg9[%dma_wait3A_322, %dma_wait3A_327] : memref<2x128xi32, #tpu.memory_space<vmem>> -> memref<1x128xi32, #tpu.memory_space<vmem>>
    %dma_wait3A_329 = tpu.memref_squeeze %dma_wait3A_328 : memref<1x128xi32, #tpu.memory_space<vmem>> -> memref<128xi32, #tpu.memory_space<vmem>>
    %dma_wait3A_330 = arith.constant 0 : i32
    %dma_wait3A_331 = arith.constant 0 : i32
    %dma_wait3A_332 = tpu.memref_slice %arg13[%dma_wait3A_330, %dma_wait3A_331] : memref<10240x64xf32, #tpu.memory_space<vmem_shared>> -> memref<10240x64xf32, #tpu.memory_space<vmem_shared>>
    %dma_wait3A_333 = tpu.memref_slice %arg15[%dma_wait3A_323] : memref<2x!tpu.dma_semaphore, #tpu.memory_space<semaphore_mem>> -> memref<1x!tpu.dma_semaphore, #tpu.memory_space<semaphore_mem>>
    %dma_wait3A_334 = tpu.memref_squeeze %dma_wait3A_333 : memref<1x!tpu.dma_semaphore, #tpu.memory_space<semaphore_mem>> -> memref<!tpu.dma_semaphore, #tpu.memory_space<semaphore_mem>>
    tpu.wait_indirect_dma semaphore(%dma_wait3A_334 : memref<!tpu.dma_semaphore, #tpu.memory_space<semaphore_mem>>) src(%dma_wait3A_326 : memref<128x64xf32, #tpu.memory_space<vmem>>) dst(%dma_wait3A_332 : memref<10240x64xf32, #tpu.memory_space<vmem_shared>>)
    %dma_wait3A_335 = arith.constant 1 : i32
    %dma_wait3A_336 = arith.constant 1 : i32
    %dma_wait3A_337 = arith.constant 128 : i32
    %dma_wait3A_338 = arith.constant 0 : i32
    %dma_wait3A_339 = tpu.memref_slice %arg11[%dma_wait3A_337, %dma_wait3A_338] : memref<256x64xf32, #tpu.memory_space<vmem>> -> memref<128x64xf32, #tpu.memory_space<vmem>>
    %dma_wait3A_340 = arith.constant 0 : i32
    %dma_wait3A_341 = tpu.memref_slice %arg9[%dma_wait3A_335, %dma_wait3A_340] : memref<2x128xi32, #tpu.memory_space<vmem>> -> memref<1x128xi32, #tpu.memory_space<vmem>>
    %dma_wait3A_342 = tpu.memref_squeeze %dma_wait3A_341 : memref<1x128xi32, #tpu.memory_space<vmem>> -> memref<128xi32, #tpu.memory_space<vmem>>
    %dma_wait3A_343 = arith.constant 0 : i32
    %dma_wait3A_344 = arith.constant 0 : i32
    %dma_wait3A_345 = tpu.memref_slice %arg13[%dma_wait3A_343, %dma_wait3A_344] : memref<10240x64xf32, #tpu.memory_space<vmem_shared>> -> memref<10240x64xf32, #tpu.memory_space<vmem_shared>>
    %dma_wait3A_346 = tpu.memref_slice %arg15[%dma_wait3A_336] : memref<2x!tpu.dma_semaphore, #tpu.memory_space<semaphore_mem>> -> memref<1x!tpu.dma_semaphore, #tpu.memory_space<semaphore_mem>>
    %dma_wait3A_347 = tpu.memref_squeeze %dma_wait3A_346 : memref<1x!tpu.dma_semaphore, #tpu.memory_space<semaphore_mem>> -> memref<!tpu.dma_semaphore, #tpu.memory_space<semaphore_mem>>
    tpu.wait_indirect_dma semaphore(%dma_wait3A_347 : memref<!tpu.dma_semaphore, #tpu.memory_space<semaphore_mem>>) src(%dma_wait3A_339 : memref<128x64xf32, #tpu.memory_space<vmem>>) dst(%dma_wait3A_345 : memref<10240x64xf32, #tpu.memory_space<vmem_shared>>)
    %barrier3A_348 = arith.constant 0 : index
    tpu.barrier barrier_id(%barrier3A_348)
    "tpu.region"() ({
      %run_scoped3A = tpu.sem_alloc : memref<!tpu.dma_semaphore, #tpu.memory_space<semaphore_mem>>
      %dma_start3A_349 = arith.constant 0 : i32
      %dma_start3A_350 = tpu.memref_slice %arg5[%arg0, %mul3A_0, %dma_start3A_349] : memref<2x10240x64xf32, #tpu.memory_space<hbm>> -> memref<1x640x64xf32, #tpu.memory_space<hbm>>
      %dma_start3A_351 = tpu.memref_squeeze %dma_start3A_350 : memref<1x640x64xf32, #tpu.memory_space<hbm>> -> memref<640x64xf32, #tpu.memory_space<hbm>>
      %dma_start3A_352 = arith.constant 0 : i32
      %dma_start3A_353 = tpu.memref_slice %arg13[%mul3A_0, %dma_start3A_352] : memref<10240x64xf32, #tpu.memory_space<vmem_shared>> -> memref<640x64xf32, #tpu.memory_space<vmem_shared>>
      tpu.enqueue_dma source(%dma_start3A_353 : memref<640x64xf32, #tpu.memory_space<vmem_shared>>) target(%dma_start3A_351 : memref<640x64xf32, #tpu.memory_space<hbm>>) target_semaphore(%run_scoped3A : memref<!tpu.dma_semaphore, #tpu.memory_space<semaphore_mem>>)
      %dma_wait3A_354 = arith.constant 0 : i32
      %dma_wait3A_355 = tpu.memref_slice %arg5[%arg0, %mul3A_0, %dma_wait3A_354] : memref<2x10240x64xf32, #tpu.memory_space<hbm>> -> memref<1x640x64xf32, #tpu.memory_space<hbm>>
      %dma_wait3A_356 = tpu.memref_squeeze %dma_wait3A_355 : memref<1x640x64xf32, #tpu.memory_space<hbm>> -> memref<640x64xf32, #tpu.memory_space<hbm>>
      %dma_wait3A_357 = arith.constant 0 : i32
      %dma_wait3A_358 = tpu.memref_slice %arg13[%mul3A_0, %dma_wait3A_357] : memref<10240x64xf32, #tpu.memory_space<vmem_shared>> -> memref<640x64xf32, #tpu.memory_space<vmem_shared>>
      tpu.wait_dma2 semaphore(%run_scoped3A : memref<!tpu.dma_semaphore, #tpu.memory_space<semaphore_mem>>) src(%dma_wait3A_358 : memref<640x64xf32, #tpu.memory_space<vmem_shared>>) dst(%dma_wait3A_356 : memref<640x64xf32, #tpu.memory_space<hbm>>)
      tpu.yield
    }) : () -> ()
    return
  }
}

module attributes {stable_mosaic.version = 14 : i64} {
  func.func @_dense_body(%arg0: i32, %arg1: memref<2000x128xf32, #tpu.memory_space<vmem>>, %arg2: memref<128x128xf32, #tpu.memory_space<vmem>>, %arg3: memref<128x128xf32, #tpu.memory_space<vmem>>, %arg4: memref<1x128xf32, #tpu.memory_space<vmem>>, %arg5: memref<2x2000x64xbf16, #tpu.memory_space<vmem>>, %arg6: memref<2000x128xf32, #tpu.memory_space<vmem>>) attributes {dimension_semantics = [#tpu.dimension_semantics<arbitrary>], iteration_bounds = array<i64: 5>, scalar_prefetch = 0 : i64, scratch_operands = 0 : i64, tpu.core_type = #tpu.core_type<tc>, window_params = [{transform_indices = @transform_0, window_bounds = array<i64: 2000, 128>}, {pipeline_mode = #tpu.pipeline_mode<synchronous>, transform_indices = @transform_1, window_bounds = array<i64: 128, 128>}, {pipeline_mode = #tpu.pipeline_mode<synchronous>, transform_indices = @transform_2, window_bounds = array<i64: 128, 128>}, {pipeline_mode = #tpu.pipeline_mode<synchronous>, transform_indices = @transform_3, window_bounds = array<i64: 1, 128>}, {transform_indices = @transform_4, window_bounds = array<i64: 2, 2000, 64>}, {transform_indices = @transform_5, window_bounds = array<i64: 2000, 128>}]} {
    %get3A = arith.constant 0 : index
    %get3A_0 = arith.constant 0 : index
    %get3A_1 = vector.load %arg1[%get3A, %get3A_0] : memref<2000x128xf32, #tpu.memory_space<vmem>>, vector<2000x128xf32>
    %get3A_2 = arith.constant 0 : index
    %get3A_3 = arith.constant 0 : index
    %get3A_4 = vector.load %arg2[%get3A_2, %get3A_3] : memref<128x128xf32, #tpu.memory_space<vmem>>, vector<128x128xf32>
    %dot_general3A = arith.constant dense<0.000000e+00> : vector<2000x128xf32>
    %dot_general3A_5 = tpu.matmul %get3A_1, %get3A_4, %dot_general3A {dimension_numbers = #tpu.dot_dimension_numbers<[1], [0], [0], [1], [0, 0, 1, 1], [], []>, transpose_lhs_hint = false} : vector<2000x128xf32>, vector<128x128xf32>, vector<2000x128xf32> -> vector<2000x128xf32>
    %slice3A = vector.extract_strided_slice %dot_general3A_5 {offsets = [0, 0], sizes = [2000, 64], strides = [1, 1]} : vector<2000x128xf32> to vector<2000x64xf32>
    %convert_element_type3A = arith.truncf %slice3A : vector<2000x64xf32> to vector<2000x64xbf16>
    %swap3A = arith.constant 0 : index
    %swap3A_6 = arith.constant 0 : index
    %swap3A_7 = arith.constant 0 : index
    %swap3A_8 = vector.load %arg5[%swap3A, %swap3A_6, %swap3A_7] : memref<2x2000x64xbf16, #tpu.memory_space<vmem>>, vector<1x2000x64xbf16>
    %swap3A_9 = vector.shape_cast %swap3A_8 : vector<1x2000x64xbf16> to vector<2000x64xbf16>
    %swap3A_10 = vector.shape_cast %convert_element_type3A : vector<2000x64xbf16> to vector<1x2000x64xbf16>
    tpu.vector_store %arg5[%swap3A, %swap3A_6, %swap3A_7], %swap3A_10 {strides = array<i32>} : memref<2x2000x64xbf16, #tpu.memory_space<vmem>>, vector<1x2000x64xbf16>,
    %slice3A_11 = vector.extract_strided_slice %dot_general3A_5 {offsets = [0, 64], sizes = [2000, 64], strides = [1, 1]} : vector<2000x128xf32> to vector<2000x64xf32>
    %convert_element_type3A_12 = arith.truncf %slice3A_11 : vector<2000x64xf32> to vector<2000x64xbf16>
    %swap3A_13 = arith.constant 1 : index
    %swap3A_14 = arith.constant 0 : index
    %swap3A_15 = arith.constant 0 : index
    %swap3A_16 = vector.load %arg5[%swap3A_13, %swap3A_14, %swap3A_15] : memref<2x2000x64xbf16, #tpu.memory_space<vmem>>, vector<1x2000x64xbf16>
    %swap3A_17 = vector.shape_cast %swap3A_16 : vector<1x2000x64xbf16> to vector<2000x64xbf16>
    %swap3A_18 = vector.shape_cast %convert_element_type3A_12 : vector<2000x64xbf16> to vector<1x2000x64xbf16>
    tpu.vector_store %arg5[%swap3A_13, %swap3A_14, %swap3A_15], %swap3A_18 {strides = array<i32>} : memref<2x2000x64xbf16, #tpu.memory_space<vmem>>, vector<1x2000x64xbf16>,
    %abs3A = math.absf %get3A_1 : vector<2000x128xf32>
    %get3A_19 = arith.constant 0 : index
    %get3A_20 = arith.constant 0 : index
    %get3A_21 = vector.load %arg3[%get3A_19, %get3A_20] : memref<128x128xf32, #tpu.memory_space<vmem>>, vector<128x128xf32>
    %dot_general3A_22 = arith.constant dense<0.000000e+00> : vector<2000x128xf32>
    %dot_general3A_23 = tpu.matmul %abs3A, %get3A_21, %dot_general3A_22 {dimension_numbers = #tpu.dot_dimension_numbers<[1], [0], [0], [1], [0, 0, 1, 1], [], []>, transpose_lhs_hint = false} : vector<2000x128xf32>, vector<128x128xf32>, vector<2000x128xf32> -> vector<2000x128xf32>
    %get3A_24 = arith.constant 0 : index
    %get3A_25 = arith.constant 0 : index
    %get3A_26 = vector.load %arg4[%get3A_24, %get3A_25] : memref<1x128xf32, #tpu.memory_space<vmem>>, vector<1x128xf32>
    %add3A = vector.broadcast %get3A_26 : vector<1x128xf32> to vector<2000x128xf32>
    %add3A_27 = arith.addf %dot_general3A_23, %add3A : vector<2000x128xf32>
    %swap3A_28 = arith.constant 0 : index
    %swap3A_29 = arith.constant 0 : index
    %swap3A_30 = vector.load %arg6[%swap3A_28, %swap3A_29] : memref<2000x128xf32, #tpu.memory_space<vmem>>, vector<2000x128xf32>
    tpu.vector_store %arg6[%swap3A_28, %swap3A_29], %add3A_27 {strides = array<i32>} : memref<2000x128xf32, #tpu.memory_space<vmem>>, vector<2000x128xf32>,
    return
  }
  func.func @transform_0(%arg0: i32) -> (i32, i32) {
    %c0_i32 = arith.constant 0 : i32
    %c0_i32_0 = arith.constant 0 : i32
    return %arg0, %c0_i32 : i32, i32
  }
  func.func @transform_1(%arg0: i32) -> (i32, i32) {
    %c0_i32 = arith.constant 0 : i32
    %c0_i32_0 = arith.constant 0 : i32
    %c0_i32_1 = arith.constant 0 : i32
    return %c0_i32, %c0_i32_0 : i32, i32
  }
  func.func @transform_2(%arg0: i32) -> (i32, i32) {
    %c0_i32 = arith.constant 0 : i32
    %c0_i32_0 = arith.constant 0 : i32
    %c0_i32_1 = arith.constant 0 : i32
    return %c0_i32, %c0_i32_0 : i32, i32
  }
  func.func @transform_3(%arg0: i32) -> (i32, i32) {
    %c0_i32 = arith.constant 0 : i32
    %c0_i32_0 = arith.constant 0 : i32
    %c0_i32_1 = arith.constant 0 : i32
    return %c0_i32, %c0_i32_0 : i32, i32
  }
  func.func @transform_4(%arg0: i32) -> (i32, i32, i32) {
    %c0_i32 = arith.constant 0 : i32
    %c0_i32_0 = arith.constant 0 : i32
    %c0_i32_1 = arith.constant 0 : i32
    return %c0_i32, %arg0, %c0_i32_0 : i32, i32, i32
  }
  func.func @transform_5(%arg0: i32) -> (i32, i32) {
    %c0_i32 = arith.constant 0 : i32
    %c0_i32_0 = arith.constant 0 : i32
    return %arg0, %c0_i32 : i32, i32
  }
}

module attributes {stable_mosaic.version = 14 : i64} {
  func.func @_combine_body(%arg0: i32, %arg1: memref<1x1000x64xf32, #tpu.memory_space<vmem>>, %arg2: memref<1x1000x64xf32, #tpu.memory_space<vmem>>, %arg3: memref<1000x128xf32, #tpu.memory_space<vmem>>, %arg4: memref<1000x128xf32, #tpu.memory_space<vmem>>) attributes {dimension_semantics = [#tpu.dimension_semantics<arbitrary>], iteration_bounds = array<i64: 10>, scalar_prefetch = 0 : i64, scratch_operands = 0 : i64, tpu.core_type = #tpu.core_type<tc>, window_params = [{transform_indices = @transform_0, window_bounds = array<i64: 1, 1000, 64>}, {transform_indices = @transform_1, window_bounds = array<i64: 1, 1000, 64>}, {transform_indices = @transform_2, window_bounds = array<i64: 1000, 128>}, {transform_indices = @transform_3, window_bounds = array<i64: 1000, 128>}]} {
    %get3A = arith.constant 0 : index
    %get3A_0 = arith.constant 0 : index
    %get3A_1 = arith.constant 0 : index
    %get3A_2 = vector.load %arg1[%get3A, %get3A_0, %get3A_1] : memref<1x1000x64xf32, #tpu.memory_space<vmem>>, vector<1x1000x64xf32>
    %get3A_3 = vector.shape_cast %get3A_2 : vector<1x1000x64xf32> to vector<1000x64xf32>
    %get3A_4 = arith.constant 0 : index
    %get3A_5 = arith.constant 0 : index
    %get3A_6 = arith.constant 0 : index
    %get3A_7 = vector.load %arg2[%get3A_4, %get3A_5, %get3A_6] : memref<1x1000x64xf32, #tpu.memory_space<vmem>>, vector<1x1000x64xf32>
    %get3A_8 = vector.shape_cast %get3A_7 : vector<1x1000x64xf32> to vector<1000x64xf32>
    %concatenate3A = tpu.concatenate %get3A_3, %get3A_8 in 1 : vector<1000x64xf32>, vector<1000x64xf32> -> vector<1000x128xf32>
    %get3A_9 = arith.constant 0 : index
    %get3A_10 = arith.constant 0 : index
    %get3A_11 = vector.load %arg3[%get3A_9, %get3A_10] : memref<1000x128xf32, #tpu.memory_space<vmem>>, vector<1000x128xf32>
    %add3A = arith.addf %concatenate3A, %get3A_11 : vector<1000x128xf32>
    %swap3A = arith.constant 0 : index
    %swap3A_12 = arith.constant 0 : index
    %swap3A_13 = vector.load %arg4[%swap3A, %swap3A_12] : memref<1000x128xf32, #tpu.memory_space<vmem>>, vector<1000x128xf32>
    tpu.vector_store %arg4[%swap3A, %swap3A_12], %add3A {strides = array<i32>} : memref<1000x128xf32, #tpu.memory_space<vmem>>, vector<1000x128xf32>,
    return
  }
  func.func @transform_0(%arg0: i32) -> (i32, i32, i32) {
    %c0_i32 = arith.constant 0 : i32
    %c0_i32_0 = arith.constant 0 : i32
    %c0_i32_1 = arith.constant 0 : i32
    return %c0_i32, %arg0, %c0_i32_0 : i32, i32, i32
  }
  func.func @transform_1(%arg0: i32) -> (i32, i32, i32) {
    %c1_i32 = arith.constant 1 : i32
    %c0_i32 = arith.constant 0 : i32
    %c0_i32_0 = arith.constant 0 : i32
    return %c1_i32, %arg0, %c0_i32 : i32, i32, i32
  }
  func.func @transform_2(%arg0: i32) -> (i32, i32) {
    %c0_i32 = arith.constant 0 : i32
    %c0_i32_0 = arith.constant 0 : i32
    return %arg0, %c0_i32 : i32, i32
  }
  func.func @transform_3(%arg0: i32) -> (i32, i32) {
    %c0_i32 = arith.constant 0 : i32
    %c0_i32_0 = arith.constant 0 : i32
    return %arg0, %c0_i32 : i32, i32
  }
}

</mosaic_0001>

<sc_bundles>
// kernel: kernel.5.cloned.1.call-start
scs
__scs_entry_jumppad:
0x0: {  	(pc) =	sbr.rel $0x88, $3  }
0x1: {  	(tag) =	ssettag $0x0;
	lr =	simm.s32 $0x1  }
0x2: {  	[smem:$0x3F98] =	sst lr;
	_ =	strace $0xD0000000  }
0x3: {  	_ = 	snop  }
0x4: {  	_ = 	snop  }
0x5: {  	_ = 	snop  }
0x6: {  	_ = 	snop  }
0x7: {  	_ = 	snop  }
__scs_overlays_trampoline_lowered:
0x8: {  	[smem:$0x3FA7] =	sst s0  }
0x9: {  	[smem:$0x3FA8] =	sst s1  }
0xa: {  	[smem:$0x3FA9] =	sst s2  }
0xb: {  	[smem:$0x3FAA] =	sst s3  }
0xc: {  	[smem:$0x3FAB] =	sst s4  }
0xd: {  	[smem:$0x3FAC] =	sst s5  }
0xe: {  	[smem:$0x3FAD] =	sst s6  }
0xf: {  	[smem:$0x3FAE] =	sst s7  }
0x10: {  	[smem:$0x3FAF] =	sst s8  }
0x11: {  	[smem:$0x3FB0] =	sst s9;
	s0 =	simm.s32 @!p0 $0x0  }
0x12: {  	s1 =	sld [smem:$0x3F96];
	s0 =	simm.s32 @p0 $0x1  }
0x13: {  	[smem:$0x3FB1] =	sst s0;
	s0 =	simm.s32 @!p1 $0x0  }
0x14: {  	s2 =	sld [smem:$0x3F95];
	s0 =	simm.s32 @p1 $0x1  }
0x15: {  	[smem:$0x3FB2] =	sst s0;
	s0 =	simm.s32 @!p2 $0x0  }
0x16: {  	s3 =	sld [smem:$0x3FDB];
	s0 =	simm.s32 @p2 $0x1  }
0x17: {  	s4 =	simm.s32 $0x1BF5;
	[smem:$0x3FB4] =	sst s0  }
0x18: {  	s0 =	sld [smem:$0x3F97];
	_ =	swait.ge [sflag:s4], $0x0  }
0x19: {  	s7 =	sld [smem:$0x3F98]  }
0x1a: {  	s8 =	sadd.s32 $0xFFFFE003, lr  }
0x1b: {  	s9 =	sadd.s32 $0xFFFFFEF7, lr;
	s5 =	simm.s32 $0xFFFFFFFF;
	p2 =	slt.u32 s8, $0xFFFFF086  }
0x1c: {  	p1 =	slt.u32 s9, $0xF7A;
	s5 =	simm.s32 @!p2 $0x0  }
0x1d: {  	s5 =	simm.s32 @p1 $0x1;
	p0 =	seq.s32 s7, s2  }
0x1e: {  	s7 =	smul.u32 @!p0 $0xF7A, s2;
	p2 =	seq.s32 @!p0 s5, $0x0  }
0x1f: {  	s9 =	smul.u32 $0xF7A, s1;
	s8 =	simm.s32 @!p0 $0x1BF5;
	p2 =	por !p2, p0  }
0x20: {  	[sflag:s8] =	ssyncset.s32 @!p0 $0xFFFFF086;
	s6 =	sadd.s32 @!p0 s3, s7;
	s7 =	simm.s32 @!p0 $0x108  }
0x21: {  	s3 =	sadd.s32 s3, s9;
	s6 =	sadd.s32 @!p0 $0x88, s6;
	s7 =	simm.s32 @p2 $0x1082  }
0x22: {  	[simem:s7], [sflag:s8] =	dma.local @!p0 [hbm:s6], $0xF7A  }
0x23: {  	s9 =	sor.u32 $0xD0000000, s2;
	s6 =	simm.s32 $0x108;
	_ =	swait.ge @!p0 [sflag:s8], $0x0  }
0x24: {  	s3 =	sadd.s32 $0x88, s3;
	s6 =	simm.s32 @!p1 $0x1082;
	[sflag:s4] =	ssyncset.s32 $0xFFFFF086  }
0x25: {  	[simem:s6], [sflag:s4] =	dma.local [hbm:s3], $0xF7A  }
0x26: {  	[smem:$0x3F98] =	sst s1;
	(tag) =	ssettag s2;
	_ =	strace s9  }
0x27: {  	s1 =	sld [smem:$0x3FA8]  }
0x28: {  	s2 =	sld [smem:$0x3FA9]  }
0x29: {  	s4 =	sld [smem:$0x3FAB]  }
0x2a: {  	p0 =	seq.s32 s5, $0x0;
	s5 =	sld [smem:$0x3FAC]  }
0x2b: {  	s6 =	sld [smem:$0x3FAD]  }
0x2c: {  	s7 =	sld [smem:$0x3FAE]  }
0x2d: {  	s3 =	simm.s32 $0x108;
	s8 =	sld [smem:$0x3FAF]  }
0x2e: {  	s3 =	simm.s32 @!p0 $0x1082;
	s9 =	sld [smem:$0x3FB0]  }
0x2f: {  	lr =	sadd.s32 s0, s3;
	s0 =	sld [smem:$0x3FA7]  }
0x30: {  	s3 =	sld [smem:$0x3FAA]  }
0x31: {  	[smem:$0x3FB3] =	sst s10  }
0x32: {  	s10 =	sld [smem:$0x3FB1];
	_ =	sdelay $0x3  }
0x33: {  	p0 =	seq.s32 s10, $0x1;
	s10 =	sld [smem:$0x3FB3];
	_ =	sdelay $0x3  }
0x34: {  	[smem:$0x3FB3] =	sst s10  }
0x35: {  	s10 =	sld [smem:$0x3FB2];
	_ =	sdelay $0x3  }
0x36: {  	p1 =	seq.s32 s10, $0x1;
	s10 =	sld [smem:$0x3FB3];
	_ =	sdelay $0x3  }
0x37: {  	[smem:$0x3FB3] =	sst s10  }
0x38: {  	s10 =	sld [smem:$0x3FB4]  }
0x39: {  	_ = 	snop;
	(pc) =	sbr.ind lr, $3  }
0x3a: {  	_ = 	snop  }
0x3b: {  	_ = 	snop  }
0x3c: {  	p2 =	seq.s32 s10, $0x1;
	s10 =	sld [smem:$0x3FB3]  }
0x3d: {  	_ =	shalt  }
0x3e: {  	_ =	shalt  }
0x3f: {  	_ =	shalt  }
0x40: {  	_ =	shalt  }
0x41: {  	_ =	shalt  }
0x42: {  	_ =	shalt  }
0x43: {  	_ =	shalt  }
0x44: {  	_ =	shalt  }
0x45: {  	_ =	shalt  }
0x46: {  	_ =	shalt  }
0x47: {  	_ =	shalt  }
0x48: {  	_ =	shalt  }
0x49: {  	_ =	shalt  }
0x4a: {  	_ =	shalt  }
0x4b: {  	_ =	shalt  }
0x4c: {  	_ =	shalt  }
0x4d: {  	_ =	shalt  }
0x4e: {  	_ =	shalt  }
0x4f: {  	_ =	shalt  }
0x50: {  	_ =	shalt  }
0x51: {  	_ =	shalt  }
0x52: {  	_ =	shalt  }
0x53: {  	_ =	shalt  }
0x54: {  	_ =	shalt  }
0x55: {  	_ =	shalt  }
0x56: {  	_ =	shalt  }
0x57: {  	_ =	shalt  }
0x58: {  	_ =	shalt  }
0x59: {  	_ =	shalt  }
0x5a: {  	_ =	shalt  }
0x5b: {  	_ =	shalt  }
0x5c: {  	_ =	shalt  }
0x5d: {  	_ =	shalt  }
0x5e: {  	_ =	shalt  }
0x5f: {  	_ =	shalt  }
0x60: {  	_ =	shalt  }
0x61: {  	_ =	shalt  }
0x62: {  	_ =	shalt  }
0x63: {  	_ =	shalt  }
0x64: {  	_ =	shalt  }
0x65: {  	_ =	shalt  }
0x66: {  	_ =	shalt  }
0x67: {  	_ =	shalt  }
0x68: {  	_ =	shalt  }
0x69: {  	_ =	shalt  }
0x6a: {  	_ =	shalt  }
0x6b: {  	_ =	shalt  }
0x6c: {  	_ =	shalt  }
0x6d: {  	_ =	shalt  }
0x6e: {  	_ =	shalt  }
0x6f: {  	_ =	shalt  }
0x70: {  	_ =	shalt  }
0x71: {  	_ =	shalt  }
0x72: {  	_ =	shalt  }
0x73: {  	_ =	shalt  }
0x74: {  	_ =	shalt  }
0x75: {  	_ =	shalt  }
0x76: {  	_ =	shalt  }
0x77: {  	_ =	shalt  }
0x78: {  	_ =	shalt  }
0x79: {  	_ =	shalt  }
0x7a: {  	_ =	shalt  }
0x7b: {  	_ =	shalt  }
0x7c: {  	_ =	shalt  }
0x7d: {  	_ =	shalt  }
0x7e: {  	_ =	shalt  }
0x7f: {  	_ =	shalt  }
0x80: {  	_ =	shalt  }
0x81: {  	_ =	shalt  }
0x82: {  	_ =	shalt  }
0x83: {  	_ =	shalt  }
0x84: {  	_ =	shalt  }
0x85: {  	_ =	shalt  }
0x86: {  	_ =	shalt  }
0x87: {  	_ =	shalt  }
.Lfunc_end0:
.L_simem_size_0:
called_computation_lowered:
.L_overlay_start_0:
0x88: {  	s2 =	sld [smem:$0x3FD9]  }
0x89: {  	s3 =	sld [smem:$0x3FFE];
	_ =	sdelay $0x1  }
0x8a: {  	s1 =	srdreg.scid  }
0x8b: {  	s0 =	sand.u32 $0x1, s1  }
0x8c: {  	s17 =	sshll.u32 s0, $0xA;
	s2 =	sadd.s32 s3, s2  }
0x8d: {  	s2 =	sadd.s32 s2, s17  }
0x8e: {  	[smem:$0x3FBF] =	sst s2  }
0x8f: {  	_ = 	snop  }
0x90: {  	s2 =	sld [smem:$0x3FD0];
	(tm) =	ssettm $0x1  }
0x91: {  	s18 =	sld [smem:$0x3FFB];
	_ =	sdelay $0x3  }
0x92: {  	_ =	strace s18  }
0x93: {  	s3 =	sld [smem:$0x3FFC];
	_ =	sdelay $0x3  }
0x94: {  	_ =	strace s3  }
0x95: {  	s3 =	sld [smem:$0x3FFD];
	_ =	sdelay $0x3  }
0x96: {  	_ =	strace s3  }
0x97: {  	_ =	strace $0x8FFFFFFF  }
0x98: {  	s19 =	sld [smem:$0x3FDB];
	_ =	sdelay $0x1  }
0x99: {  	s4 =	simm.s32 $_scs_section_size  }
0x9a: {  	s5 =	simm.s32 $_size__tile_overlayer_lowered;
	s6 =	simm.s32 $_tile_overlayer_lowered  }
0x9b: {  	s22 =	simm.s32 $0x1BFF;
	s21 =	sshll.u32 s6, $0x1;
	s3 =	sadd.s32 s4, s19  }
0x9c: {  	s7 =	simm.s32 $0x0;
	s20 =	sshll.u32 s5, $0x1;
	s5 =	sadd.s32 s21, s3  }
0x9d: {  	[timem:s7], [sflag:s22] =	dma.local [hbm:s5], s20  }
0x9e: {  	_ =	swait.ge [sflag:s22], s20  }
0x9f: {  	s4 =	ssub.s32 $0x0, s20;
	[sflag:s22] =	ssyncset.done $0x0  }
0xa0: {  	[sflag:s22] =	ssyncadd.s32 s4;
	_ =	sdelay $0x1  }
0xa1: {  	s23 =	simm.s32 $0x1B8B  }
0xa2: {  	_ =	swait.ge [sflag:s23], $0x1  }
0xa3: {  	[sflag:s23] =	ssyncset.done $0x0  }
0xa4: {  	s25 =	simm.s32 $0x1B8E;
	s24 =	sld [smem:$0x3FFE];
	[sflag:s23] =	ssyncadd.s32 $0xFFFFFFFF  }
0xa5: {  	s26 =	simm.s32 $execute0_lowered;
	[smem:$0x3FD2] =	sst s25  }
0xa6: {  	s5 =	sshll.u32 s26, $0x1;
	_ =	strace $0x80000046;
	[dreg:$0x1] =	wrdreg $0xFFFFFFFF  }
0xa7: {  	s28 =	simm.s32 $_size_execute0_lowered;
	s3 =	sadd.s32 s3, s5;
	[dreg:$0x0] =	wrdreg $0x0  }
0xa8: {  	s5 =	sshll.u32 s28, $0x1;
	[dreg:$0x2] =	wrdreg s3  }
0xa9: {  	[dreg:$0x3] =	wrdreg s5  }
0xaa: {  	[dreg:$0x4] =	wrdreg $0xC0  }
0xab: {  	_ =	task [dreg:s7], $0x5FFFF  }
0xac: {  	[dreg:$0x1] =	wrdreg $0xFFFFFFFF  }
0xad: {  	[dreg:$0x0] =	wrdreg $0x60  }
0xae: {  	[dreg:$0x2] =	wrdreg s2  }
0xaf: {  	[dreg:$0x3] =	wrdreg s24  }
0xb0: {  	[dreg:$0x4] =	wrdreg $0xC2000  }
0xb1: {  	[dreg:$0x5] =	wrdreg $0x72000  }
0xb2: {  	[dreg:$0x6] =	wrdreg $0x9  }
0xb3: {  	_ =	task.clear_ibuf [dreg:s7], $0x7FFFF;
	_ =	strace $0x90000046  }
0xb4: {  	s29 =	simm.s32 $0x9;
	_ =	strace $0x80000048  }
0xb5: {  	_ =	swait.ge [sflag:s29], $0x1  }
0xb6: {  	[sflag:s29] =	ssyncadd.s32 $0xFFFFFFFF  }
0xb7: {  	_ =	strace $0x90000048  }
0xb8: {  	_ =	sfence  }
0xb9: {  	s30 =	sld [smem:$0x0];
	_ =	sdelay $0x2  }
0xba: {  	s31 =	sshll.u32 s1, $0xD;
	s1 =	sshrl.u32 s1, $0x2  }
0xbb: {  	s3 =	sand.u32 $0x4000, s31;
	s1 =	sadd.s32 s1, s30  }
0xbc: {  	s0 =	sor.u32 s3, s0;
	s1 =	sshll.u32 s1, $0x11  }
0xbd: {  	s0 =	sor.u32 s1, s0  }
0xbe: {  	s0 =	sadd.s32 $0x8F2B, s0  }
0xbf: {  	[sflag:s0] =	ssyncadd.remote.s32 $0x1  }
0xc0: {  	_ =	sfence.sel $0xFFFF  }
0xc1: {  	[dreg:$0x0] =	wrdreg $0xFFFFFFFF;
	(pc) =	sbr.abs _section_cstart, $3  }
0xc2: {  	[dreg:$0x1] =	wrdreg $0xFFFFFFFF  }
0xc3: {  	_ =	task.clear_ibuf [dreg:s7], $0x2FFFF;
	_ =	strace $0x9FFFFFFF  }
0xc4: {  	(tm) =	ssettm $0x7FFFFFFF  }
0xc5: {  	_ =	shalt  }
tec
execute0_lowered:
.L_overlay_start_1:
0x0: {  	(tag) =	ssettag $0x1  }
0x1: {  	s0 =	rddreg [dreg:$0x0]  }
0x2: {  	s1 =	rddreg [dreg:$0x1]  }
0x3: {  	s2 =	rddreg [dreg:$0x2]  }
0x4: {  	s3 =	rddreg [dreg:$0x3]  }
0x5: {  	s5 =	srdreg.scid;
	s13 =	stileid.u32;
	s4 =	simm.s32 $0x0  }
0x6: {  	s16 =	simm.s32 $0x3200;
	s17 =	simm.s32 $0x9;
	s28 =	simm.s32 $0x1  }
0x7: {  	s29 =	simm.s32 $0x1100;
	s30 =	simm.s32 $0x2;
	s8 =	smul.u32 $0xA000, s13  }
0x8: {  	s31 =	simm.s32 $0x1180;
	s19 =	simm.s32 $0x3;
	s10 =	smul.u32 $0x28000, s13  }
0x9: {  	s7 =	sand.u32 $0x1, s5;
	[smem:$0x7FF] =	sst s4;
	s21 =	smul.u32 $0xA00, s13  }
0xa: {  	s5 =	sadd.s32 $0x1000, s1;
	s6 =	smul.u32 $0xA0000, s7;
	s7 =	ssub.s32 $0x2, s7  }
0xb: {  	s13 =	smul.u32 $0x5000, s13;
	_ =	strace $0x80000047;
	s20 =	sshrl.u32 s7, $0x1  }
0xc: {  	s10 =	sshrl.u32 s10, $0x2;
	s22 =	sadd.s32 s5, s21;
	s9 =	sadd.s32 s8, s6  }
0xd: {  	s6 =	sadd.s32 $0xB000, s1;
	s10 =	sadd.s32 s10, s2;
	[dreg:$0x8] =	wrdreg s22  }
0xe: {  	s22 =	simm.s32 $0x80;
	s11 =	sshrl.u32 s9, $0x3;
	s12 =	sadd.s32 $0x4000, s10  }
0xf: {  	s10 =	sadd.s32 $0x8000, s10;
	s9 =	sshrl.u32 s9, $0x4;
	s23 =	sadd.s32 s6, s21  }
0x10: {  	s1 =	sadd.s32 s11, s1;
	s11 =	ssub.s32 s7, s20;
	[dreg:$0x5] =	wrdreg s12  }
0x11: {  	s7 =	sadd.s32 s8, s2;
	s8 =	sshrl.u32 s8, $0x1;
	[dreg:$0x6] =	wrdreg s10  }
.Ltmp0:
0x12: {  	s0 =	sadd.s32 s0, s9;
	[dreg:$0x9] =	wrdreg s23;
	(pc) =	sbr.rel .LBB2_1-.Ltmp0, $4  }
0x13: {  	s23 =	simm.s32 $0x4;
	[dreg:$0x7] =	wrdreg s0;
	s24 =	sadd.s32 $0x15000, s1  }
0x14: {  	s8 =	sadd.s32 s8, s3;
	s25 =	smax.u32 s11, $0x1;
	[dreg:$0xa] =	wrdreg s24  }
0x15: {  	s0 =	simm.s32 $0x5200;
	[dreg:$0xb] =	wrdreg s25;
	s26 =	sshrl.u32 s8, $0x3  }
0x16: {  	v0 =	vimm.f32 $0.0e+00;
	s25 =	simm.s32 $0x1080;
	[dreg:$0xc] =	wrdreg s26;
	s26 =	simm.s32 $0x2200  }
.LBB2_10:
0x17: {  	[spmem:s2] =	stream.indirect.scatter.add.f32 [tilespmem:s0], [sflag:$0x4], $0x40, s31, s22, $0xb8;
	[tilespmem:$0x16200] =	vst v63  }
0x18: {  	_ =	swait.ge [sflag:s19], $0x2000  }
0x19: {  	[sflag:s19] =	ssyncset.done $0x0  }
0x1a: {  	[sflag:s19] =	ssyncadd.s32 $0xFFFFE000  }
0x1b: {  	_ =	swait.ge [sflag:s23], $0x2000  }
0x1c: {  	[sflag:s23] =	ssyncset.done $0x0  }
0x1d: {  	[sflag:s23] =	ssyncadd.s32 $0xFFFFE000  }
0x1e: {  	[bflag:$0x0] =	sbarrier.arrive $0xFFFF  }
0x1f: {  	s1 =	sshrl.u32 s7, $0x3;
	s8 =	rddreg [dreg:$0xa]  }
0x20: {  	[hbm:s8], [sflag:s24] =	dma.local [spmem:s1], $0x1400  }
0x21: {  	_ =	swait.ge [sflag:s17], $0x1400  }
0x22: {  	s4 =	sadd.s32 $0x1, s4;
	s24 =	rddreg [dreg:$0xb]  }
0x23: {  	p0 =	sne.s32 s4, s24  }
.Ltmp1:
0x24: {  	_ = 	snop;
	(pc) =	sbr.rel @!p0 .LBB2_11-.Ltmp1, $3  }
0x25: {  	_ =	sdelay $0x1  }
0x26: {  	[sflag:s17] =	ssyncset.done $0x0  }
0x27: {  	[sflag:s17] =	ssyncadd.s32 $0xFFFFEC00  }
.LBB2_1:
0x28: {  	s8 =	simm.s32 $0x100;
	s1 =	simm.s32 $0x0  }
.LBB2_2:
0x29: {  	p0 =	sne.s32 s8, $0xFF00;
	[tilespmem:s1+$0x3230] =	vst v0;
	s9 =	smov.u32 s8;
	s8 =	sadd.s32 $0x100, s8  }
.Ltmp2:
0x2a: {  	[tilespmem:s1+$0x3220] =	vst v0;
	(pc) =	sbr.rel @p0 .LBB2_2-.Ltmp2, $3  }
0x2b: {  	[tilespmem:s1+$0x3200] =	vst v0  }
0x2c: {  	[tilespmem:s1+$0x3210] =	vst v0;
	_ =	sdelay $0x1  }
0x2d: {  	s1 =	sshra.s32 s9, $0x2  }
0x2e: {  	[tilespmem:s1+$0x3230] =	vst v0  }
0x2f: {  	[tilespmem:s1+$0x3220] =	vst v0  }
0x30: {  	[tilespmem:s1+$0x3200] =	vst v0  }
0x31: {  	[tilespmem:s1+$0x3210] =	vst v0  }
0x32: {  	[spmem:s7] =	stream.linear.scatter [tilespmem:s16], [sflag:$0x9], $0x4000, $0x38;
	[tilespmem:$0x16200] =	vst v63  }
0x33: {  	_ =	swait.ge [sflag:s17], $0x4000  }
0x34: {  	[sflag:s17] =	ssyncset.done $0x0  }
0x35: {  	s8 =	rddreg [dreg:$0x5];
	[sflag:s17] =	ssyncadd.s32 $0xFFFFC000  }
0x36: {  	[spmem:s8] =	stream.linear.scatter [tilespmem:s16], [sflag:$0x9], $0x4000, $0x38;
	[tilespmem:$0x16200] =	vst v63  }
0x37: {  	_ =	swait.ge [sflag:s17], $0x4000  }
0x38: {  	[sflag:s17] =	ssyncset.done $0x0  }
0x39: {  	s9 =	rddreg [dreg:$0x6];
	[sflag:s17] =	ssyncadd.s32 $0xFFFFC000  }
0x3a: {  	[spmem:s9] =	stream.linear.scatter [tilespmem:s16], [sflag:$0x9], $0x2000, $0x38;
	[tilespmem:$0x16200] =	vst v63  }
0x3b: {  	s10 =	stileid.u32;
	_ =	swait.ge [sflag:s17], $0x2000  }
0x3c: {  	s1 =	sshll.u32 s10, $0x6;
	[sflag:s17] =	ssyncset.done $0x0;
	s11 =	rddreg [dreg:$0x7]  }
0x3d: {  	s24 =	sor.u32 $0x1C09, s1;
	s8 =	rddreg [dreg:$0xc];
	[sflag:s17] =	ssyncadd.s32 $0xFFFFE000  }
0x3e: {  	[spmem:s8], [sflag:s24] =	dma.local [hbm:s11], $0xA00  }
0x3f: {  	_ =	swait.ge [sflag:s17], $0xA00  }
0x40: {  	[sflag:s17] =	ssyncset.done $0x0  }
0x41: {  	s1 =	simm.s32 $0x0;
	s12 =	rddreg [dreg:$0x8];
	[sflag:s17] =	ssyncadd.s32 $0xFFFFF600  }
0x42: {  	[tilespmem:s1], [sflag:$0x5] =	stream.linear.gather [hbm4b:s12+s1], $0x400, $0x38;
	[tilespmem:$0x16200] =	vst v63  }
0x43: {  	s9 =	simm.s32 $0x800;
	s14 =	rddreg [dreg:$0x9]  }
0x44: {  	[tilespmem:s9], [sflag:$0x7] =	stream.linear.gather [hbm4b:s14+s1], $0x400, $0x38;
	[tilespmem:$0x16200] =	vst v63  }
0x45: {  	s15 =	simm.s32 $0x5;
	[bflag:$0x0] =	sbarrier.arrive $0xFFFF  }
0x46: {  	_ =	swait.ge [sflag:s15], $0x400  }
0x47: {  	[sflag:s15] =	ssyncset.done $0x0  }
0x48: {  	s18 =	simm.s32 $0x7;
	[sflag:s15] =	ssyncadd.s32 $0xFFFFFC00  }
0x49: {  	_ =	swait.ge [sflag:s18], $0x400  }
0x4a: {  	[sflag:s18] =	ssyncset.done $0x0  }
0x4b: {  	[sflag:s18] =	ssyncadd.s32 $0xFFFFFC00  }
0x4c: {  	v1 =	vld [tilespmem:$0x0]  }
0x4d: {  	v2 =	vld [tilespmem:$0x10]  }
0x4e: {  	v3 =	vld [tilespmem:$0x20]  }
0x4f: {  	v4 =	vld [tilespmem:$0x30]  }
0x50: {  	v5 =	vld [tilespmem:$0x40]  }
0x51: {  	v6 =	vld [tilespmem:$0x50];
	v1 =	vand.u32 $0xFFFF, v1  }
0x52: {  	[tilespmem:$0x1000] =	vst v1;
	v1 =	vand.u32 $0xFFFF, v2;
	v2 =	vld [tilespmem:$0x60]  }
0x53: {  	[tilespmem:$0x1010] =	vst v1;
	v1 =	vand.u32 $0xFFFF, v3;
	v3 =	vld [tilespmem:$0x70]  }
0x54: {  	[tilespmem:$0x1020] =	vst v1;
	v1 =	vand.u32 $0xFFFF, v4  }
0x55: {  	[tilespmem:$0x1030] =	vst v1;
	v1 =	vand.u32 $0xFFFF, v5  }
0x56: {  	[tilespmem:$0x1040] =	vst v1;
	v1 =	vand.u32 $0xFFFF, v6  }
0x57: {  	[tilespmem:$0x1050] =	vst v1;
	v1 =	vand.u32 $0xFFFF, v2  }
0x58: {  	[tilespmem:$0x1060] =	vst v1;
	v1 =	vand.u32 $0xFFFF, v3  }
0x59: {  	s20 =	simm.s32 $0x1000;
	s21 =	simm.s32 $0x1200;
	[tilespmem:$0x1070] =	vst v1  }
0x5a: {  	[tilespmem:s21], [sflag:$0x1] =	stream.indirect.gather [spmem:s3], $0x20, s20, s22, $0xb8;
	[tilespmem:$0x16200] =	vst v63  }
0x5b: {  	v1 =	vld [tilespmem:$0x80]  }
0x5c: {  	v2 =	vld [tilespmem:$0x90]  }
0x5d: {  	v3 =	vld [tilespmem:$0xA0]  }
0x5e: {  	v61 =	vld [tilespmem:$0xB0]  }
0x5f: {  	v62 =	vld [tilespmem:$0xC0]  }
0x60: {  	v63 =	vld [tilespmem:$0xD0];
	v1 =	vand.u32 $0xFFFF, v1  }
0x61: {  	[tilespmem:$0x1080] =	vst v1;
	v1 =	vand.u32 $0xFFFF, v2;
	v2 =	vld [tilespmem:$0xE0]  }
0x62: {  	[tilespmem:$0x1090] =	vst v1;
	v1 =	vand.u32 $0xFFFF, v3;
	v3 =	vld [tilespmem:$0xF0]  }
0x63: {  	[tilespmem:$0x10A0] =	vst v1;
	v1 =	vand.u32 $0xFFFF, v61  }
0x64: {  	[tilespmem:$0x10B0] =	vst v1;
	v1 =	vand.u32 $0xFFFF, v62  }
0x65: {  	[tilespmem:$0x10C0] =	vst v1;
	v1 =	vand.u32 $0xFFFF, v63  }
0x66: {  	[tilespmem:$0x10D0] =	vst v1;
	v1 =	vand.u32 $0xFFFF, v2  }
0x67: {  	[tilespmem:$0x10E0] =	vst v1;
	v1 =	vand.u32 $0xFFFF, v3  }
0x68: {  	s8 =	simm.s32 $0x0;
	[tilespmem:$0x10F0] =	vst v1  }
0x69: {  	[tilespmem:s26], [sflag:$0x2] =	stream.indirect.gather [spmem:s3], $0x20, s25, s22, $0xb8;
	[tilespmem:$0x16200] =	vst v63  }
.LBB2_4:
0x6a: {  	s9 =	sshll.u32 s8, $0x1  }
0x6b: {  	p0 =	sgt.u32 s8, $0x4B;
	s11 =	sand.u32 $0x6, s9  }
0x6c: {  	p1 =	sne.s32 @!p0 s11, $0x0  }
0x6d: {  	s15 =	sshrl.u32 s8, $0x2;
	p0 =	por p1, p0  }
0x6e: {  	s10 =	sadd.s32 @!p0 $0x1, s15  }
0x6f: {  	s12 =	sshll.u32 @!p0 s10, $0xA  }
0x70: {  	s9 =	sadd.s32 $0x2, s9;
	s12 =	sadd.s32 @!p0 s13, s12  }
0x71: {  	s21 =	simm.s32 @!p0 $0x0;
	s10 =	sand.u32 @!p0 $0x1, s10;
	s12 =	sshrl.u32 @!p0 s12, $0x3  }
0x72: {  	s14 =	sshll.u32 @!p0 s10, $0xA;
	s18 =	sadd.s32 @!p0 $0x5, s10;
	s20 =	sadd.s32 @!p0 s5, s12  }
0x73: {  	[tilespmem:s14], [sflag:s18] =	stream.linear.gather @!p0 [hbm4b:s20+s21], $0x400, $0x38;
	[tilespmem:$0x16200] =	vst v63  }
0x74: {  	s10 =	sadd.s32 @!p0 $0x7, s10;
	s12 =	sadd.s32 @!p0 s6, s12;
	s14 =	sor.u32 @!p0 $0x800, s14  }
0x75: {  	[tilespmem:s14], [sflag:s10] =	stream.linear.gather @!p0 [hbm4b:s12+s21], $0x400, $0x38;
	[tilespmem:$0x16200] =	vst v63  }
0x76: {  	s12 =	sand.u32 $0x6, s9;
	p0 =	seq.s32 s8, $0x4F  }
0x77: {  	p1 =	sne.s32 @!p0 s12, $0x0  }
0x78: {  	s14 =	sshrl.u32 s9, $0x3;
	p1 =	por p1, p0  }
0x79: {  	s9 =	sand.u32 @!p1 $0x1, s14  }
0x7a: {  	s10 =	sadd.s32 @!p1 $0x5, s9  }
0x7b: {  	_ =	swait.ge @!p1 [sflag:s10], $0x400  }
0x7c: {  	[sflag:s10] =	ssyncset.done @!p1 $0x0  }
0x7d: {  	s9 =	sadd.s32 @!p1 $0x7, s9;
	[sflag:s10] =	ssyncadd.s32 @!p1 $0xFFFFFC00  }
0x7e: {  	s20 =	sshll.u32 s8, $0xA;
	s21 =	sand.u32 $0x3, s1;
	_ =	swait.ge @!p1 [sflag:s9], $0x400  }
0x7f: {  	s10 =	sand.u32 $0x1000, s20;
	s20 =	sshll.u32 s21, $0xA;
	[sflag:s9] =	ssyncset.done @!p1 $0x0  }
0x80: {  	[sflag:s9] =	ssyncadd.s32 @!p1 $0xFFFFFC00;
	s9 =	sor.u32 s20, s10  }
0x81: {  	_ =	swait.ge [sflag:s28], $0x1000;
	s9 =	sshrl.u32 s9, $0x2  }
0x82: {  	p1 =	seq.s32 s8, $0x0;
	[sflag:s28] =	ssyncset.done $0x0;
	s20 =	sor.u32 $0x800, s9  }
0x83: {  	s11 =	sshll.u32 s11, $0x9;
	s18 =	simm.s32 @!p1 $0x3;
	[sflag:s28] =	ssyncadd.s32 $0xFFFFF000;
	v1 =	vmov s20  }
0x84: {  	s21 =	sshll.u32 s15, $0xA;
	s15 =	simm.s32 $0x3400;
	_ =	swait.ge @!p1 [sflag:s18], $0x2000  }
0x85: {  	s10 =	sor.u32 $0x880, s9;
	s9 =	sand.u32 $0x400, s21;
	[sflag:s18] =	ssyncset.done @!p1 $0x0  }
0x86: {  	s20 =	simm.s32 $0x0;
	[sflag:s18] =	ssyncadd.s32 @!p1 $0xFFFFE000;
	s18 =	simm.s32 $0x1300  }
.LBB2_5:
0x87: {  	s21 =	sshra.s32 s20, $0x2  }
0x88: {  	v2 =	vld.idx.msk [tilespmem:v1+s21+$0x0 ss:$0x1], $0xffff  }
0x89: {  	v3 =	vld [tilespmem:s18+$0xFFFFFF00];
	_ =	sdelay $0x3  }
0x8a: {  	v4 =	vbroadcast v2, $0x0  }
0x8b: {  	v5 =	vunpack.i.l.bf16.f32 v3  }
0x8c: {  	v3 =	vunpack.i.u.bf16.f32 v3;
	v5 =	vmul.f32 v5, v4  }
0x8d: {  	v3 =	vmul.f32 v3, v4  }
0x8e: {  	[tilespmem:s15+$0xFFFFFE00] =	vst v5  }
0x8f: {  	[tilespmem:s15+$0xFFFFFE10] =	vst v3  }
0x90: {  	v3 =	vld [tilespmem:s18+$0xFFFFFF10];
	_ =	sdelay $0x4  }
0x91: {  	v19 =	vunpack.i.l.bf16.f32 v3  }
0x92: {  	v3 =	vunpack.i.u.bf16.f32 v3;
	v5 =	vmul.f32 v19, v4  }
0x93: {  	v3 =	vmul.f32 v3, v4  }
0x94: {  	[tilespmem:s15+$0xFFFFFE20] =	vst v5  }
0x95: {  	[tilespmem:s15+$0xFFFFFE30] =	vst v3  }
0x96: {  	v3 =	vld [tilespmem:s18+$0xFFFFFF20];
	_ =	sdelay $0x3  }
0x97: {  	v20 =	vbroadcast v2, $0x1  }
0x98: {  	v21 =	vunpack.i.l.bf16.f32 v3  }
0x99: {  	v3 =	vunpack.i.u.bf16.f32 v3;
	v5 =	vmul.f32 v21, v20  }
0x9a: {  	v3 =	vmul.f32 v3, v20  }
0x9b: {  	[tilespmem:s15+$0xFFFFFE40] =	vst v5  }
0x9c: {  	[tilespmem:s15+$0xFFFFFE50] =	vst v3  }
0x9d: {  	v3 =	vld [tilespmem:s18+$0xFFFFFF30];
	_ =	sdelay $0x4  }
0x9e: {  	v22 =	vunpack.i.l.bf16.f32 v3  }
0x9f: {  	v3 =	vunpack.i.u.bf16.f32 v3;
	v5 =	vmul.f32 v22, v20  }
0xa0: {  	v3 =	vmul.f32 v3, v20  }
0xa1: {  	[tilespmem:s15+$0xFFFFFE60] =	vst v5  }
0xa2: {  	[tilespmem:s15+$0xFFFFFE70] =	vst v3  }
0xa3: {  	v3 =	vld [tilespmem:s18+$0xFFFFFF40];
	_ =	sdelay $0x3  }
0xa4: {  	v23 =	vbroadcast v2, $0x2  }
0xa5: {  	v24 =	vunpack.i.l.bf16.f32 v3  }
0xa6: {  	v3 =	vunpack.i.u.bf16.f32 v3;
	v5 =	vmul.f32 v24, v23  }
0xa7: {  	v3 =	vmul.f32 v3, v23  }
0xa8: {  	[tilespmem:s15+$0xFFFFFE80] =	vst v5  }
0xa9: {  	[tilespmem:s15+$0xFFFFFE90] =	vst v3  }
0xaa: {  	v3 =	vld [tilespmem:s18+$0xFFFFFF50];
	_ =	sdelay $0x4  }
0xab: {  	v25 =	vunpack.i.l.bf16.f32 v3  }
0xac: {  	v3 =	vunpack.i.u.bf16.f32 v3;
	v5 =	vmul.f32 v25, v23  }
0xad: {  	v3 =	vmul.f32 v3, v23  }
0xae: {  	[tilespmem:s15+$0xFFFFFEA0] =	vst v5  }
0xaf: {  	[tilespmem:s15+$0xFFFFFEB0] =	vst v3  }
0xb0: {  	v3 =	vld [tilespmem:s18+$0xFFFFFF60];
	_ =	sdelay $0x3  }
0xb1: {  	v26 =	vbroadcast v2, $0x3  }
0xb2: {  	v27 =	vunpack.i.l.bf16.f32 v3  }
0xb3: {  	v3 =	vunpack.i.u.bf16.f32 v3;
	v5 =	vmul.f32 v27, v26  }
0xb4: {  	v3 =	vmul.f32 v3, v26  }
0xb5: {  	[tilespmem:s15+$0xFFFFFEC0] =	vst v5  }
0xb6: {  	[tilespmem:s15+$0xFFFFFED0] =	vst v3  }
0xb7: {  	v3 =	vld [tilespmem:s18+$0xFFFFFF70];
	_ =	sdelay $0x4  }
0xb8: {  	v28 =	vunpack.i.l.bf16.f32 v3  }
0xb9: {  	v3 =	vunpack.i.u.bf16.f32 v3;
	v5 =	vmul.f32 v28, v26  }
0xba: {  	v3 =	vmul.f32 v3, v26  }
0xbb: {  	[tilespmem:s15+$0xFFFFFEE0] =	vst v5  }
0xbc: {  	[tilespmem:s15+$0xFFFFFEF0] =	vst v3  }
0xbd: {  	v3 =	vld [tilespmem:s18+$0xFFFFFF80];
	_ =	sdelay $0x3  }
0xbe: {  	v29 =	vbroadcast v2, $0x4  }
0xbf: {  	v30 =	vunpack.i.l.bf16.f32 v3  }
0xc0: {  	v3 =	vunpack.i.u.bf16.f32 v3;
	v5 =	vmul.f32 v30, v29  }
0xc1: {  	v3 =	vmul.f32 v3, v29  }
0xc2: {  	[tilespmem:s15+$0xFFFFFF00] =	vst v5  }
0xc3: {  	[tilespmem:s15+$0xFFFFFF10] =	vst v3  }
0xc4: {  	v3 =	vld [tilespmem:s18+$0xFFFFFF90];
	_ =	sdelay $0x4  }
0xc5: {  	v31 =	vunpack.i.l.bf16.f32 v3  }
0xc6: {  	v3 =	vunpack.i.u.bf16.f32 v3;
	v5 =	vmul.f32 v31, v29  }
0xc7: {  	v3 =	vmul.f32 v3, v29  }
0xc8: {  	[tilespmem:s15+$0xFFFFFF20] =	vst v5  }
0xc9: {  	[tilespmem:s15+$0xFFFFFF30] =	vst v3  }
0xca: {  	v3 =	vld [tilespmem:s18+$0xFFFFFFA0];
	_ =	sdelay $0x3  }
0xcb: {  	v32 =	vbroadcast v2, $0x5  }
0xcc: {  	v33 =	vunpack.i.l.bf16.f32 v3  }
0xcd: {  	v3 =	vunpack.i.u.bf16.f32 v3;
	v5 =	vmul.f32 v33, v32  }
0xce: {  	v3 =	vmul.f32 v3, v32  }
0xcf: {  	[tilespmem:s15+$0xFFFFFF40] =	vst v5  }
0xd0: {  	[tilespmem:s15+$0xFFFFFF50] =	vst v3  }
0xd1: {  	v3 =	vld [tilespmem:s18+$0xFFFFFFB0];
	_ =	sdelay $0x4  }
0xd2: {  	v34 =	vunpack.i.l.bf16.f32 v3  }
0xd3: {  	v3 =	vunpack.i.u.bf16.f32 v3;
	v5 =	vmul.f32 v34, v32  }
0xd4: {  	v3 =	vmul.f32 v3, v32  }
0xd5: {  	[tilespmem:s15+$0xFFFFFF60] =	vst v5  }
0xd6: {  	[tilespmem:s15+$0xFFFFFF70] =	vst v3  }
0xd7: {  	v3 =	vld [tilespmem:s18+$0xFFFFFFC0];
	_ =	sdelay $0x3  }
0xd8: {  	v35 =	vbroadcast v2, $0x6  }
0xd9: {  	v36 =	vunpack.i.l.bf16.f32 v3  }
0xda: {  	v3 =	vunpack.i.u.bf16.f32 v3;
	v5 =	vmul.f32 v36, v35  }
0xdb: {  	v3 =	vmul.f32 v3, v35  }
0xdc: {  	[tilespmem:s15+$0xFFFFFF80] =	vst v5  }
0xdd: {  	[tilespmem:s15+$0xFFFFFF90] =	vst v3  }
0xde: {  	v3 =	vld [tilespmem:s18+$0xFFFFFFD0];
	_ =	sdelay $0x4  }
0xdf: {  	v37 =	vunpack.i.l.bf16.f32 v3  }
0xe0: {  	v3 =	vunpack.i.u.bf16.f32 v3;
	v5 =	vmul.f32 v37, v35  }
0xe1: {  	v3 =	vmul.f32 v3, v35  }
0xe2: {  	[tilespmem:s15+$0xFFFFFFA0] =	vst v5  }
0xe3: {  	[tilespmem:s15+$0xFFFFFFB0] =	vst v3  }
0xe4: {  	v3 =	vld [tilespmem:s18+$0xFFFFFFE0];
	_ =	sdelay $0x3  }
0xe5: {  	v38 =	vbroadcast v2, $0x7  }
0xe6: {  	v39 =	vunpack.i.l.bf16.f32 v3  }
0xe7: {  	v3 =	vunpack.i.u.bf16.f32 v3;
	v5 =	vmul.f32 v39, v38  }
0xe8: {  	v3 =	vmul.f32 v3, v38  }
0xe9: {  	[tilespmem:s15+$0xFFFFFFC0] =	vst v5  }
0xea: {  	[tilespmem:s15+$0xFFFFFFD0] =	vst v3  }
0xeb: {  	v3 =	vld [tilespmem:s18+$0xFFFFFFF0];
	_ =	sdelay $0x4  }
0xec: {  	v40 =	vunpack.i.l.bf16.f32 v3  }
0xed: {  	v3 =	vunpack.i.u.bf16.f32 v3;
	v5 =	vmul.f32 v40, v38  }
0xee: {  	v3 =	vmul.f32 v3, v38  }
0xef: {  	[tilespmem:s15+$0xFFFFFFE0] =	vst v5  }
0xf0: {  	[tilespmem:s15+$0xFFFFFFF0] =	vst v3  }
0xf1: {  	v3 =	vld [tilespmem:s18+$0x0];
	_ =	sdelay $0x3  }
0xf2: {  	v41 =	vbroadcast v2, $0x8  }
0xf3: {  	v42 =	vunpack.i.l.bf16.f32 v3  }
0xf4: {  	v3 =	vunpack.i.u.bf16.f32 v3;
	v5 =	vmul.f32 v42, v41  }
0xf5: {  	v3 =	vmul.f32 v3, v41  }
0xf6: {  	[tilespmem:s15+$0x0] =	vst v5  }
0xf7: {  	[tilespmem:s15+$0x10] =	vst v3  }
0xf8: {  	v3 =	vld [tilespmem:s18+$0x10];
	_ =	sdelay $0x4  }
0xf9: {  	v43 =	vunpack.i.l.bf16.f32 v3  }
0xfa: {  	v3 =	vunpack.i.u.bf16.f32 v3;
	v5 =	vmul.f32 v43, v41  }
0xfb: {  	v3 =	vmul.f32 v3, v41  }
0xfc: {  	[tilespmem:s15+$0x20] =	vst v5  }
0xfd: {  	[tilespmem:s15+$0x30] =	vst v3  }
0xfe: {  	v3 =	vld [tilespmem:s18+$0x20];
	_ =	sdelay $0x3  }
0xff: {  	v44 =	vbroadcast v2, $0x9  }
0x100: {  	v45 =	vunpack.i.l.bf16.f32 v3  }
0x101: {  	v3 =	vunpack.i.u.bf16.f32 v3;
	v5 =	vmul.f32 v45, v44  }
0x102: {  	v3 =	vmul.f32 v3, v44  }
0x103: {  	[tilespmem:s15+$0x40] =	vst v5  }
0x104: {  	[tilespmem:s15+$0x50] =	vst v3  }
0x105: {  	v3 =	vld [tilespmem:s18+$0x30];
	_ =	sdelay $0x4  }
0x106: {  	v46 =	vunpack.i.l.bf16.f32 v3  }
0x107: {  	v3 =	vunpack.i.u.bf16.f32 v3;
	v5 =	vmul.f32 v46, v44  }
0x108: {  	v3 =	vmul.f32 v3, v44  }
0x109: {  	[tilespmem:s15+$0x60] =	vst v5  }
0x10a: {  	[tilespmem:s15+$0x70] =	vst v3  }
0x10b: {  	v3 =	vld [tilespmem:s18+$0x40];
	_ =	sdelay $0x3  }
0x10c: {  	v47 =	vbroadcast v2, $0xA  }
0x10d: {  	v48 =	vunpack.i.l.bf16.f32 v3  }
0x10e: {  	v3 =	vunpack.i.u.bf16.f32 v3;
	v5 =	vmul.f32 v48, v47  }
0x10f: {  	v3 =	vmul.f32 v3, v47  }
0x110: {  	[tilespmem:s15+$0x80] =	vst v5  }
0x111: {  	[tilespmem:s15+$0x90] =	vst v3  }
0x112: {  	v3 =	vld [tilespmem:s18+$0x50];
	_ =	sdelay $0x4  }
0x113: {  	v49 =	vunpack.i.l.bf16.f32 v3  }
0x114: {  	v3 =	vunpack.i.u.bf16.f32 v3;
	v5 =	vmul.f32 v49, v47  }
0x115: {  	v3 =	vmul.f32 v3, v47  }
0x116: {  	[tilespmem:s15+$0xA0] =	vst v5  }
0x117: {  	[tilespmem:s15+$0xB0] =	vst v3  }
0x118: {  	v3 =	vld [tilespmem:s18+$0x60];
	_ =	sdelay $0x3  }
0x119: {  	v50 =	vbroadcast v2, $0xB  }
0x11a: {  	v51 =	vunpack.i.l.bf16.f32 v3  }
0x11b: {  	v3 =	vunpack.i.u.bf16.f32 v3;
	v5 =	vmul.f32 v51, v50  }
0x11c: {  	v3 =	vmul.f32 v3, v50  }
0x11d: {  	[tilespmem:s15+$0xC0] =	vst v5  }
0x11e: {  	[tilespmem:s15+$0xD0] =	vst v3  }
0x11f: {  	v3 =	vld [tilespmem:s18+$0x70];
	_ =	sdelay $0x4  }
0x120: {  	v52 =	vunpack.i.l.bf16.f32 v3  }
0x121: {  	v3 =	vunpack.i.u.bf16.f32 v3;
	v5 =	vmul.f32 v52, v50  }
0x122: {  	v3 =	vmul.f32 v3, v50  }
0x123: {  	[tilespmem:s15+$0xE0] =	vst v5  }
0x124: {  	[tilespmem:s15+$0xF0] =	vst v3  }
0x125: {  	v3 =	vld [tilespmem:s18+$0x80];
	_ =	sdelay $0x3  }
0x126: {  	v53 =	vbroadcast v2, $0xC  }
0x127: {  	v54 =	vunpack.i.l.bf16.f32 v3  }
0x128: {  	v3 =	vunpack.i.u.bf16.f32 v3;
	v5 =	vmul.f32 v54, v53  }
0x129: {  	v3 =	vmul.f32 v3, v53  }
0x12a: {  	[tilespmem:s15+$0x100] =	vst v5  }
0x12b: {  	[tilespmem:s15+$0x110] =	vst v3  }
0x12c: {  	v3 =	vld [tilespmem:s18+$0x90];
	_ =	sdelay $0x4  }
0x12d: {  	v55 =	vunpack.i.l.bf16.f32 v3  }
0x12e: {  	v3 =	vunpack.i.u.bf16.f32 v3;
	v5 =	vmul.f32 v55, v53  }
0x12f: {  	v3 =	vmul.f32 v3, v53  }
0x130: {  	[tilespmem:s15+$0x120] =	vst v5  }
0x131: {  	[tilespmem:s15+$0x130] =	vst v3  }
0x132: {  	v3 =	vld [tilespmem:s18+$0xA0];
	_ =	sdelay $0x3  }
0x133: {  	v56 =	vbroadcast v2, $0xD  }
0x134: {  	v57 =	vunpack.i.l.bf16.f32 v3  }
0x135: {  	v3 =	vunpack.i.u.bf16.f32 v3;
	v5 =	vmul.f32 v57, v56  }
0x136: {  	v3 =	vmul.f32 v3, v56  }
0x137: {  	[tilespmem:s15+$0x140] =	vst v5  }
0x138: {  	[tilespmem:s15+$0x150] =	vst v3  }
0x139: {  	v3 =	vld [tilespmem:s18+$0xB0];
	_ =	sdelay $0x4  }
0x13a: {  	v58 =	vunpack.i.l.bf16.f32 v3  }
0x13b: {  	v3 =	vunpack.i.u.bf16.f32 v3;
	v5 =	vmul.f32 v58, v56  }
0x13c: {  	v3 =	vmul.f32 v3, v56  }
0x13d: {  	[tilespmem:s15+$0x160] =	vst v5  }
0x13e: {  	[tilespmem:s15+$0x170] =	vst v3  }
0x13f: {  	v3 =	vld [tilespmem:s18+$0xC0];
	_ =	sdelay $0x3  }
0x140: {  	v59 =	vbroadcast v2, $0xE  }
0x141: {  	v60 =	vunpack.i.l.bf16.f32 v3  }
0x142: {  	v3 =	vunpack.i.u.bf16.f32 v3;
	v5 =	vmul.f32 v60, v59  }
0x143: {  	v3 =	vmul.f32 v3, v59  }
0x144: {  	[tilespmem:s15+$0x180] =	vst v5  }
0x145: {  	[tilespmem:s15+$0x190] =	vst v3  }
0x146: {  	v3 =	vld [tilespmem:s18+$0xD0];
	_ =	sdelay $0x4  }
0x147: {  	v61 =	vunpack.i.l.bf16.f32 v3  }
0x148: {  	v3 =	vunpack.i.u.bf16.f32 v3;
	v5 =	vmul.f32 v61, v59  }
0x149: {  	v3 =	vmul.f32 v3, v59  }
0x14a: {  	[tilespmem:s15+$0x1A0] =	vst v5  }
0x14b: {  	[tilespmem:s15+$0x1B0] =	vst v3  }
0x14c: {  	v3 =	vld [tilespmem:s18+$0xE0];
	_ =	sdelay $0x3  }
0x14d: {  	v2 =	vbroadcast v2, $0xF  }
0x14e: {  	v62 =	vunpack.i.l.bf16.f32 v3  }
0x14f: {  	v3 =	vunpack.i.u.bf16.f32 v3;
	v4 =	vmul.f32 v62, v2  }
0x150: {  	v3 =	vmul.f32 v3, v2  }
0x151: {  	[tilespmem:s15+$0x1C0] =	vst v4  }
0x152: {  	[tilespmem:s15+$0x1D0] =	vst v3  }
0x153: {  	v3 =	vld [tilespmem:s18+$0xF0];
	_ =	sdelay $0x3  }
0x154: {  	p2 =	sne.s32 s20, $0x1C0  }
.Ltmp3:
0x155: {  	v63 =	vunpack.i.l.bf16.f32 v3;
	(pc) =	sbr.rel @p2 .LBB2_5-.Ltmp3, $4  }
0x156: {  	v3 =	vunpack.i.u.bf16.f32 v3;
	v4 =	vmul.f32 v63, v2  }
0x157: {  	v2 =	vmul.f32 v3, v2  }
0x158: {  	[tilespmem:s15+$0x1E0] =	vst v4  }
0x159: {  	s20 =	sadd.s32 $0x40, s20;
	s18 =	sadd.s32 $0x200, s18;
	[tilespmem:s15+$0x1F0] =	vst v2;
	s15 =	sadd.s32 $0x400, s15  }
0x15a: {  	s15 =	sshrl.u32 s11, $0x2  }
0x15b: {  	s15 =	sadd.s32 s15, s9  }
0x15c: {  	v1 =	vld [tilespmem:s15+$0x0];
	_ =	sdelay $0x4  }
0x15d: {  	v1 =	vshrl.u32 v1, $0x10  }
0x15e: {  	[tilespmem:$0x1100] =	vst v1  }
0x15f: {  	v1 =	vld [tilespmem:s15+$0x10];
	_ =	sdelay $0x4  }
0x160: {  	v1 =	vshrl.u32 v1, $0x10  }
0x161: {  	[tilespmem:$0x1110] =	vst v1  }
0x162: {  	v1 =	vld [tilespmem:s15+$0x20];
	_ =	sdelay $0x4  }
0x163: {  	v1 =	vshrl.u32 v1, $0x10  }
0x164: {  	[tilespmem:$0x1120] =	vst v1  }
0x165: {  	v1 =	vld [tilespmem:s15+$0x30];
	_ =	sdelay $0x4  }
0x166: {  	v1 =	vshrl.u32 v1, $0x10  }
0x167: {  	[tilespmem:$0x1130] =	vst v1  }
0x168: {  	v1 =	vld [tilespmem:s15+$0x40];
	_ =	sdelay $0x4  }
0x169: {  	v1 =	vshrl.u32 v1, $0x10  }
0x16a: {  	[tilespmem:$0x1140] =	vst v1  }
0x16b: {  	v1 =	vld [tilespmem:s15+$0x50];
	_ =	sdelay $0x4  }
0x16c: {  	v1 =	vshrl.u32 v1, $0x10  }
0x16d: {  	[tilespmem:$0x1150] =	vst v1  }
0x16e: {  	v1 =	vld [tilespmem:s15+$0x60];
	_ =	sdelay $0x4  }
0x16f: {  	v1 =	vshrl.u32 v1, $0x10  }
0x170: {  	[tilespmem:$0x1160] =	vst v1  }
0x171: {  	v1 =	vld [tilespmem:s15+$0x70];
	_ =	sdelay $0x3  }
0x172: {  	s14 =	sshll.u32 @!p0 s14, $0xA  }
0x173: {  	s12 =	sshll.u32 @!p0 s12, $0x7;
	s14 =	sand.u32 @!p0 $0x400, s14;
	v1 =	vshrl.u32 v1, $0x10  }
0x174: {  	s12 =	sor.u32 @!p0 s12, s14;
	[tilespmem:$0x1170] =	vst v1  }
0x175: {  	v1 =	vld @!p0 [tilespmem:s12+$0x0];
	_ =	sdelay $0x4  }
0x176: {  	v1 =	vand.u32 @!p0 $0xFFFF, v1  }
0x177: {  	[tilespmem:$0x1000] =	vst @!p0 v1  }
0x178: {  	v1 =	vld @!p0 [tilespmem:s12+$0x10];
	_ =	sdelay $0x4  }
0x179: {  	v1 =	vand.u32 @!p0 $0xFFFF, v1  }
0x17a: {  	[tilespmem:$0x1010] =	vst @!p0 v1  }
0x17b: {  	v1 =	vld @!p0 [tilespmem:s12+$0x20];
	_ =	sdelay $0x4  }
0x17c: {  	v1 =	vand.u32 @!p0 $0xFFFF, v1  }
0x17d: {  	[tilespmem:$0x1020] =	vst @!p0 v1  }
0x17e: {  	v1 =	vld @!p0 [tilespmem:s12+$0x30];
	_ =	sdelay $0x4  }
0x17f: {  	v1 =	vand.u32 @!p0 $0xFFFF, v1  }
0x180: {  	[tilespmem:$0x1030] =	vst @!p0 v1  }
0x181: {  	v1 =	vld @!p0 [tilespmem:s12+$0x40];
	_ =	sdelay $0x4  }
0x182: {  	v1 =	vand.u32 @!p0 $0xFFFF, v1  }
0x183: {  	[tilespmem:$0x1040] =	vst @!p0 v1  }
0x184: {  	v1 =	vld @!p0 [tilespmem:s12+$0x50];
	_ =	sdelay $0x4  }
0x185: {  	v1 =	vand.u32 @!p0 $0xFFFF, v1  }
0x186: {  	[tilespmem:$0x1050] =	vst @!p0 v1  }
0x187: {  	v1 =	vld @!p0 [tilespmem:s12+$0x60];
	_ =	sdelay $0x4  }
0x188: {  	v1 =	vand.u32 @!p0 $0xFFFF, v1  }
0x189: {  	[tilespmem:$0x1060] =	vst @!p0 v1  }
0x18a: {  	v1 =	vld @!p0 [tilespmem:s12+$0x70];
	_ =	sdelay $0x4  }
0x18b: {  	v1 =	vand.u32 @!p0 $0xFFFF, v1  }
0x18c: {  	s14 =	simm.s32 @!p0 $0x1000;
	s15 =	simm.s32 @!p0 $0x1200;
	s12 =	simm.s32 @!p0 $0x80;
	[tilespmem:$0x1070] =	vst @!p0 v1  }
0x18d: {  	[tilespmem:s15], [sflag:$0x1] =	stream.indirect.gather @!p0 [spmem:s3], $0x20, s14, s12, $0xb8;
	[tilespmem:$0x16200] =	vst v63  }
0x18e: {  	_ = 	snop  }
0x18f: {  	[spmem:s2] =	stream.indirect.scatter.add.f32 [tilespmem:s16], [sflag:$0x3], $0x40, s29, s22, $0xb8;
	[tilespmem:$0x16200] =	vst v63  }
0x190: {  	_ =	swait.ge [sflag:s30], $0x1000  }
0x191: {  	[sflag:s30] =	ssyncset.done $0x0  }
0x192: {  	v1 =	vmov s10;
	s12 =	simm.s32 @!p1 $0x4;
	[sflag:s30] =	ssyncadd.s32 $0xFFFFF000  }
0x193: {  	_ =	swait.ge @!p1 [sflag:s12], $0x2000  }
0x194: {  	s11 =	sor.u32 $0x200, s11;
	s14 =	simm.s32 $0x55F0;
	[sflag:s12] =	ssyncset.done @!p1 $0x0  }
0x195: {  	s15 =	simm.s32 $0x23F0;
	[sflag:s12] =	ssyncadd.s32 @!p1 $0xFFFFE000;
	s12 =	simm.s32 $0x0  }
.LBB2_7:
0x196: {  	s10 =	sshra.s32 s12, $0x2  }
0x197: {  	v2 =	vld.idx.msk [tilespmem:v1+s10+$0x0 ss:$0x1], $0xffff  }
0x198: {  	v3 =	vld [tilespmem:s15+$0xFFFFFE10];
	_ =	sdelay $0x3  }
0x199: {  	v4 =	vbroadcast v2, $0x0  }
0x19a: {  	v5 =	vunpack.i.l.bf16.f32 v3  }
0x19b: {  	v3 =	vunpack.i.u.bf16.f32 v3;
	v5 =	vmul.f32 v5, v4  }
0x19c: {  	v3 =	vmul.f32 v3, v4  }
0x19d: {  	[tilespmem:s14+$0xFFFFFC10] =	vst v5  }
0x19e: {  	[tilespmem:s14+$0xFFFFFC20] =	vst v3  }
0x19f: {  	v3 =	vld [tilespmem:s15+$0xFFFFFE20];
	_ =	sdelay $0x4  }
0x1a0: {  	v19 =	vunpack.i.l.bf16.f32 v3  }
0x1a1: {  	v3 =	vunpack.i.u.bf16.f32 v3;
	v5 =	vmul.f32 v19, v4  }
0x1a2: {  	v3 =	vmul.f32 v3, v4  }
0x1a3: {  	[tilespmem:s14+$0xFFFFFC30] =	vst v5  }
0x1a4: {  	[tilespmem:s14+$0xFFFFFC40] =	vst v3  }
0x1a5: {  	v3 =	vld [tilespmem:s15+$0xFFFFFE30];
	_ =	sdelay $0x3  }
0x1a6: {  	v20 =	vbroadcast v2, $0x1  }
0x1a7: {  	v21 =	vunpack.i.l.bf16.f32 v3  }
0x1a8: {  	v3 =	vunpack.i.u.bf16.f32 v3;
	v5 =	vmul.f32 v21, v20  }
0x1a9: {  	v3 =	vmul.f32 v3, v20  }
0x1aa: {  	[tilespmem:s14+$0xFFFFFC50] =	vst v5  }
0x1ab: {  	[tilespmem:s14+$0xFFFFFC60] =	vst v3  }
0x1ac: {  	v3 =	vld [tilespmem:s15+$0xFFFFFE40];
	_ =	sdelay $0x4  }
0x1ad: {  	v22 =	vunpack.i.l.bf16.f32 v3  }
0x1ae: {  	v3 =	vunpack.i.u.bf16.f32 v3;
	v5 =	vmul.f32 v22, v20  }
0x1af: {  	v3 =	vmul.f32 v3, v20  }
0x1b0: {  	[tilespmem:s14+$0xFFFFFC70] =	vst v5  }
0x1b1: {  	[tilespmem:s14+$0xFFFFFC80] =	vst v3  }
0x1b2: {  	v3 =	vld [tilespmem:s15+$0xFFFFFE50];
	_ =	sdelay $0x3  }
0x1b3: {  	v23 =	vbroadcast v2, $0x2  }
0x1b4: {  	v24 =	vunpack.i.l.bf16.f32 v3  }
0x1b5: {  	v3 =	vunpack.i.u.bf16.f32 v3;
	v5 =	vmul.f32 v24, v23  }
0x1b6: {  	v3 =	vmul.f32 v3, v23  }
0x1b7: {  	[tilespmem:s14+$0xFFFFFC90] =	vst v5  }
0x1b8: {  	[tilespmem:s14+$0xFFFFFCA0] =	vst v3  }
0x1b9: {  	v3 =	vld [tilespmem:s15+$0xFFFFFE60];
	_ =	sdelay $0x4  }
0x1ba: {  	v25 =	vunpack.i.l.bf16.f32 v3  }
0x1bb: {  	v3 =	vunpack.i.u.bf16.f32 v3;
	v5 =	vmul.f32 v25, v23  }
0x1bc: {  	v3 =	vmul.f32 v3, v23  }
0x1bd: {  	[tilespmem:s14+$0xFFFFFCB0] =	vst v5  }
0x1be: {  	[tilespmem:s14+$0xFFFFFCC0] =	vst v3  }
0x1bf: {  	v3 =	vld [tilespmem:s15+$0xFFFFFE70];
	_ =	sdelay $0x3  }
0x1c0: {  	v26 =	vbroadcast v2, $0x3  }
0x1c1: {  	v27 =	vunpack.i.l.bf16.f32 v3  }
0x1c2: {  	v3 =	vunpack.i.u.bf16.f32 v3;
	v5 =	vmul.f32 v27, v26  }
0x1c3: {  	v3 =	vmul.f32 v3, v26  }
0x1c4: {  	[tilespmem:s14+$0xFFFFFCD0] =	vst v5  }
0x1c5: {  	[tilespmem:s14+$0xFFFFFCE0] =	vst v3  }
0x1c6: {  	v3 =	vld [tilespmem:s15+$0xFFFFFE80];
	_ =	sdelay $0x4  }
0x1c7: {  	v28 =	vunpack.i.l.bf16.f32 v3  }
0x1c8: {  	v3 =	vunpack.i.u.bf16.f32 v3;
	v5 =	vmul.f32 v28, v26  }
0x1c9: {  	v3 =	vmul.f32 v3, v26  }
0x1ca: {  	[tilespmem:s14+$0xFFFFFCF0] =	vst v5  }
0x1cb: {  	[tilespmem:s14+$0xFFFFFD00] =	vst v3  }
0x1cc: {  	v3 =	vld [tilespmem:s15+$0xFFFFFE90];
	_ =	sdelay $0x3  }
0x1cd: {  	v29 =	vbroadcast v2, $0x4  }
0x1ce: {  	v30 =	vunpack.i.l.bf16.f32 v3  }
0x1cf: {  	v3 =	vunpack.i.u.bf16.f32 v3;
	v5 =	vmul.f32 v30, v29  }
0x1d0: {  	v3 =	vmul.f32 v3, v29  }
0x1d1: {  	[tilespmem:s14+$0xFFFFFD10] =	vst v5  }
0x1d2: {  	[tilespmem:s14+$0xFFFFFD20] =	vst v3  }
0x1d3: {  	v3 =	vld [tilespmem:s15+$0xFFFFFEA0];
	_ =	sdelay $0x4  }
0x1d4: {  	v31 =	vunpack.i.l.bf16.f32 v3  }
0x1d5: {  	v3 =	vunpack.i.u.bf16.f32 v3;
	v5 =	vmul.f32 v31, v29  }
0x1d6: {  	v3 =	vmul.f32 v3, v29  }
0x1d7: {  	[tilespmem:s14+$0xFFFFFD30] =	vst v5  }
0x1d8: {  	[tilespmem:s14+$0xFFFFFD40] =	vst v3  }
0x1d9: {  	v3 =	vld [tilespmem:s15+$0xFFFFFEB0];
	_ =	sdelay $0x3  }
0x1da: {  	v32 =	vbroadcast v2, $0x5  }
0x1db: {  	v33 =	vunpack.i.l.bf16.f32 v3  }
0x1dc: {  	v3 =	vunpack.i.u.bf16.f32 v3;
	v5 =	vmul.f32 v33, v32  }
0x1dd: {  	v3 =	vmul.f32 v3, v32  }
0x1de: {  	[tilespmem:s14+$0xFFFFFD50] =	vst v5  }
0x1df: {  	[tilespmem:s14+$0xFFFFFD60] =	vst v3  }
0x1e0: {  	v3 =	vld [tilespmem:s15+$0xFFFFFEC0];
	_ =	sdelay $0x4  }
0x1e1: {  	v34 =	vunpack.i.l.bf16.f32 v3  }
0x1e2: {  	v3 =	vunpack.i.u.bf16.f32 v3;
	v5 =	vmul.f32 v34, v32  }
0x1e3: {  	v3 =	vmul.f32 v3, v32  }
0x1e4: {  	[tilespmem:s14+$0xFFFFFD70] =	vst v5  }
0x1e5: {  	[tilespmem:s14+$0xFFFFFD80] =	vst v3  }
0x1e6: {  	v3 =	vld [tilespmem:s15+$0xFFFFFED0];
	_ =	sdelay $0x3  }
0x1e7: {  	v35 =	vbroadcast v2, $0x6  }
0x1e8: {  	v36 =	vunpack.i.l.bf16.f32 v3  }
0x1e9: {  	v3 =	vunpack.i.u.bf16.f32 v3;
	v5 =	vmul.f32 v36, v35  }
0x1ea: {  	v3 =	vmul.f32 v3, v35  }
0x1eb: {  	[tilespmem:s14+$0xFFFFFD90] =	vst v5  }
0x1ec: {  	[tilespmem:s14+$0xFFFFFDA0] =	vst v3  }
0x1ed: {  	v3 =	vld [tilespmem:s15+$0xFFFFFEE0];
	_ =	sdelay $0x4  }
0x1ee: {  	v37 =	vunpack.i.l.bf16.f32 v3  }
0x1ef: {  	v3 =	vunpack.i.u.bf16.f32 v3;
	v5 =	vmul.f32 v37, v35  }
0x1f0: {  	v3 =	vmul.f32 v3, v35  }
0x1f1: {  	[tilespmem:s14+$0xFFFFFDB0] =	vst v5  }
0x1f2: {  	[tilespmem:s14+$0xFFFFFDC0] =	vst v3  }
0x1f3: {  	v3 =	vld [tilespmem:s15+$0xFFFFFEF0];
	_ =	sdelay $0x3  }
0x1f4: {  	v38 =	vbroadcast v2, $0x7  }
0x1f5: {  	v39 =	vunpack.i.l.bf16.f32 v3  }
0x1f6: {  	v3 =	vunpack.i.u.bf16.f32 v3;
	v5 =	vmul.f32 v39, v38  }
0x1f7: {  	v3 =	vmul.f32 v3, v38  }
0x1f8: {  	[tilespmem:s14+$0xFFFFFDD0] =	vst v5  }
0x1f9: {  	[tilespmem:s14+$0xFFFFFDE0] =	vst v3  }
0x1fa: {  	v3 =	vld [tilespmem:s15+$0xFFFFFF00];
	_ =	sdelay $0x4  }
0x1fb: {  	v40 =	vunpack.i.l.bf16.f32 v3  }
0x1fc: {  	v3 =	vunpack.i.u.bf16.f32 v3;
	v5 =	vmul.f32 v40, v38  }
0x1fd: {  	v3 =	vmul.f32 v3, v38  }
0x1fe: {  	[tilespmem:s14+$0xFFFFFDF0] =	vst v5  }
0x1ff: {  	[tilespmem:s14+$0xFFFFFE00] =	vst v3  }
0x200: {  	v3 =	vld [tilespmem:s15+$0xFFFFFF10];
	_ =	sdelay $0x3  }
0x201: {  	v41 =	vbroadcast v2, $0x8  }
0x202: {  	v42 =	vunpack.i.l.bf16.f32 v3  }
0x203: {  	v3 =	vunpack.i.u.bf16.f32 v3;
	v5 =	vmul.f32 v42, v41  }
0x204: {  	v3 =	vmul.f32 v3, v41  }
0x205: {  	[tilespmem:s14+$0xFFFFFE10] =	vst v5  }
0x206: {  	[tilespmem:s14+$0xFFFFFE20] =	vst v3  }
0x207: {  	v3 =	vld [tilespmem:s15+$0xFFFFFF20];
	_ =	sdelay $0x4  }
0x208: {  	v43 =	vunpack.i.l.bf16.f32 v3  }
0x209: {  	v3 =	vunpack.i.u.bf16.f32 v3;
	v5 =	vmul.f32 v43, v41  }
0x20a: {  	v3 =	vmul.f32 v3, v41  }
0x20b: {  	[tilespmem:s14+$0xFFFFFE30] =	vst v5  }
0x20c: {  	[tilespmem:s14+$0xFFFFFE40] =	vst v3  }
0x20d: {  	v3 =	vld [tilespmem:s15+$0xFFFFFF30];
	_ =	sdelay $0x3  }
0x20e: {  	v44 =	vbroadcast v2, $0x9  }
0x20f: {  	v45 =	vunpack.i.l.bf16.f32 v3  }
0x210: {  	v3 =	vunpack.i.u.bf16.f32 v3;
	v5 =	vmul.f32 v45, v44  }
0x211: {  	v3 =	vmul.f32 v3, v44  }
0x212: {  	[tilespmem:s14+$0xFFFFFE50] =	vst v5  }
0x213: {  	[tilespmem:s14+$0xFFFFFE60] =	vst v3  }
0x214: {  	v3 =	vld [tilespmem:s15+$0xFFFFFF40];
	_ =	sdelay $0x4  }
0x215: {  	v46 =	vunpack.i.l.bf16.f32 v3  }
0x216: {  	v3 =	vunpack.i.u.bf16.f32 v3;
	v5 =	vmul.f32 v46, v44  }
0x217: {  	v3 =	vmul.f32 v3, v44  }
0x218: {  	[tilespmem:s14+$0xFFFFFE70] =	vst v5  }
0x219: {  	[tilespmem:s14+$0xFFFFFE80] =	vst v3  }
0x21a: {  	v3 =	vld [tilespmem:s15+$0xFFFFFF50];
	_ =	sdelay $0x3  }
0x21b: {  	v47 =	vbroadcast v2, $0xA  }
0x21c: {  	v48 =	vunpack.i.l.bf16.f32 v3  }
0x21d: {  	v3 =	vunpack.i.u.bf16.f32 v3;
	v5 =	vmul.f32 v48, v47  }
0x21e: {  	v3 =	vmul.f32 v3, v47  }
0x21f: {  	[tilespmem:s14+$0xFFFFFE90] =	vst v5  }
0x220: {  	[tilespmem:s14+$0xFFFFFEA0] =	vst v3  }
0x221: {  	v3 =	vld [tilespmem:s15+$0xFFFFFF60];
	_ =	sdelay $0x4  }
0x222: {  	v49 =	vunpack.i.l.bf16.f32 v3  }
0x223: {  	v3 =	vunpack.i.u.bf16.f32 v3;
	v5 =	vmul.f32 v49, v47  }
0x224: {  	v3 =	vmul.f32 v3, v47  }
0x225: {  	[tilespmem:s14+$0xFFFFFEB0] =	vst v5  }
0x226: {  	[tilespmem:s14+$0xFFFFFEC0] =	vst v3  }
0x227: {  	v3 =	vld [tilespmem:s15+$0xFFFFFF70];
	_ =	sdelay $0x3  }
0x228: {  	v50 =	vbroadcast v2, $0xB  }
0x229: {  	v51 =	vunpack.i.l.bf16.f32 v3  }
0x22a: {  	v3 =	vunpack.i.u.bf16.f32 v3;
	v5 =	vmul.f32 v51, v50  }
0x22b: {  	v3 =	vmul.f32 v3, v50  }
0x22c: {  	[tilespmem:s14+$0xFFFFFED0] =	vst v5  }
0x22d: {  	[tilespmem:s14+$0xFFFFFEE0] =	vst v3  }
0x22e: {  	v3 =	vld [tilespmem:s15+$0xFFFFFF80];
	_ =	sdelay $0x4  }
0x22f: {  	v52 =	vunpack.i.l.bf16.f32 v3  }
0x230: {  	v3 =	vunpack.i.u.bf16.f32 v3;
	v5 =	vmul.f32 v52, v50  }
0x231: {  	v3 =	vmul.f32 v3, v50  }
0x232: {  	[tilespmem:s14+$0xFFFFFEF0] =	vst v5  }
0x233: {  	[tilespmem:s14+$0xFFFFFF00] =	vst v3  }
0x234: {  	v3 =	vld [tilespmem:s15+$0xFFFFFF90];
	_ =	sdelay $0x3  }
0x235: {  	v53 =	vbroadcast v2, $0xC  }
0x236: {  	v54 =	vunpack.i.l.bf16.f32 v3  }
0x237: {  	v3 =	vunpack.i.u.bf16.f32 v3;
	v5 =	vmul.f32 v54, v53  }
0x238: {  	v3 =	vmul.f32 v3, v53  }
0x239: {  	[tilespmem:s14+$0xFFFFFF10] =	vst v5  }
0x23a: {  	[tilespmem:s14+$0xFFFFFF20] =	vst v3  }
0x23b: {  	v3 =	vld [tilespmem:s15+$0xFFFFFFA0];
	_ =	sdelay $0x4  }
0x23c: {  	v55 =	vunpack.i.l.bf16.f32 v3  }
0x23d: {  	v3 =	vunpack.i.u.bf16.f32 v3;
	v5 =	vmul.f32 v55, v53  }
0x23e: {  	v3 =	vmul.f32 v3, v53  }
0x23f: {  	[tilespmem:s14+$0xFFFFFF30] =	vst v5  }
0x240: {  	[tilespmem:s14+$0xFFFFFF40] =	vst v3  }
0x241: {  	v3 =	vld [tilespmem:s15+$0xFFFFFFB0];
	_ =	sdelay $0x3  }
0x242: {  	v56 =	vbroadcast v2, $0xD  }
0x243: {  	v57 =	vunpack.i.l.bf16.f32 v3  }
0x244: {  	v3 =	vunpack.i.u.bf16.f32 v3;
	v5 =	vmul.f32 v57, v56  }
0x245: {  	v3 =	vmul.f32 v3, v56  }
0x246: {  	[tilespmem:s14+$0xFFFFFF50] =	vst v5  }
0x247: {  	[tilespmem:s14+$0xFFFFFF60] =	vst v3  }
0x248: {  	v3 =	vld [tilespmem:s15+$0xFFFFFFC0];
	_ =	sdelay $0x4  }
0x249: {  	v58 =	vunpack.i.l.bf16.f32 v3  }
0x24a: {  	v3 =	vunpack.i.u.bf16.f32 v3;
	v5 =	vmul.f32 v58, v56  }
0x24b: {  	v3 =	vmul.f32 v3, v56  }
0x24c: {  	[tilespmem:s14+$0xFFFFFF70] =	vst v5  }
0x24d: {  	[tilespmem:s14+$0xFFFFFF80] =	vst v3  }
0x24e: {  	v3 =	vld [tilespmem:s15+$0xFFFFFFD0];
	_ =	sdelay $0x3  }
0x24f: {  	v59 =	vbroadcast v2, $0xE  }
0x250: {  	v60 =	vunpack.i.l.bf16.f32 v3  }
0x251: {  	v3 =	vunpack.i.u.bf16.f32 v3;
	v5 =	vmul.f32 v60, v59  }
0x252: {  	v3 =	vmul.f32 v3, v59  }
0x253: {  	[tilespmem:s14+$0xFFFFFF90] =	vst v5  }
0x254: {  	[tilespmem:s14+$0xFFFFFFA0] =	vst v3  }
0x255: {  	v3 =	vld [tilespmem:s15+$0xFFFFFFE0];
	_ =	sdelay $0x4  }
0x256: {  	v61 =	vunpack.i.l.bf16.f32 v3  }
0x257: {  	v3 =	vunpack.i.u.bf16.f32 v3;
	v5 =	vmul.f32 v61, v59  }
0x258: {  	v3 =	vmul.f32 v3, v59  }
0x259: {  	[tilespmem:s14+$0xFFFFFFB0] =	vst v5  }
0x25a: {  	[tilespmem:s14+$0xFFFFFFC0] =	vst v3  }
0x25b: {  	v3 =	vld [tilespmem:s15+$0xFFFFFFF0];
	_ =	sdelay $0x3  }
0x25c: {  	v2 =	vbroadcast v2, $0xF  }
0x25d: {  	v62 =	vunpack.i.l.bf16.f32 v3  }
0x25e: {  	v3 =	vunpack.i.u.bf16.f32 v3;
	v4 =	vmul.f32 v62, v2  }
0x25f: {  	v3 =	vmul.f32 v3, v2  }
0x260: {  	[tilespmem:s14+$0xFFFFFFD0] =	vst v4  }
0x261: {  	[tilespmem:s14+$0xFFFFFFE0] =	vst v3  }
0x262: {  	v3 =	vld [tilespmem:s15+$0x0];
	_ =	sdelay $0x3  }
0x263: {  	p1 =	sne.s32 s12, $0x1C0  }
.Ltmp4:
0x264: {  	v63 =	vunpack.i.l.bf16.f32 v3;
	(pc) =	sbr.rel @p1 .LBB2_7-.Ltmp4, $4  }
0x265: {  	v3 =	vunpack.i.u.bf16.f32 v3;
	v4 =	vmul.f32 v63, v2  }
0x266: {  	v2 =	vmul.f32 v3, v2  }
0x267: {  	[tilespmem:s14+$0xFFFFFFF0] =	vst v4  }
0x268: {  	s12 =	sadd.s32 $0x40, s12;
	s15 =	sadd.s32 $0x200, s15;
	[tilespmem:s14+$0x0] =	vst v2;
	s14 =	sadd.s32 $0x400, s14  }
0x269: {  	s10 =	sshrl.u32 s11, $0x2  }
0x26a: {  	s9 =	sadd.s32 s10, s9  }
0x26b: {  	v1 =	vld [tilespmem:s9+$0x0];
	_ =	sdelay $0x4  }
0x26c: {  	v1 =	vshrl.u32 v1, $0x10  }
0x26d: {  	[tilespmem:$0x1180] =	vst v1  }
0x26e: {  	v1 =	vld [tilespmem:s9+$0x10];
	_ =	sdelay $0x4  }
0x26f: {  	v1 =	vshrl.u32 v1, $0x10  }
0x270: {  	[tilespmem:$0x1190] =	vst v1  }
0x271: {  	v1 =	vld [tilespmem:s9+$0x20];
	_ =	sdelay $0x4  }
0x272: {  	v1 =	vshrl.u32 v1, $0x10  }
0x273: {  	[tilespmem:$0x11A0] =	vst v1  }
0x274: {  	v1 =	vld [tilespmem:s9+$0x30];
	_ =	sdelay $0x4  }
0x275: {  	v1 =	vshrl.u32 v1, $0x10  }
0x276: {  	[tilespmem:$0x11B0] =	vst v1  }
0x277: {  	v1 =	vld [tilespmem:s9+$0x40];
	_ =	sdelay $0x4  }
0x278: {  	v1 =	vshrl.u32 v1, $0x10  }
0x279: {  	[tilespmem:$0x11C0] =	vst v1  }
0x27a: {  	v1 =	vld [tilespmem:s9+$0x50];
	_ =	sdelay $0x4  }
0x27b: {  	v1 =	vshrl.u32 v1, $0x10  }
0x27c: {  	[tilespmem:$0x11D0] =	vst v1  }
0x27d: {  	v1 =	vld [tilespmem:s9+$0x60];
	_ =	sdelay $0x4  }
0x27e: {  	v1 =	vshrl.u32 v1, $0x10  }
0x27f: {  	[tilespmem:$0x11E0] =	vst v1  }
0x280: {  	v1 =	vld [tilespmem:s9+$0x70];
	_ =	sdelay $0x1  }
.Ltmp5:
0x281: {  	_ = 	snop;
	(pc) =	sbr.rel @p0 .LBB2_10-.Ltmp5, $3  }
0x282: {  	_ =	sdelay $0x1  }
0x283: {  	v1 =	vshrl.u32 v1, $0x10  }
0x284: {  	[tilespmem:$0x11F0] =	vst v1  }
0x285: {  	s9 =	sshll.u32 s8, $0x8  }
0x286: {  	s9 =	sadd.s32 $0x180, s9  }
0x287: {  	s9 =	sand.u32 $0x780, s9  }
0x288: {  	v1 =	vld [tilespmem:s9+$0x0];
	_ =	sdelay $0x4  }
0x289: {  	v1 =	vand.u32 $0xFFFF, v1  }
0x28a: {  	[tilespmem:$0x1080] =	vst v1  }
0x28b: {  	v1 =	vld [tilespmem:s9+$0x10];
	_ =	sdelay $0x4  }
0x28c: {  	v1 =	vand.u32 $0xFFFF, v1  }
0x28d: {  	[tilespmem:$0x1090] =	vst v1  }
0x28e: {  	v1 =	vld [tilespmem:s9+$0x20];
	_ =	sdelay $0x4  }
0x28f: {  	v1 =	vand.u32 $0xFFFF, v1  }
0x290: {  	[tilespmem:$0x10A0] =	vst v1  }
0x291: {  	v1 =	vld [tilespmem:s9+$0x30];
	_ =	sdelay $0x4  }
0x292: {  	v1 =	vand.u32 $0xFFFF, v1  }
0x293: {  	[tilespmem:$0x10B0] =	vst v1  }
0x294: {  	v1 =	vld [tilespmem:s9+$0x40];
	_ =	sdelay $0x4  }
0x295: {  	v1 =	vand.u32 $0xFFFF, v1  }
0x296: {  	[tilespmem:$0x10C0] =	vst v1  }
0x297: {  	v1 =	vld [tilespmem:s9+$0x50];
	_ =	sdelay $0x4  }
0x298: {  	v1 =	vand.u32 $0xFFFF, v1  }
0x299: {  	[tilespmem:$0x10D0] =	vst v1  }
0x29a: {  	v1 =	vld [tilespmem:s9+$0x60];
	_ =	sdelay $0x4  }
0x29b: {  	v1 =	vand.u32 $0xFFFF, v1  }
0x29c: {  	[tilespmem:$0x10E0] =	vst v1  }
0x29d: {  	v1 =	vld [tilespmem:s9+$0x70];
	_ =	sdelay $0x4  }
.Ltmp6:
0x29e: {  	v1 =	vand.u32 $0xFFFF, v1;
	(pc) =	sbr.rel .LBB2_4-.Ltmp6, $4  }
0x29f: {  	[tilespmem:$0x10F0] =	vst v1  }
0x2a0: {  	[tilespmem:s26], [sflag:$0x2] =	stream.indirect.gather [spmem:s3], $0x20, s25, s22, $0xb8;
	[tilespmem:$0x16200] =	vst v63  }
0x2a1: {  	s8 =	sadd.s32 $0x1, s8;
	s1 =	sadd.s32 $0x1, s1  }
0x2a2: {  	[spmem:s2] =	stream.indirect.scatter.add.f32 [tilespmem:s0], [sflag:$0x4], $0x40, s31, s22, $0xb8;
	[tilespmem:$0x16200] =	vst v63  }
.LBB2_11:
0x2a3: {  	_ =	sfence.sel $0x180000  }
0x2a4: {  	[bflag:$0x0] =	sbarrier.arrive $0xFFFF  }
0x2a5: {  	_ =	strace $0x90000047  }
0x2a6: {  	s0 =	stileid.u32;
	[bflag:$0x2] =	sbarrier.arrive $0xFFFF  }
0x2a7: {  	p0 =	sne.s32 s0, $0x0;
	s0 =	rddreg [dreg:$0x4]  }
0x2a8: {  	s0 =	sadd.s32 @!p0 $0x100000, s0  }
0x2a9: {  	[sflag:s0] =	ssyncadd.tile.s32 @!p0 $0x1;
	_ =	shalt  }
.Lfunc_end2:
_tile_overlayer_lowered:
.L_overlay_start_2:
0x2aa: {  	(tag) =	ssettag $0x2  }
0x2ab: {  	s0 =	rddreg [dreg:$0x0];
	s2 =	stileid.u32  }
0x2ac: {  	s1 =	rddreg [dreg:$0x1];
	p0 =	sne.s32 s2, $0x0  }
0x2ad: {  	s3 =	rddreg [dreg:$0x2];
	[bflag:$0x3] =	sbarrier.arrive $0xFFFF;
	s2 =	simm.s32 @!p0 $0x1C09  }
0x2ae: {  	[timem:s3], [sflag:s2] =	dma.local @!p0 [hbm:s0], s1  }
0x2af: {  	s0 =	simm.s32 @!p0 $0x9  }
0x2b0: {  	_ =	swait.ge @!p0 [sflag:s0], s1  }
0x2b1: {  	s1 =	ssub.s32 @!p0 $0x0, s1;
	[sflag:s0] =	ssyncset.done @!p0 $0x0  }
0x2b2: {  	[sflag:s0] =	ssyncadd.s32 @!p0 s1  }
0x2b3: {  	[bflag:$0x3] =	sbarrier.arrive $0xFFFF  }
0x2b4: {  	_ =	shalt  }

</sc_bundles>
